<compile_context>
chip_gen: v7x
topology: tpu7x:2x2x1
jax: 0.10.2.dev20260603
libtpu: 0.0.44.dev20260713+nightly
codegen_flags: <defaults>
</compile_context>

<pallas_src>
import functools

import jax
import jax.numpy as jnp
from jax import lax
from jax.experimental import pallas as pl
from jax.experimental.pallas import tpu as pltpu
from jax.experimental.pallas import tpu_sc as plsc

EMB = 300
HID = 600
NN = 10000
NE = 160000
NG = 512
PD = 128
BN_EPS = 1e-5

NC = 2
NS = 16
HALF = 160
EMBP = 2 * HALF
CH = 128
NNP = 10240
NEP = 163840
NGP = 640
ECH = NEP // NS // CH
ESLAB = 16
ACH = 40
AECH = NEP // NS // ACH
ASLAB = 32
ANSL = AECH // ASLAB
CCH = NEP // NC // NS // CH
NCH = NNP // NS // CH
NPS = NNP // NS
GPS = NGP // NS

_mesh = plsc.VectorSubcoreMesh(
    core_axis_name="c", subcore_axis_name="s", num_cores=NC, num_subcores=NS
)
_sc_params = pltpu.CompilerParams(use_tc_tiling_on_sc=False)

f32 = jnp.float32
i32 = jnp.int32


def _sds(shape, dtype=f32):
    return jax.ShapeDtypeStruct(shape, dtype)


def _ring_gather_scatter(gsrc_hbm, wait_src, src_v, dst_v, acc_s, rows, gsems,
                         ssems, nq):
    def g_issue(j, r):
        pltpu.async_copy(gsrc_hbm.at[src_v.at[j]], rows[r], gsems[r])

    def g_wait(r):
        pltpu.make_async_copy(wait_src, rows[r], gsems[r]).wait()

    def s_issue(j, r):
        pltpu.async_copy(rows[r], acc_s.at[dst_v.at[j]], ssems[r], add=True)

    def s_wait(r):
        pltpu.make_async_copy(wait_src, rows[r], ssems[r]).wait()

    for r in range(3):
        g_issue(r, r)

    @pl.loop(0, nq)
    def _(q):
        for r in range(4):
            j = q * 4 + r
            g_wait(r)
            s_issue(j, r)
            rn = (r + 3) % 4
            if r == 0:
                @pl.when(q == 0)
                def _():
                    g_issue(j + 3, rn)

                @pl.when(q > 0)
                def _():
                    s_wait(rn)
                    g_issue(j + 3, rn)
            else:
                @pl.when(q < nq - 1)
                def _():
                    s_wait(rn)
                    g_issue(j + 3, rn)

    for r in range(4):
        s_wait(r)



@functools.partial(
    pl.kernel,
    out_type=_sds((NC, NNP, HALF)),
    mesh=_mesh,
    compiler_params=_sc_params,
    scratch_types=[
        pltpu.VMEM((NCH, CH), i32),
        pltpu.VMEM((CH, HALF), f32),
    ],
)
def _h0_kernel(tbl_hbm, idx_hbm, out_hbm, idx_v, rows_v):
    c = lax.axis_index("c")
    s = lax.axis_index("s")
    pltpu.sync_copy(idx_hbm.at[c, s], idx_v)

    @pl.loop(0, NCH)
    def _(j):
        pltpu.sync_copy(tbl_hbm.at[idx_v.at[j]], rows_v)
        pltpu.sync_copy(rows_v, out_hbm.at[c, pl.ds(s * NPS + j * CH, CH)])


@functools.partial(
    pl.kernel,
    out_type=_sds((NC, NNP, 32)),
    mesh=_mesh,
    compiler_params=_sc_params,
    scratch_types=[
        pltpu.VMEM((CCH, CH), i32),
        pltpu.VMEM((CCH, CH), i32),
        [pltpu.VMEM((CH, 32), f32)] * 4,
        pltpu.VMEM_SHARED((NNP, 32), f32),
        [pltpu.SemaphoreType.DMA] * 4,
        [pltpu.SemaphoreType.DMA] * 4,
    ],
)
def _cbuild_kernel(eye_hbm, t_hbm, dst_hbm, zero_hbm, out_hbm,
                   t_v, dst_v, rows, acc_s, gsems, ssems):
    c = lax.axis_index("c")
    s = lax.axis_index("s")
    pltpu.sync_copy(zero_hbm, acc_s.at[pl.ds(s * NPS, NPS)])
    plsc.subcore_barrier()
    pltpu.sync_copy(t_hbm.at[c, s], t_v)
    pltpu.sync_copy(dst_hbm.at[c, s], dst_v)
    _ring_gather_scatter(eye_hbm, out_hbm.at[0, pl.ds(0, CH)], t_v, dst_v,
                         acc_s, rows, gsems, ssems, CCH // 4)

    plsc.subcore_barrier()
    pltpu.sync_copy(acc_s.at[pl.ds(s * NPS, NPS)],
                    out_hbm.at[c, pl.ds(s * NPS, NPS)])


@functools.partial(
    pl.kernel,
    out_type=_sds((NC, NNP, HALF)),
    mesh=_mesh,
    compiler_params=_sc_params,
    scratch_types=[
        pltpu.VMEM((ASLAB, ACH), i32),
        pltpu.VMEM((ASLAB, ACH), i32),
        [pltpu.VMEM((ACH, HALF), f32)] * 4,
        pltpu.VMEM_SHARED((NNP, HALF), f32),
        [pltpu.SemaphoreType.DMA] * 4,
        [pltpu.SemaphoreType.DMA] * 4,
    ],
)
def _agg_kernel(h_hbm, src_hbm, dst_hbm, zero_hbm, out_hbm,
                src_v, dst_v, rows, acc_s, gsems, ssems):
    c = lax.axis_index("c")
    s = lax.axis_index("s")
    pltpu.sync_copy(zero_hbm, acc_s.at[pl.ds(s * NPS, NPS)])
    plsc.subcore_barrier()

    @pl.loop(0, ANSL)
    def _(g):
        pltpu.sync_copy(src_hbm.at[c, s, pl.ds(g * ASLAB, ASLAB)], src_v)
        pltpu.sync_copy(dst_hbm.at[s, pl.ds(g * ASLAB, ASLAB)], dst_v)
        _ring_gather_scatter(h_hbm, h_hbm.at[pl.ds(0, ACH)], src_v, dst_v,
                             acc_s, rows, gsems, ssems, ASLAB // 4)

    plsc.subcore_barrier()
    pltpu.sync_copy(acc_s.at[pl.ds(s * NPS, NPS)],
                    out_hbm.at[c, pl.ds(s * NPS, NPS)])


@functools.partial(
    pl.kernel,
    out_type=_sds((NC, NGP, HALF)),
    mesh=_mesh,
    compiler_params=_sc_params,
    scratch_types=[
        pltpu.VMEM((NCH, CH), i32),
        pltpu.VMEM((CH, HALF), f32),
        pltpu.VMEM_SHARED((NGP, HALF), f32),
    ],
)
def _readout_kernel(h_hbm, gid_hbm, zero_hbm, out_hbm, gid_v, rows_v, acc_s):
    c = lax.axis_index("c")
    s = lax.axis_index("s")
    pltpu.sync_copy(zero_hbm, acc_s.at[pl.ds(s * GPS, GPS)])
    plsc.subcore_barrier()
    pltpu.sync_copy(gid_hbm.at[s], gid_v)

    @pl.loop(0, NCH)
    def _(j):
        pltpu.sync_copy(h_hbm.at[pl.ds(c * NNP + s * NPS + j * CH, CH)], rows_v)
        pltpu.sync_copy(rows_v, acc_s.at[gid_v.at[j]], add=True)

    plsc.subcore_barrier()
    pltpu.sync_copy(acc_s.at[pl.ds(s * GPS, GPS)],
                    out_hbm.at[c, pl.ds(s * GPS, GPS)])



NB = 1024


def _mlp_body(relu_out, agg_ref, cp_ref, t18a, t18b, w1a, w1b, b1,
              w2a, w2b, b2a, b2b, out_ref):
    cb = cp_ref[0] + cp_ref[1]
    xa = agg_ref[0] + jnp.dot(cb, t18a[...], preferred_element_type=f32)
    xb = agg_ref[1] + jnp.dot(cb, t18b[...], preferred_element_type=f32)
    h1 = jnp.dot(xa, w1a[...], preferred_element_type=f32)
    h1 = h1 + jnp.dot(xb, w1b[...], preferred_element_type=f32)
    h1 = jnp.maximum(h1 + b1[...], 0.0)
    oa = jnp.dot(h1, w2a[...], preferred_element_type=f32) + b2a[...]
    ob = jnp.dot(h1, w2b[...], preferred_element_type=f32) + b2b[...]
    if relu_out:
        oa = jnp.maximum(oa, 0.0)
        ob = jnp.maximum(ob, 0.0)
    out_ref[0] = oa
    out_ref[1] = ob


def _mlp_call(relu_out, agg, cparts, t18a, t18b, w1a, w1b, b1,
              w2a, w2b, b2a, b2b):
    full = lambda shape: pl.BlockSpec(shape, lambda i: (0,) * len(shape))
    return pl.pallas_call(
        functools.partial(_mlp_body, relu_out),
        grid=(NNP // NB,),
        in_specs=[
            pl.BlockSpec((NC, NB, HALF), lambda i: (0, i, 0)),
            pl.BlockSpec((NC, NB, 32), lambda i: (0, i, 0)),
            full((32, HALF)), full((32, HALF)),
            full((HALF, HID)), full((HALF, HID)), full((1, HID)),
            full((HID, HALF)), full((HID, HALF)),
            full((1, HALF)), full((1, HALF)),
        ],
        out_specs=pl.BlockSpec((NC, NB, HALF), lambda i: (0, i, 0)),
        out_shape=_sds((NC, NNP, HALF)),
    )(agg, cparts, t18a, t18b, w1a, w1b, b1, w2a, w2b, b2a, b2b)


def _final_body(gsum_ref, gid_ref, twa, twb, tb, out_ref):
    gids = gid_ref[...]
    cnt = jnp.zeros((NG, 1), f32)
    for k in range(gids.shape[0]):
        row = gids[k][None, :]
        gi = lax.broadcasted_iota(i32, (NG, gids.shape[1]), 0)
        cnt = cnt + jnp.sum((row == gi).astype(f32), axis=1, keepdims=True)
    cnt = jnp.maximum(cnt, 1.0)
    fa = gsum_ref[0, :NG] / cnt
    fb = gsum_ref[1, :NG] / cnt
    out = jnp.dot(fa, twa[...], preferred_element_type=f32)
    out = out + jnp.dot(fb, twb[...], preferred_element_type=f32)
    out_ref[...] = out + tb[...]


def _final_call(gsum, gid2d, twa, twb, tb):
    return pl.pallas_call(
        _final_body,
        in_specs=[
            pl.BlockSpec((NC, NGP, HALF), lambda: (0, 0, 0)),
            pl.BlockSpec(gid2d.shape, lambda: (0, 0)),
            pl.BlockSpec((HALF, PD), lambda: (0, 0)),
            pl.BlockSpec((HALF, PD), lambda: (0, 0)),
            pl.BlockSpec((1, PD), lambda: (0, 0)),
        ],
        out_specs=pl.BlockSpec((NG, PD), lambda: (0, 0)),
        out_shape=_sds((NG, PD)),
    )(gsum, gid2d, twa, twb, tb)



def kernel(params, atomic_number, chirality_type, edge_index, bond_type,
           bond_direction_type, graph_ids):
    p = params

    nt = (p['node_emb_atomic'][:, None, :]
          + p['node_emb_chirality'][None, :, :]).reshape(360, EMB)
    ntp = jnp.zeros((360, EMBP), f32).at[:, :EMB].set(nt)
    tbl = jnp.concatenate([ntp[:, :HALF], ntp[:, HALF:]], axis=0)

    comb = atomic_number.astype(i32) * 3 + chirality_type.astype(i32)
    comb = jnp.concatenate([comb, jnp.zeros((NNP - NN,), i32)])
    idx0 = jnp.stack([comb, comb + 360]).reshape(NC, NS, NCH, CH)
    h = _h0_kernel(tbl, idx0)

    src = edge_index[0].astype(i32)
    dst = edge_index[1].astype(i32)
    epad = NEP - NE
    srcp = jnp.concatenate([src, jnp.zeros((epad,), i32)])
    dstp = jnp.concatenate([dst, jnp.full((epad,), NN, i32)])
    src2 = jnp.stack([srcp, srcp + NNP]).reshape(NC, NS, AECH, ACH)
    dstr = dstp.reshape(NS, AECH, ACH)

    zero_nodes = jnp.zeros((NPS, HALF), f32)
    zero_c = jnp.zeros((NPS, 32), f32)
    zero_g = jnp.zeros((GPS, HALF), f32)

    tt = bond_type.astype(i32) * 3 + bond_direction_type.astype(i32)
    ttp = jnp.concatenate([tt, jnp.full((epad,), 18, i32)])
    ttp = ttp + 32 * (jnp.arange(NEP, dtype=i32) & 63)
    tt2 = ttp.reshape(NC, NS, CCH, CH)
    dst_cb = dstp.reshape(NC, NS, CCH, CH)
    eye18 = jnp.eye(32, 32, dtype=f32) * (jnp.arange(32) < 18)[:, None]
    eye18 = jnp.tile(eye18, (64, 1))
    cparts = _cbuild_kernel(eye18, tt2, dst_cb, zero_c)

    for l, lp in enumerate(p['layers']):
        hflat = h.reshape(NC * NNP, HALF)
        agg = _agg_kernel(hflat, src2, dstr, zero_nodes)

        t18 = (lp['edge_emb_bond'][:, None, :]
               + lp['edge_emb_dir'][None, :, :]).reshape(18, EMB)
        t18p = jnp.zeros((32, EMBP), f32).at[:18, :EMB].set(t18)
        w1p = jnp.zeros((EMBP, HID), f32).at[:EMB].set(lp['W1'])
        sc = lp['bn_gamma'] * lax.rsqrt(lp['bn_var'] + BN_EPS)
        w2f = lp['W2'] * sc[None, :]
        b2f = lp['b2'] * sc + lp['bn_beta'] - lp['bn_mean'] * sc
        w2p = jnp.zeros((HID, EMBP), f32).at[:, :EMB].set(w2f)
        b2p = jnp.zeros((EMBP,), f32).at[:EMB].set(b2f)

        h = _mlp_call(
            l < len(p['layers']) - 1, agg, cparts,
            t18p[:, :HALF], t18p[:, HALF:],
            w1p[:HALF], w1p[HALF:], lp['b1'][None, :],
            w2p[:, :HALF], w2p[:, HALF:],
            b2p[None, :HALF], b2p[None, HALF:],
        )

    hflat = h.reshape(NC * NNP, HALF)
    gidp = jnp.concatenate([graph_ids.astype(i32),
                            jnp.full((NNP - NN,), NG, i32)])
    gidr = gidp.reshape(NS, NCH, CH)
    gsum = _readout_kernel(hflat, gidr, zero_g)

    twp = jnp.zeros((EMBP, PD), f32).at[:EMB].set(p['transform_W'])
    gid2d = graph_ids.astype(i32).reshape(10, NN // 10)
    return _final_call(gsum, gid2d, twp[:HALF], twp[HALF:],
                       p['transform_b'][None, :])

# --- scband reference (transcript-rebuilt; emitter-appended) ---
"""Pipeline reference for scband-dgl-gin-attr-masking-1692217114864 (READ-ONLY COPY).

The authoritative reference and input builder live on the scoring server;
editing this copy changes nothing except your own understanding.
"""

import jax, jax.numpy as jnp
import numpy as np

EMB = 300
HID = 600
N_LAYERS = 5
N_NODES = 10000
N_EDGES = 160000
N_GRAPHS = 512
PRED_DIM = 128
BN_EPS = 1e-5


def _w(key, shape, scale=0.05):
    return jax.random.normal(key, shape, dtype=jnp.float32) * scale


def setup_inputs(seed: int = 0):
    key = jax.random.key(seed)
    def k(i):
        return jax.random.fold_in(key, i)
    atomic_number = jax.random.randint(k(0), (N_NODES,), 0, 120)
    chirality_type = jax.random.randint(k(1), (N_NODES,), 0, 3)
    edge_index = jax.random.randint(k(2), (2, N_EDGES), 0, N_NODES)
    bond_type = jax.random.randint(k(3), (N_EDGES,), 0, 6)
    bond_direction_type = jax.random.randint(k(4), (N_EDGES,), 0, 3)
    graph_ids = jnp.sort(jax.random.randint(k(5), (N_NODES,), 0, N_GRAPHS))
    params = {
        'node_emb_atomic': _w(k(10), (120, EMB)),
        'node_emb_chirality': _w(k(11), (3, EMB)),
        'transform_W': _w(k(12), (EMB, PRED_DIM)),
        'transform_b': jnp.zeros((PRED_DIM,), jnp.float32),
        'layers': [],
    }
    for l in range(N_LAYERS):
        base = 100 + 10 * l
        params['layers'].append({
            'edge_emb_bond': _w(k(base + 0), (6, EMB)),
            'edge_emb_dir': _w(k(base + 1), (3, EMB)),
            'W1': _w(k(base + 2), (EMB, HID)),
            'b1': jnp.zeros((HID,), jnp.float32),
            'W2': _w(k(base + 3), (HID, EMB)),
            'b2': jnp.zeros((EMB,), jnp.float32),
            'bn_gamma': jnp.ones((EMB,), jnp.float32),
            'bn_beta': jnp.zeros((EMB,), jnp.float32),
            'bn_mean': jnp.zeros((EMB,), jnp.float32),
            'bn_var': jnp.ones((EMB,), jnp.float32),
        })
    return {'params': params, 'atomic_number': atomic_number,
            'chirality_type': chirality_type, 'edge_index': edge_index,
            'bond_type': bond_type, 'bond_direction_type': bond_direction_type,
            'graph_ids': graph_ids}


def _gin_forward(params, atomic_number, chirality_type, edge_index, bond_type, bond_direction_type, graph_ids):
    # Initial node embeddings: sum over categorical node embedding tables
    h = params['node_emb_atomic'][atomic_number] + params['node_emb_chirality'][chirality_type]
    src = edge_index[0]
    dst = edge_index[1]
    n_layers = len(params['layers'])
    for l, lp in enumerate(params['layers']):
        # Edge embeddings: sum over categorical edge embedding tables
        e = lp['edge_emb_bond'][bond_type] + lp['edge_emb_dir'][bond_direction_type]
        # DGL update_all(fn.u_add_e('feat','feat','m'), fn.sum('m','feat'))
        m = h[src] + e
        agg = jax.ops.segment_sum(m, dst, num_segments=N_NODES)
        # GIN MLP: Linear(300,600) -> ReLU -> Linear(600,300)
        hid = jax.nn.relu(agg @ lp['W1'] + lp['b1'])
        out = hid @ lp['W2'] + lp['b2']
        # BatchNorm1d in eval mode (running stats)
        out = lp['bn_gamma'] * (out - lp['bn_mean']) * jax.lax.rsqrt(lp['bn_var'] + BN_EPS) + lp['bn_beta']
        # activation=relu for all but last layer (JK='last'); dropout is identity in eval
        if l < n_layers - 1:
            out = jax.nn.relu(out)
        h = out
    # AvgPooling readout over graphs in the batch
    sums = jax.ops.segment_sum(h, graph_ids, num_segments=N_GRAPHS)
    counts = jax.ops.segment_sum(jnp.ones((h.shape[0], 1), jnp.float32), graph_ids, num_segments=N_GRAPHS)
    graph_feats = sums / jnp.maximum(counts, 1.0)
    # Final transform: Linear(300, predictor_dim)
    return graph_feats @ params['transform_W'] + params['transform_b']


def reference(params, atomic_number, chirality_type, edge_index, bond_type, bond_direction_type, graph_ids):
    return _gin_forward(params, atomic_number, chirality_type, edge_index, bond_type, bond_direction_type, graph_ids)

if __name__ == "__main__":
    import jax
    _d = setup_inputs()
    print(jax.jit(kernel)(*tuple(_d.values())))

</pallas_src>

<mosaic_0001>
#map = affine_map<(d0, d1) -> (0, 0)>
#map1 = affine_map<(d0, d1) -> (0, 0, 0, 0)>
#map2 = affine_map<(d0, d1) -> (0, 0, 0)>
module attributes {stable_mosaic.version = 14 : i64} {
  func.func @_agg_kernel(%arg0: i32, %arg1: i32, %arg2: memref<20480x160xf32, #tpu.memory_space<hbm>>, %arg3: memref<2x16x256x40xi32, #tpu.memory_space<hbm>>, %arg4: memref<16x256x40xi32, #tpu.memory_space<hbm>>, %arg5: memref<640x160xf32, #tpu.memory_space<hbm>>, %arg6: memref<2x10240x160xf32, #tpu.memory_space<hbm>>, %arg7: memref<32x40xi32, #tpu.memory_space<vmem>>, %arg8: memref<32x40xi32, #tpu.memory_space<vmem>>, %arg9: memref<40x160xf32, #tpu.memory_space<vmem>>, %arg10: memref<40x160xf32, #tpu.memory_space<vmem>>, %arg11: memref<40x160xf32, #tpu.memory_space<vmem>>, %arg12: memref<40x160xf32, #tpu.memory_space<vmem>>, %arg13: memref<10240x160xf32, #tpu.memory_space<vmem_shared>>, %arg14: memref<!tpu.dma_semaphore, #tpu.memory_space<semaphore_mem>>, %arg15: memref<!tpu.dma_semaphore, #tpu.memory_space<semaphore_mem>>, %arg16: memref<!tpu.dma_semaphore, #tpu.memory_space<semaphore_mem>>, %arg17: memref<!tpu.dma_semaphore, #tpu.memory_space<semaphore_mem>>, %arg18: memref<!tpu.dma_semaphore, #tpu.memory_space<semaphore_mem>>, %arg19: memref<!tpu.dma_semaphore, #tpu.memory_space<semaphore_mem>>, %arg20: memref<!tpu.dma_semaphore, #tpu.memory_space<semaphore_mem>>, %arg21: memref<!tpu.dma_semaphore, #tpu.memory_space<semaphore_mem>>) attributes {dimension_semantics = [#tpu.dimension_semantics<core_parallel>, #tpu.dimension_semantics<subcore_parallel>], iteration_bounds = array<i64: 2, 16>, scalar_prefetch = 0 : i64, scratch_operands = 15 : i64, tpu.core_type = #tpu.core_type<sc_vector_subcore>, window_params = [{transform_indices = #map}, {transform_indices = #map1}, {transform_indices = #map2}, {transform_indices = #map}, {transform_indices = #map2}]} {
    %mul3A = arith.constant 640 : i32
    %mul3A_0 = arith.muli %arg1, %mul3A : i32
    "tpu.region"() ({
      %run_scoped3A = tpu.sem_alloc : memref<!tpu.dma_semaphore, #tpu.memory_space<semaphore_mem>>
      %dma_start3A = arith.constant 0 : i32
      %dma_start3A_10 = tpu.memref_slice %arg13[%mul3A_0, %dma_start3A] : memref<10240x160xf32, #tpu.memory_space<vmem_shared>> -> memref<640x160xf32, #tpu.memory_space<vmem_shared>>
      tpu.enqueue_dma source(%arg5 : memref<640x160xf32, #tpu.memory_space<hbm>>) target(%dma_start3A_10 : memref<640x160xf32, #tpu.memory_space<vmem_shared>>) target_semaphore(%run_scoped3A : memref<!tpu.dma_semaphore, #tpu.memory_space<semaphore_mem>>)
      %dma_wait3A = arith.constant 0 : i32
      %dma_wait3A_11 = tpu.memref_slice %arg13[%mul3A_0, %dma_wait3A] : memref<10240x160xf32, #tpu.memory_space<vmem_shared>> -> memref<640x160xf32, #tpu.memory_space<vmem_shared>>
      tpu.wait_dma2 semaphore(%run_scoped3A : memref<!tpu.dma_semaphore, #tpu.memory_space<semaphore_mem>>) src(%arg5 : memref<640x160xf32, #tpu.memory_space<hbm>>) dst(%dma_wait3A_11 : memref<640x160xf32, #tpu.memory_space<vmem_shared>>)
      tpu.yield
    }) : () -> ()
    %barrier3A = arith.constant 0 : index
    tpu.barrier barrier_id(%barrier3A)
    %scan3A = arith.constant 0 : i32
    %scan3A_1 = arith.constant 8 : i32
    %scan3A_2 = arith.addi %scan3A, %scan3A_1 : i32
    %scan3A_3 = arith.constant 1 : i32
    scf.for %scan3A_10 = %scan3A to %scan3A_2 step %scan3A_3  : i32 {
      %mul3A_11 = arith.constant 1 : i32
      %mul3A_12 = arith.muli %scan3A_10, %mul3A_11 : i32
      %add3A = arith.constant 0 : i32
      %add3A_13 = arith.addi %add3A, %mul3A_12 : i32
      %mul3A_14 = arith.constant 32 : i32
      %mul3A_15 = arith.muli %add3A_13, %mul3A_14 : i32
      "tpu.region"() ({
        %run_scoped3A = tpu.sem_alloc : memref<!tpu.dma_semaphore, #tpu.memory_space<semaphore_mem>>
        %dma_start3A_66 = arith.constant 0 : i32
        %dma_start3A_67 = tpu.memref_slice %arg3[%arg0, %arg1, %mul3A_15, %dma_start3A_66] : memref<2x16x256x40xi32, #tpu.memory_space<hbm>> -> memref<1x1x32x40xi32, #tpu.memory_space<hbm>>
        %dma_start3A_68 = tpu.memref_squeeze %dma_start3A_67 : memref<1x1x32x40xi32, #tpu.memory_space<hbm>> -> memref<32x40xi32, #tpu.memory_space<hbm>>
        %dma_start3A_69 = arith.constant 0 : i32
        %dma_start3A_70 = tpu.memref_slice %arg3[%arg0, %arg1, %mul3A_15, %dma_start3A_69] : memref<2x16x256x40xi32, #tpu.memory_space<hbm>> -> memref<1x1x32x40xi32, #tpu.memory_space<hbm>>
        %dma_start3A_71 = tpu.memref_squeeze %dma_start3A_70 : memref<1x1x32x40xi32, #tpu.memory_space<hbm>> -> memref<32x40xi32, #tpu.memory_space<hbm>>
        tpu.enqueue_dma source(%dma_start3A_71 : memref<32x40xi32, #tpu.memory_space<hbm>>) target(%arg7 : memref<32x40xi32, #tpu.memory_space<vmem>>) target_semaphore(%run_scoped3A : memref<!tpu.dma_semaphore, #tpu.memory_space<semaphore_mem>>)
        %dma_wait3A_72 = arith.constant 0 : i32
        %dma_wait3A_73 = tpu.memref_slice %arg3[%arg0, %arg1, %mul3A_15, %dma_wait3A_72] : memref<2x16x256x40xi32, #tpu.memory_space<hbm>> -> memref<1x1x32x40xi32, #tpu.memory_space<hbm>>
        %dma_wait3A_74 = tpu.memref_squeeze %dma_wait3A_73 : memref<1x1x32x40xi32, #tpu.memory_space<hbm>> -> memref<32x40xi32, #tpu.memory_space<hbm>>
        %dma_wait3A_75 = arith.constant 0 : i32
        %dma_wait3A_76 = tpu.memref_slice %arg3[%arg0, %arg1, %mul3A_15, %dma_wait3A_75] : memref<2x16x256x40xi32, #tpu.memory_space<hbm>> -> memref<1x1x32x40xi32, #tpu.memory_space<hbm>>
        %dma_wait3A_77 = tpu.memref_squeeze %dma_wait3A_76 : memref<1x1x32x40xi32, #tpu.memory_space<hbm>> -> memref<32x40xi32, #tpu.memory_space<hbm>>
        tpu.wait_dma2 semaphore(%run_scoped3A : memref<!tpu.dma_semaphore, #tpu.memory_space<semaphore_mem>>) src(%dma_wait3A_77 : memref<32x40xi32, #tpu.memory_space<hbm>>) dst(%arg7 : memref<32x40xi32, #tpu.memory_space<vmem>>)
        tpu.yield
      }) : () -> ()
      %mul3A_16 = arith.constant 32 : i32
      %mul3A_17 = arith.muli %add3A_13, %mul3A_16 : i32
      "tpu.region"() ({
        %run_scoped3A = tpu.sem_alloc : memref<!tpu.dma_semaphore, #tpu.memory_space<semaphore_mem>>
        %dma_start3A_66 = arith.constant 0 : i32
        %dma_start3A_67 = tpu.memref_slice %arg4[%arg1, %mul3A_17, %dma_start3A_66] : memref<16x256x40xi32, #tpu.memory_space<hbm>> -> memref<1x32x40xi32, #tpu.memory_space<hbm>>
        %dma_start3A_68 = tpu.memref_squeeze %dma_start3A_67 : memref<1x32x40xi32, #tpu.memory_space<hbm>> -> memref<32x40xi32, #tpu.memory_space<hbm>>
        %dma_start3A_69 = arith.constant 0 : i32
        %dma_start3A_70 = tpu.memref_slice %arg4[%arg1, %mul3A_17, %dma_start3A_69] : memref<16x256x40xi32, #tpu.memory_space<hbm>> -> memref<1x32x40xi32, #tpu.memory_space<hbm>>
        %dma_start3A_71 = tpu.memref_squeeze %dma_start3A_70 : memref<1x32x40xi32, #tpu.memory_space<hbm>> -> memref<32x40xi32, #tpu.memory_space<hbm>>
        tpu.enqueue_dma source(%dma_start3A_71 : memref<32x40xi32, #tpu.memory_space<hbm>>) target(%arg8 : memref<32x40xi32, #tpu.memory_space<vmem>>) target_semaphore(%run_scoped3A : memref<!tpu.dma_semaphore, #tpu.memory_space<semaphore_mem>>)
        %dma_wait3A_72 = arith.constant 0 : i32
        %dma_wait3A_73 = tpu.memref_slice %arg4[%arg1, %mul3A_17, %dma_wait3A_72] : memref<16x256x40xi32, #tpu.memory_space<hbm>> -> memref<1x32x40xi32, #tpu.memory_space<hbm>>
        %dma_wait3A_74 = tpu.memref_squeeze %dma_wait3A_73 : memref<1x32x40xi32, #tpu.memory_space<hbm>> -> memref<32x40xi32, #tpu.memory_space<hbm>>
        %dma_wait3A_75 = arith.constant 0 : i32
        %dma_wait3A_76 = tpu.memref_slice %arg4[%arg1, %mul3A_17, %dma_wait3A_75] : memref<16x256x40xi32, #tpu.memory_space<hbm>> -> memref<1x32x40xi32, #tpu.memory_space<hbm>>
        %dma_wait3A_77 = tpu.memref_squeeze %dma_wait3A_76 : memref<1x32x40xi32, #tpu.memory_space<hbm>> -> memref<32x40xi32, #tpu.memory_space<hbm>>
        tpu.wait_dma2 semaphore(%run_scoped3A : memref<!tpu.dma_semaphore, #tpu.memory_space<semaphore_mem>>) src(%dma_wait3A_77 : memref<32x40xi32, #tpu.memory_space<hbm>>) dst(%arg8 : memref<32x40xi32, #tpu.memory_space<vmem>>)
        tpu.yield
      }) : () -> ()
      %dma_start3A = arith.constant 0 : i32
      %dma_start3A_18 = arith.constant 0 : i32
      %dma_start3A_19 = tpu.memref_slice %arg7[%dma_start3A, %dma_start3A_18] : memref<32x40xi32, #tpu.memory_space<vmem>> -> memref<1x40xi32, #tpu.memory_space<vmem>>
      %dma_start3A_20 = tpu.memref_squeeze %dma_start3A_19 : memref<1x40xi32, #tpu.memory_space<vmem>> -> memref<40xi32, #tpu.memory_space<vmem>>
      %dma_start3A_21 = arith.constant 0 : i32
      %dma_start3A_22 = arith.constant 0 : i32
      %dma_start3A_23 = tpu.memref_slice %arg2[%dma_start3A_21, %dma_start3A_22] : memref<20480x160xf32, #tpu.memory_space<hbm>> -> memref<20480x160xf32, #tpu.memory_space<hbm>>
      tpu.enqueue_indirect_dma source(%dma_start3A_23 : memref<20480x160xf32, #tpu.memory_space<hbm>>) target(%arg9 : memref<40x160xf32, #tpu.memory_space<vmem>>) offsets(%dma_start3A_20 : memref<40xi32, #tpu.memory_space<vmem>>) semaphore(%arg14 : memref<!tpu.dma_semaphore, #tpu.memory_space<semaphore_mem>>)
      %dma_start3A_24 = arith.constant 1 : i32
      %dma_start3A_25 = arith.constant 0 : i32
      %dma_start3A_26 = tpu.memref_slice %arg7[%dma_start3A_24, %dma_start3A_25] : memref<32x40xi32, #tpu.memory_space<vmem>> -> memref<1x40xi32, #tpu.memory_space<vmem>>
      %dma_start3A_27 = tpu.memref_squeeze %dma_start3A_26 : memref<1x40xi32, #tpu.memory_space<vmem>> -> memref<40xi32, #tpu.memory_space<vmem>>
      %dma_start3A_28 = arith.constant 0 : i32
      %dma_start3A_29 = arith.constant 0 : i32
      %dma_start3A_30 = tpu.memref_slice %arg2[%dma_start3A_28, %dma_start3A_29] : memref<20480x160xf32, #tpu.memory_space<hbm>> -> memref<20480x160xf32, #tpu.memory_space<hbm>>
      tpu.enqueue_indirect_dma source(%dma_start3A_30 : memref<20480x160xf32, #tpu.memory_space<hbm>>) target(%arg10 : memref<40x160xf32, #tpu.memory_space<vmem>>) offsets(%dma_start3A_27 : memref<40xi32, #tpu.memory_space<vmem>>) semaphore(%arg15 : memref<!tpu.dma_semaphore, #tpu.memory_space<semaphore_mem>>)
      %dma_start3A_31 = arith.constant 2 : i32
      %dma_start3A_32 = arith.constant 0 : i32
      %dma_start3A_33 = tpu.memref_slice %arg7[%dma_start3A_31, %dma_start3A_32] : memref<32x40xi32, #tpu.memory_space<vmem>> -> memref<1x40xi32, #tpu.memory_space<vmem>>
      %dma_start3A_34 = tpu.memref_squeeze %dma_start3A_33 : memref<1x40xi32, #tpu.memory_space<vmem>> -> memref<40xi32, #tpu.memory_space<vmem>>
      %dma_start3A_35 = arith.constant 0 : i32
      %dma_start3A_36 = arith.constant 0 : i32
      %dma_start3A_37 = tpu.memref_slice %arg2[%dma_start3A_35, %dma_start3A_36] : memref<20480x160xf32, #tpu.memory_space<hbm>> -> memref<20480x160xf32, #tpu.memory_space<hbm>>
      tpu.enqueue_indirect_dma source(%dma_start3A_37 : memref<20480x160xf32, #tpu.memory_space<hbm>>) target(%arg11 : memref<40x160xf32, #tpu.memory_space<vmem>>) offsets(%dma_start3A_34 : memref<40xi32, #tpu.memory_space<vmem>>) semaphore(%arg16 : memref<!tpu.dma_semaphore, #tpu.memory_space<semaphore_mem>>)
      %scan3A_38 = arith.constant 0 : i32
      %scan3A_39 = arith.constant 8 : i32
      %scan3A_40 = arith.addi %scan3A_38, %scan3A_39 : i32
      %scan3A_41 = arith.constant 1 : i32
      scf.for %scan3A_66 = %scan3A_38 to %scan3A_40 step %scan3A_41  : i32 {
        %mul3A_67 = arith.constant 1 : i32
        %mul3A_68 = arith.muli %scan3A_66, %mul3A_67 : i32
        %add3A_69 = arith.constant 0 : i32
        %add3A_70 = arith.addi %add3A_69, %mul3A_68 : i32
        %mul3A_71 = arith.constant 4 : i32
        %mul3A_72 = arith.muli %add3A_70, %mul3A_71 : i32
        %add3A_73 = arith.constant 0 : i32
        %add3A_74 = arith.addi %mul3A_72, %add3A_73 : i32
        %dma_wait3A_75 = arith.constant 0 : i32
        %dma_wait3A_76 = arith.constant 0 : i32
        %dma_wait3A_77 = tpu.memref_slice %arg2[%dma_wait3A_75, %dma_wait3A_76] : memref<20480x160xf32, #tpu.memory_space<hbm>> -> memref<40x160xf32, #tpu.memory_space<hbm>>
        %dma_wait3A_78 = arith.constant 0 : i32
        %dma_wait3A_79 = arith.constant 0 : i32
        %dma_wait3A_80 = tpu.memref_slice %arg2[%dma_wait3A_78, %dma_wait3A_79] : memref<20480x160xf32, #tpu.memory_space<hbm>> -> memref<40x160xf32, #tpu.memory_space<hbm>>
        tpu.wait_dma2 semaphore(%arg14 : memref<!tpu.dma_semaphore, #tpu.memory_space<semaphore_mem>>) src(%dma_wait3A_80 : memref<40x160xf32, #tpu.memory_space<hbm>>) dst(%arg9 : memref<40x160xf32, #tpu.memory_space<vmem>>)
        %dma_start3A_81 = arith.constant 0 : i32
        %dma_start3A_82 = tpu.memref_slice %arg8[%add3A_74, %dma_start3A_81] : memref<32x40xi32, #tpu.memory_space<vmem>> -> memref<1x40xi32, #tpu.memory_space<vmem>>
        %dma_start3A_83 = tpu.memref_squeeze %dma_start3A_82 : memref<1x40xi32, #tpu.memory_space<vmem>> -> memref<40xi32, #tpu.memory_space<vmem>>
        %dma_start3A_84 = arith.constant 0 : i32
        %dma_start3A_85 = arith.constant 0 : i32
        %dma_start3A_86 = tpu.memref_slice %arg13[%dma_start3A_84, %dma_start3A_85] : memref<10240x160xf32, #tpu.memory_space<vmem_shared>> -> memref<10240x160xf32, #tpu.memory_space<vmem_shared>>
        tpu.enqueue_indirect_dma source(%arg9 : memref<40x160xf32, #tpu.memory_space<vmem>>) target(%dma_start3A_86 : memref<10240x160xf32, #tpu.memory_space<vmem_shared>>) offsets(%dma_start3A_83 : memref<40xi32, #tpu.memory_space<vmem>>) semaphore(%arg18 : memref<!tpu.dma_semaphore, #tpu.memory_space<semaphore_mem>>) {add = true}
        %eq3A = arith.constant 0 : i32
        %eq3A_87 = arith.cmpi eq, %add3A_70, %eq3A : i32
        %convert_element_type3A = arith.extui %eq3A_87 : i1 to i32
        %cond3A = arith.constant 0 : i32
        %cond3A_88 = arith.cmpi ne, %convert_element_type3A, %cond3A : i32
        scf.if %cond3A_88 {
          %add3A_155 = arith.constant 3 : i32
          %add3A_156 = arith.addi %add3A_74, %add3A_155 : i32
          %dma_start3A_157 = arith.constant 0 : i32
          %dma_start3A_158 = tpu.memref_slice %arg7[%add3A_156, %dma_start3A_157] : memref<32x40xi32, #tpu.memory_space<vmem>> -> memref<1x40xi32, #tpu.memory_space<vmem>>
          %dma_start3A_159 = tpu.memref_squeeze %dma_start3A_158 : memref<1x40xi32, #tpu.memory_space<vmem>> -> memref<40xi32, #tpu.memory_space<vmem>>
          %dma_start3A_160 = arith.constant 0 : i32
          %dma_start3A_161 = arith.constant 0 : i32
          %dma_start3A_162 = tpu.memref_slice %arg2[%dma_start3A_160, %dma_start3A_161] : memref<20480x160xf32, #tpu.memory_space<hbm>> -> memref<20480x160xf32, #tpu.memory_space<hbm>>
          tpu.enqueue_indirect_dma source(%dma_start3A_162 : memref<20480x160xf32, #tpu.memory_space<hbm>>) target(%arg12 : memref<40x160xf32, #tpu.memory_space<vmem>>) offsets(%dma_start3A_159 : memref<40xi32, #tpu.memory_space<vmem>>) semaphore(%arg17 : memref<!tpu.dma_semaphore, #tpu.memory_space<semaphore_mem>>)
        } else {
        }
        %gt3A = arith.constant 0 : i32
        %gt3A_89 = arith.cmpi sgt, %add3A_70, %gt3A : i32
        %convert_element_type3A_90 = arith.extui %gt3A_89 : i1 to i32
        %cond3A_91 = arith.constant 0 : i32
        %cond3A_92 = arith.cmpi ne, %convert_element_type3A_90, %cond3A_91 : i32
        scf.if %cond3A_92 {
          %dma_wait3A_155 = arith.constant 0 : i32
          %dma_wait3A_156 = arith.constant 0 : i32
          %dma_wait3A_157 = tpu.memref_slice %arg2[%dma_wait3A_155, %dma_wait3A_156] : memref<20480x160xf32, #tpu.memory_space<hbm>> -> memref<40x160xf32, #tpu.memory_space<hbm>>
          %dma_wait3A_158 = arith.constant 0 : i32
          %dma_wait3A_159 = arith.constant 0 : i32
          %dma_wait3A_160 = tpu.memref_slice %arg2[%dma_wait3A_158, %dma_wait3A_159] : memref<20480x160xf32, #tpu.memory_space<hbm>> -> memref<40x160xf32, #tpu.memory_space<hbm>>
          tpu.wait_dma2 semaphore(%arg21 : memref<!tpu.dma_semaphore, #tpu.memory_space<semaphore_mem>>) src(%dma_wait3A_160 : memref<40x160xf32, #tpu.memory_space<hbm>>) dst(%arg12 : memref<40x160xf32, #tpu.memory_space<vmem>>)
          %add3A_161 = arith.constant 3 : i32
          %add3A_162 = arith.addi %add3A_74, %add3A_161 : i32
          %dma_start3A_163 = arith.constant 0 : i32
          %dma_start3A_164 = tpu.memref_slice %arg7[%add3A_162, %dma_start3A_163] : memref<32x40xi32, #tpu.memory_space<vmem>> -> memref<1x40xi32, #tpu.memory_space<vmem>>
          %dma_start3A_165 = tpu.memref_squeeze %dma_start3A_164 : memref<1x40xi32, #tpu.memory_space<vmem>> -> memref<40xi32, #tpu.memory_space<vmem>>
          %dma_start3A_166 = arith.constant 0 : i32
          %dma_start3A_167 = arith.constant 0 : i32
          %dma_start3A_168 = tpu.memref_slice %arg2[%dma_start3A_166, %dma_start3A_167] : memref<20480x160xf32, #tpu.memory_space<hbm>> -> memref<20480x160xf32, #tpu.memory_space<hbm>>
          tpu.enqueue_indirect_dma source(%dma_start3A_168 : memref<20480x160xf32, #tpu.memory_space<hbm>>) target(%arg12 : memref<40x160xf32, #tpu.memory_space<vmem>>) offsets(%dma_start3A_165 : memref<40xi32, #tpu.memory_space<vmem>>) semaphore(%arg17 : memref<!tpu.dma_semaphore, #tpu.memory_space<semaphore_mem>>)
        } else {
        }
        %mul3A_93 = arith.constant 4 : i32
        %mul3A_94 = arith.muli %add3A_70, %mul3A_93 : i32
        %add3A_95 = arith.constant 1 : i32
        %add3A_96 = arith.addi %mul3A_94, %add3A_95 : i32
        %dma_wait3A_97 = arith.constant 0 : i32
        %dma_wait3A_98 = arith.constant 0 : i32
        %dma_wait3A_99 = tpu.memref_slice %arg2[%dma_wait3A_97, %dma_wait3A_98] : memref<20480x160xf32, #tpu.memory_space<hbm>> -> memref<40x160xf32, #tpu.memory_space<hbm>>
        %dma_wait3A_100 = arith.constant 0 : i32
        %dma_wait3A_101 = arith.constant 0 : i32
        %dma_wait3A_102 = tpu.memref_slice %arg2[%dma_wait3A_100, %dma_wait3A_101] : memref<20480x160xf32, #tpu.memory_space<hbm>> -> memref<40x160xf32, #tpu.memory_space<hbm>>
        tpu.wait_dma2 semaphore(%arg15 : memref<!tpu.dma_semaphore, #tpu.memory_space<semaphore_mem>>) src(%dma_wait3A_102 : memref<40x160xf32, #tpu.memory_space<hbm>>) dst(%arg10 : memref<40x160xf32, #tpu.memory_space<vmem>>)
        %dma_start3A_103 = arith.constant 0 : i32
        %dma_start3A_104 = tpu.memref_slice %arg8[%add3A_96, %dma_start3A_103] : memref<32x40xi32, #tpu.memory_space<vmem>> -> memref<1x40xi32, #tpu.memory_space<vmem>>
        %dma_start3A_105 = tpu.memref_squeeze %dma_start3A_104 : memref<1x40xi32, #tpu.memory_space<vmem>> -> memref<40xi32, #tpu.memory_space<vmem>>
        %dma_start3A_106 = arith.constant 0 : i32
        %dma_start3A_107 = arith.constant 0 : i32
        %dma_start3A_108 = tpu.memref_slice %arg13[%dma_start3A_106, %dma_start3A_107] : memref<10240x160xf32, #tpu.memory_space<vmem_shared>> -> memref<10240x160xf32, #tpu.memory_space<vmem_shared>>
        tpu.enqueue_indirect_dma source(%arg10 : memref<40x160xf32, #tpu.memory_space<vmem>>) target(%dma_start3A_108 : memref<10240x160xf32, #tpu.memory_space<vmem_shared>>) offsets(%dma_start3A_105 : memref<40xi32, #tpu.memory_space<vmem>>) semaphore(%arg19 : memref<!tpu.dma_semaphore, #tpu.memory_space<semaphore_mem>>) {add = true}
        %lt3A = arith.constant 7 : i32
        %lt3A_109 = arith.cmpi slt, %add3A_70, %lt3A : i32
        %convert_element_type3A_110 = arith.extui %lt3A_109 : i1 to i32
        %cond3A_111 = arith.constant 0 : i32
        %cond3A_112 = arith.cmpi ne, %convert_element_type3A_110, %cond3A_111 : i32
        scf.if %cond3A_112 {
          %dma_wait3A_155 = arith.constant 0 : i32
          %dma_wait3A_156 = arith.constant 0 : i32
          %dma_wait3A_157 = tpu.memref_slice %arg2[%dma_wait3A_155, %dma_wait3A_156] : memref<20480x160xf32, #tpu.memory_space<hbm>> -> memref<40x160xf32, #tpu.memory_space<hbm>>
          %dma_wait3A_158 = arith.constant 0 : i32
          %dma_wait3A_159 = arith.constant 0 : i32
          %dma_wait3A_160 = tpu.memref_slice %arg2[%dma_wait3A_158, %dma_wait3A_159] : memref<20480x160xf32, #tpu.memory_space<hbm>> -> memref<40x160xf32, #tpu.memory_space<hbm>>
          tpu.wait_dma2 semaphore(%arg18 : memref<!tpu.dma_semaphore, #tpu.memory_space<semaphore_mem>>) src(%dma_wait3A_160 : memref<40x160xf32, #tpu.memory_space<hbm>>) dst(%arg9 : memref<40x160xf32, #tpu.memory_space<vmem>>)
          %add3A_161 = arith.constant 3 : i32
          %add3A_162 = arith.addi %add3A_96, %add3A_161 : i32
          %dma_start3A_163 = arith.constant 0 : i32
          %dma_start3A_164 = tpu.memref_slice %arg7[%add3A_162, %dma_start3A_163] : memref<32x40xi32, #tpu.memory_space<vmem>> -> memref<1x40xi32, #tpu.memory_space<vmem>>
          %dma_start3A_165 = tpu.memref_squeeze %dma_start3A_164 : memref<1x40xi32, #tpu.memory_space<vmem>> -> memref<40xi32, #tpu.memory_space<vmem>>
          %dma_start3A_166 = arith.constant 0 : i32
          %dma_start3A_167 = arith.constant 0 : i32
          %dma_start3A_168 = tpu.memref_slice %arg2[%dma_start3A_166, %dma_start3A_167] : memref<20480x160xf32, #tpu.memory_space<hbm>> -> memref<20480x160xf32, #tpu.memory_space<hbm>>
          tpu.enqueue_indirect_dma source(%dma_start3A_168 : memref<20480x160xf32, #tpu.memory_space<hbm>>) target(%arg9 : memref<40x160xf32, #tpu.memory_space<vmem>>) offsets(%dma_start3A_165 : memref<40xi32, #tpu.memory_space<vmem>>) semaphore(%arg14 : memref<!tpu.dma_semaphore, #tpu.memory_space<semaphore_mem>>)
        } else {
        }
        %mul3A_113 = arith.constant 4 : i32
        %mul3A_114 = arith.muli %add3A_70, %mul3A_113 : i32
        %add3A_115 = arith.constant 2 : i32
        %add3A_116 = arith.addi %mul3A_114, %add3A_115 : i32
        %dma_wait3A_117 = arith.constant 0 : i32
        %dma_wait3A_118 = arith.constant 0 : i32
        %dma_wait3A_119 = tpu.memref_slice %arg2[%dma_wait3A_117, %dma_wait3A_118] : memref<20480x160xf32, #tpu.memory_space<hbm>> -> memref<40x160xf32, #tpu.memory_space<hbm>>
        %dma_wait3A_120 = arith.constant 0 : i32
        %dma_wait3A_121 = arith.constant 0 : i32
        %dma_wait3A_122 = tpu.memref_slice %arg2[%dma_wait3A_120, %dma_wait3A_121] : memref<20480x160xf32, #tpu.memory_space<hbm>> -> memref<40x160xf32, #tpu.memory_space<hbm>>
        tpu.wait_dma2 semaphore(%arg16 : memref<!tpu.dma_semaphore, #tpu.memory_space<semaphore_mem>>) src(%dma_wait3A_122 : memref<40x160xf32, #tpu.memory_space<hbm>>) dst(%arg11 : memref<40x160xf32, #tpu.memory_space<vmem>>)
        %dma_start3A_123 = arith.constant 0 : i32
        %dma_start3A_124 = tpu.memref_slice %arg8[%add3A_116, %dma_start3A_123] : memref<32x40xi32, #tpu.memory_space<vmem>> -> memref<1x40xi32, #tpu.memory_space<vmem>>
        %dma_start3A_125 = tpu.memref_squeeze %dma_start3A_124 : memref<1x40xi32, #tpu.memory_space<vmem>> -> memref<40xi32, #tpu.memory_space<vmem>>
        %dma_start3A_126 = arith.constant 0 : i32
        %dma_start3A_127 = arith.constant 0 : i32
        %dma_start3A_128 = tpu.memref_slice %arg13[%dma_start3A_126, %dma_start3A_127] : memref<10240x160xf32, #tpu.memory_space<vmem_shared>> -> memref<10240x160xf32, #tpu.memory_space<vmem_shared>>
        tpu.enqueue_indirect_dma source(%arg11 : memref<40x160xf32, #tpu.memory_space<vmem>>) target(%dma_start3A_128 : memref<10240x160xf32, #tpu.memory_space<vmem_shared>>) offsets(%dma_start3A_125 : memref<40xi32, #tpu.memory_space<vmem>>) semaphore(%arg20 : memref<!tpu.dma_semaphore, #tpu.memory_space<semaphore_mem>>) {add = true}
        %lt3A_129 = arith.constant 7 : i32
        %lt3A_130 = arith.cmpi slt, %add3A_70, %lt3A_129 : i32
        %convert_element_type3A_131 = arith.extui %lt3A_130 : i1 to i32
        %cond3A_132 = arith.constant 0 : i32
        %cond3A_133 = arith.cmpi ne, %convert_element_type3A_131, %cond3A_132 : i32
        scf.if %cond3A_133 {
          %dma_wait3A_155 = arith.constant 0 : i32
          %dma_wait3A_156 = arith.constant 0 : i32
          %dma_wait3A_157 = tpu.memref_slice %arg2[%dma_wait3A_155, %dma_wait3A_156] : memref<20480x160xf32, #tpu.memory_space<hbm>> -> memref<40x160xf32, #tpu.memory_space<hbm>>
          %dma_wait3A_158 = arith.constant 0 : i32
          %dma_wait3A_159 = arith.constant 0 : i32
          %dma_wait3A_160 = tpu.memref_slice %arg2[%dma_wait3A_158, %dma_wait3A_159] : memref<20480x160xf32, #tpu.memory_space<hbm>> -> memref<40x160xf32, #tpu.memory_space<hbm>>
          tpu.wait_dma2 semaphore(%arg19 : memref<!tpu.dma_semaphore, #tpu.memory_space<semaphore_mem>>) src(%dma_wait3A_160 : memref<40x160xf32, #tpu.memory_space<hbm>>) dst(%arg10 : memref<40x160xf32, #tpu.memory_space<vmem>>)
          %add3A_161 = arith.constant 3 : i32
          %add3A_162 = arith.addi %add3A_116, %add3A_161 : i32
          %dma_start3A_163 = arith.constant 0 : i32
          %dma_start3A_164 = tpu.memref_slice %arg7[%add3A_162, %dma_start3A_163] : memref<32x40xi32, #tpu.memory_space<vmem>> -> memref<1x40xi32, #tpu.memory_space<vmem>>
          %dma_start3A_165 = tpu.memref_squeeze %dma_start3A_164 : memref<1x40xi32, #tpu.memory_space<vmem>> -> memref<40xi32, #tpu.memory_space<vmem>>
          %dma_start3A_166 = arith.constant 0 : i32
          %dma_start3A_167 = arith.constant 0 : i32
          %dma_start3A_168 = tpu.memref_slice %arg2[%dma_start3A_166, %dma_start3A_167] : memref<20480x160xf32, #tpu.memory_space<hbm>> -> memref<20480x160xf32, #tpu.memory_space<hbm>>
          tpu.enqueue_indirect_dma source(%dma_start3A_168 : memref<20480x160xf32, #tpu.memory_space<hbm>>) target(%arg10 : memref<40x160xf32, #tpu.memory_space<vmem>>) offsets(%dma_start3A_165 : memref<40xi32, #tpu.memory_space<vmem>>) semaphore(%arg15 : memref<!tpu.dma_semaphore, #tpu.memory_space<semaphore_mem>>)
        } else {
        }
        %mul3A_134 = arith.constant 4 : i32
        %mul3A_135 = arith.muli %add3A_70, %mul3A_134 : i32
        %add3A_136 = arith.constant 3 : i32
        %add3A_137 = arith.addi %mul3A_135, %add3A_136 : i32
        %dma_wait3A_138 = arith.constant 0 : i32
        %dma_wait3A_139 = arith.constant 0 : i32
        %dma_wait3A_140 = tpu.memref_slice %arg2[%dma_wait3A_138, %dma_wait3A_139] : memref<20480x160xf32, #tpu.memory_space<hbm>> -> memref<40x160xf32, #tpu.memory_space<hbm>>
        %dma_wait3A_141 = arith.constant 0 : i32
        %dma_wait3A_142 = arith.constant 0 : i32
        %dma_wait3A_143 = tpu.memref_slice %arg2[%dma_wait3A_141, %dma_wait3A_142] : memref<20480x160xf32, #tpu.memory_space<hbm>> -> memref<40x160xf32, #tpu.memory_space<hbm>>
        tpu.wait_dma2 semaphore(%arg17 : memref<!tpu.dma_semaphore, #tpu.memory_space<semaphore_mem>>) src(%dma_wait3A_143 : memref<40x160xf32, #tpu.memory_space<hbm>>) dst(%arg12 : memref<40x160xf32, #tpu.memory_space<vmem>>)
        %dma_start3A_144 = arith.constant 0 : i32
        %dma_start3A_145 = tpu.memref_slice %arg8[%add3A_137, %dma_start3A_144] : memref<32x40xi32, #tpu.memory_space<vmem>> -> memref<1x40xi32, #tpu.memory_space<vmem>>
        %dma_start3A_146 = tpu.memref_squeeze %dma_start3A_145 : memref<1x40xi32, #tpu.memory_space<vmem>> -> memref<40xi32, #tpu.memory_space<vmem>>
        %dma_start3A_147 = arith.constant 0 : i32
        %dma_start3A_148 = arith.constant 0 : i32
        %dma_start3A_149 = tpu.memref_slice %arg13[%dma_start3A_147, %dma_start3A_148] : memref<10240x160xf32, #tpu.memory_space<vmem_shared>> -> memref<10240x160xf32, #tpu.memory_space<vmem_shared>>
        tpu.enqueue_indirect_dma source(%arg12 : memref<40x160xf32, #tpu.memory_space<vmem>>) target(%dma_start3A_149 : memref<10240x160xf32, #tpu.memory_space<vmem_shared>>) offsets(%dma_start3A_146 : memref<40xi32, #tpu.memory_space<vmem>>) semaphore(%arg21 : memref<!tpu.dma_semaphore, #tpu.memory_space<semaphore_mem>>) {add = true}
        %lt3A_150 = arith.constant 7 : i32
        %lt3A_151 = arith.cmpi slt, %add3A_70, %lt3A_150 : i32
        %convert_element_type3A_152 = arith.extui %lt3A_151 : i1 to i32
        %cond3A_153 = arith.constant 0 : i32
        %cond3A_154 = arith.cmpi ne, %convert_element_type3A_152, %cond3A_153 : i32
        scf.if %cond3A_154 {
          %dma_wait3A_155 = arith.constant 0 : i32
          %dma_wait3A_156 = arith.constant 0 : i32
          %dma_wait3A_157 = tpu.memref_slice %arg2[%dma_wait3A_155, %dma_wait3A_156] : memref<20480x160xf32, #tpu.memory_space<hbm>> -> memref<40x160xf32, #tpu.memory_space<hbm>>
          %dma_wait3A_158 = arith.constant 0 : i32
          %dma_wait3A_159 = arith.constant 0 : i32
          %dma_wait3A_160 = tpu.memref_slice %arg2[%dma_wait3A_158, %dma_wait3A_159] : memref<20480x160xf32, #tpu.memory_space<hbm>> -> memref<40x160xf32, #tpu.memory_space<hbm>>
          tpu.wait_dma2 semaphore(%arg20 : memref<!tpu.dma_semaphore, #tpu.memory_space<semaphore_mem>>) src(%dma_wait3A_160 : memref<40x160xf32, #tpu.memory_space<hbm>>) dst(%arg11 : memref<40x160xf32, #tpu.memory_space<vmem>>)
          %add3A_161 = arith.constant 3 : i32
          %add3A_162 = arith.addi %add3A_137, %add3A_161 : i32
          %dma_start3A_163 = arith.constant 0 : i32
          %dma_start3A_164 = tpu.memref_slice %arg7[%add3A_162, %dma_start3A_163] : memref<32x40xi32, #tpu.memory_space<vmem>> -> memref<1x40xi32, #tpu.memory_space<vmem>>
          %dma_start3A_165 = tpu.memref_squeeze %dma_start3A_164 : memref<1x40xi32, #tpu.memory_space<vmem>> -> memref<40xi32, #tpu.memory_space<vmem>>
          %dma_start3A_166 = arith.constant 0 : i32
          %dma_start3A_167 = arith.constant 0 : i32
          %dma_start3A_168 = tpu.memref_slice %arg2[%dma_start3A_166, %dma_start3A_167] : memref<20480x160xf32, #tpu.memory_space<hbm>> -> memref<20480x160xf32, #tpu.memory_space<hbm>>
          tpu.enqueue_indirect_dma source(%dma_start3A_168 : memref<20480x160xf32, #tpu.memory_space<hbm>>) target(%arg11 : memref<40x160xf32, #tpu.memory_space<vmem>>) offsets(%dma_start3A_165 : memref<40xi32, #tpu.memory_space<vmem>>) semaphore(%arg16 : memref<!tpu.dma_semaphore, #tpu.memory_space<semaphore_mem>>)
        } else {
        }
      }
      %scan3A_42 = arith.constant 8 : i32
      %dma_wait3A = arith.constant 0 : i32
      %dma_wait3A_43 = arith.constant 0 : i32
      %dma_wait3A_44 = tpu.memref_slice %arg2[%dma_wait3A, %dma_wait3A_43] : memref<20480x160xf32, #tpu.memory_space<hbm>> -> memref<40x160xf32, #tpu.memory_space<hbm>>
      %dma_wait3A_45 = arith.constant 0 : i32
      %dma_wait3A_46 = arith.constant 0 : i32
      %dma_wait3A_47 = tpu.memref_slice %arg2[%dma_wait3A_45, %dma_wait3A_46] : memref<20480x160xf32, #tpu.memory_space<hbm>> -> memref<40x160xf32, #tpu.memory_space<hbm>>
      tpu.wait_dma2 semaphore(%arg18 : memref<!tpu.dma_semaphore, #tpu.memory_space<semaphore_mem>>) src(%dma_wait3A_47 : memref<40x160xf32, #tpu.memory_space<hbm>>) dst(%arg9 : memref<40x160xf32, #tpu.memory_space<vmem>>)
      %dma_wait3A_48 = arith.constant 0 : i32
      %dma_wait3A_49 = arith.constant 0 : i32
      %dma_wait3A_50 = tpu.memref_slice %arg2[%dma_wait3A_48, %dma_wait3A_49] : memref<20480x160xf32, #tpu.memory_space<hbm>> -> memref<40x160xf32, #tpu.memory_space<hbm>>
      %dma_wait3A_51 = arith.constant 0 : i32
      %dma_wait3A_52 = arith.constant 0 : i32
      %dma_wait3A_53 = tpu.memref_slice %arg2[%dma_wait3A_51, %dma_wait3A_52] : memref<20480x160xf32, #tpu.memory_space<hbm>> -> memref<40x160xf32, #tpu.memory_space<hbm>>
      tpu.wait_dma2 semaphore(%arg19 : memref<!tpu.dma_semaphore, #tpu.memory_space<semaphore_mem>>) src(%dma_wait3A_53 : memref<40x160xf32, #tpu.memory_space<hbm>>) dst(%arg10 : memref<40x160xf32, #tpu.memory_space<vmem>>)
      %dma_wait3A_54 = arith.constant 0 : i32
      %dma_wait3A_55 = arith.constant 0 : i32
      %dma_wait3A_56 = tpu.memref_slice %arg2[%dma_wait3A_54, %dma_wait3A_55] : memref<20480x160xf32, #tpu.memory_space<hbm>> -> memref<40x160xf32, #tpu.memory_space<hbm>>
      %dma_wait3A_57 = arith.constant 0 : i32
      %dma_wait3A_58 = arith.constant 0 : i32
      %dma_wait3A_59 = tpu.memref_slice %arg2[%dma_wait3A_57, %dma_wait3A_58] : memref<20480x160xf32, #tpu.memory_space<hbm>> -> memref<40x160xf32, #tpu.memory_space<hbm>>
      tpu.wait_dma2 semaphore(%arg20 : memref<!tpu.dma_semaphore, #tpu.memory_space<semaphore_mem>>) src(%dma_wait3A_59 : memref<40x160xf32, #tpu.memory_space<hbm>>) dst(%arg11 : memref<40x160xf32, #tpu.memory_space<vmem>>)
      %dma_wait3A_60 = arith.constant 0 : i32
      %dma_wait3A_61 = arith.constant 0 : i32
      %dma_wait3A_62 = tpu.memref_slice %arg2[%dma_wait3A_60, %dma_wait3A_61] : memref<20480x160xf32, #tpu.memory_space<hbm>> -> memref<40x160xf32, #tpu.memory_space<hbm>>
      %dma_wait3A_63 = arith.constant 0 : i32
      %dma_wait3A_64 = arith.constant 0 : i32
      %dma_wait3A_65 = tpu.memref_slice %arg2[%dma_wait3A_63, %dma_wait3A_64] : memref<20480x160xf32, #tpu.memory_space<hbm>> -> memref<40x160xf32, #tpu.memory_space<hbm>>
      tpu.wait_dma2 semaphore(%arg21 : memref<!tpu.dma_semaphore, #tpu.memory_space<semaphore_mem>>) src(%dma_wait3A_65 : memref<40x160xf32, #tpu.memory_space<hbm>>) dst(%arg12 : memref<40x160xf32, #tpu.memory_space<vmem>>)
    }
    %scan3A_4 = arith.constant 8 : i32
    %barrier3A_5 = arith.constant 0 : index
    tpu.barrier barrier_id(%barrier3A_5)
    %mul3A_6 = arith.constant 640 : i32
    %mul3A_7 = arith.muli %arg1, %mul3A_6 : i32
    %mul3A_8 = arith.constant 640 : i32
    %mul3A_9 = arith.muli %arg1, %mul3A_8 : i32
    "tpu.region"() ({
      %run_scoped3A = tpu.sem_alloc : memref<!tpu.dma_semaphore, #tpu.memory_space<semaphore_mem>>
      %dma_start3A = arith.constant 0 : i32
      %dma_start3A_10 = tpu.memref_slice %arg6[%arg0, %mul3A_9, %dma_start3A] : memref<2x10240x160xf32, #tpu.memory_space<hbm>> -> memref<1x640x160xf32, #tpu.memory_space<hbm>>
      %dma_start3A_11 = tpu.memref_squeeze %dma_start3A_10 : memref<1x640x160xf32, #tpu.memory_space<hbm>> -> memref<640x160xf32, #tpu.memory_space<hbm>>
      %dma_start3A_12 = arith.constant 0 : i32
      %dma_start3A_13 = tpu.memref_slice %arg13[%mul3A_7, %dma_start3A_12] : memref<10240x160xf32, #tpu.memory_space<vmem_shared>> -> memref<640x160xf32, #tpu.memory_space<vmem_shared>>
      tpu.enqueue_dma source(%dma_start3A_13 : memref<640x160xf32, #tpu.memory_space<vmem_shared>>) target(%dma_start3A_11 : memref<640x160xf32, #tpu.memory_space<hbm>>) target_semaphore(%run_scoped3A : memref<!tpu.dma_semaphore, #tpu.memory_space<semaphore_mem>>)
      %dma_wait3A = arith.constant 0 : i32
      %dma_wait3A_14 = tpu.memref_slice %arg6[%arg0, %mul3A_9, %dma_wait3A] : memref<2x10240x160xf32, #tpu.memory_space<hbm>> -> memref<1x640x160xf32, #tpu.memory_space<hbm>>
      %dma_wait3A_15 = tpu.memref_squeeze %dma_wait3A_14 : memref<1x640x160xf32, #tpu.memory_space<hbm>> -> memref<640x160xf32, #tpu.memory_space<hbm>>
      %dma_wait3A_16 = arith.constant 0 : i32
      %dma_wait3A_17 = tpu.memref_slice %arg13[%mul3A_7, %dma_wait3A_16] : memref<10240x160xf32, #tpu.memory_space<vmem_shared>> -> memref<640x160xf32, #tpu.memory_space<vmem_shared>>
      tpu.wait_dma2 semaphore(%run_scoped3A : memref<!tpu.dma_semaphore, #tpu.memory_space<semaphore_mem>>) src(%dma_wait3A_17 : memref<640x160xf32, #tpu.memory_space<vmem_shared>>) dst(%dma_wait3A_15 : memref<640x160xf32, #tpu.memory_space<hbm>>)
      tpu.yield
    }) : () -> ()
    return
  }
}

#map = affine_map<(d0, d1) -> (0, 0)>
#map1 = affine_map<(d0, d1) -> (0, 0, 0, 0)>
#map2 = affine_map<(d0, d1) -> (0, 0, 0)>
module attributes {stable_mosaic.version = 14 : i64} {
  func.func @_h0_kernel(%arg0: i32, %arg1: i32, %arg2: memref<720x160xf32, #tpu.memory_space<hbm>>, %arg3: memref<2x16x5x128xi32, #tpu.memory_space<hbm>>, %arg4: memref<2x10240x160xf32, #tpu.memory_space<hbm>>, %arg5: memref<5x128xi32, #tpu.memory_space<vmem>>, %arg6: memref<128x160xf32, #tpu.memory_space<vmem>>) attributes {dimension_semantics = [#tpu.dimension_semantics<core_parallel>, #tpu.dimension_semantics<subcore_parallel>], iteration_bounds = array<i64: 2, 16>, scalar_prefetch = 0 : i64, scratch_operands = 2 : i64, tpu.core_type = #tpu.core_type<sc_vector_subcore>, window_params = [{transform_indices = #map}, {transform_indices = #map1}, {transform_indices = #map2}]} {
    "tpu.region"() ({
      %run_scoped3A = tpu.sem_alloc : memref<!tpu.dma_semaphore, #tpu.memory_space<semaphore_mem>>
      %dma_start3A = arith.constant 0 : i32
      %dma_start3A_4 = arith.constant 0 : i32
      %dma_start3A_5 = tpu.memref_slice %arg3[%arg0, %arg1, %dma_start3A, %dma_start3A_4] : memref<2x16x5x128xi32, #tpu.memory_space<hbm>> -> memref<1x1x5x128xi32, #tpu.memory_space<hbm>>
      %dma_start3A_6 = tpu.memref_squeeze %dma_start3A_5 : memref<1x1x5x128xi32, #tpu.memory_space<hbm>> -> memref<5x128xi32, #tpu.memory_space<hbm>>
      %dma_start3A_7 = arith.constant 0 : i32
      %dma_start3A_8 = arith.constant 0 : i32
      %dma_start3A_9 = tpu.memref_slice %arg3[%arg0, %arg1, %dma_start3A_7, %dma_start3A_8] : memref<2x16x5x128xi32, #tpu.memory_space<hbm>> -> memref<1x1x5x128xi32, #tpu.memory_space<hbm>>
      %dma_start3A_10 = tpu.memref_squeeze %dma_start3A_9 : memref<1x1x5x128xi32, #tpu.memory_space<hbm>> -> memref<5x128xi32, #tpu.memory_space<hbm>>
      tpu.enqueue_dma source(%dma_start3A_10 : memref<5x128xi32, #tpu.memory_space<hbm>>) target(%arg5 : memref<5x128xi32, #tpu.memory_space<vmem>>) target_semaphore(%run_scoped3A : memref<!tpu.dma_semaphore, #tpu.memory_space<semaphore_mem>>)
      %dma_wait3A = arith.constant 0 : i32
      %dma_wait3A_11 = arith.constant 0 : i32
      %dma_wait3A_12 = tpu.memref_slice %arg3[%arg0, %arg1, %dma_wait3A, %dma_wait3A_11] : memref<2x16x5x128xi32, #tpu.memory_space<hbm>> -> memref<1x1x5x128xi32, #tpu.memory_space<hbm>>
      %dma_wait3A_13 = tpu.memref_squeeze %dma_wait3A_12 : memref<1x1x5x128xi32, #tpu.memory_space<hbm>> -> memref<5x128xi32, #tpu.memory_space<hbm>>
      %dma_wait3A_14 = arith.constant 0 : i32
      %dma_wait3A_15 = arith.constant 0 : i32
      %dma_wait3A_16 = tpu.memref_slice %arg3[%arg0, %arg1, %dma_wait3A_14, %dma_wait3A_15] : memref<2x16x5x128xi32, #tpu.memory_space<hbm>> -> memref<1x1x5x128xi32, #tpu.memory_space<hbm>>
      %dma_wait3A_17 = tpu.memref_squeeze %dma_wait3A_16 : memref<1x1x5x128xi32, #tpu.memory_space<hbm>> -> memref<5x128xi32, #tpu.memory_space<hbm>>
      tpu.wait_dma2 semaphore(%run_scoped3A : memref<!tpu.dma_semaphore, #tpu.memory_space<semaphore_mem>>) src(%dma_wait3A_17 : memref<5x128xi32, #tpu.memory_space<hbm>>) dst(%arg5 : memref<5x128xi32, #tpu.memory_space<vmem>>)
      tpu.yield
    }) : () -> ()
    %scan3A = arith.constant 0 : i32
    %scan3A_0 = arith.constant 5 : i32
    %scan3A_1 = arith.addi %scan3A, %scan3A_0 : i32
    %scan3A_2 = arith.constant 1 : i32
    scf.for %scan3A_4 = %scan3A to %scan3A_1 step %scan3A_2  : i32 {
      %mul3A = arith.constant 1 : i32
      %mul3A_5 = arith.muli %scan3A_4, %mul3A : i32
      %add3A = arith.constant 0 : i32
      %add3A_6 = arith.addi %add3A, %mul3A_5 : i32
      "tpu.region"() ({
        %run_scoped3A = tpu.sem_alloc : memref<!tpu.dma_semaphore, #tpu.memory_space<semaphore_mem>>
        %dma_start3A = arith.constant 0 : i32
        %dma_start3A_12 = tpu.memref_slice %arg5[%add3A_6, %dma_start3A] : memref<5x128xi32, #tpu.memory_space<vmem>> -> memref<1x128xi32, #tpu.memory_space<vmem>>
        %dma_start3A_13 = tpu.memref_squeeze %dma_start3A_12 : memref<1x128xi32, #tpu.memory_space<vmem>> -> memref<128xi32, #tpu.memory_space<vmem>>
        %dma_start3A_14 = arith.constant 0 : i32
        %dma_start3A_15 = arith.constant 0 : i32
        %dma_start3A_16 = tpu.memref_slice %arg2[%dma_start3A_14, %dma_start3A_15] : memref<720x160xf32, #tpu.memory_space<hbm>> -> memref<720x160xf32, #tpu.memory_space<hbm>>
        tpu.enqueue_indirect_dma source(%dma_start3A_16 : memref<720x160xf32, #tpu.memory_space<hbm>>) target(%arg6 : memref<128x160xf32, #tpu.memory_space<vmem>>) offsets(%dma_start3A_13 : memref<128xi32, #tpu.memory_space<vmem>>) semaphore(%run_scoped3A : memref<!tpu.dma_semaphore, #tpu.memory_space<semaphore_mem>>)
        %dma_wait3A = arith.constant 0 : i32
        %dma_wait3A_17 = tpu.memref_slice %arg5[%add3A_6, %dma_wait3A] : memref<5x128xi32, #tpu.memory_space<vmem>> -> memref<1x128xi32, #tpu.memory_space<vmem>>
        %dma_wait3A_18 = tpu.memref_squeeze %dma_wait3A_17 : memref<1x128xi32, #tpu.memory_space<vmem>> -> memref<128xi32, #tpu.memory_space<vmem>>
        %dma_wait3A_19 = arith.constant 0 : i32
        %dma_wait3A_20 = arith.constant 0 : i32
        %dma_wait3A_21 = tpu.memref_slice %arg2[%dma_wait3A_19, %dma_wait3A_20] : memref<720x160xf32, #tpu.memory_space<hbm>> -> memref<720x160xf32, #tpu.memory_space<hbm>>
        tpu.wait_indirect_dma semaphore(%run_scoped3A : memref<!tpu.dma_semaphore, #tpu.memory_space<semaphore_mem>>) src(%dma_wait3A_21 : memref<720x160xf32, #tpu.memory_space<hbm>>) dst(%arg6 : memref<128x160xf32, #tpu.memory_space<vmem>>)
        tpu.yield
      }) : () -> ()
      %mul3A_7 = arith.constant 640 : i32
      %mul3A_8 = arith.muli %arg1, %mul3A_7 : i32
      %mul3A_9 = arith.constant 128 : i32
      %mul3A_10 = arith.muli %add3A_6, %mul3A_9 : i32
      %add3A_11 = arith.addi %mul3A_8, %mul3A_10 : i32
      "tpu.region"() ({
        %run_scoped3A = tpu.sem_alloc : memref<!tpu.dma_semaphore, #tpu.memory_space<semaphore_mem>>
        %dma_start3A = arith.constant 0 : i32
        %dma_start3A_12 = tpu.memref_slice %arg4[%arg0, %add3A_11, %dma_start3A] : memref<2x10240x160xf32, #tpu.memory_space<hbm>> -> memref<1x128x160xf32, #tpu.memory_space<hbm>>
        %dma_start3A_13 = tpu.memref_squeeze %dma_start3A_12 : memref<1x128x160xf32, #tpu.memory_space<hbm>> -> memref<128x160xf32, #tpu.memory_space<hbm>>
        %dma_start3A_14 = arith.constant 0 : i32
        %dma_start3A_15 = tpu.memref_slice %arg4[%arg0, %add3A_11, %dma_start3A_14] : memref<2x10240x160xf32, #tpu.memory_space<hbm>> -> memref<1x128x160xf32, #tpu.memory_space<hbm>>
        %dma_start3A_16 = tpu.memref_squeeze %dma_start3A_15 : memref<1x128x160xf32, #tpu.memory_space<hbm>> -> memref<128x160xf32, #tpu.memory_space<hbm>>
        tpu.enqueue_dma source(%arg6 : memref<128x160xf32, #tpu.memory_space<vmem>>) target(%dma_start3A_16 : memref<128x160xf32, #tpu.memory_space<hbm>>) target_semaphore(%run_scoped3A : memref<!tpu.dma_semaphore, #tpu.memory_space<semaphore_mem>>)
        %dma_wait3A = arith.constant 0 : i32
        %dma_wait3A_17 = tpu.memref_slice %arg4[%arg0, %add3A_11, %dma_wait3A] : memref<2x10240x160xf32, #tpu.memory_space<hbm>> -> memref<1x128x160xf32, #tpu.memory_space<hbm>>
        %dma_wait3A_18 = tpu.memref_squeeze %dma_wait3A_17 : memref<1x128x160xf32, #tpu.memory_space<hbm>> -> memref<128x160xf32, #tpu.memory_space<hbm>>
        %dma_wait3A_19 = arith.constant 0 : i32
        %dma_wait3A_20 = tpu.memref_slice %arg4[%arg0, %add3A_11, %dma_wait3A_19] : memref<2x10240x160xf32, #tpu.memory_space<hbm>> -> memref<1x128x160xf32, #tpu.memory_space<hbm>>
        %dma_wait3A_21 = tpu.memref_squeeze %dma_wait3A_20 : memref<1x128x160xf32, #tpu.memory_space<hbm>> -> memref<128x160xf32, #tpu.memory_space<hbm>>
        tpu.wait_dma2 semaphore(%run_scoped3A : memref<!tpu.dma_semaphore, #tpu.memory_space<semaphore_mem>>) src(%arg6 : memref<128x160xf32, #tpu.memory_space<vmem>>) dst(%dma_wait3A_21 : memref<128x160xf32, #tpu.memory_space<hbm>>)
        tpu.yield
      }) : () -> ()
    }
    %scan3A_3 = arith.constant 5 : i32
    return
  }
}

#map = affine_map<(d0, d1) -> (0, 0)>
#map1 = affine_map<(d0, d1) -> (0, 0, 0, 0)>
#map2 = affine_map<(d0, d1) -> (0, 0, 0)>
module attributes {stable_mosaic.version = 14 : i64} {
  func.func @_agg_kernel(%arg0: i32, %arg1: i32, %arg2: memref<20480x160xf32, #tpu.memory_space<hbm>>, %arg3: memref<2x16x256x40xi32, #tpu.memory_space<hbm>>, %arg4: memref<16x256x40xi32, #tpu.memory_space<hbm>>, %arg5: memref<640x160xf32, #tpu.memory_space<hbm>>, %arg6: memref<2x10240x160xf32, #tpu.memory_space<hbm>>, %arg7: memref<32x40xi32, #tpu.memory_space<vmem>>, %arg8: memref<32x40xi32, #tpu.memory_space<vmem>>, %arg9: memref<40x160xf32, #tpu.memory_space<vmem>>, %arg10: memref<40x160xf32, #tpu.memory_space<vmem>>, %arg11: memref<40x160xf32, #tpu.memory_space<vmem>>, %arg12: memref<40x160xf32, #tpu.memory_space<vmem>>, %arg13: memref<10240x160xf32, #tpu.memory_space<vmem_shared>>, %arg14: memref<!tpu.dma_semaphore, #tpu.memory_space<semaphore_mem>>, %arg15: memref<!tpu.dma_semaphore, #tpu.memory_space<semaphore_mem>>, %arg16: memref<!tpu.dma_semaphore, #tpu.memory_space<semaphore_mem>>, %arg17: memref<!tpu.dma_semaphore, #tpu.memory_space<semaphore_mem>>, %arg18: memref<!tpu.dma_semaphore, #tpu.memory_space<semaphore_mem>>, %arg19: memref<!tpu.dma_semaphore, #tpu.memory_space<semaphore_mem>>, %arg20: memref<!tpu.dma_semaphore, #tpu.memory_space<semaphore_mem>>, %arg21: memref<!tpu.dma_semaphore, #tpu.memory_space<semaphore_mem>>) attributes {dimension_semantics = [#tpu.dimension_semantics<core_parallel>, #tpu.dimension_semantics<subcore_parallel>], iteration_bounds = array<i64: 2, 16>, scalar_prefetch = 0 : i64, scratch_operands = 15 : i64, tpu.core_type = #tpu.core_type<sc_vector_subcore>, window_params = [{transform_indices = #map}, {transform_indices = #map1}, {transform_indices = #map2}, {transform_indices = #map}, {transform_indices = #map2}]} {
    %mul3A = arith.constant 640 : i32
    %mul3A_0 = arith.muli %arg1, %mul3A : i32
    "tpu.region"() ({
      %run_scoped3A = tpu.sem_alloc : memref<!tpu.dma_semaphore, #tpu.memory_space<semaphore_mem>>
      %dma_start3A = arith.constant 0 : i32
      %dma_start3A_10 = tpu.memref_slice %arg13[%mul3A_0, %dma_start3A] : memref<10240x160xf32, #tpu.memory_space<vmem_shared>> -> memref<640x160xf32, #tpu.memory_space<vmem_shared>>
      tpu.enqueue_dma source(%arg5 : memref<640x160xf32, #tpu.memory_space<hbm>>) target(%dma_start3A_10 : memref<640x160xf32, #tpu.memory_space<vmem_shared>>) target_semaphore(%run_scoped3A : memref<!tpu.dma_semaphore, #tpu.memory_space<semaphore_mem>>)
      %dma_wait3A = arith.constant 0 : i32
      %dma_wait3A_11 = tpu.memref_slice %arg13[%mul3A_0, %dma_wait3A] : memref<10240x160xf32, #tpu.memory_space<vmem_shared>> -> memref<640x160xf32, #tpu.memory_space<vmem_shared>>
      tpu.wait_dma2 semaphore(%run_scoped3A : memref<!tpu.dma_semaphore, #tpu.memory_space<semaphore_mem>>) src(%arg5 : memref<640x160xf32, #tpu.memory_space<hbm>>) dst(%dma_wait3A_11 : memref<640x160xf32, #tpu.memory_space<vmem_shared>>)
      tpu.yield
    }) : () -> ()
    %barrier3A = arith.constant 0 : index
    tpu.barrier barrier_id(%barrier3A)
    %scan3A = arith.constant 0 : i32
    %scan3A_1 = arith.constant 8 : i32
    %scan3A_2 = arith.addi %scan3A, %scan3A_1 : i32
    %scan3A_3 = arith.constant 1 : i32
    scf.for %scan3A_10 = %scan3A to %scan3A_2 step %scan3A_3  : i32 {
      %mul3A_11 = arith.constant 1 : i32
      %mul3A_12 = arith.muli %scan3A_10, %mul3A_11 : i32
      %add3A = arith.constant 0 : i32
      %add3A_13 = arith.addi %add3A, %mul3A_12 : i32
      %mul3A_14 = arith.constant 32 : i32
      %mul3A_15 = arith.muli %add3A_13, %mul3A_14 : i32
      "tpu.region"() ({
        %run_scoped3A = tpu.sem_alloc : memref<!tpu.dma_semaphore, #tpu.memory_space<semaphore_mem>>
        %dma_start3A_66 = arith.constant 0 : i32
        %dma_start3A_67 = tpu.memref_slice %arg3[%arg0, %arg1, %mul3A_15, %dma_start3A_66] : memref<2x16x256x40xi32, #tpu.memory_space<hbm>> -> memref<1x1x32x40xi32, #tpu.memory_space<hbm>>
        %dma_start3A_68 = tpu.memref_squeeze %dma_start3A_67 : memref<1x1x32x40xi32, #tpu.memory_space<hbm>> -> memref<32x40xi32, #tpu.memory_space<hbm>>
        %dma_start3A_69 = arith.constant 0 : i32
        %dma_start3A_70 = tpu.memref_slice %arg3[%arg0, %arg1, %mul3A_15, %dma_start3A_69] : memref<2x16x256x40xi32, #tpu.memory_space<hbm>> -> memref<1x1x32x40xi32, #tpu.memory_space<hbm>>
        %dma_start3A_71 = tpu.memref_squeeze %dma_start3A_70 : memref<1x1x32x40xi32, #tpu.memory_space<hbm>> -> memref<32x40xi32, #tpu.memory_space<hbm>>
        tpu.enqueue_dma source(%dma_start3A_71 : memref<32x40xi32, #tpu.memory_space<hbm>>) target(%arg7 : memref<32x40xi32, #tpu.memory_space<vmem>>) target_semaphore(%run_scoped3A : memref<!tpu.dma_semaphore, #tpu.memory_space<semaphore_mem>>)
        %dma_wait3A_72 = arith.constant 0 : i32
        %dma_wait3A_73 = tpu.memref_slice %arg3[%arg0, %arg1, %mul3A_15, %dma_wait3A_72] : memref<2x16x256x40xi32, #tpu.memory_space<hbm>> -> memref<1x1x32x40xi32, #tpu.memory_space<hbm>>
        %dma_wait3A_74 = tpu.memref_squeeze %dma_wait3A_73 : memref<1x1x32x40xi32, #tpu.memory_space<hbm>> -> memref<32x40xi32, #tpu.memory_space<hbm>>
        %dma_wait3A_75 = arith.constant 0 : i32
        %dma_wait3A_76 = tpu.memref_slice %arg3[%arg0, %arg1, %mul3A_15, %dma_wait3A_75] : memref<2x16x256x40xi32, #tpu.memory_space<hbm>> -> memref<1x1x32x40xi32, #tpu.memory_space<hbm>>
        %dma_wait3A_77 = tpu.memref_squeeze %dma_wait3A_76 : memref<1x1x32x40xi32, #tpu.memory_space<hbm>> -> memref<32x40xi32, #tpu.memory_space<hbm>>
        tpu.wait_dma2 semaphore(%run_scoped3A : memref<!tpu.dma_semaphore, #tpu.memory_space<semaphore_mem>>) src(%dma_wait3A_77 : memref<32x40xi32, #tpu.memory_space<hbm>>) dst(%arg7 : memref<32x40xi32, #tpu.memory_space<vmem>>)
        tpu.yield
      }) : () -> ()
      %mul3A_16 = arith.constant 32 : i32
      %mul3A_17 = arith.muli %add3A_13, %mul3A_16 : i32
      "tpu.region"() ({
        %run_scoped3A = tpu.sem_alloc : memref<!tpu.dma_semaphore, #tpu.memory_space<semaphore_mem>>
        %dma_start3A_66 = arith.constant 0 : i32
        %dma_start3A_67 = tpu.memref_slice %arg4[%arg1, %mul3A_17, %dma_start3A_66] : memref<16x256x40xi32, #tpu.memory_space<hbm>> -> memref<1x32x40xi32, #tpu.memory_space<hbm>>
        %dma_start3A_68 = tpu.memref_squeeze %dma_start3A_67 : memref<1x32x40xi32, #tpu.memory_space<hbm>> -> memref<32x40xi32, #tpu.memory_space<hbm>>
        %dma_start3A_69 = arith.constant 0 : i32
        %dma_start3A_70 = tpu.memref_slice %arg4[%arg1, %mul3A_17, %dma_start3A_69] : memref<16x256x40xi32, #tpu.memory_space<hbm>> -> memref<1x32x40xi32, #tpu.memory_space<hbm>>
        %dma_start3A_71 = tpu.memref_squeeze %dma_start3A_70 : memref<1x32x40xi32, #tpu.memory_space<hbm>> -> memref<32x40xi32, #tpu.memory_space<hbm>>
        tpu.enqueue_dma source(%dma_start3A_71 : memref<32x40xi32, #tpu.memory_space<hbm>>) target(%arg8 : memref<32x40xi32, #tpu.memory_space<vmem>>) target_semaphore(%run_scoped3A : memref<!tpu.dma_semaphore, #tpu.memory_space<semaphore_mem>>)
        %dma_wait3A_72 = arith.constant 0 : i32
        %dma_wait3A_73 = tpu.memref_slice %arg4[%arg1, %mul3A_17, %dma_wait3A_72] : memref<16x256x40xi32, #tpu.memory_space<hbm>> -> memref<1x32x40xi32, #tpu.memory_space<hbm>>
        %dma_wait3A_74 = tpu.memref_squeeze %dma_wait3A_73 : memref<1x32x40xi32, #tpu.memory_space<hbm>> -> memref<32x40xi32, #tpu.memory_space<hbm>>
        %dma_wait3A_75 = arith.constant 0 : i32
        %dma_wait3A_76 = tpu.memref_slice %arg4[%arg1, %mul3A_17, %dma_wait3A_75] : memref<16x256x40xi32, #tpu.memory_space<hbm>> -> memref<1x32x40xi32, #tpu.memory_space<hbm>>
        %dma_wait3A_77 = tpu.memref_squeeze %dma_wait3A_76 : memref<1x32x40xi32, #tpu.memory_space<hbm>> -> memref<32x40xi32, #tpu.memory_space<hbm>>
        tpu.wait_dma2 semaphore(%run_scoped3A : memref<!tpu.dma_semaphore, #tpu.memory_space<semaphore_mem>>) src(%dma_wait3A_77 : memref<32x40xi32, #tpu.memory_space<hbm>>) dst(%arg8 : memref<32x40xi32, #tpu.memory_space<vmem>>)
        tpu.yield
      }) : () -> ()
      %dma_start3A = arith.constant 0 : i32
      %dma_start3A_18 = arith.constant 0 : i32
      %dma_start3A_19 = tpu.memref_slice %arg7[%dma_start3A, %dma_start3A_18] : memref<32x40xi32, #tpu.memory_space<vmem>> -> memref<1x40xi32, #tpu.memory_space<vmem>>
      %dma_start3A_20 = tpu.memref_squeeze %dma_start3A_19 : memref<1x40xi32, #tpu.memory_space<vmem>> -> memref<40xi32, #tpu.memory_space<vmem>>
      %dma_start3A_21 = arith.constant 0 : i32
      %dma_start3A_22 = arith.constant 0 : i32
      %dma_start3A_23 = tpu.memref_slice %arg2[%dma_start3A_21, %dma_start3A_22] : memref<20480x160xf32, #tpu.memory_space<hbm>> -> memref<20480x160xf32, #tpu.memory_space<hbm>>
      tpu.enqueue_indirect_dma source(%dma_start3A_23 : memref<20480x160xf32, #tpu.memory_space<hbm>>) target(%arg9 : memref<40x160xf32, #tpu.memory_space<vmem>>) offsets(%dma_start3A_20 : memref<40xi32, #tpu.memory_space<vmem>>) semaphore(%arg14 : memref<!tpu.dma_semaphore, #tpu.memory_space<semaphore_mem>>)
      %dma_start3A_24 = arith.constant 1 : i32
      %dma_start3A_25 = arith.constant 0 : i32
      %dma_start3A_26 = tpu.memref_slice %arg7[%dma_start3A_24, %dma_start3A_25] : memref<32x40xi32, #tpu.memory_space<vmem>> -> memref<1x40xi32, #tpu.memory_space<vmem>>
      %dma_start3A_27 = tpu.memref_squeeze %dma_start3A_26 : memref<1x40xi32, #tpu.memory_space<vmem>> -> memref<40xi32, #tpu.memory_space<vmem>>
      %dma_start3A_28 = arith.constant 0 : i32
      %dma_start3A_29 = arith.constant 0 : i32
      %dma_start3A_30 = tpu.memref_slice %arg2[%dma_start3A_28, %dma_start3A_29] : memref<20480x160xf32, #tpu.memory_space<hbm>> -> memref<20480x160xf32, #tpu.memory_space<hbm>>
      tpu.enqueue_indirect_dma source(%dma_start3A_30 : memref<20480x160xf32, #tpu.memory_space<hbm>>) target(%arg10 : memref<40x160xf32, #tpu.memory_space<vmem>>) offsets(%dma_start3A_27 : memref<40xi32, #tpu.memory_space<vmem>>) semaphore(%arg15 : memref<!tpu.dma_semaphore, #tpu.memory_space<semaphore_mem>>)
      %dma_start3A_31 = arith.constant 2 : i32
      %dma_start3A_32 = arith.constant 0 : i32
      %dma_start3A_33 = tpu.memref_slice %arg7[%dma_start3A_31, %dma_start3A_32] : memref<32x40xi32, #tpu.memory_space<vmem>> -> memref<1x40xi32, #tpu.memory_space<vmem>>
      %dma_start3A_34 = tpu.memref_squeeze %dma_start3A_33 : memref<1x40xi32, #tpu.memory_space<vmem>> -> memref<40xi32, #tpu.memory_space<vmem>>
      %dma_start3A_35 = arith.constant 0 : i32
      %dma_start3A_36 = arith.constant 0 : i32
      %dma_start3A_37 = tpu.memref_slice %arg2[%dma_start3A_35, %dma_start3A_36] : memref<20480x160xf32, #tpu.memory_space<hbm>> -> memref<20480x160xf32, #tpu.memory_space<hbm>>
      tpu.enqueue_indirect_dma source(%dma_start3A_37 : memref<20480x160xf32, #tpu.memory_space<hbm>>) target(%arg11 : memref<40x160xf32, #tpu.memory_space<vmem>>) offsets(%dma_start3A_34 : memref<40xi32, #tpu.memory_space<vmem>>) semaphore(%arg16 : memref<!tpu.dma_semaphore, #tpu.memory_space<semaphore_mem>>)
      %scan3A_38 = arith.constant 0 : i32
      %scan3A_39 = arith.constant 8 : i32
      %scan3A_40 = arith.addi %scan3A_38, %scan3A_39 : i32
      %scan3A_41 = arith.constant 1 : i32
      scf.for %scan3A_66 = %scan3A_38 to %scan3A_40 step %scan3A_41  : i32 {
        %mul3A_67 = arith.constant 1 : i32
        %mul3A_68 = arith.muli %scan3A_66, %mul3A_67 : i32
        %add3A_69 = arith.constant 0 : i32
        %add3A_70 = arith.addi %add3A_69, %mul3A_68 : i32
        %mul3A_71 = arith.constant 4 : i32
        %mul3A_72 = arith.muli %add3A_70, %mul3A_71 : i32
        %add3A_73 = arith.constant 0 : i32
        %add3A_74 = arith.addi %mul3A_72, %add3A_73 : i32
        %dma_wait3A_75 = arith.constant 0 : i32
        %dma_wait3A_76 = arith.constant 0 : i32
        %dma_wait3A_77 = tpu.memref_slice %arg2[%dma_wait3A_75, %dma_wait3A_76] : memref<20480x160xf32, #tpu.memory_space<hbm>> -> memref<40x160xf32, #tpu.memory_space<hbm>>
        %dma_wait3A_78 = arith.constant 0 : i32
        %dma_wait3A_79 = arith.constant 0 : i32
        %dma_wait3A_80 = tpu.memref_slice %arg2[%dma_wait3A_78, %dma_wait3A_79] : memref<20480x160xf32, #tpu.memory_space<hbm>> -> memref<40x160xf32, #tpu.memory_space<hbm>>
        tpu.wait_dma2 semaphore(%arg14 : memref<!tpu.dma_semaphore, #tpu.memory_space<semaphore_mem>>) src(%dma_wait3A_80 : memref<40x160xf32, #tpu.memory_space<hbm>>) dst(%arg9 : memref<40x160xf32, #tpu.memory_space<vmem>>)
        %dma_start3A_81 = arith.constant 0 : i32
        %dma_start3A_82 = tpu.memref_slice %arg8[%add3A_74, %dma_start3A_81] : memref<32x40xi32, #tpu.memory_space<vmem>> -> memref<1x40xi32, #tpu.memory_space<vmem>>
        %dma_start3A_83 = tpu.memref_squeeze %dma_start3A_82 : memref<1x40xi32, #tpu.memory_space<vmem>> -> memref<40xi32, #tpu.memory_space<vmem>>
        %dma_start3A_84 = arith.constant 0 : i32
        %dma_start3A_85 = arith.constant 0 : i32
        %dma_start3A_86 = tpu.memref_slice %arg13[%dma_start3A_84, %dma_start3A_85] : memref<10240x160xf32, #tpu.memory_space<vmem_shared>> -> memref<10240x160xf32, #tpu.memory_space<vmem_shared>>
        tpu.enqueue_indirect_dma source(%arg9 : memref<40x160xf32, #tpu.memory_space<vmem>>) target(%dma_start3A_86 : memref<10240x160xf32, #tpu.memory_space<vmem_shared>>) offsets(%dma_start3A_83 : memref<40xi32, #tpu.memory_space<vmem>>) semaphore(%arg18 : memref<!tpu.dma_semaphore, #tpu.memory_space<semaphore_mem>>) {add = true}
        %eq3A = arith.constant 0 : i32
        %eq3A_87 = arith.cmpi eq, %add3A_70, %eq3A : i32
        %convert_element_type3A = arith.extui %eq3A_87 : i1 to i32
        %cond3A = arith.constant 0 : i32
        %cond3A_88 = arith.cmpi ne, %convert_element_type3A, %cond3A : i32
        scf.if %cond3A_88 {
          %add3A_155 = arith.constant 3 : i32
          %add3A_156 = arith.addi %add3A_74, %add3A_155 : i32
          %dma_start3A_157 = arith.constant 0 : i32
          %dma_start3A_158 = tpu.memref_slice %arg7[%add3A_156, %dma_start3A_157] : memref<32x40xi32, #tpu.memory_space<vmem>> -> memref<1x40xi32, #tpu.memory_space<vmem>>
          %dma_start3A_159 = tpu.memref_squeeze %dma_start3A_158 : memref<1x40xi32, #tpu.memory_space<vmem>> -> memref<40xi32, #tpu.memory_space<vmem>>
          %dma_start3A_160 = arith.constant 0 : i32
          %dma_start3A_161 = arith.constant 0 : i32
          %dma_start3A_162 = tpu.memref_slice %arg2[%dma_start3A_160, %dma_start3A_161] : memref<20480x160xf32, #tpu.memory_space<hbm>> -> memref<20480x160xf32, #tpu.memory_space<hbm>>
          tpu.enqueue_indirect_dma source(%dma_start3A_162 : memref<20480x160xf32, #tpu.memory_space<hbm>>) target(%arg12 : memref<40x160xf32, #tpu.memory_space<vmem>>) offsets(%dma_start3A_159 : memref<40xi32, #tpu.memory_space<vmem>>) semaphore(%arg17 : memref<!tpu.dma_semaphore, #tpu.memory_space<semaphore_mem>>)
        } else {
        }
        %gt3A = arith.constant 0 : i32
        %gt3A_89 = arith.cmpi sgt, %add3A_70, %gt3A : i32
        %convert_element_type3A_90 = arith.extui %gt3A_89 : i1 to i32
        %cond3A_91 = arith.constant 0 : i32
        %cond3A_92 = arith.cmpi ne, %convert_element_type3A_90, %cond3A_91 : i32
        scf.if %cond3A_92 {
          %dma_wait3A_155 = arith.constant 0 : i32
          %dma_wait3A_156 = arith.constant 0 : i32
          %dma_wait3A_157 = tpu.memref_slice %arg2[%dma_wait3A_155, %dma_wait3A_156] : memref<20480x160xf32, #tpu.memory_space<hbm>> -> memref<40x160xf32, #tpu.memory_space<hbm>>
          %dma_wait3A_158 = arith.constant 0 : i32
          %dma_wait3A_159 = arith.constant 0 : i32
          %dma_wait3A_160 = tpu.memref_slice %arg2[%dma_wait3A_158, %dma_wait3A_159] : memref<20480x160xf32, #tpu.memory_space<hbm>> -> memref<40x160xf32, #tpu.memory_space<hbm>>
          tpu.wait_dma2 semaphore(%arg21 : memref<!tpu.dma_semaphore, #tpu.memory_space<semaphore_mem>>) src(%dma_wait3A_160 : memref<40x160xf32, #tpu.memory_space<hbm>>) dst(%arg12 : memref<40x160xf32, #tpu.memory_space<vmem>>)
          %add3A_161 = arith.constant 3 : i32
          %add3A_162 = arith.addi %add3A_74, %add3A_161 : i32
          %dma_start3A_163 = arith.constant 0 : i32
          %dma_start3A_164 = tpu.memref_slice %arg7[%add3A_162, %dma_start3A_163] : memref<32x40xi32, #tpu.memory_space<vmem>> -> memref<1x40xi32, #tpu.memory_space<vmem>>
          %dma_start3A_165 = tpu.memref_squeeze %dma_start3A_164 : memref<1x40xi32, #tpu.memory_space<vmem>> -> memref<40xi32, #tpu.memory_space<vmem>>
          %dma_start3A_166 = arith.constant 0 : i32
          %dma_start3A_167 = arith.constant 0 : i32
          %dma_start3A_168 = tpu.memref_slice %arg2[%dma_start3A_166, %dma_start3A_167] : memref<20480x160xf32, #tpu.memory_space<hbm>> -> memref<20480x160xf32, #tpu.memory_space<hbm>>
          tpu.enqueue_indirect_dma source(%dma_start3A_168 : memref<20480x160xf32, #tpu.memory_space<hbm>>) target(%arg12 : memref<40x160xf32, #tpu.memory_space<vmem>>) offsets(%dma_start3A_165 : memref<40xi32, #tpu.memory_space<vmem>>) semaphore(%arg17 : memref<!tpu.dma_semaphore, #tpu.memory_space<semaphore_mem>>)
        } else {
        }
        %mul3A_93 = arith.constant 4 : i32
        %mul3A_94 = arith.muli %add3A_70, %mul3A_93 : i32
        %add3A_95 = arith.constant 1 : i32
        %add3A_96 = arith.addi %mul3A_94, %add3A_95 : i32
        %dma_wait3A_97 = arith.constant 0 : i32
        %dma_wait3A_98 = arith.constant 0 : i32
        %dma_wait3A_99 = tpu.memref_slice %arg2[%dma_wait3A_97, %dma_wait3A_98] : memref<20480x160xf32, #tpu.memory_space<hbm>> -> memref<40x160xf32, #tpu.memory_space<hbm>>
        %dma_wait3A_100 = arith.constant 0 : i32
        %dma_wait3A_101 = arith.constant 0 : i32
        %dma_wait3A_102 = tpu.memref_slice %arg2[%dma_wait3A_100, %dma_wait3A_101] : memref<20480x160xf32, #tpu.memory_space<hbm>> -> memref<40x160xf32, #tpu.memory_space<hbm>>
        tpu.wait_dma2 semaphore(%arg15 : memref<!tpu.dma_semaphore, #tpu.memory_space<semaphore_mem>>) src(%dma_wait3A_102 : memref<40x160xf32, #tpu.memory_space<hbm>>) dst(%arg10 : memref<40x160xf32, #tpu.memory_space<vmem>>)
        %dma_start3A_103 = arith.constant 0 : i32
        %dma_start3A_104 = tpu.memref_slice %arg8[%add3A_96, %dma_start3A_103] : memref<32x40xi32, #tpu.memory_space<vmem>> -> memref<1x40xi32, #tpu.memory_space<vmem>>
        %dma_start3A_105 = tpu.memref_squeeze %dma_start3A_104 : memref<1x40xi32, #tpu.memory_space<vmem>> -> memref<40xi32, #tpu.memory_space<vmem>>
        %dma_start3A_106 = arith.constant 0 : i32
        %dma_start3A_107 = arith.constant 0 : i32
        %dma_start3A_108 = tpu.memref_slice %arg13[%dma_start3A_106, %dma_start3A_107] : memref<10240x160xf32, #tpu.memory_space<vmem_shared>> -> memref<10240x160xf32, #tpu.memory_space<vmem_shared>>
        tpu.enqueue_indirect_dma source(%arg10 : memref<40x160xf32, #tpu.memory_space<vmem>>) target(%dma_start3A_108 : memref<10240x160xf32, #tpu.memory_space<vmem_shared>>) offsets(%dma_start3A_105 : memref<40xi32, #tpu.memory_space<vmem>>) semaphore(%arg19 : memref<!tpu.dma_semaphore, #tpu.memory_space<semaphore_mem>>) {add = true}
        %lt3A = arith.constant 7 : i32
        %lt3A_109 = arith.cmpi slt, %add3A_70, %lt3A : i32
        %convert_element_type3A_110 = arith.extui %lt3A_109 : i1 to i32
        %cond3A_111 = arith.constant 0 : i32
        %cond3A_112 = arith.cmpi ne, %convert_element_type3A_110, %cond3A_111 : i32
        scf.if %cond3A_112 {
          %dma_wait3A_155 = arith.constant 0 : i32
          %dma_wait3A_156 = arith.constant 0 : i32
          %dma_wait3A_157 = tpu.memref_slice %arg2[%dma_wait3A_155, %dma_wait3A_156] : memref<20480x160xf32, #tpu.memory_space<hbm>> -> memref<40x160xf32, #tpu.memory_space<hbm>>
          %dma_wait3A_158 = arith.constant 0 : i32
          %dma_wait3A_159 = arith.constant 0 : i32
          %dma_wait3A_160 = tpu.memref_slice %arg2[%dma_wait3A_158, %dma_wait3A_159] : memref<20480x160xf32, #tpu.memory_space<hbm>> -> memref<40x160xf32, #tpu.memory_space<hbm>>
          tpu.wait_dma2 semaphore(%arg18 : memref<!tpu.dma_semaphore, #tpu.memory_space<semaphore_mem>>) src(%dma_wait3A_160 : memref<40x160xf32, #tpu.memory_space<hbm>>) dst(%arg9 : memref<40x160xf32, #tpu.memory_space<vmem>>)
          %add3A_161 = arith.constant 3 : i32
          %add3A_162 = arith.addi %add3A_96, %add3A_161 : i32
          %dma_start3A_163 = arith.constant 0 : i32
          %dma_start3A_164 = tpu.memref_slice %arg7[%add3A_162, %dma_start3A_163] : memref<32x40xi32, #tpu.memory_space<vmem>> -> memref<1x40xi32, #tpu.memory_space<vmem>>
          %dma_start3A_165 = tpu.memref_squeeze %dma_start3A_164 : memref<1x40xi32, #tpu.memory_space<vmem>> -> memref<40xi32, #tpu.memory_space<vmem>>
          %dma_start3A_166 = arith.constant 0 : i32
          %dma_start3A_167 = arith.constant 0 : i32
          %dma_start3A_168 = tpu.memref_slice %arg2[%dma_start3A_166, %dma_start3A_167] : memref<20480x160xf32, #tpu.memory_space<hbm>> -> memref<20480x160xf32, #tpu.memory_space<hbm>>
          tpu.enqueue_indirect_dma source(%dma_start3A_168 : memref<20480x160xf32, #tpu.memory_space<hbm>>) target(%arg9 : memref<40x160xf32, #tpu.memory_space<vmem>>) offsets(%dma_start3A_165 : memref<40xi32, #tpu.memory_space<vmem>>) semaphore(%arg14 : memref<!tpu.dma_semaphore, #tpu.memory_space<semaphore_mem>>)
        } else {
        }
        %mul3A_113 = arith.constant 4 : i32
        %mul3A_114 = arith.muli %add3A_70, %mul3A_113 : i32
        %add3A_115 = arith.constant 2 : i32
        %add3A_116 = arith.addi %mul3A_114, %add3A_115 : i32
        %dma_wait3A_117 = arith.constant 0 : i32
        %dma_wait3A_118 = arith.constant 0 : i32
        %dma_wait3A_119 = tpu.memref_slice %arg2[%dma_wait3A_117, %dma_wait3A_118] : memref<20480x160xf32, #tpu.memory_space<hbm>> -> memref<40x160xf32, #tpu.memory_space<hbm>>
        %dma_wait3A_120 = arith.constant 0 : i32
        %dma_wait3A_121 = arith.constant 0 : i32
        %dma_wait3A_122 = tpu.memref_slice %arg2[%dma_wait3A_120, %dma_wait3A_121] : memref<20480x160xf32, #tpu.memory_space<hbm>> -> memref<40x160xf32, #tpu.memory_space<hbm>>
        tpu.wait_dma2 semaphore(%arg16 : memref<!tpu.dma_semaphore, #tpu.memory_space<semaphore_mem>>) src(%dma_wait3A_122 : memref<40x160xf32, #tpu.memory_space<hbm>>) dst(%arg11 : memref<40x160xf32, #tpu.memory_space<vmem>>)
        %dma_start3A_123 = arith.constant 0 : i32
        %dma_start3A_124 = tpu.memref_slice %arg8[%add3A_116, %dma_start3A_123] : memref<32x40xi32, #tpu.memory_space<vmem>> -> memref<1x40xi32, #tpu.memory_space<vmem>>
        %dma_start3A_125 = tpu.memref_squeeze %dma_start3A_124 : memref<1x40xi32, #tpu.memory_space<vmem>> -> memref<40xi32, #tpu.memory_space<vmem>>
        %dma_start3A_126 = arith.constant 0 : i32
        %dma_start3A_127 = arith.constant 0 : i32
        %dma_start3A_128 = tpu.memref_slice %arg13[%dma_start3A_126, %dma_start3A_127] : memref<10240x160xf32, #tpu.memory_space<vmem_shared>> -> memref<10240x160xf32, #tpu.memory_space<vmem_shared>>
        tpu.enqueue_indirect_dma source(%arg11 : memref<40x160xf32, #tpu.memory_space<vmem>>) target(%dma_start3A_128 : memref<10240x160xf32, #tpu.memory_space<vmem_shared>>) offsets(%dma_start3A_125 : memref<40xi32, #tpu.memory_space<vmem>>) semaphore(%arg20 : memref<!tpu.dma_semaphore, #tpu.memory_space<semaphore_mem>>) {add = true}
        %lt3A_129 = arith.constant 7 : i32
        %lt3A_130 = arith.cmpi slt, %add3A_70, %lt3A_129 : i32
        %convert_element_type3A_131 = arith.extui %lt3A_130 : i1 to i32
        %cond3A_132 = arith.constant 0 : i32
        %cond3A_133 = arith.cmpi ne, %convert_element_type3A_131, %cond3A_132 : i32
        scf.if %cond3A_133 {
          %dma_wait3A_155 = arith.constant 0 : i32
          %dma_wait3A_156 = arith.constant 0 : i32
          %dma_wait3A_157 = tpu.memref_slice %arg2[%dma_wait3A_155, %dma_wait3A_156] : memref<20480x160xf32, #tpu.memory_space<hbm>> -> memref<40x160xf32, #tpu.memory_space<hbm>>
          %dma_wait3A_158 = arith.constant 0 : i32
          %dma_wait3A_159 = arith.constant 0 : i32
          %dma_wait3A_160 = tpu.memref_slice %arg2[%dma_wait3A_158, %dma_wait3A_159] : memref<20480x160xf32, #tpu.memory_space<hbm>> -> memref<40x160xf32, #tpu.memory_space<hbm>>
          tpu.wait_dma2 semaphore(%arg19 : memref<!tpu.dma_semaphore, #tpu.memory_space<semaphore_mem>>) src(%dma_wait3A_160 : memref<40x160xf32, #tpu.memory_space<hbm>>) dst(%arg10 : memref<40x160xf32, #tpu.memory_space<vmem>>)
          %add3A_161 = arith.constant 3 : i32
          %add3A_162 = arith.addi %add3A_116, %add3A_161 : i32
          %dma_start3A_163 = arith.constant 0 : i32
          %dma_start3A_164 = tpu.memref_slice %arg7[%add3A_162, %dma_start3A_163] : memref<32x40xi32, #tpu.memory_space<vmem>> -> memref<1x40xi32, #tpu.memory_space<vmem>>
          %dma_start3A_165 = tpu.memref_squeeze %dma_start3A_164 : memref<1x40xi32, #tpu.memory_space<vmem>> -> memref<40xi32, #tpu.memory_space<vmem>>
          %dma_start3A_166 = arith.constant 0 : i32
          %dma_start3A_167 = arith.constant 0 : i32
          %dma_start3A_168 = tpu.memref_slice %arg2[%dma_start3A_166, %dma_start3A_167] : memref<20480x160xf32, #tpu.memory_space<hbm>> -> memref<20480x160xf32, #tpu.memory_space<hbm>>
          tpu.enqueue_indirect_dma source(%dma_start3A_168 : memref<20480x160xf32, #tpu.memory_space<hbm>>) target(%arg10 : memref<40x160xf32, #tpu.memory_space<vmem>>) offsets(%dma_start3A_165 : memref<40xi32, #tpu.memory_space<vmem>>) semaphore(%arg15 : memref<!tpu.dma_semaphore, #tpu.memory_space<semaphore_mem>>)
        } else {
        }
        %mul3A_134 = arith.constant 4 : i32
        %mul3A_135 = arith.muli %add3A_70, %mul3A_134 : i32
        %add3A_136 = arith.constant 3 : i32
        %add3A_137 = arith.addi %mul3A_135, %add3A_136 : i32
        %dma_wait3A_138 = arith.constant 0 : i32
        %dma_wait3A_139 = arith.constant 0 : i32
        %dma_wait3A_140 = tpu.memref_slice %arg2[%dma_wait3A_138, %dma_wait3A_139] : memref<20480x160xf32, #tpu.memory_space<hbm>> -> memref<40x160xf32, #tpu.memory_space<hbm>>
        %dma_wait3A_141 = arith.constant 0 : i32
        %dma_wait3A_142 = arith.constant 0 : i32
        %dma_wait3A_143 = tpu.memref_slice %arg2[%dma_wait3A_141, %dma_wait3A_142] : memref<20480x160xf32, #tpu.memory_space<hbm>> -> memref<40x160xf32, #tpu.memory_space<hbm>>
        tpu.wait_dma2 semaphore(%arg17 : memref<!tpu.dma_semaphore, #tpu.memory_space<semaphore_mem>>) src(%dma_wait3A_143 : memref<40x160xf32, #tpu.memory_space<hbm>>) dst(%arg12 : memref<40x160xf32, #tpu.memory_space<vmem>>)
        %dma_start3A_144 = arith.constant 0 : i32
        %dma_start3A_145 = tpu.memref_slice %arg8[%add3A_137, %dma_start3A_144] : memref<32x40xi32, #tpu.memory_space<vmem>> -> memref<1x40xi32, #tpu.memory_space<vmem>>
        %dma_start3A_146 = tpu.memref_squeeze %dma_start3A_145 : memref<1x40xi32, #tpu.memory_space<vmem>> -> memref<40xi32, #tpu.memory_space<vmem>>
        %dma_start3A_147 = arith.constant 0 : i32
        %dma_start3A_148 = arith.constant 0 : i32
        %dma_start3A_149 = tpu.memref_slice %arg13[%dma_start3A_147, %dma_start3A_148] : memref<10240x160xf32, #tpu.memory_space<vmem_shared>> -> memref<10240x160xf32, #tpu.memory_space<vmem_shared>>
        tpu.enqueue_indirect_dma source(%arg12 : memref<40x160xf32, #tpu.memory_space<vmem>>) target(%dma_start3A_149 : memref<10240x160xf32, #tpu.memory_space<vmem_shared>>) offsets(%dma_start3A_146 : memref<40xi32, #tpu.memory_space<vmem>>) semaphore(%arg21 : memref<!tpu.dma_semaphore, #tpu.memory_space<semaphore_mem>>) {add = true}
        %lt3A_150 = arith.constant 7 : i32
        %lt3A_151 = arith.cmpi slt, %add3A_70, %lt3A_150 : i32
        %convert_element_type3A_152 = arith.extui %lt3A_151 : i1 to i32
        %cond3A_153 = arith.constant 0 : i32
        %cond3A_154 = arith.cmpi ne, %convert_element_type3A_152, %cond3A_153 : i32
        scf.if %cond3A_154 {
          %dma_wait3A_155 = arith.constant 0 : i32
          %dma_wait3A_156 = arith.constant 0 : i32
          %dma_wait3A_157 = tpu.memref_slice %arg2[%dma_wait3A_155, %dma_wait3A_156] : memref<20480x160xf32, #tpu.memory_space<hbm>> -> memref<40x160xf32, #tpu.memory_space<hbm>>
          %dma_wait3A_158 = arith.constant 0 : i32
          %dma_wait3A_159 = arith.constant 0 : i32
          %dma_wait3A_160 = tpu.memref_slice %arg2[%dma_wait3A_158, %dma_wait3A_159] : memref<20480x160xf32, #tpu.memory_space<hbm>> -> memref<40x160xf32, #tpu.memory_space<hbm>>
          tpu.wait_dma2 semaphore(%arg20 : memref<!tpu.dma_semaphore, #tpu.memory_space<semaphore_mem>>) src(%dma_wait3A_160 : memref<40x160xf32, #tpu.memory_space<hbm>>) dst(%arg11 : memref<40x160xf32, #tpu.memory_space<vmem>>)
          %add3A_161 = arith.constant 3 : i32
          %add3A_162 = arith.addi %add3A_137, %add3A_161 : i32
          %dma_start3A_163 = arith.constant 0 : i32
          %dma_start3A_164 = tpu.memref_slice %arg7[%add3A_162, %dma_start3A_163] : memref<32x40xi32, #tpu.memory_space<vmem>> -> memref<1x40xi32, #tpu.memory_space<vmem>>
          %dma_start3A_165 = tpu.memref_squeeze %dma_start3A_164 : memref<1x40xi32, #tpu.memory_space<vmem>> -> memref<40xi32, #tpu.memory_space<vmem>>
          %dma_start3A_166 = arith.constant 0 : i32
          %dma_start3A_167 = arith.constant 0 : i32
          %dma_start3A_168 = tpu.memref_slice %arg2[%dma_start3A_166, %dma_start3A_167] : memref<20480x160xf32, #tpu.memory_space<hbm>> -> memref<20480x160xf32, #tpu.memory_space<hbm>>
          tpu.enqueue_indirect_dma source(%dma_start3A_168 : memref<20480x160xf32, #tpu.memory_space<hbm>>) target(%arg11 : memref<40x160xf32, #tpu.memory_space<vmem>>) offsets(%dma_start3A_165 : memref<40xi32, #tpu.memory_space<vmem>>) semaphore(%arg16 : memref<!tpu.dma_semaphore, #tpu.memory_space<semaphore_mem>>)
        } else {
        }
      }
      %scan3A_42 = arith.constant 8 : i32
      %dma_wait3A = arith.constant 0 : i32
      %dma_wait3A_43 = arith.constant 0 : i32
      %dma_wait3A_44 = tpu.memref_slice %arg2[%dma_wait3A, %dma_wait3A_43] : memref<20480x160xf32, #tpu.memory_space<hbm>> -> memref<40x160xf32, #tpu.memory_space<hbm>>
      %dma_wait3A_45 = arith.constant 0 : i32
      %dma_wait3A_46 = arith.constant 0 : i32
      %dma_wait3A_47 = tpu.memref_slice %arg2[%dma_wait3A_45, %dma_wait3A_46] : memref<20480x160xf32, #tpu.memory_space<hbm>> -> memref<40x160xf32, #tpu.memory_space<hbm>>
      tpu.wait_dma2 semaphore(%arg18 : memref<!tpu.dma_semaphore, #tpu.memory_space<semaphore_mem>>) src(%dma_wait3A_47 : memref<40x160xf32, #tpu.memory_space<hbm>>) dst(%arg9 : memref<40x160xf32, #tpu.memory_space<vmem>>)
      %dma_wait3A_48 = arith.constant 0 : i32
      %dma_wait3A_49 = arith.constant 0 : i32
      %dma_wait3A_50 = tpu.memref_slice %arg2[%dma_wait3A_48, %dma_wait3A_49] : memref<20480x160xf32, #tpu.memory_space<hbm>> -> memref<40x160xf32, #tpu.memory_space<hbm>>
      %dma_wait3A_51 = arith.constant 0 : i32
      %dma_wait3A_52 = arith.constant 0 : i32
      %dma_wait3A_53 = tpu.memref_slice %arg2[%dma_wait3A_51, %dma_wait3A_52] : memref<20480x160xf32, #tpu.memory_space<hbm>> -> memref<40x160xf32, #tpu.memory_space<hbm>>
      tpu.wait_dma2 semaphore(%arg19 : memref<!tpu.dma_semaphore, #tpu.memory_space<semaphore_mem>>) src(%dma_wait3A_53 : memref<40x160xf32, #tpu.memory_space<hbm>>) dst(%arg10 : memref<40x160xf32, #tpu.memory_space<vmem>>)
      %dma_wait3A_54 = arith.constant 0 : i32
      %dma_wait3A_55 = arith.constant 0 : i32
      %dma_wait3A_56 = tpu.memref_slice %arg2[%dma_wait3A_54, %dma_wait3A_55] : memref<20480x160xf32, #tpu.memory_space<hbm>> -> memref<40x160xf32, #tpu.memory_space<hbm>>
      %dma_wait3A_57 = arith.constant 0 : i32
      %dma_wait3A_58 = arith.constant 0 : i32
      %dma_wait3A_59 = tpu.memref_slice %arg2[%dma_wait3A_57, %dma_wait3A_58] : memref<20480x160xf32, #tpu.memory_space<hbm>> -> memref<40x160xf32, #tpu.memory_space<hbm>>
      tpu.wait_dma2 semaphore(%arg20 : memref<!tpu.dma_semaphore, #tpu.memory_space<semaphore_mem>>) src(%dma_wait3A_59 : memref<40x160xf32, #tpu.memory_space<hbm>>) dst(%arg11 : memref<40x160xf32, #tpu.memory_space<vmem>>)
      %dma_wait3A_60 = arith.constant 0 : i32
      %dma_wait3A_61 = arith.constant 0 : i32
      %dma_wait3A_62 = tpu.memref_slice %arg2[%dma_wait3A_60, %dma_wait3A_61] : memref<20480x160xf32, #tpu.memory_space<hbm>> -> memref<40x160xf32, #tpu.memory_space<hbm>>
      %dma_wait3A_63 = arith.constant 0 : i32
      %dma_wait3A_64 = arith.constant 0 : i32
      %dma_wait3A_65 = tpu.memref_slice %arg2[%dma_wait3A_63, %dma_wait3A_64] : memref<20480x160xf32, #tpu.memory_space<hbm>> -> memref<40x160xf32, #tpu.memory_space<hbm>>
      tpu.wait_dma2 semaphore(%arg21 : memref<!tpu.dma_semaphore, #tpu.memory_space<semaphore_mem>>) src(%dma_wait3A_65 : memref<40x160xf32, #tpu.memory_space<hbm>>) dst(%arg12 : memref<40x160xf32, #tpu.memory_space<vmem>>)
    }
    %scan3A_4 = arith.constant 8 : i32
    %barrier3A_5 = arith.constant 0 : index
    tpu.barrier barrier_id(%barrier3A_5)
    %mul3A_6 = arith.constant 640 : i32
    %mul3A_7 = arith.muli %arg1, %mul3A_6 : i32
    %mul3A_8 = arith.constant 640 : i32
    %mul3A_9 = arith.muli %arg1, %mul3A_8 : i32
    "tpu.region"() ({
      %run_scoped3A = tpu.sem_alloc : memref<!tpu.dma_semaphore, #tpu.memory_space<semaphore_mem>>
      %dma_start3A = arith.constant 0 : i32
      %dma_start3A_10 = tpu.memref_slice %arg6[%arg0, %mul3A_9, %dma_start3A] : memref<2x10240x160xf32, #tpu.memory_space<hbm>> -> memref<1x640x160xf32, #tpu.memory_space<hbm>>
      %dma_start3A_11 = tpu.memref_squeeze %dma_start3A_10 : memref<1x640x160xf32, #tpu.memory_space<hbm>> -> memref<640x160xf32, #tpu.memory_space<hbm>>
      %dma_start3A_12 = arith.constant 0 : i32
      %dma_start3A_13 = tpu.memref_slice %arg13[%mul3A_7, %dma_start3A_12] : memref<10240x160xf32, #tpu.memory_space<vmem_shared>> -> memref<640x160xf32, #tpu.memory_space<vmem_shared>>
      tpu.enqueue_dma source(%dma_start3A_13 : memref<640x160xf32, #tpu.memory_space<vmem_shared>>) target(%dma_start3A_11 : memref<640x160xf32, #tpu.memory_space<hbm>>) target_semaphore(%run_scoped3A : memref<!tpu.dma_semaphore, #tpu.memory_space<semaphore_mem>>)
      %dma_wait3A = arith.constant 0 : i32
      %dma_wait3A_14 = tpu.memref_slice %arg6[%arg0, %mul3A_9, %dma_wait3A] : memref<2x10240x160xf32, #tpu.memory_space<hbm>> -> memref<1x640x160xf32, #tpu.memory_space<hbm>>
      %dma_wait3A_15 = tpu.memref_squeeze %dma_wait3A_14 : memref<1x640x160xf32, #tpu.memory_space<hbm>> -> memref<640x160xf32, #tpu.memory_space<hbm>>
      %dma_wait3A_16 = arith.constant 0 : i32
      %dma_wait3A_17 = tpu.memref_slice %arg13[%mul3A_7, %dma_wait3A_16] : memref<10240x160xf32, #tpu.memory_space<vmem_shared>> -> memref<640x160xf32, #tpu.memory_space<vmem_shared>>
      tpu.wait_dma2 semaphore(%run_scoped3A : memref<!tpu.dma_semaphore, #tpu.memory_space<semaphore_mem>>) src(%dma_wait3A_17 : memref<640x160xf32, #tpu.memory_space<vmem_shared>>) dst(%dma_wait3A_15 : memref<640x160xf32, #tpu.memory_space<hbm>>)
      tpu.yield
    }) : () -> ()
    return
  }
}

#map = affine_map<(d0, d1) -> (0, 0)>
#map1 = affine_map<(d0, d1) -> (0, 0, 0, 0)>
#map2 = affine_map<(d0, d1) -> (0, 0, 0)>
module attributes {stable_mosaic.version = 14 : i64} {
  func.func @_cbuild_kernel(%arg0: i32, %arg1: i32, %arg2: memref<2048x32xf32, #tpu.memory_space<hbm>>, %arg3: memref<2x16x40x128xi32, #tpu.memory_space<hbm>>, %arg4: memref<2x16x40x128xi32, #tpu.memory_space<hbm>>, %arg5: memref<640x32xf32, #tpu.memory_space<hbm>>, %arg6: memref<2x10240x32xf32, #tpu.memory_space<hbm>>, %arg7: memref<40x128xi32, #tpu.memory_space<vmem>>, %arg8: memref<40x128xi32, #tpu.memory_space<vmem>>, %arg9: memref<128x32xf32, #tpu.memory_space<vmem>>, %arg10: memref<128x32xf32, #tpu.memory_space<vmem>>, %arg11: memref<128x32xf32, #tpu.memory_space<vmem>>, %arg12: memref<128x32xf32, #tpu.memory_space<vmem>>, %arg13: memref<10240x32xf32, #tpu.memory_space<vmem_shared>>, %arg14: memref<!tpu.dma_semaphore, #tpu.memory_space<semaphore_mem>>, %arg15: memref<!tpu.dma_semaphore, #tpu.memory_space<semaphore_mem>>, %arg16: memref<!tpu.dma_semaphore, #tpu.memory_space<semaphore_mem>>, %arg17: memref<!tpu.dma_semaphore, #tpu.memory_space<semaphore_mem>>, %arg18: memref<!tpu.dma_semaphore, #tpu.memory_space<semaphore_mem>>, %arg19: memref<!tpu.dma_semaphore, #tpu.memory_space<semaphore_mem>>, %arg20: memref<!tpu.dma_semaphore, #tpu.memory_space<semaphore_mem>>, %arg21: memref<!tpu.dma_semaphore, #tpu.memory_space<semaphore_mem>>) attributes {dimension_semantics = [#tpu.dimension_semantics<core_parallel>, #tpu.dimension_semantics<subcore_parallel>], iteration_bounds = array<i64: 2, 16>, scalar_prefetch = 0 : i64, scratch_operands = 15 : i64, tpu.core_type = #tpu.core_type<sc_vector_subcore>, window_params = [{transform_indices = #map}, {transform_indices = #map1}, {transform_indices = #map1}, {transform_indices = #map}, {transform_indices = #map2}]} {
    %mul3A = arith.constant 640 : i32
    %mul3A_0 = arith.muli %arg1, %mul3A : i32
    "tpu.region"() ({
      %run_scoped3A = tpu.sem_alloc : memref<!tpu.dma_semaphore, #tpu.memory_space<semaphore_mem>>
      %dma_start3A_66 = arith.constant 0 : i32
      %dma_start3A_67 = tpu.memref_slice %arg13[%mul3A_0, %dma_start3A_66] : memref<10240x32xf32, #tpu.memory_space<vmem_shared>> -> memref<640x32xf32, #tpu.memory_space<vmem_shared>>
      tpu.enqueue_dma source(%arg5 : memref<640x32xf32, #tpu.memory_space<hbm>>) target(%dma_start3A_67 : memref<640x32xf32, #tpu.memory_space<vmem_shared>>) target_semaphore(%run_scoped3A : memref<!tpu.dma_semaphore, #tpu.memory_space<semaphore_mem>>)
      %dma_wait3A_68 = arith.constant 0 : i32
      %dma_wait3A_69 = tpu.memref_slice %arg13[%mul3A_0, %dma_wait3A_68] : memref<10240x32xf32, #tpu.memory_space<vmem_shared>> -> memref<640x32xf32, #tpu.memory_space<vmem_shared>>
      tpu.wait_dma2 semaphore(%run_scoped3A : memref<!tpu.dma_semaphore, #tpu.memory_space<semaphore_mem>>) src(%arg5 : memref<640x32xf32, #tpu.memory_space<hbm>>) dst(%dma_wait3A_69 : memref<640x32xf32, #tpu.memory_space<vmem_shared>>)
      tpu.yield
    }) : () -> ()
    %barrier3A = arith.constant 0 : index
    tpu.barrier barrier_id(%barrier3A)
    "tpu.region"() ({
      %run_scoped3A = tpu.sem_alloc : memref<!tpu.dma_semaphore, #tpu.memory_space<semaphore_mem>>
      %dma_start3A_66 = arith.constant 0 : i32
      %dma_start3A_67 = arith.constant 0 : i32
      %dma_start3A_68 = tpu.memref_slice %arg3[%arg0, %arg1, %dma_start3A_66, %dma_start3A_67] : memref<2x16x40x128xi32, #tpu.memory_space<hbm>> -> memref<1x1x40x128xi32, #tpu.memory_space<hbm>>
      %dma_start3A_69 = tpu.memref_squeeze %dma_start3A_68 : memref<1x1x40x128xi32, #tpu.memory_space<hbm>> -> memref<40x128xi32, #tpu.memory_space<hbm>>
      %dma_start3A_70 = arith.constant 0 : i32
      %dma_start3A_71 = arith.constant 0 : i32
      %dma_start3A_72 = tpu.memref_slice %arg3[%arg0, %arg1, %dma_start3A_70, %dma_start3A_71] : memref<2x16x40x128xi32, #tpu.memory_space<hbm>> -> memref<1x1x40x128xi32, #tpu.memory_space<hbm>>
      %dma_start3A_73 = tpu.memref_squeeze %dma_start3A_72 : memref<1x1x40x128xi32, #tpu.memory_space<hbm>> -> memref<40x128xi32, #tpu.memory_space<hbm>>
      tpu.enqueue_dma source(%dma_start3A_73 : memref<40x128xi32, #tpu.memory_space<hbm>>) target(%arg7 : memref<40x128xi32, #tpu.memory_space<vmem>>) target_semaphore(%run_scoped3A : memref<!tpu.dma_semaphore, #tpu.memory_space<semaphore_mem>>)
      %dma_wait3A_74 = arith.constant 0 : i32
      %dma_wait3A_75 = arith.constant 0 : i32
      %dma_wait3A_76 = tpu.memref_slice %arg3[%arg0, %arg1, %dma_wait3A_74, %dma_wait3A_75] : memref<2x16x40x128xi32, #tpu.memory_space<hbm>> -> memref<1x1x40x128xi32, #tpu.memory_space<hbm>>
      %dma_wait3A_77 = tpu.memref_squeeze %dma_wait3A_76 : memref<1x1x40x128xi32, #tpu.memory_space<hbm>> -> memref<40x128xi32, #tpu.memory_space<hbm>>
      %dma_wait3A_78 = arith.constant 0 : i32
      %dma_wait3A_79 = arith.constant 0 : i32
      %dma_wait3A_80 = tpu.memref_slice %arg3[%arg0, %arg1, %dma_wait3A_78, %dma_wait3A_79] : memref<2x16x40x128xi32, #tpu.memory_space<hbm>> -> memref<1x1x40x128xi32, #tpu.memory_space<hbm>>
      %dma_wait3A_81 = tpu.memref_squeeze %dma_wait3A_80 : memref<1x1x40x128xi32, #tpu.memory_space<hbm>> -> memref<40x128xi32, #tpu.memory_space<hbm>>
      tpu.wait_dma2 semaphore(%run_scoped3A : memref<!tpu.dma_semaphore, #tpu.memory_space<semaphore_mem>>) src(%dma_wait3A_81 : memref<40x128xi32, #tpu.memory_space<hbm>>) dst(%arg7 : memref<40x128xi32, #tpu.memory_space<vmem>>)
      tpu.yield
    }) : () -> ()
    "tpu.region"() ({
      %run_scoped3A = tpu.sem_alloc : memref<!tpu.dma_semaphore, #tpu.memory_space<semaphore_mem>>
      %dma_start3A_66 = arith.constant 0 : i32
      %dma_start3A_67 = arith.constant 0 : i32
      %dma_start3A_68 = tpu.memref_slice %arg4[%arg0, %arg1, %dma_start3A_66, %dma_start3A_67] : memref<2x16x40x128xi32, #tpu.memory_space<hbm>> -> memref<1x1x40x128xi32, #tpu.memory_space<hbm>>
      %dma_start3A_69 = tpu.memref_squeeze %dma_start3A_68 : memref<1x1x40x128xi32, #tpu.memory_space<hbm>> -> memref<40x128xi32, #tpu.memory_space<hbm>>
      %dma_start3A_70 = arith.constant 0 : i32
      %dma_start3A_71 = arith.constant 0 : i32
      %dma_start3A_72 = tpu.memref_slice %arg4[%arg0, %arg1, %dma_start3A_70, %dma_start3A_71] : memref<2x16x40x128xi32, #tpu.memory_space<hbm>> -> memref<1x1x40x128xi32, #tpu.memory_space<hbm>>
      %dma_start3A_73 = tpu.memref_squeeze %dma_start3A_72 : memref<1x1x40x128xi32, #tpu.memory_space<hbm>> -> memref<40x128xi32, #tpu.memory_space<hbm>>
      tpu.enqueue_dma source(%dma_start3A_73 : memref<40x128xi32, #tpu.memory_space<hbm>>) target(%arg8 : memref<40x128xi32, #tpu.memory_space<vmem>>) target_semaphore(%run_scoped3A : memref<!tpu.dma_semaphore, #tpu.memory_space<semaphore_mem>>)
      %dma_wait3A_74 = arith.constant 0 : i32
      %dma_wait3A_75 = arith.constant 0 : i32
      %dma_wait3A_76 = tpu.memref_slice %arg4[%arg0, %arg1, %dma_wait3A_74, %dma_wait3A_75] : memref<2x16x40x128xi32, #tpu.memory_space<hbm>> -> memref<1x1x40x128xi32, #tpu.memory_space<hbm>>
      %dma_wait3A_77 = tpu.memref_squeeze %dma_wait3A_76 : memref<1x1x40x128xi32, #tpu.memory_space<hbm>> -> memref<40x128xi32, #tpu.memory_space<hbm>>
      %dma_wait3A_78 = arith.constant 0 : i32
      %dma_wait3A_79 = arith.constant 0 : i32
      %dma_wait3A_80 = tpu.memref_slice %arg4[%arg0, %arg1, %dma_wait3A_78, %dma_wait3A_79] : memref<2x16x40x128xi32, #tpu.memory_space<hbm>> -> memref<1x1x40x128xi32, #tpu.memory_space<hbm>>
      %dma_wait3A_81 = tpu.memref_squeeze %dma_wait3A_80 : memref<1x1x40x128xi32, #tpu.memory_space<hbm>> -> memref<40x128xi32, #tpu.memory_space<hbm>>
      tpu.wait_dma2 semaphore(%run_scoped3A : memref<!tpu.dma_semaphore, #tpu.memory_space<semaphore_mem>>) src(%dma_wait3A_81 : memref<40x128xi32, #tpu.memory_space<hbm>>) dst(%arg8 : memref<40x128xi32, #tpu.memory_space<vmem>>)
      tpu.yield
    }) : () -> ()
    %dma_start3A = arith.constant 0 : i32
    %dma_start3A_1 = arith.constant 0 : i32
    %dma_start3A_2 = tpu.memref_slice %arg7[%dma_start3A, %dma_start3A_1] : memref<40x128xi32, #tpu.memory_space<vmem>> -> memref<1x128xi32, #tpu.memory_space<vmem>>
    %dma_start3A_3 = tpu.memref_squeeze %dma_start3A_2 : memref<1x128xi32, #tpu.memory_space<vmem>> -> memref<128xi32, #tpu.memory_space<vmem>>
    %dma_start3A_4 = arith.constant 0 : i32
    %dma_start3A_5 = arith.constant 0 : i32
    %dma_start3A_6 = tpu.memref_slice %arg2[%dma_start3A_4, %dma_start3A_5] : memref<2048x32xf32, #tpu.memory_space<hbm>> -> memref<2048x32xf32, #tpu.memory_space<hbm>>
    tpu.enqueue_indirect_dma source(%dma_start3A_6 : memref<2048x32xf32, #tpu.memory_space<hbm>>) target(%arg9 : memref<128x32xf32, #tpu.memory_space<vmem>>) offsets(%dma_start3A_3 : memref<128xi32, #tpu.memory_space<vmem>>) semaphore(%arg14 : memref<!tpu.dma_semaphore, #tpu.memory_space<semaphore_mem>>)
    %dma_start3A_7 = arith.constant 1 : i32
    %dma_start3A_8 = arith.constant 0 : i32
    %dma_start3A_9 = tpu.memref_slice %arg7[%dma_start3A_7, %dma_start3A_8] : memref<40x128xi32, #tpu.memory_space<vmem>> -> memref<1x128xi32, #tpu.memory_space<vmem>>
    %dma_start3A_10 = tpu.memref_squeeze %dma_start3A_9 : memref<1x128xi32, #tpu.memory_space<vmem>> -> memref<128xi32, #tpu.memory_space<vmem>>
    %dma_start3A_11 = arith.constant 0 : i32
    %dma_start3A_12 = arith.constant 0 : i32
    %dma_start3A_13 = tpu.memref_slice %arg2[%dma_start3A_11, %dma_start3A_12] : memref<2048x32xf32, #tpu.memory_space<hbm>> -> memref<2048x32xf32, #tpu.memory_space<hbm>>
    tpu.enqueue_indirect_dma source(%dma_start3A_13 : memref<2048x32xf32, #tpu.memory_space<hbm>>) target(%arg10 : memref<128x32xf32, #tpu.memory_space<vmem>>) offsets(%dma_start3A_10 : memref<128xi32, #tpu.memory_space<vmem>>) semaphore(%arg15 : memref<!tpu.dma_semaphore, #tpu.memory_space<semaphore_mem>>)
    %dma_start3A_14 = arith.constant 2 : i32
    %dma_start3A_15 = arith.constant 0 : i32
    %dma_start3A_16 = tpu.memref_slice %arg7[%dma_start3A_14, %dma_start3A_15] : memref<40x128xi32, #tpu.memory_space<vmem>> -> memref<1x128xi32, #tpu.memory_space<vmem>>
    %dma_start3A_17 = tpu.memref_squeeze %dma_start3A_16 : memref<1x128xi32, #tpu.memory_space<vmem>> -> memref<128xi32, #tpu.memory_space<vmem>>
    %dma_start3A_18 = arith.constant 0 : i32
    %dma_start3A_19 = arith.constant 0 : i32
    %dma_start3A_20 = tpu.memref_slice %arg2[%dma_start3A_18, %dma_start3A_19] : memref<2048x32xf32, #tpu.memory_space<hbm>> -> memref<2048x32xf32, #tpu.memory_space<hbm>>
    tpu.enqueue_indirect_dma source(%dma_start3A_20 : memref<2048x32xf32, #tpu.memory_space<hbm>>) target(%arg11 : memref<128x32xf32, #tpu.memory_space<vmem>>) offsets(%dma_start3A_17 : memref<128xi32, #tpu.memory_space<vmem>>) semaphore(%arg16 : memref<!tpu.dma_semaphore, #tpu.memory_space<semaphore_mem>>)
    %scan3A = arith.constant 0 : i32
    %scan3A_21 = arith.constant 0 : i32
    %scan3A_22 = arith.constant 10 : i32
    %scan3A_23 = arith.addi %scan3A_21, %scan3A_22 : i32
    %scan3A_24 = arith.constant 1 : i32
    scf.for %scan3A_66 = %scan3A_21 to %scan3A_23 step %scan3A_24  : i32 {
      %mul3A_67 = arith.constant 1 : i32
      %mul3A_68 = arith.muli %scan3A_66, %mul3A_67 : i32
      %add3A = arith.constant 0 : i32
      %add3A_69 = arith.addi %add3A, %mul3A_68 : i32
      %mul3A_70 = arith.constant 4 : i32
      %mul3A_71 = arith.muli %add3A_69, %mul3A_70 : i32
      %add3A_72 = arith.constant 0 : i32
      %add3A_73 = arith.addi %mul3A_71, %add3A_72 : i32
      %dma_wait3A_74 = arith.constant 0 : i32
      %dma_wait3A_75 = arith.constant 0 : i32
      %dma_wait3A_76 = tpu.memref_slice %arg6[%scan3A, %dma_wait3A_74, %dma_wait3A_75] : memref<2x10240x32xf32, #tpu.memory_space<hbm>> -> memref<1x128x32xf32, #tpu.memory_space<hbm>>
      %dma_wait3A_77 = tpu.memref_squeeze %dma_wait3A_76 : memref<1x128x32xf32, #tpu.memory_space<hbm>> -> memref<128x32xf32, #tpu.memory_space<hbm>>
      %dma_wait3A_78 = arith.constant 0 : i32
      %dma_wait3A_79 = arith.constant 0 : i32
      %dma_wait3A_80 = tpu.memref_slice %arg6[%scan3A, %dma_wait3A_78, %dma_wait3A_79] : memref<2x10240x32xf32, #tpu.memory_space<hbm>> -> memref<1x128x32xf32, #tpu.memory_space<hbm>>
      %dma_wait3A_81 = tpu.memref_squeeze %dma_wait3A_80 : memref<1x128x32xf32, #tpu.memory_space<hbm>> -> memref<128x32xf32, #tpu.memory_space<hbm>>
      tpu.wait_dma2 semaphore(%arg14 : memref<!tpu.dma_semaphore, #tpu.memory_space<semaphore_mem>>) src(%dma_wait3A_81 : memref<128x32xf32, #tpu.memory_space<hbm>>) dst(%arg9 : memref<128x32xf32, #tpu.memory_space<vmem>>)
      %dma_start3A_82 = arith.constant 0 : i32
      %dma_start3A_83 = tpu.memref_slice %arg8[%add3A_73, %dma_start3A_82] : memref<40x128xi32, #tpu.memory_space<vmem>> -> memref<1x128xi32, #tpu.memory_space<vmem>>
      %dma_start3A_84 = tpu.memref_squeeze %dma_start3A_83 : memref<1x128xi32, #tpu.memory_space<vmem>> -> memref<128xi32, #tpu.memory_space<vmem>>
      %dma_start3A_85 = arith.constant 0 : i32
      %dma_start3A_86 = arith.constant 0 : i32
      %dma_start3A_87 = tpu.memref_slice %arg13[%dma_start3A_85, %dma_start3A_86] : memref<10240x32xf32, #tpu.memory_space<vmem_shared>> -> memref<10240x32xf32, #tpu.memory_space<vmem_shared>>
      tpu.enqueue_indirect_dma source(%arg9 : memref<128x32xf32, #tpu.memory_space<vmem>>) target(%dma_start3A_87 : memref<10240x32xf32, #tpu.memory_space<vmem_shared>>) offsets(%dma_start3A_84 : memref<128xi32, #tpu.memory_space<vmem>>) semaphore(%arg18 : memref<!tpu.dma_semaphore, #tpu.memory_space<semaphore_mem>>) {add = true}
      %eq3A = arith.constant 0 : i32
      %eq3A_88 = arith.cmpi eq, %add3A_69, %eq3A : i32
      %convert_element_type3A = arith.extui %eq3A_88 : i1 to i32
      %cond3A = arith.constant 0 : i32
      %cond3A_89 = arith.cmpi ne, %convert_element_type3A, %cond3A : i32
      scf.if %cond3A_89 {
        %add3A_162 = arith.constant 3 : i32
        %add3A_163 = arith.addi %add3A_73, %add3A_162 : i32
        %dma_start3A_164 = arith.constant 0 : i32
        %dma_start3A_165 = tpu.memref_slice %arg7[%add3A_163, %dma_start3A_164] : memref<40x128xi32, #tpu.memory_space<vmem>> -> memref<1x128xi32, #tpu.memory_space<vmem>>
        %dma_start3A_166 = tpu.memref_squeeze %dma_start3A_165 : memref<1x128xi32, #tpu.memory_space<vmem>> -> memref<128xi32, #tpu.memory_space<vmem>>
        %dma_start3A_167 = arith.constant 0 : i32
        %dma_start3A_168 = arith.constant 0 : i32
        %dma_start3A_169 = tpu.memref_slice %arg2[%dma_start3A_167, %dma_start3A_168] : memref<2048x32xf32, #tpu.memory_space<hbm>> -> memref<2048x32xf32, #tpu.memory_space<hbm>>
        tpu.enqueue_indirect_dma source(%dma_start3A_169 : memref<2048x32xf32, #tpu.memory_space<hbm>>) target(%arg12 : memref<128x32xf32, #tpu.memory_space<vmem>>) offsets(%dma_start3A_166 : memref<128xi32, #tpu.memory_space<vmem>>) semaphore(%arg17 : memref<!tpu.dma_semaphore, #tpu.memory_space<semaphore_mem>>)
      } else {
      }
      %gt3A = arith.constant 0 : i32
      %gt3A_90 = arith.cmpi sgt, %add3A_69, %gt3A : i32
      %convert_element_type3A_91 = arith.extui %gt3A_90 : i1 to i32
      %cond3A_92 = arith.constant 0 : i32
      %cond3A_93 = arith.cmpi ne, %convert_element_type3A_91, %cond3A_92 : i32
      scf.if %cond3A_93 {
        %dma_wait3A_162 = arith.constant 0 : i32
        %dma_wait3A_163 = arith.constant 0 : i32
        %dma_wait3A_164 = tpu.memref_slice %arg6[%scan3A, %dma_wait3A_162, %dma_wait3A_163] : memref<2x10240x32xf32, #tpu.memory_space<hbm>> -> memref<1x128x32xf32, #tpu.memory_space<hbm>>
        %dma_wait3A_165 = tpu.memref_squeeze %dma_wait3A_164 : memref<1x128x32xf32, #tpu.memory_space<hbm>> -> memref<128x32xf32, #tpu.memory_space<hbm>>
        %dma_wait3A_166 = arith.constant 0 : i32
        %dma_wait3A_167 = arith.constant 0 : i32
        %dma_wait3A_168 = tpu.memref_slice %arg6[%scan3A, %dma_wait3A_166, %dma_wait3A_167] : memref<2x10240x32xf32, #tpu.memory_space<hbm>> -> memref<1x128x32xf32, #tpu.memory_space<hbm>>
        %dma_wait3A_169 = tpu.memref_squeeze %dma_wait3A_168 : memref<1x128x32xf32, #tpu.memory_space<hbm>> -> memref<128x32xf32, #tpu.memory_space<hbm>>
        tpu.wait_dma2 semaphore(%arg21 : memref<!tpu.dma_semaphore, #tpu.memory_space<semaphore_mem>>) src(%dma_wait3A_169 : memref<128x32xf32, #tpu.memory_space<hbm>>) dst(%arg12 : memref<128x32xf32, #tpu.memory_space<vmem>>)
        %add3A_170 = arith.constant 3 : i32
        %add3A_171 = arith.addi %add3A_73, %add3A_170 : i32
        %dma_start3A_172 = arith.constant 0 : i32
        %dma_start3A_173 = tpu.memref_slice %arg7[%add3A_171, %dma_start3A_172] : memref<40x128xi32, #tpu.memory_space<vmem>> -> memref<1x128xi32, #tpu.memory_space<vmem>>
        %dma_start3A_174 = tpu.memref_squeeze %dma_start3A_173 : memref<1x128xi32, #tpu.memory_space<vmem>> -> memref<128xi32, #tpu.memory_space<vmem>>
        %dma_start3A_175 = arith.constant 0 : i32
        %dma_start3A_176 = arith.constant 0 : i32
        %dma_start3A_177 = tpu.memref_slice %arg2[%dma_start3A_175, %dma_start3A_176] : memref<2048x32xf32, #tpu.memory_space<hbm>> -> memref<2048x32xf32, #tpu.memory_space<hbm>>
        tpu.enqueue_indirect_dma source(%dma_start3A_177 : memref<2048x32xf32, #tpu.memory_space<hbm>>) target(%arg12 : memref<128x32xf32, #tpu.memory_space<vmem>>) offsets(%dma_start3A_174 : memref<128xi32, #tpu.memory_space<vmem>>) semaphore(%arg17 : memref<!tpu.dma_semaphore, #tpu.memory_space<semaphore_mem>>)
      } else {
      }
      %mul3A_94 = arith.constant 4 : i32
      %mul3A_95 = arith.muli %add3A_69, %mul3A_94 : i32
      %add3A_96 = arith.constant 1 : i32
      %add3A_97 = arith.addi %mul3A_95, %add3A_96 : i32
      %dma_wait3A_98 = arith.constant 0 : i32
      %dma_wait3A_99 = arith.constant 0 : i32
      %dma_wait3A_100 = tpu.memref_slice %arg6[%scan3A, %dma_wait3A_98, %dma_wait3A_99] : memref<2x10240x32xf32, #tpu.memory_space<hbm>> -> memref<1x128x32xf32, #tpu.memory_space<hbm>>
      %dma_wait3A_101 = tpu.memref_squeeze %dma_wait3A_100 : memref<1x128x32xf32, #tpu.memory_space<hbm>> -> memref<128x32xf32, #tpu.memory_space<hbm>>
      %dma_wait3A_102 = arith.constant 0 : i32
      %dma_wait3A_103 = arith.constant 0 : i32
      %dma_wait3A_104 = tpu.memref_slice %arg6[%scan3A, %dma_wait3A_102, %dma_wait3A_103] : memref<2x10240x32xf32, #tpu.memory_space<hbm>> -> memref<1x128x32xf32, #tpu.memory_space<hbm>>
      %dma_wait3A_105 = tpu.memref_squeeze %dma_wait3A_104 : memref<1x128x32xf32, #tpu.memory_space<hbm>> -> memref<128x32xf32, #tpu.memory_space<hbm>>
      tpu.wait_dma2 semaphore(%arg15 : memref<!tpu.dma_semaphore, #tpu.memory_space<semaphore_mem>>) src(%dma_wait3A_105 : memref<128x32xf32, #tpu.memory_space<hbm>>) dst(%arg10 : memref<128x32xf32, #tpu.memory_space<vmem>>)
      %dma_start3A_106 = arith.constant 0 : i32
      %dma_start3A_107 = tpu.memref_slice %arg8[%add3A_97, %dma_start3A_106] : memref<40x128xi32, #tpu.memory_space<vmem>> -> memref<1x128xi32, #tpu.memory_space<vmem>>
      %dma_start3A_108 = tpu.memref_squeeze %dma_start3A_107 : memref<1x128xi32, #tpu.memory_space<vmem>> -> memref<128xi32, #tpu.memory_space<vmem>>
      %dma_start3A_109 = arith.constant 0 : i32
      %dma_start3A_110 = arith.constant 0 : i32
      %dma_start3A_111 = tpu.memref_slice %arg13[%dma_start3A_109, %dma_start3A_110] : memref<10240x32xf32, #tpu.memory_space<vmem_shared>> -> memref<10240x32xf32, #tpu.memory_space<vmem_shared>>
      tpu.enqueue_indirect_dma source(%arg10 : memref<128x32xf32, #tpu.memory_space<vmem>>) target(%dma_start3A_111 : memref<10240x32xf32, #tpu.memory_space<vmem_shared>>) offsets(%dma_start3A_108 : memref<128xi32, #tpu.memory_space<vmem>>) semaphore(%arg19 : memref<!tpu.dma_semaphore, #tpu.memory_space<semaphore_mem>>) {add = true}
      %lt3A = arith.constant 9 : i32
      %lt3A_112 = arith.cmpi slt, %add3A_69, %lt3A : i32
      %convert_element_type3A_113 = arith.extui %lt3A_112 : i1 to i32
      %cond3A_114 = arith.constant 0 : i32
      %cond3A_115 = arith.cmpi ne, %convert_element_type3A_113, %cond3A_114 : i32
      scf.if %cond3A_115 {
        %dma_wait3A_162 = arith.constant 0 : i32
        %dma_wait3A_163 = arith.constant 0 : i32
        %dma_wait3A_164 = tpu.memref_slice %arg6[%scan3A, %dma_wait3A_162, %dma_wait3A_163] : memref<2x10240x32xf32, #tpu.memory_space<hbm>> -> memref<1x128x32xf32, #tpu.memory_space<hbm>>
        %dma_wait3A_165 = tpu.memref_squeeze %dma_wait3A_164 : memref<1x128x32xf32, #tpu.memory_space<hbm>> -> memref<128x32xf32, #tpu.memory_space<hbm>>
        %dma_wait3A_166 = arith.constant 0 : i32
        %dma_wait3A_167 = arith.constant 0 : i32
        %dma_wait3A_168 = tpu.memref_slice %arg6[%scan3A, %dma_wait3A_166, %dma_wait3A_167] : memref<2x10240x32xf32, #tpu.memory_space<hbm>> -> memref<1x128x32xf32, #tpu.memory_space<hbm>>
        %dma_wait3A_169 = tpu.memref_squeeze %dma_wait3A_168 : memref<1x128x32xf32, #tpu.memory_space<hbm>> -> memref<128x32xf32, #tpu.memory_space<hbm>>
        tpu.wait_dma2 semaphore(%arg18 : memref<!tpu.dma_semaphore, #tpu.memory_space<semaphore_mem>>) src(%dma_wait3A_169 : memref<128x32xf32, #tpu.memory_space<hbm>>) dst(%arg9 : memref<128x32xf32, #tpu.memory_space<vmem>>)
        %add3A_170 = arith.constant 3 : i32
        %add3A_171 = arith.addi %add3A_97, %add3A_170 : i32
        %dma_start3A_172 = arith.constant 0 : i32
        %dma_start3A_173 = tpu.memref_slice %arg7[%add3A_171, %dma_start3A_172] : memref<40x128xi32, #tpu.memory_space<vmem>> -> memref<1x128xi32, #tpu.memory_space<vmem>>
        %dma_start3A_174 = tpu.memref_squeeze %dma_start3A_173 : memref<1x128xi32, #tpu.memory_space<vmem>> -> memref<128xi32, #tpu.memory_space<vmem>>
        %dma_start3A_175 = arith.constant 0 : i32
        %dma_start3A_176 = arith.constant 0 : i32
        %dma_start3A_177 = tpu.memref_slice %arg2[%dma_start3A_175, %dma_start3A_176] : memref<2048x32xf32, #tpu.memory_space<hbm>> -> memref<2048x32xf32, #tpu.memory_space<hbm>>
        tpu.enqueue_indirect_dma source(%dma_start3A_177 : memref<2048x32xf32, #tpu.memory_space<hbm>>) target(%arg9 : memref<128x32xf32, #tpu.memory_space<vmem>>) offsets(%dma_start3A_174 : memref<128xi32, #tpu.memory_space<vmem>>) semaphore(%arg14 : memref<!tpu.dma_semaphore, #tpu.memory_space<semaphore_mem>>)
      } else {
      }
      %mul3A_116 = arith.constant 4 : i32
      %mul3A_117 = arith.muli %add3A_69, %mul3A_116 : i32
      %add3A_118 = arith.constant 2 : i32
      %add3A_119 = arith.addi %mul3A_117, %add3A_118 : i32
      %dma_wait3A_120 = arith.constant 0 : i32
      %dma_wait3A_121 = arith.constant 0 : i32
      %dma_wait3A_122 = tpu.memref_slice %arg6[%scan3A, %dma_wait3A_120, %dma_wait3A_121] : memref<2x10240x32xf32, #tpu.memory_space<hbm>> -> memref<1x128x32xf32, #tpu.memory_space<hbm>>
      %dma_wait3A_123 = tpu.memref_squeeze %dma_wait3A_122 : memref<1x128x32xf32, #tpu.memory_space<hbm>> -> memref<128x32xf32, #tpu.memory_space<hbm>>
      %dma_wait3A_124 = arith.constant 0 : i32
      %dma_wait3A_125 = arith.constant 0 : i32
      %dma_wait3A_126 = tpu.memref_slice %arg6[%scan3A, %dma_wait3A_124, %dma_wait3A_125] : memref<2x10240x32xf32, #tpu.memory_space<hbm>> -> memref<1x128x32xf32, #tpu.memory_space<hbm>>
      %dma_wait3A_127 = tpu.memref_squeeze %dma_wait3A_126 : memref<1x128x32xf32, #tpu.memory_space<hbm>> -> memref<128x32xf32, #tpu.memory_space<hbm>>
      tpu.wait_dma2 semaphore(%arg16 : memref<!tpu.dma_semaphore, #tpu.memory_space<semaphore_mem>>) src(%dma_wait3A_127 : memref<128x32xf32, #tpu.memory_space<hbm>>) dst(%arg11 : memref<128x32xf32, #tpu.memory_space<vmem>>)
      %dma_start3A_128 = arith.constant 0 : i32
      %dma_start3A_129 = tpu.memref_slice %arg8[%add3A_119, %dma_start3A_128] : memref<40x128xi32, #tpu.memory_space<vmem>> -> memref<1x128xi32, #tpu.memory_space<vmem>>
      %dma_start3A_130 = tpu.memref_squeeze %dma_start3A_129 : memref<1x128xi32, #tpu.memory_space<vmem>> -> memref<128xi32, #tpu.memory_space<vmem>>
      %dma_start3A_131 = arith.constant 0 : i32
      %dma_start3A_132 = arith.constant 0 : i32
      %dma_start3A_133 = tpu.memref_slice %arg13[%dma_start3A_131, %dma_start3A_132] : memref<10240x32xf32, #tpu.memory_space<vmem_shared>> -> memref<10240x32xf32, #tpu.memory_space<vmem_shared>>
      tpu.enqueue_indirect_dma source(%arg11 : memref<128x32xf32, #tpu.memory_space<vmem>>) target(%dma_start3A_133 : memref<10240x32xf32, #tpu.memory_space<vmem_shared>>) offsets(%dma_start3A_130 : memref<128xi32, #tpu.memory_space<vmem>>) semaphore(%arg20 : memref<!tpu.dma_semaphore, #tpu.memory_space<semaphore_mem>>) {add = true}
      %lt3A_134 = arith.constant 9 : i32
      %lt3A_135 = arith.cmpi slt, %add3A_69, %lt3A_134 : i32
      %convert_element_type3A_136 = arith.extui %lt3A_135 : i1 to i32
      %cond3A_137 = arith.constant 0 : i32
      %cond3A_138 = arith.cmpi ne, %convert_element_type3A_136, %cond3A_137 : i32
      scf.if %cond3A_138 {
        %dma_wait3A_162 = arith.constant 0 : i32
        %dma_wait3A_163 = arith.constant 0 : i32
        %dma_wait3A_164 = tpu.memref_slice %arg6[%scan3A, %dma_wait3A_162, %dma_wait3A_163] : memref<2x10240x32xf32, #tpu.memory_space<hbm>> -> memref<1x128x32xf32, #tpu.memory_space<hbm>>
        %dma_wait3A_165 = tpu.memref_squeeze %dma_wait3A_164 : memref<1x128x32xf32, #tpu.memory_space<hbm>> -> memref<128x32xf32, #tpu.memory_space<hbm>>
        %dma_wait3A_166 = arith.constant 0 : i32
        %dma_wait3A_167 = arith.constant 0 : i32
        %dma_wait3A_168 = tpu.memref_slice %arg6[%scan3A, %dma_wait3A_166, %dma_wait3A_167] : memref<2x10240x32xf32, #tpu.memory_space<hbm>> -> memref<1x128x32xf32, #tpu.memory_space<hbm>>
        %dma_wait3A_169 = tpu.memref_squeeze %dma_wait3A_168 : memref<1x128x32xf32, #tpu.memory_space<hbm>> -> memref<128x32xf32, #tpu.memory_space<hbm>>
        tpu.wait_dma2 semaphore(%arg19 : memref<!tpu.dma_semaphore, #tpu.memory_space<semaphore_mem>>) src(%dma_wait3A_169 : memref<128x32xf32, #tpu.memory_space<hbm>>) dst(%arg10 : memref<128x32xf32, #tpu.memory_space<vmem>>)
        %add3A_170 = arith.constant 3 : i32
        %add3A_171 = arith.addi %add3A_119, %add3A_170 : i32
        %dma_start3A_172 = arith.constant 0 : i32
        %dma_start3A_173 = tpu.memref_slice %arg7[%add3A_171, %dma_start3A_172] : memref<40x128xi32, #tpu.memory_space<vmem>> -> memref<1x128xi32, #tpu.memory_space<vmem>>
        %dma_start3A_174 = tpu.memref_squeeze %dma_start3A_173 : memref<1x128xi32, #tpu.memory_space<vmem>> -> memref<128xi32, #tpu.memory_space<vmem>>
        %dma_start3A_175 = arith.constant 0 : i32
        %dma_start3A_176 = arith.constant 0 : i32
        %dma_start3A_177 = tpu.memref_slice %arg2[%dma_start3A_175, %dma_start3A_176] : memref<2048x32xf32, #tpu.memory_space<hbm>> -> memref<2048x32xf32, #tpu.memory_space<hbm>>
        tpu.enqueue_indirect_dma source(%dma_start3A_177 : memref<2048x32xf32, #tpu.memory_space<hbm>>) target(%arg10 : memref<128x32xf32, #tpu.memory_space<vmem>>) offsets(%dma_start3A_174 : memref<128xi32, #tpu.memory_space<vmem>>) semaphore(%arg15 : memref<!tpu.dma_semaphore, #tpu.memory_space<semaphore_mem>>)
      } else {
      }
      %mul3A_139 = arith.constant 4 : i32
      %mul3A_140 = arith.muli %add3A_69, %mul3A_139 : i32
      %add3A_141 = arith.constant 3 : i32
      %add3A_142 = arith.addi %mul3A_140, %add3A_141 : i32
      %dma_wait3A_143 = arith.constant 0 : i32
      %dma_wait3A_144 = arith.constant 0 : i32
      %dma_wait3A_145 = tpu.memref_slice %arg6[%scan3A, %dma_wait3A_143, %dma_wait3A_144] : memref<2x10240x32xf32, #tpu.memory_space<hbm>> -> memref<1x128x32xf32, #tpu.memory_space<hbm>>
      %dma_wait3A_146 = tpu.memref_squeeze %dma_wait3A_145 : memref<1x128x32xf32, #tpu.memory_space<hbm>> -> memref<128x32xf32, #tpu.memory_space<hbm>>
      %dma_wait3A_147 = arith.constant 0 : i32
      %dma_wait3A_148 = arith.constant 0 : i32
      %dma_wait3A_149 = tpu.memref_slice %arg6[%scan3A, %dma_wait3A_147, %dma_wait3A_148] : memref<2x10240x32xf32, #tpu.memory_space<hbm>> -> memref<1x128x32xf32, #tpu.memory_space<hbm>>
      %dma_wait3A_150 = tpu.memref_squeeze %dma_wait3A_149 : memref<1x128x32xf32, #tpu.memory_space<hbm>> -> memref<128x32xf32, #tpu.memory_space<hbm>>
      tpu.wait_dma2 semaphore(%arg17 : memref<!tpu.dma_semaphore, #tpu.memory_space<semaphore_mem>>) src(%dma_wait3A_150 : memref<128x32xf32, #tpu.memory_space<hbm>>) dst(%arg12 : memref<128x32xf32, #tpu.memory_space<vmem>>)
      %dma_start3A_151 = arith.constant 0 : i32
      %dma_start3A_152 = tpu.memref_slice %arg8[%add3A_142, %dma_start3A_151] : memref<40x128xi32, #tpu.memory_space<vmem>> -> memref<1x128xi32, #tpu.memory_space<vmem>>
      %dma_start3A_153 = tpu.memref_squeeze %dma_start3A_152 : memref<1x128xi32, #tpu.memory_space<vmem>> -> memref<128xi32, #tpu.memory_space<vmem>>
      %dma_start3A_154 = arith.constant 0 : i32
      %dma_start3A_155 = arith.constant 0 : i32
      %dma_start3A_156 = tpu.memref_slice %arg13[%dma_start3A_154, %dma_start3A_155] : memref<10240x32xf32, #tpu.memory_space<vmem_shared>> -> memref<10240x32xf32, #tpu.memory_space<vmem_shared>>
      tpu.enqueue_indirect_dma source(%arg12 : memref<128x32xf32, #tpu.memory_space<vmem>>) target(%dma_start3A_156 : memref<10240x32xf32, #tpu.memory_space<vmem_shared>>) offsets(%dma_start3A_153 : memref<128xi32, #tpu.memory_space<vmem>>) semaphore(%arg21 : memref<!tpu.dma_semaphore, #tpu.memory_space<semaphore_mem>>) {add = true}
      %lt3A_157 = arith.constant 9 : i32
      %lt3A_158 = arith.cmpi slt, %add3A_69, %lt3A_157 : i32
      %convert_element_type3A_159 = arith.extui %lt3A_158 : i1 to i32
      %cond3A_160 = arith.constant 0 : i32
      %cond3A_161 = arith.cmpi ne, %convert_element_type3A_159, %cond3A_160 : i32
      scf.if %cond3A_161 {
        %dma_wait3A_162 = arith.constant 0 : i32
        %dma_wait3A_163 = arith.constant 0 : i32
        %dma_wait3A_164 = tpu.memref_slice %arg6[%scan3A, %dma_wait3A_162, %dma_wait3A_163] : memref<2x10240x32xf32, #tpu.memory_space<hbm>> -> memref<1x128x32xf32, #tpu.memory_space<hbm>>
        %dma_wait3A_165 = tpu.memref_squeeze %dma_wait3A_164 : memref<1x128x32xf32, #tpu.memory_space<hbm>> -> memref<128x32xf32, #tpu.memory_space<hbm>>
        %dma_wait3A_166 = arith.constant 0 : i32
        %dma_wait3A_167 = arith.constant 0 : i32
        %dma_wait3A_168 = tpu.memref_slice %arg6[%scan3A, %dma_wait3A_166, %dma_wait3A_167] : memref<2x10240x32xf32, #tpu.memory_space<hbm>> -> memref<1x128x32xf32, #tpu.memory_space<hbm>>
        %dma_wait3A_169 = tpu.memref_squeeze %dma_wait3A_168 : memref<1x128x32xf32, #tpu.memory_space<hbm>> -> memref<128x32xf32, #tpu.memory_space<hbm>>
        tpu.wait_dma2 semaphore(%arg20 : memref<!tpu.dma_semaphore, #tpu.memory_space<semaphore_mem>>) src(%dma_wait3A_169 : memref<128x32xf32, #tpu.memory_space<hbm>>) dst(%arg11 : memref<128x32xf32, #tpu.memory_space<vmem>>)
        %add3A_170 = arith.constant 3 : i32
        %add3A_171 = arith.addi %add3A_142, %add3A_170 : i32
        %dma_start3A_172 = arith.constant 0 : i32
        %dma_start3A_173 = tpu.memref_slice %arg7[%add3A_171, %dma_start3A_172] : memref<40x128xi32, #tpu.memory_space<vmem>> -> memref<1x128xi32, #tpu.memory_space<vmem>>
        %dma_start3A_174 = tpu.memref_squeeze %dma_start3A_173 : memref<1x128xi32, #tpu.memory_space<vmem>> -> memref<128xi32, #tpu.memory_space<vmem>>
        %dma_start3A_175 = arith.constant 0 : i32
        %dma_start3A_176 = arith.constant 0 : i32
        %dma_start3A_177 = tpu.memref_slice %arg2[%dma_start3A_175, %dma_start3A_176] : memref<2048x32xf32, #tpu.memory_space<hbm>> -> memref<2048x32xf32, #tpu.memory_space<hbm>>
        tpu.enqueue_indirect_dma source(%dma_start3A_177 : memref<2048x32xf32, #tpu.memory_space<hbm>>) target(%arg11 : memref<128x32xf32, #tpu.memory_space<vmem>>) offsets(%dma_start3A_174 : memref<128xi32, #tpu.memory_space<vmem>>) semaphore(%arg16 : memref<!tpu.dma_semaphore, #tpu.memory_space<semaphore_mem>>)
      } else {
      }
    }
    %scan3A_25 = arith.constant 10 : i32
    %dma_wait3A = arith.constant 0 : i32
    %dma_wait3A_26 = arith.constant 0 : i32
    %dma_wait3A_27 = arith.constant 0 : i32
    %dma_wait3A_28 = tpu.memref_slice %arg6[%dma_wait3A, %dma_wait3A_26, %dma_wait3A_27] : memref<2x10240x32xf32, #tpu.memory_space<hbm>> -> memref<1x128x32xf32, #tpu.memory_space<hbm>>
    %dma_wait3A_29 = tpu.memref_squeeze %dma_wait3A_28 : memref<1x128x32xf32, #tpu.memory_space<hbm>> -> memref<128x32xf32, #tpu.memory_space<hbm>>
    %dma_wait3A_30 = arith.constant 0 : i32
    %dma_wait3A_31 = arith.constant 0 : i32
    %dma_wait3A_32 = tpu.memref_slice %arg6[%dma_wait3A, %dma_wait3A_30, %dma_wait3A_31] : memref<2x10240x32xf32, #tpu.memory_space<hbm>> -> memref<1x128x32xf32, #tpu.memory_space<hbm>>
    %dma_wait3A_33 = tpu.memref_squeeze %dma_wait3A_32 : memref<1x128x32xf32, #tpu.memory_space<hbm>> -> memref<128x32xf32, #tpu.memory_space<hbm>>
    tpu.wait_dma2 semaphore(%arg18 : memref<!tpu.dma_semaphore, #tpu.memory_space<semaphore_mem>>) src(%dma_wait3A_33 : memref<128x32xf32, #tpu.memory_space<hbm>>) dst(%arg9 : memref<128x32xf32, #tpu.memory_space<vmem>>)
    %dma_wait3A_34 = arith.constant 0 : i32
    %dma_wait3A_35 = arith.constant 0 : i32
    %dma_wait3A_36 = arith.constant 0 : i32
    %dma_wait3A_37 = tpu.memref_slice %arg6[%dma_wait3A_34, %dma_wait3A_35, %dma_wait3A_36] : memref<2x10240x32xf32, #tpu.memory_space<hbm>> -> memref<1x128x32xf32, #tpu.memory_space<hbm>>
    %dma_wait3A_38 = tpu.memref_squeeze %dma_wait3A_37 : memref<1x128x32xf32, #tpu.memory_space<hbm>> -> memref<128x32xf32, #tpu.memory_space<hbm>>
    %dma_wait3A_39 = arith.constant 0 : i32
    %dma_wait3A_40 = arith.constant 0 : i32
    %dma_wait3A_41 = tpu.memref_slice %arg6[%dma_wait3A_34, %dma_wait3A_39, %dma_wait3A_40] : memref<2x10240x32xf32, #tpu.memory_space<hbm>> -> memref<1x128x32xf32, #tpu.memory_space<hbm>>
    %dma_wait3A_42 = tpu.memref_squeeze %dma_wait3A_41 : memref<1x128x32xf32, #tpu.memory_space<hbm>> -> memref<128x32xf32, #tpu.memory_space<hbm>>
    tpu.wait_dma2 semaphore(%arg19 : memref<!tpu.dma_semaphore, #tpu.memory_space<semaphore_mem>>) src(%dma_wait3A_42 : memref<128x32xf32, #tpu.memory_space<hbm>>) dst(%arg10 : memref<128x32xf32, #tpu.memory_space<vmem>>)
    %dma_wait3A_43 = arith.constant 0 : i32
    %dma_wait3A_44 = arith.constant 0 : i32
    %dma_wait3A_45 = arith.constant 0 : i32
    %dma_wait3A_46 = tpu.memref_slice %arg6[%dma_wait3A_43, %dma_wait3A_44, %dma_wait3A_45] : memref<2x10240x32xf32, #tpu.memory_space<hbm>> -> memref<1x128x32xf32, #tpu.memory_space<hbm>>
    %dma_wait3A_47 = tpu.memref_squeeze %dma_wait3A_46 : memref<1x128x32xf32, #tpu.memory_space<hbm>> -> memref<128x32xf32, #tpu.memory_space<hbm>>
    %dma_wait3A_48 = arith.constant 0 : i32
    %dma_wait3A_49 = arith.constant 0 : i32
    %dma_wait3A_50 = tpu.memref_slice %arg6[%dma_wait3A_43, %dma_wait3A_48, %dma_wait3A_49] : memref<2x10240x32xf32, #tpu.memory_space<hbm>> -> memref<1x128x32xf32, #tpu.memory_space<hbm>>
    %dma_wait3A_51 = tpu.memref_squeeze %dma_wait3A_50 : memref<1x128x32xf32, #tpu.memory_space<hbm>> -> memref<128x32xf32, #tpu.memory_space<hbm>>
    tpu.wait_dma2 semaphore(%arg20 : memref<!tpu.dma_semaphore, #tpu.memory_space<semaphore_mem>>) src(%dma_wait3A_51 : memref<128x32xf32, #tpu.memory_space<hbm>>) dst(%arg11 : memref<128x32xf32, #tpu.memory_space<vmem>>)
    %dma_wait3A_52 = arith.constant 0 : i32
    %dma_wait3A_53 = arith.constant 0 : i32
    %dma_wait3A_54 = arith.constant 0 : i32
    %dma_wait3A_55 = tpu.memref_slice %arg6[%dma_wait3A_52, %dma_wait3A_53, %dma_wait3A_54] : memref<2x10240x32xf32, #tpu.memory_space<hbm>> -> memref<1x128x32xf32, #tpu.memory_space<hbm>>
    %dma_wait3A_56 = tpu.memref_squeeze %dma_wait3A_55 : memref<1x128x32xf32, #tpu.memory_space<hbm>> -> memref<128x32xf32, #tpu.memory_space<hbm>>
    %dma_wait3A_57 = arith.constant 0 : i32
    %dma_wait3A_58 = arith.constant 0 : i32
    %dma_wait3A_59 = tpu.memref_slice %arg6[%dma_wait3A_52, %dma_wait3A_57, %dma_wait3A_58] : memref<2x10240x32xf32, #tpu.memory_space<hbm>> -> memref<1x128x32xf32, #tpu.memory_space<hbm>>
    %dma_wait3A_60 = tpu.memref_squeeze %dma_wait3A_59 : memref<1x128x32xf32, #tpu.memory_space<hbm>> -> memref<128x32xf32, #tpu.memory_space<hbm>>
    tpu.wait_dma2 semaphore(%arg21 : memref<!tpu.dma_semaphore, #tpu.memory_space<semaphore_mem>>) src(%dma_wait3A_60 : memref<128x32xf32, #tpu.memory_space<hbm>>) dst(%arg12 : memref<128x32xf32, #tpu.memory_space<vmem>>)
    %barrier3A_61 = arith.constant 0 : index
    tpu.barrier barrier_id(%barrier3A_61)
    %mul3A_62 = arith.constant 640 : i32
    %mul3A_63 = arith.muli %arg1, %mul3A_62 : i32
    %mul3A_64 = arith.constant 640 : i32
    %mul3A_65 = arith.muli %arg1, %mul3A_64 : i32
    "tpu.region"() ({
      %run_scoped3A = tpu.sem_alloc : memref<!tpu.dma_semaphore, #tpu.memory_space<semaphore_mem>>
      %dma_start3A_66 = arith.constant 0 : i32
      %dma_start3A_67 = tpu.memref_slice %arg6[%arg0, %mul3A_65, %dma_start3A_66] : memref<2x10240x32xf32, #tpu.memory_space<hbm>> -> memref<1x640x32xf32, #tpu.memory_space<hbm>>
      %dma_start3A_68 = tpu.memref_squeeze %dma_start3A_67 : memref<1x640x32xf32, #tpu.memory_space<hbm>> -> memref<640x32xf32, #tpu.memory_space<hbm>>
      %dma_start3A_69 = arith.constant 0 : i32
      %dma_start3A_70 = tpu.memref_slice %arg13[%mul3A_63, %dma_start3A_69] : memref<10240x32xf32, #tpu.memory_space<vmem_shared>> -> memref<640x32xf32, #tpu.memory_space<vmem_shared>>
      tpu.enqueue_dma source(%dma_start3A_70 : memref<640x32xf32, #tpu.memory_space<vmem_shared>>) target(%dma_start3A_68 : memref<640x32xf32, #tpu.memory_space<hbm>>) target_semaphore(%run_scoped3A : memref<!tpu.dma_semaphore, #tpu.memory_space<semaphore_mem>>)
      %dma_wait3A_71 = arith.constant 0 : i32
      %dma_wait3A_72 = tpu.memref_slice %arg6[%arg0, %mul3A_65, %dma_wait3A_71] : memref<2x10240x32xf32, #tpu.memory_space<hbm>> -> memref<1x640x32xf32, #tpu.memory_space<hbm>>
      %dma_wait3A_73 = tpu.memref_squeeze %dma_wait3A_72 : memref<1x640x32xf32, #tpu.memory_space<hbm>> -> memref<640x32xf32, #tpu.memory_space<hbm>>
      %dma_wait3A_74 = arith.constant 0 : i32
      %dma_wait3A_75 = tpu.memref_slice %arg13[%mul3A_63, %dma_wait3A_74] : memref<10240x32xf32, #tpu.memory_space<vmem_shared>> -> memref<640x32xf32, #tpu.memory_space<vmem_shared>>
      tpu.wait_dma2 semaphore(%run_scoped3A : memref<!tpu.dma_semaphore, #tpu.memory_space<semaphore_mem>>) src(%dma_wait3A_75 : memref<640x32xf32, #tpu.memory_space<vmem_shared>>) dst(%dma_wait3A_73 : memref<640x32xf32, #tpu.memory_space<hbm>>)
      tpu.yield
    }) : () -> ()
    return
  }
}

#map = affine_map<(d0, d1) -> (0, 0)>
#map1 = affine_map<(d0, d1) -> (0, 0, 0, 0)>
#map2 = affine_map<(d0, d1) -> (0, 0, 0)>
module attributes {stable_mosaic.version = 14 : i64} {
  func.func @_agg_kernel(%arg0: i32, %arg1: i32, %arg2: memref<20480x160xf32, #tpu.memory_space<hbm>>, %arg3: memref<2x16x256x40xi32, #tpu.memory_space<hbm>>, %arg4: memref<16x256x40xi32, #tpu.memory_space<hbm>>, %arg5: memref<640x160xf32, #tpu.memory_space<hbm>>, %arg6: memref<2x10240x160xf32, #tpu.memory_space<hbm>>, %arg7: memref<32x40xi32, #tpu.memory_space<vmem>>, %arg8: memref<32x40xi32, #tpu.memory_space<vmem>>, %arg9: memref<40x160xf32, #tpu.memory_space<vmem>>, %arg10: memref<40x160xf32, #tpu.memory_space<vmem>>, %arg11: memref<40x160xf32, #tpu.memory_space<vmem>>, %arg12: memref<40x160xf32, #tpu.memory_space<vmem>>, %arg13: memref<10240x160xf32, #tpu.memory_space<vmem_shared>>, %arg14: memref<!tpu.dma_semaphore, #tpu.memory_space<semaphore_mem>>, %arg15: memref<!tpu.dma_semaphore, #tpu.memory_space<semaphore_mem>>, %arg16: memref<!tpu.dma_semaphore, #tpu.memory_space<semaphore_mem>>, %arg17: memref<!tpu.dma_semaphore, #tpu.memory_space<semaphore_mem>>, %arg18: memref<!tpu.dma_semaphore, #tpu.memory_space<semaphore_mem>>, %arg19: memref<!tpu.dma_semaphore, #tpu.memory_space<semaphore_mem>>, %arg20: memref<!tpu.dma_semaphore, #tpu.memory_space<semaphore_mem>>, %arg21: memref<!tpu.dma_semaphore, #tpu.memory_space<semaphore_mem>>) attributes {dimension_semantics = [#tpu.dimension_semantics<core_parallel>, #tpu.dimension_semantics<subcore_parallel>], iteration_bounds = array<i64: 2, 16>, scalar_prefetch = 0 : i64, scratch_operands = 15 : i64, tpu.core_type = #tpu.core_type<sc_vector_subcore>, window_params = [{transform_indices = #map}, {transform_indices = #map1}, {transform_indices = #map2}, {transform_indices = #map}, {transform_indices = #map2}]} {
    %mul3A = arith.constant 640 : i32
    %mul3A_0 = arith.muli %arg1, %mul3A : i32
    "tpu.region"() ({
      %run_scoped3A = tpu.sem_alloc : memref<!tpu.dma_semaphore, #tpu.memory_space<semaphore_mem>>
      %dma_start3A = arith.constant 0 : i32
      %dma_start3A_10 = tpu.memref_slice %arg13[%mul3A_0, %dma_start3A] : memref<10240x160xf32, #tpu.memory_space<vmem_shared>> -> memref<640x160xf32, #tpu.memory_space<vmem_shared>>
      tpu.enqueue_dma source(%arg5 : memref<640x160xf32, #tpu.memory_space<hbm>>) target(%dma_start3A_10 : memref<640x160xf32, #tpu.memory_space<vmem_shared>>) target_semaphore(%run_scoped3A : memref<!tpu.dma_semaphore, #tpu.memory_space<semaphore_mem>>)
      %dma_wait3A = arith.constant 0 : i32
      %dma_wait3A_11 = tpu.memref_slice %arg13[%mul3A_0, %dma_wait3A] : memref<10240x160xf32, #tpu.memory_space<vmem_shared>> -> memref<640x160xf32, #tpu.memory_space<vmem_shared>>
      tpu.wait_dma2 semaphore(%run_scoped3A : memref<!tpu.dma_semaphore, #tpu.memory_space<semaphore_mem>>) src(%arg5 : memref<640x160xf32, #tpu.memory_space<hbm>>) dst(%dma_wait3A_11 : memref<640x160xf32, #tpu.memory_space<vmem_shared>>)
      tpu.yield
    }) : () -> ()
    %barrier3A = arith.constant 0 : index
    tpu.barrier barrier_id(%barrier3A)
    %scan3A = arith.constant 0 : i32
    %scan3A_1 = arith.constant 8 : i32
    %scan3A_2 = arith.addi %scan3A, %scan3A_1 : i32
    %scan3A_3 = arith.constant 1 : i32
    scf.for %scan3A_10 = %scan3A to %scan3A_2 step %scan3A_3  : i32 {
      %mul3A_11 = arith.constant 1 : i32
      %mul3A_12 = arith.muli %scan3A_10, %mul3A_11 : i32
      %add3A = arith.constant 0 : i32
      %add3A_13 = arith.addi %add3A, %mul3A_12 : i32
      %mul3A_14 = arith.constant 32 : i32
      %mul3A_15 = arith.muli %add3A_13, %mul3A_14 : i32
      "tpu.region"() ({
        %run_scoped3A = tpu.sem_alloc : memref<!tpu.dma_semaphore, #tpu.memory_space<semaphore_mem>>
        %dma_start3A_66 = arith.constant 0 : i32
        %dma_start3A_67 = tpu.memref_slice %arg3[%arg0, %arg1, %mul3A_15, %dma_start3A_66] : memref<2x16x256x40xi32, #tpu.memory_space<hbm>> -> memref<1x1x32x40xi32, #tpu.memory_space<hbm>>
        %dma_start3A_68 = tpu.memref_squeeze %dma_start3A_67 : memref<1x1x32x40xi32, #tpu.memory_space<hbm>> -> memref<32x40xi32, #tpu.memory_space<hbm>>
        %dma_start3A_69 = arith.constant 0 : i32
        %dma_start3A_70 = tpu.memref_slice %arg3[%arg0, %arg1, %mul3A_15, %dma_start3A_69] : memref<2x16x256x40xi32, #tpu.memory_space<hbm>> -> memref<1x1x32x40xi32, #tpu.memory_space<hbm>>
        %dma_start3A_71 = tpu.memref_squeeze %dma_start3A_70 : memref<1x1x32x40xi32, #tpu.memory_space<hbm>> -> memref<32x40xi32, #tpu.memory_space<hbm>>
        tpu.enqueue_dma source(%dma_start3A_71 : memref<32x40xi32, #tpu.memory_space<hbm>>) target(%arg7 : memref<32x40xi32, #tpu.memory_space<vmem>>) target_semaphore(%run_scoped3A : memref<!tpu.dma_semaphore, #tpu.memory_space<semaphore_mem>>)
        %dma_wait3A_72 = arith.constant 0 : i32
        %dma_wait3A_73 = tpu.memref_slice %arg3[%arg0, %arg1, %mul3A_15, %dma_wait3A_72] : memref<2x16x256x40xi32, #tpu.memory_space<hbm>> -> memref<1x1x32x40xi32, #tpu.memory_space<hbm>>
        %dma_wait3A_74 = tpu.memref_squeeze %dma_wait3A_73 : memref<1x1x32x40xi32, #tpu.memory_space<hbm>> -> memref<32x40xi32, #tpu.memory_space<hbm>>
        %dma_wait3A_75 = arith.constant 0 : i32
        %dma_wait3A_76 = tpu.memref_slice %arg3[%arg0, %arg1, %mul3A_15, %dma_wait3A_75] : memref<2x16x256x40xi32, #tpu.memory_space<hbm>> -> memref<1x1x32x40xi32, #tpu.memory_space<hbm>>
        %dma_wait3A_77 = tpu.memref_squeeze %dma_wait3A_76 : memref<1x1x32x40xi32, #tpu.memory_space<hbm>> -> memref<32x40xi32, #tpu.memory_space<hbm>>
        tpu.wait_dma2 semaphore(%run_scoped3A : memref<!tpu.dma_semaphore, #tpu.memory_space<semaphore_mem>>) src(%dma_wait3A_77 : memref<32x40xi32, #tpu.memory_space<hbm>>) dst(%arg7 : memref<32x40xi32, #tpu.memory_space<vmem>>)
        tpu.yield
      }) : () -> ()
      %mul3A_16 = arith.constant 32 : i32
      %mul3A_17 = arith.muli %add3A_13, %mul3A_16 : i32
      "tpu.region"() ({
        %run_scoped3A = tpu.sem_alloc : memref<!tpu.dma_semaphore, #tpu.memory_space<semaphore_mem>>
        %dma_start3A_66 = arith.constant 0 : i32
        %dma_start3A_67 = tpu.memref_slice %arg4[%arg1, %mul3A_17, %dma_start3A_66] : memref<16x256x40xi32, #tpu.memory_space<hbm>> -> memref<1x32x40xi32, #tpu.memory_space<hbm>>
        %dma_start3A_68 = tpu.memref_squeeze %dma_start3A_67 : memref<1x32x40xi32, #tpu.memory_space<hbm>> -> memref<32x40xi32, #tpu.memory_space<hbm>>
        %dma_start3A_69 = arith.constant 0 : i32
        %dma_start3A_70 = tpu.memref_slice %arg4[%arg1, %mul3A_17, %dma_start3A_69] : memref<16x256x40xi32, #tpu.memory_space<hbm>> -> memref<1x32x40xi32, #tpu.memory_space<hbm>>
        %dma_start3A_71 = tpu.memref_squeeze %dma_start3A_70 : memref<1x32x40xi32, #tpu.memory_space<hbm>> -> memref<32x40xi32, #tpu.memory_space<hbm>>
        tpu.enqueue_dma source(%dma_start3A_71 : memref<32x40xi32, #tpu.memory_space<hbm>>) target(%arg8 : memref<32x40xi32, #tpu.memory_space<vmem>>) target_semaphore(%run_scoped3A : memref<!tpu.dma_semaphore, #tpu.memory_space<semaphore_mem>>)
        %dma_wait3A_72 = arith.constant 0 : i32
        %dma_wait3A_73 = tpu.memref_slice %arg4[%arg1, %mul3A_17, %dma_wait3A_72] : memref<16x256x40xi32, #tpu.memory_space<hbm>> -> memref<1x32x40xi32, #tpu.memory_space<hbm>>
        %dma_wait3A_74 = tpu.memref_squeeze %dma_wait3A_73 : memref<1x32x40xi32, #tpu.memory_space<hbm>> -> memref<32x40xi32, #tpu.memory_space<hbm>>
        %dma_wait3A_75 = arith.constant 0 : i32
        %dma_wait3A_76 = tpu.memref_slice %arg4[%arg1, %mul3A_17, %dma_wait3A_75] : memref<16x256x40xi32, #tpu.memory_space<hbm>> -> memref<1x32x40xi32, #tpu.memory_space<hbm>>
        %dma_wait3A_77 = tpu.memref_squeeze %dma_wait3A_76 : memref<1x32x40xi32, #tpu.memory_space<hbm>> -> memref<32x40xi32, #tpu.memory_space<hbm>>
        tpu.wait_dma2 semaphore(%run_scoped3A : memref<!tpu.dma_semaphore, #tpu.memory_space<semaphore_mem>>) src(%dma_wait3A_77 : memref<32x40xi32, #tpu.memory_space<hbm>>) dst(%arg8 : memref<32x40xi32, #tpu.memory_space<vmem>>)
        tpu.yield
      }) : () -> ()
      %dma_start3A = arith.constant 0 : i32
      %dma_start3A_18 = arith.constant 0 : i32
      %dma_start3A_19 = tpu.memref_slice %arg7[%dma_start3A, %dma_start3A_18] : memref<32x40xi32, #tpu.memory_space<vmem>> -> memref<1x40xi32, #tpu.memory_space<vmem>>
      %dma_start3A_20 = tpu.memref_squeeze %dma_start3A_19 : memref<1x40xi32, #tpu.memory_space<vmem>> -> memref<40xi32, #tpu.memory_space<vmem>>
      %dma_start3A_21 = arith.constant 0 : i32
      %dma_start3A_22 = arith.constant 0 : i32
      %dma_start3A_23 = tpu.memref_slice %arg2[%dma_start3A_21, %dma_start3A_22] : memref<20480x160xf32, #tpu.memory_space<hbm>> -> memref<20480x160xf32, #tpu.memory_space<hbm>>
      tpu.enqueue_indirect_dma source(%dma_start3A_23 : memref<20480x160xf32, #tpu.memory_space<hbm>>) target(%arg9 : memref<40x160xf32, #tpu.memory_space<vmem>>) offsets(%dma_start3A_20 : memref<40xi32, #tpu.memory_space<vmem>>) semaphore(%arg14 : memref<!tpu.dma_semaphore, #tpu.memory_space<semaphore_mem>>)
      %dma_start3A_24 = arith.constant 1 : i32
      %dma_start3A_25 = arith.constant 0 : i32
      %dma_start3A_26 = tpu.memref_slice %arg7[%dma_start3A_24, %dma_start3A_25] : memref<32x40xi32, #tpu.memory_space<vmem>> -> memref<1x40xi32, #tpu.memory_space<vmem>>
      %dma_start3A_27 = tpu.memref_squeeze %dma_start3A_26 : memref<1x40xi32, #tpu.memory_space<vmem>> -> memref<40xi32, #tpu.memory_space<vmem>>
      %dma_start3A_28 = arith.constant 0 : i32
      %dma_start3A_29 = arith.constant 0 : i32
      %dma_start3A_30 = tpu.memref_slice %arg2[%dma_start3A_28, %dma_start3A_29] : memref<20480x160xf32, #tpu.memory_space<hbm>> -> memref<20480x160xf32, #tpu.memory_space<hbm>>
      tpu.enqueue_indirect_dma source(%dma_start3A_30 : memref<20480x160xf32, #tpu.memory_space<hbm>>) target(%arg10 : memref<40x160xf32, #tpu.memory_space<vmem>>) offsets(%dma_start3A_27 : memref<40xi32, #tpu.memory_space<vmem>>) semaphore(%arg15 : memref<!tpu.dma_semaphore, #tpu.memory_space<semaphore_mem>>)
      %dma_start3A_31 = arith.constant 2 : i32
      %dma_start3A_32 = arith.constant 0 : i32
      %dma_start3A_33 = tpu.memref_slice %arg7[%dma_start3A_31, %dma_start3A_32] : memref<32x40xi32, #tpu.memory_space<vmem>> -> memref<1x40xi32, #tpu.memory_space<vmem>>
      %dma_start3A_34 = tpu.memref_squeeze %dma_start3A_33 : memref<1x40xi32, #tpu.memory_space<vmem>> -> memref<40xi32, #tpu.memory_space<vmem>>
      %dma_start3A_35 = arith.constant 0 : i32
      %dma_start3A_36 = arith.constant 0 : i32
      %dma_start3A_37 = tpu.memref_slice %arg2[%dma_start3A_35, %dma_start3A_36] : memref<20480x160xf32, #tpu.memory_space<hbm>> -> memref<20480x160xf32, #tpu.memory_space<hbm>>
      tpu.enqueue_indirect_dma source(%dma_start3A_37 : memref<20480x160xf32, #tpu.memory_space<hbm>>) target(%arg11 : memref<40x160xf32, #tpu.memory_space<vmem>>) offsets(%dma_start3A_34 : memref<40xi32, #tpu.memory_space<vmem>>) semaphore(%arg16 : memref<!tpu.dma_semaphore, #tpu.memory_space<semaphore_mem>>)
      %scan3A_38 = arith.constant 0 : i32
      %scan3A_39 = arith.constant 8 : i32
      %scan3A_40 = arith.addi %scan3A_38, %scan3A_39 : i32
      %scan3A_41 = arith.constant 1 : i32
      scf.for %scan3A_66 = %scan3A_38 to %scan3A_40 step %scan3A_41  : i32 {
        %mul3A_67 = arith.constant 1 : i32
        %mul3A_68 = arith.muli %scan3A_66, %mul3A_67 : i32
        %add3A_69 = arith.constant 0 : i32
        %add3A_70 = arith.addi %add3A_69, %mul3A_68 : i32
        %mul3A_71 = arith.constant 4 : i32
        %mul3A_72 = arith.muli %add3A_70, %mul3A_71 : i32
        %add3A_73 = arith.constant 0 : i32
        %add3A_74 = arith.addi %mul3A_72, %add3A_73 : i32
        %dma_wait3A_75 = arith.constant 0 : i32
        %dma_wait3A_76 = arith.constant 0 : i32
        %dma_wait3A_77 = tpu.memref_slice %arg2[%dma_wait3A_75, %dma_wait3A_76] : memref<20480x160xf32, #tpu.memory_space<hbm>> -> memref<40x160xf32, #tpu.memory_space<hbm>>
        %dma_wait3A_78 = arith.constant 0 : i32
        %dma_wait3A_79 = arith.constant 0 : i32
        %dma_wait3A_80 = tpu.memref_slice %arg2[%dma_wait3A_78, %dma_wait3A_79] : memref<20480x160xf32, #tpu.memory_space<hbm>> -> memref<40x160xf32, #tpu.memory_space<hbm>>
        tpu.wait_dma2 semaphore(%arg14 : memref<!tpu.dma_semaphore, #tpu.memory_space<semaphore_mem>>) src(%dma_wait3A_80 : memref<40x160xf32, #tpu.memory_space<hbm>>) dst(%arg9 : memref<40x160xf32, #tpu.memory_space<vmem>>)
        %dma_start3A_81 = arith.constant 0 : i32
        %dma_start3A_82 = tpu.memref_slice %arg8[%add3A_74, %dma_start3A_81] : memref<32x40xi32, #tpu.memory_space<vmem>> -> memref<1x40xi32, #tpu.memory_space<vmem>>
        %dma_start3A_83 = tpu.memref_squeeze %dma_start3A_82 : memref<1x40xi32, #tpu.memory_space<vmem>> -> memref<40xi32, #tpu.memory_space<vmem>>
        %dma_start3A_84 = arith.constant 0 : i32
        %dma_start3A_85 = arith.constant 0 : i32
        %dma_start3A_86 = tpu.memref_slice %arg13[%dma_start3A_84, %dma_start3A_85] : memref<10240x160xf32, #tpu.memory_space<vmem_shared>> -> memref<10240x160xf32, #tpu.memory_space<vmem_shared>>
        tpu.enqueue_indirect_dma source(%arg9 : memref<40x160xf32, #tpu.memory_space<vmem>>) target(%dma_start3A_86 : memref<10240x160xf32, #tpu.memory_space<vmem_shared>>) offsets(%dma_start3A_83 : memref<40xi32, #tpu.memory_space<vmem>>) semaphore(%arg18 : memref<!tpu.dma_semaphore, #tpu.memory_space<semaphore_mem>>) {add = true}
        %eq3A = arith.constant 0 : i32
        %eq3A_87 = arith.cmpi eq, %add3A_70, %eq3A : i32
        %convert_element_type3A = arith.extui %eq3A_87 : i1 to i32
        %cond3A = arith.constant 0 : i32
        %cond3A_88 = arith.cmpi ne, %convert_element_type3A, %cond3A : i32
        scf.if %cond3A_88 {
          %add3A_155 = arith.constant 3 : i32
          %add3A_156 = arith.addi %add3A_74, %add3A_155 : i32
          %dma_start3A_157 = arith.constant 0 : i32
          %dma_start3A_158 = tpu.memref_slice %arg7[%add3A_156, %dma_start3A_157] : memref<32x40xi32, #tpu.memory_space<vmem>> -> memref<1x40xi32, #tpu.memory_space<vmem>>
          %dma_start3A_159 = tpu.memref_squeeze %dma_start3A_158 : memref<1x40xi32, #tpu.memory_space<vmem>> -> memref<40xi32, #tpu.memory_space<vmem>>
          %dma_start3A_160 = arith.constant 0 : i32
          %dma_start3A_161 = arith.constant 0 : i32
          %dma_start3A_162 = tpu.memref_slice %arg2[%dma_start3A_160, %dma_start3A_161] : memref<20480x160xf32, #tpu.memory_space<hbm>> -> memref<20480x160xf32, #tpu.memory_space<hbm>>
          tpu.enqueue_indirect_dma source(%dma_start3A_162 : memref<20480x160xf32, #tpu.memory_space<hbm>>) target(%arg12 : memref<40x160xf32, #tpu.memory_space<vmem>>) offsets(%dma_start3A_159 : memref<40xi32, #tpu.memory_space<vmem>>) semaphore(%arg17 : memref<!tpu.dma_semaphore, #tpu.memory_space<semaphore_mem>>)
        } else {
        }
        %gt3A = arith.constant 0 : i32
        %gt3A_89 = arith.cmpi sgt, %add3A_70, %gt3A : i32
        %convert_element_type3A_90 = arith.extui %gt3A_89 : i1 to i32
        %cond3A_91 = arith.constant 0 : i32
        %cond3A_92 = arith.cmpi ne, %convert_element_type3A_90, %cond3A_91 : i32
        scf.if %cond3A_92 {
          %dma_wait3A_155 = arith.constant 0 : i32
          %dma_wait3A_156 = arith.constant 0 : i32
          %dma_wait3A_157 = tpu.memref_slice %arg2[%dma_wait3A_155, %dma_wait3A_156] : memref<20480x160xf32, #tpu.memory_space<hbm>> -> memref<40x160xf32, #tpu.memory_space<hbm>>
          %dma_wait3A_158 = arith.constant 0 : i32
          %dma_wait3A_159 = arith.constant 0 : i32
          %dma_wait3A_160 = tpu.memref_slice %arg2[%dma_wait3A_158, %dma_wait3A_159] : memref<20480x160xf32, #tpu.memory_space<hbm>> -> memref<40x160xf32, #tpu.memory_space<hbm>>
          tpu.wait_dma2 semaphore(%arg21 : memref<!tpu.dma_semaphore, #tpu.memory_space<semaphore_mem>>) src(%dma_wait3A_160 : memref<40x160xf32, #tpu.memory_space<hbm>>) dst(%arg12 : memref<40x160xf32, #tpu.memory_space<vmem>>)
          %add3A_161 = arith.constant 3 : i32
          %add3A_162 = arith.addi %add3A_74, %add3A_161 : i32
          %dma_start3A_163 = arith.constant 0 : i32
          %dma_start3A_164 = tpu.memref_slice %arg7[%add3A_162, %dma_start3A_163] : memref<32x40xi32, #tpu.memory_space<vmem>> -> memref<1x40xi32, #tpu.memory_space<vmem>>
          %dma_start3A_165 = tpu.memref_squeeze %dma_start3A_164 : memref<1x40xi32, #tpu.memory_space<vmem>> -> memref<40xi32, #tpu.memory_space<vmem>>
          %dma_start3A_166 = arith.constant 0 : i32
          %dma_start3A_167 = arith.constant 0 : i32
          %dma_start3A_168 = tpu.memref_slice %arg2[%dma_start3A_166, %dma_start3A_167] : memref<20480x160xf32, #tpu.memory_space<hbm>> -> memref<20480x160xf32, #tpu.memory_space<hbm>>
          tpu.enqueue_indirect_dma source(%dma_start3A_168 : memref<20480x160xf32, #tpu.memory_space<hbm>>) target(%arg12 : memref<40x160xf32, #tpu.memory_space<vmem>>) offsets(%dma_start3A_165 : memref<40xi32, #tpu.memory_space<vmem>>) semaphore(%arg17 : memref<!tpu.dma_semaphore, #tpu.memory_space<semaphore_mem>>)
        } else {
        }
        %mul3A_93 = arith.constant 4 : i32
        %mul3A_94 = arith.muli %add3A_70, %mul3A_93 : i32
        %add3A_95 = arith.constant 1 : i32
        %add3A_96 = arith.addi %mul3A_94, %add3A_95 : i32
        %dma_wait3A_97 = arith.constant 0 : i32
        %dma_wait3A_98 = arith.constant 0 : i32
        %dma_wait3A_99 = tpu.memref_slice %arg2[%dma_wait3A_97, %dma_wait3A_98] : memref<20480x160xf32, #tpu.memory_space<hbm>> -> memref<40x160xf32, #tpu.memory_space<hbm>>
        %dma_wait3A_100 = arith.constant 0 : i32
        %dma_wait3A_101 = arith.constant 0 : i32
        %dma_wait3A_102 = tpu.memref_slice %arg2[%dma_wait3A_100, %dma_wait3A_101] : memref<20480x160xf32, #tpu.memory_space<hbm>> -> memref<40x160xf32, #tpu.memory_space<hbm>>
        tpu.wait_dma2 semaphore(%arg15 : memref<!tpu.dma_semaphore, #tpu.memory_space<semaphore_mem>>) src(%dma_wait3A_102 : memref<40x160xf32, #tpu.memory_space<hbm>>) dst(%arg10 : memref<40x160xf32, #tpu.memory_space<vmem>>)
        %dma_start3A_103 = arith.constant 0 : i32
        %dma_start3A_104 = tpu.memref_slice %arg8[%add3A_96, %dma_start3A_103] : memref<32x40xi32, #tpu.memory_space<vmem>> -> memref<1x40xi32, #tpu.memory_space<vmem>>
        %dma_start3A_105 = tpu.memref_squeeze %dma_start3A_104 : memref<1x40xi32, #tpu.memory_space<vmem>> -> memref<40xi32, #tpu.memory_space<vmem>>
        %dma_start3A_106 = arith.constant 0 : i32
        %dma_start3A_107 = arith.constant 0 : i32
        %dma_start3A_108 = tpu.memref_slice %arg13[%dma_start3A_106, %dma_start3A_107] : memref<10240x160xf32, #tpu.memory_space<vmem_shared>> -> memref<10240x160xf32, #tpu.memory_space<vmem_shared>>
        tpu.enqueue_indirect_dma source(%arg10 : memref<40x160xf32, #tpu.memory_space<vmem>>) target(%dma_start3A_108 : memref<10240x160xf32, #tpu.memory_space<vmem_shared>>) offsets(%dma_start3A_105 : memref<40xi32, #tpu.memory_space<vmem>>) semaphore(%arg19 : memref<!tpu.dma_semaphore, #tpu.memory_space<semaphore_mem>>) {add = true}
        %lt3A = arith.constant 7 : i32
        %lt3A_109 = arith.cmpi slt, %add3A_70, %lt3A : i32
        %convert_element_type3A_110 = arith.extui %lt3A_109 : i1 to i32
        %cond3A_111 = arith.constant 0 : i32
        %cond3A_112 = arith.cmpi ne, %convert_element_type3A_110, %cond3A_111 : i32
        scf.if %cond3A_112 {
          %dma_wait3A_155 = arith.constant 0 : i32
          %dma_wait3A_156 = arith.constant 0 : i32
          %dma_wait3A_157 = tpu.memref_slice %arg2[%dma_wait3A_155, %dma_wait3A_156] : memref<20480x160xf32, #tpu.memory_space<hbm>> -> memref<40x160xf32, #tpu.memory_space<hbm>>
          %dma_wait3A_158 = arith.constant 0 : i32
          %dma_wait3A_159 = arith.constant 0 : i32
          %dma_wait3A_160 = tpu.memref_slice %arg2[%dma_wait3A_158, %dma_wait3A_159] : memref<20480x160xf32, #tpu.memory_space<hbm>> -> memref<40x160xf32, #tpu.memory_space<hbm>>
          tpu.wait_dma2 semaphore(%arg18 : memref<!tpu.dma_semaphore, #tpu.memory_space<semaphore_mem>>) src(%dma_wait3A_160 : memref<40x160xf32, #tpu.memory_space<hbm>>) dst(%arg9 : memref<40x160xf32, #tpu.memory_space<vmem>>)
          %add3A_161 = arith.constant 3 : i32
          %add3A_162 = arith.addi %add3A_96, %add3A_161 : i32
          %dma_start3A_163 = arith.constant 0 : i32
          %dma_start3A_164 = tpu.memref_slice %arg7[%add3A_162, %dma_start3A_163] : memref<32x40xi32, #tpu.memory_space<vmem>> -> memref<1x40xi32, #tpu.memory_space<vmem>>
          %dma_start3A_165 = tpu.memref_squeeze %dma_start3A_164 : memref<1x40xi32, #tpu.memory_space<vmem>> -> memref<40xi32, #tpu.memory_space<vmem>>
          %dma_start3A_166 = arith.constant 0 : i32
          %dma_start3A_167 = arith.constant 0 : i32
          %dma_start3A_168 = tpu.memref_slice %arg2[%dma_start3A_166, %dma_start3A_167] : memref<20480x160xf32, #tpu.memory_space<hbm>> -> memref<20480x160xf32, #tpu.memory_space<hbm>>
          tpu.enqueue_indirect_dma source(%dma_start3A_168 : memref<20480x160xf32, #tpu.memory_space<hbm>>) target(%arg9 : memref<40x160xf32, #tpu.memory_space<vmem>>) offsets(%dma_start3A_165 : memref<40xi32, #tpu.memory_space<vmem>>) semaphore(%arg14 : memref<!tpu.dma_semaphore, #tpu.memory_space<semaphore_mem>>)
        } else {
        }
        %mul3A_113 = arith.constant 4 : i32
        %mul3A_114 = arith.muli %add3A_70, %mul3A_113 : i32
        %add3A_115 = arith.constant 2 : i32
        %add3A_116 = arith.addi %mul3A_114, %add3A_115 : i32
        %dma_wait3A_117 = arith.constant 0 : i32
        %dma_wait3A_118 = arith.constant 0 : i32
        %dma_wait3A_119 = tpu.memref_slice %arg2[%dma_wait3A_117, %dma_wait3A_118] : memref<20480x160xf32, #tpu.memory_space<hbm>> -> memref<40x160xf32, #tpu.memory_space<hbm>>
        %dma_wait3A_120 = arith.constant 0 : i32
        %dma_wait3A_121 = arith.constant 0 : i32
        %dma_wait3A_122 = tpu.memref_slice %arg2[%dma_wait3A_120, %dma_wait3A_121] : memref<20480x160xf32, #tpu.memory_space<hbm>> -> memref<40x160xf32, #tpu.memory_space<hbm>>
        tpu.wait_dma2 semaphore(%arg16 : memref<!tpu.dma_semaphore, #tpu.memory_space<semaphore_mem>>) src(%dma_wait3A_122 : memref<40x160xf32, #tpu.memory_space<hbm>>) dst(%arg11 : memref<40x160xf32, #tpu.memory_space<vmem>>)
        %dma_start3A_123 = arith.constant 0 : i32
        %dma_start3A_124 = tpu.memref_slice %arg8[%add3A_116, %dma_start3A_123] : memref<32x40xi32, #tpu.memory_space<vmem>> -> memref<1x40xi32, #tpu.memory_space<vmem>>
        %dma_start3A_125 = tpu.memref_squeeze %dma_start3A_124 : memref<1x40xi32, #tpu.memory_space<vmem>> -> memref<40xi32, #tpu.memory_space<vmem>>
        %dma_start3A_126 = arith.constant 0 : i32
        %dma_start3A_127 = arith.constant 0 : i32
        %dma_start3A_128 = tpu.memref_slice %arg13[%dma_start3A_126, %dma_start3A_127] : memref<10240x160xf32, #tpu.memory_space<vmem_shared>> -> memref<10240x160xf32, #tpu.memory_space<vmem_shared>>
        tpu.enqueue_indirect_dma source(%arg11 : memref<40x160xf32, #tpu.memory_space<vmem>>) target(%dma_start3A_128 : memref<10240x160xf32, #tpu.memory_space<vmem_shared>>) offsets(%dma_start3A_125 : memref<40xi32, #tpu.memory_space<vmem>>) semaphore(%arg20 : memref<!tpu.dma_semaphore, #tpu.memory_space<semaphore_mem>>) {add = true}
        %lt3A_129 = arith.constant 7 : i32
        %lt3A_130 = arith.cmpi slt, %add3A_70, %lt3A_129 : i32
        %convert_element_type3A_131 = arith.extui %lt3A_130 : i1 to i32
        %cond3A_132 = arith.constant 0 : i32
        %cond3A_133 = arith.cmpi ne, %convert_element_type3A_131, %cond3A_132 : i32
        scf.if %cond3A_133 {
          %dma_wait3A_155 = arith.constant 0 : i32
          %dma_wait3A_156 = arith.constant 0 : i32
          %dma_wait3A_157 = tpu.memref_slice %arg2[%dma_wait3A_155, %dma_wait3A_156] : memref<20480x160xf32, #tpu.memory_space<hbm>> -> memref<40x160xf32, #tpu.memory_space<hbm>>
          %dma_wait3A_158 = arith.constant 0 : i32
          %dma_wait3A_159 = arith.constant 0 : i32
          %dma_wait3A_160 = tpu.memref_slice %arg2[%dma_wait3A_158, %dma_wait3A_159] : memref<20480x160xf32, #tpu.memory_space<hbm>> -> memref<40x160xf32, #tpu.memory_space<hbm>>
          tpu.wait_dma2 semaphore(%arg19 : memref<!tpu.dma_semaphore, #tpu.memory_space<semaphore_mem>>) src(%dma_wait3A_160 : memref<40x160xf32, #tpu.memory_space<hbm>>) dst(%arg10 : memref<40x160xf32, #tpu.memory_space<vmem>>)
          %add3A_161 = arith.constant 3 : i32
          %add3A_162 = arith.addi %add3A_116, %add3A_161 : i32
          %dma_start3A_163 = arith.constant 0 : i32
          %dma_start3A_164 = tpu.memref_slice %arg7[%add3A_162, %dma_start3A_163] : memref<32x40xi32, #tpu.memory_space<vmem>> -> memref<1x40xi32, #tpu.memory_space<vmem>>
          %dma_start3A_165 = tpu.memref_squeeze %dma_start3A_164 : memref<1x40xi32, #tpu.memory_space<vmem>> -> memref<40xi32, #tpu.memory_space<vmem>>
          %dma_start3A_166 = arith.constant 0 : i32
          %dma_start3A_167 = arith.constant 0 : i32
          %dma_start3A_168 = tpu.memref_slice %arg2[%dma_start3A_166, %dma_start3A_167] : memref<20480x160xf32, #tpu.memory_space<hbm>> -> memref<20480x160xf32, #tpu.memory_space<hbm>>
          tpu.enqueue_indirect_dma source(%dma_start3A_168 : memref<20480x160xf32, #tpu.memory_space<hbm>>) target(%arg10 : memref<40x160xf32, #tpu.memory_space<vmem>>) offsets(%dma_start3A_165 : memref<40xi32, #tpu.memory_space<vmem>>) semaphore(%arg15 : memref<!tpu.dma_semaphore, #tpu.memory_space<semaphore_mem>>)
        } else {
        }
        %mul3A_134 = arith.constant 4 : i32
        %mul3A_135 = arith.muli %add3A_70, %mul3A_134 : i32
        %add3A_136 = arith.constant 3 : i32
        %add3A_137 = arith.addi %mul3A_135, %add3A_136 : i32
        %dma_wait3A_138 = arith.constant 0 : i32
        %dma_wait3A_139 = arith.constant 0 : i32
        %dma_wait3A_140 = tpu.memref_slice %arg2[%dma_wait3A_138, %dma_wait3A_139] : memref<20480x160xf32, #tpu.memory_space<hbm>> -> memref<40x160xf32, #tpu.memory_space<hbm>>
        %dma_wait3A_141 = arith.constant 0 : i32
        %dma_wait3A_142 = arith.constant 0 : i32
        %dma_wait3A_143 = tpu.memref_slice %arg2[%dma_wait3A_141, %dma_wait3A_142] : memref<20480x160xf32, #tpu.memory_space<hbm>> -> memref<40x160xf32, #tpu.memory_space<hbm>>
        tpu.wait_dma2 semaphore(%arg17 : memref<!tpu.dma_semaphore, #tpu.memory_space<semaphore_mem>>) src(%dma_wait3A_143 : memref<40x160xf32, #tpu.memory_space<hbm>>) dst(%arg12 : memref<40x160xf32, #tpu.memory_space<vmem>>)
        %dma_start3A_144 = arith.constant 0 : i32
        %dma_start3A_145 = tpu.memref_slice %arg8[%add3A_137, %dma_start3A_144] : memref<32x40xi32, #tpu.memory_space<vmem>> -> memref<1x40xi32, #tpu.memory_space<vmem>>
        %dma_start3A_146 = tpu.memref_squeeze %dma_start3A_145 : memref<1x40xi32, #tpu.memory_space<vmem>> -> memref<40xi32, #tpu.memory_space<vmem>>
        %dma_start3A_147 = arith.constant 0 : i32
        %dma_start3A_148 = arith.constant 0 : i32
        %dma_start3A_149 = tpu.memref_slice %arg13[%dma_start3A_147, %dma_start3A_148] : memref<10240x160xf32, #tpu.memory_space<vmem_shared>> -> memref<10240x160xf32, #tpu.memory_space<vmem_shared>>
        tpu.enqueue_indirect_dma source(%arg12 : memref<40x160xf32, #tpu.memory_space<vmem>>) target(%dma_start3A_149 : memref<10240x160xf32, #tpu.memory_space<vmem_shared>>) offsets(%dma_start3A_146 : memref<40xi32, #tpu.memory_space<vmem>>) semaphore(%arg21 : memref<!tpu.dma_semaphore, #tpu.memory_space<semaphore_mem>>) {add = true}
        %lt3A_150 = arith.constant 7 : i32
        %lt3A_151 = arith.cmpi slt, %add3A_70, %lt3A_150 : i32
        %convert_element_type3A_152 = arith.extui %lt3A_151 : i1 to i32
        %cond3A_153 = arith.constant 0 : i32
        %cond3A_154 = arith.cmpi ne, %convert_element_type3A_152, %cond3A_153 : i32
        scf.if %cond3A_154 {
          %dma_wait3A_155 = arith.constant 0 : i32
          %dma_wait3A_156 = arith.constant 0 : i32
          %dma_wait3A_157 = tpu.memref_slice %arg2[%dma_wait3A_155, %dma_wait3A_156] : memref<20480x160xf32, #tpu.memory_space<hbm>> -> memref<40x160xf32, #tpu.memory_space<hbm>>
          %dma_wait3A_158 = arith.constant 0 : i32
          %dma_wait3A_159 = arith.constant 0 : i32
          %dma_wait3A_160 = tpu.memref_slice %arg2[%dma_wait3A_158, %dma_wait3A_159] : memref<20480x160xf32, #tpu.memory_space<hbm>> -> memref<40x160xf32, #tpu.memory_space<hbm>>
          tpu.wait_dma2 semaphore(%arg20 : memref<!tpu.dma_semaphore, #tpu.memory_space<semaphore_mem>>) src(%dma_wait3A_160 : memref<40x160xf32, #tpu.memory_space<hbm>>) dst(%arg11 : memref<40x160xf32, #tpu.memory_space<vmem>>)
          %add3A_161 = arith.constant 3 : i32
          %add3A_162 = arith.addi %add3A_137, %add3A_161 : i32
          %dma_start3A_163 = arith.constant 0 : i32
          %dma_start3A_164 = tpu.memref_slice %arg7[%add3A_162, %dma_start3A_163] : memref<32x40xi32, #tpu.memory_space<vmem>> -> memref<1x40xi32, #tpu.memory_space<vmem>>
          %dma_start3A_165 = tpu.memref_squeeze %dma_start3A_164 : memref<1x40xi32, #tpu.memory_space<vmem>> -> memref<40xi32, #tpu.memory_space<vmem>>
          %dma_start3A_166 = arith.constant 0 : i32
          %dma_start3A_167 = arith.constant 0 : i32
          %dma_start3A_168 = tpu.memref_slice %arg2[%dma_start3A_166, %dma_start3A_167] : memref<20480x160xf32, #tpu.memory_space<hbm>> -> memref<20480x160xf32, #tpu.memory_space<hbm>>
          tpu.enqueue_indirect_dma source(%dma_start3A_168 : memref<20480x160xf32, #tpu.memory_space<hbm>>) target(%arg11 : memref<40x160xf32, #tpu.memory_space<vmem>>) offsets(%dma_start3A_165 : memref<40xi32, #tpu.memory_space<vmem>>) semaphore(%arg16 : memref<!tpu.dma_semaphore, #tpu.memory_space<semaphore_mem>>)
        } else {
        }
      }
      %scan3A_42 = arith.constant 8 : i32
      %dma_wait3A = arith.constant 0 : i32
      %dma_wait3A_43 = arith.constant 0 : i32
      %dma_wait3A_44 = tpu.memref_slice %arg2[%dma_wait3A, %dma_wait3A_43] : memref<20480x160xf32, #tpu.memory_space<hbm>> -> memref<40x160xf32, #tpu.memory_space<hbm>>
      %dma_wait3A_45 = arith.constant 0 : i32
      %dma_wait3A_46 = arith.constant 0 : i32
      %dma_wait3A_47 = tpu.memref_slice %arg2[%dma_wait3A_45, %dma_wait3A_46] : memref<20480x160xf32, #tpu.memory_space<hbm>> -> memref<40x160xf32, #tpu.memory_space<hbm>>
      tpu.wait_dma2 semaphore(%arg18 : memref<!tpu.dma_semaphore, #tpu.memory_space<semaphore_mem>>) src(%dma_wait3A_47 : memref<40x160xf32, #tpu.memory_space<hbm>>) dst(%arg9 : memref<40x160xf32, #tpu.memory_space<vmem>>)
      %dma_wait3A_48 = arith.constant 0 : i32
      %dma_wait3A_49 = arith.constant 0 : i32
      %dma_wait3A_50 = tpu.memref_slice %arg2[%dma_wait3A_48, %dma_wait3A_49] : memref<20480x160xf32, #tpu.memory_space<hbm>> -> memref<40x160xf32, #tpu.memory_space<hbm>>
      %dma_wait3A_51 = arith.constant 0 : i32
      %dma_wait3A_52 = arith.constant 0 : i32
      %dma_wait3A_53 = tpu.memref_slice %arg2[%dma_wait3A_51, %dma_wait3A_52] : memref<20480x160xf32, #tpu.memory_space<hbm>> -> memref<40x160xf32, #tpu.memory_space<hbm>>
      tpu.wait_dma2 semaphore(%arg19 : memref<!tpu.dma_semaphore, #tpu.memory_space<semaphore_mem>>) src(%dma_wait3A_53 : memref<40x160xf32, #tpu.memory_space<hbm>>) dst(%arg10 : memref<40x160xf32, #tpu.memory_space<vmem>>)
      %dma_wait3A_54 = arith.constant 0 : i32
      %dma_wait3A_55 = arith.constant 0 : i32
      %dma_wait3A_56 = tpu.memref_slice %arg2[%dma_wait3A_54, %dma_wait3A_55] : memref<20480x160xf32, #tpu.memory_space<hbm>> -> memref<40x160xf32, #tpu.memory_space<hbm>>
      %dma_wait3A_57 = arith.constant 0 : i32
      %dma_wait3A_58 = arith.constant 0 : i32
      %dma_wait3A_59 = tpu.memref_slice %arg2[%dma_wait3A_57, %dma_wait3A_58] : memref<20480x160xf32, #tpu.memory_space<hbm>> -> memref<40x160xf32, #tpu.memory_space<hbm>>
      tpu.wait_dma2 semaphore(%arg20 : memref<!tpu.dma_semaphore, #tpu.memory_space<semaphore_mem>>) src(%dma_wait3A_59 : memref<40x160xf32, #tpu.memory_space<hbm>>) dst(%arg11 : memref<40x160xf32, #tpu.memory_space<vmem>>)
      %dma_wait3A_60 = arith.constant 0 : i32
      %dma_wait3A_61 = arith.constant 0 : i32
      %dma_wait3A_62 = tpu.memref_slice %arg2[%dma_wait3A_60, %dma_wait3A_61] : memref<20480x160xf32, #tpu.memory_space<hbm>> -> memref<40x160xf32, #tpu.memory_space<hbm>>
      %dma_wait3A_63 = arith.constant 0 : i32
      %dma_wait3A_64 = arith.constant 0 : i32
      %dma_wait3A_65 = tpu.memref_slice %arg2[%dma_wait3A_63, %dma_wait3A_64] : memref<20480x160xf32, #tpu.memory_space<hbm>> -> memref<40x160xf32, #tpu.memory_space<hbm>>
      tpu.wait_dma2 semaphore(%arg21 : memref<!tpu.dma_semaphore, #tpu.memory_space<semaphore_mem>>) src(%dma_wait3A_65 : memref<40x160xf32, #tpu.memory_space<hbm>>) dst(%arg12 : memref<40x160xf32, #tpu.memory_space<vmem>>)
    }
    %scan3A_4 = arith.constant 8 : i32
    %barrier3A_5 = arith.constant 0 : index
    tpu.barrier barrier_id(%barrier3A_5)
    %mul3A_6 = arith.constant 640 : i32
    %mul3A_7 = arith.muli %arg1, %mul3A_6 : i32
    %mul3A_8 = arith.constant 640 : i32
    %mul3A_9 = arith.muli %arg1, %mul3A_8 : i32
    "tpu.region"() ({
      %run_scoped3A = tpu.sem_alloc : memref<!tpu.dma_semaphore, #tpu.memory_space<semaphore_mem>>
      %dma_start3A = arith.constant 0 : i32
      %dma_start3A_10 = tpu.memref_slice %arg6[%arg0, %mul3A_9, %dma_start3A] : memref<2x10240x160xf32, #tpu.memory_space<hbm>> -> memref<1x640x160xf32, #tpu.memory_space<hbm>>
      %dma_start3A_11 = tpu.memref_squeeze %dma_start3A_10 : memref<1x640x160xf32, #tpu.memory_space<hbm>> -> memref<640x160xf32, #tpu.memory_space<hbm>>
      %dma_start3A_12 = arith.constant 0 : i32
      %dma_start3A_13 = tpu.memref_slice %arg13[%mul3A_7, %dma_start3A_12] : memref<10240x160xf32, #tpu.memory_space<vmem_shared>> -> memref<640x160xf32, #tpu.memory_space<vmem_shared>>
      tpu.enqueue_dma source(%dma_start3A_13 : memref<640x160xf32, #tpu.memory_space<vmem_shared>>) target(%dma_start3A_11 : memref<640x160xf32, #tpu.memory_space<hbm>>) target_semaphore(%run_scoped3A : memref<!tpu.dma_semaphore, #tpu.memory_space<semaphore_mem>>)
      %dma_wait3A = arith.constant 0 : i32
      %dma_wait3A_14 = tpu.memref_slice %arg6[%arg0, %mul3A_9, %dma_wait3A] : memref<2x10240x160xf32, #tpu.memory_space<hbm>> -> memref<1x640x160xf32, #tpu.memory_space<hbm>>
      %dma_wait3A_15 = tpu.memref_squeeze %dma_wait3A_14 : memref<1x640x160xf32, #tpu.memory_space<hbm>> -> memref<640x160xf32, #tpu.memory_space<hbm>>
      %dma_wait3A_16 = arith.constant 0 : i32
      %dma_wait3A_17 = tpu.memref_slice %arg13[%mul3A_7, %dma_wait3A_16] : memref<10240x160xf32, #tpu.memory_space<vmem_shared>> -> memref<640x160xf32, #tpu.memory_space<vmem_shared>>
      tpu.wait_dma2 semaphore(%run_scoped3A : memref<!tpu.dma_semaphore, #tpu.memory_space<semaphore_mem>>) src(%dma_wait3A_17 : memref<640x160xf32, #tpu.memory_space<vmem_shared>>) dst(%dma_wait3A_15 : memref<640x160xf32, #tpu.memory_space<hbm>>)
      tpu.yield
    }) : () -> ()
    return
  }
}

#map = affine_map<(d0, d1) -> (0, 0)>
#map1 = affine_map<(d0, d1) -> (0, 0, 0, 0)>
#map2 = affine_map<(d0, d1) -> (0, 0, 0)>
module attributes {stable_mosaic.version = 14 : i64} {
  func.func @_agg_kernel(%arg0: i32, %arg1: i32, %arg2: memref<20480x160xf32, #tpu.memory_space<hbm>>, %arg3: memref<2x16x256x40xi32, #tpu.memory_space<hbm>>, %arg4: memref<16x256x40xi32, #tpu.memory_space<hbm>>, %arg5: memref<640x160xf32, #tpu.memory_space<hbm>>, %arg6: memref<2x10240x160xf32, #tpu.memory_space<hbm>>, %arg7: memref<32x40xi32, #tpu.memory_space<vmem>>, %arg8: memref<32x40xi32, #tpu.memory_space<vmem>>, %arg9: memref<40x160xf32, #tpu.memory_space<vmem>>, %arg10: memref<40x160xf32, #tpu.memory_space<vmem>>, %arg11: memref<40x160xf32, #tpu.memory_space<vmem>>, %arg12: memref<40x160xf32, #tpu.memory_space<vmem>>, %arg13: memref<10240x160xf32, #tpu.memory_space<vmem_shared>>, %arg14: memref<!tpu.dma_semaphore, #tpu.memory_space<semaphore_mem>>, %arg15: memref<!tpu.dma_semaphore, #tpu.memory_space<semaphore_mem>>, %arg16: memref<!tpu.dma_semaphore, #tpu.memory_space<semaphore_mem>>, %arg17: memref<!tpu.dma_semaphore, #tpu.memory_space<semaphore_mem>>, %arg18: memref<!tpu.dma_semaphore, #tpu.memory_space<semaphore_mem>>, %arg19: memref<!tpu.dma_semaphore, #tpu.memory_space<semaphore_mem>>, %arg20: memref<!tpu.dma_semaphore, #tpu.memory_space<semaphore_mem>>, %arg21: memref<!tpu.dma_semaphore, #tpu.memory_space<semaphore_mem>>) attributes {dimension_semantics = [#tpu.dimension_semantics<core_parallel>, #tpu.dimension_semantics<subcore_parallel>], iteration_bounds = array<i64: 2, 16>, scalar_prefetch = 0 : i64, scratch_operands = 15 : i64, tpu.core_type = #tpu.core_type<sc_vector_subcore>, window_params = [{transform_indices = #map}, {transform_indices = #map1}, {transform_indices = #map2}, {transform_indices = #map}, {transform_indices = #map2}]} {
    %mul3A = arith.constant 640 : i32
    %mul3A_0 = arith.muli %arg1, %mul3A : i32
    "tpu.region"() ({
      %run_scoped3A = tpu.sem_alloc : memref<!tpu.dma_semaphore, #tpu.memory_space<semaphore_mem>>
      %dma_start3A = arith.constant 0 : i32
      %dma_start3A_10 = tpu.memref_slice %arg13[%mul3A_0, %dma_start3A] : memref<10240x160xf32, #tpu.memory_space<vmem_shared>> -> memref<640x160xf32, #tpu.memory_space<vmem_shared>>
      tpu.enqueue_dma source(%arg5 : memref<640x160xf32, #tpu.memory_space<hbm>>) target(%dma_start3A_10 : memref<640x160xf32, #tpu.memory_space<vmem_shared>>) target_semaphore(%run_scoped3A : memref<!tpu.dma_semaphore, #tpu.memory_space<semaphore_mem>>)
      %dma_wait3A = arith.constant 0 : i32
      %dma_wait3A_11 = tpu.memref_slice %arg13[%mul3A_0, %dma_wait3A] : memref<10240x160xf32, #tpu.memory_space<vmem_shared>> -> memref<640x160xf32, #tpu.memory_space<vmem_shared>>
      tpu.wait_dma2 semaphore(%run_scoped3A : memref<!tpu.dma_semaphore, #tpu.memory_space<semaphore_mem>>) src(%arg5 : memref<640x160xf32, #tpu.memory_space<hbm>>) dst(%dma_wait3A_11 : memref<640x160xf32, #tpu.memory_space<vmem_shared>>)
      tpu.yield
    }) : () -> ()
    %barrier3A = arith.constant 0 : index
    tpu.barrier barrier_id(%barrier3A)
    %scan3A = arith.constant 0 : i32
    %scan3A_1 = arith.constant 8 : i32
    %scan3A_2 = arith.addi %scan3A, %scan3A_1 : i32
    %scan3A_3 = arith.constant 1 : i32
    scf.for %scan3A_10 = %scan3A to %scan3A_2 step %scan3A_3  : i32 {
      %mul3A_11 = arith.constant 1 : i32
      %mul3A_12 = arith.muli %scan3A_10, %mul3A_11 : i32
      %add3A = arith.constant 0 : i32
      %add3A_13 = arith.addi %add3A, %mul3A_12 : i32
      %mul3A_14 = arith.constant 32 : i32
      %mul3A_15 = arith.muli %add3A_13, %mul3A_14 : i32
      "tpu.region"() ({
        %run_scoped3A = tpu.sem_alloc : memref<!tpu.dma_semaphore, #tpu.memory_space<semaphore_mem>>
        %dma_start3A_66 = arith.constant 0 : i32
        %dma_start3A_67 = tpu.memref_slice %arg3[%arg0, %arg1, %mul3A_15, %dma_start3A_66] : memref<2x16x256x40xi32, #tpu.memory_space<hbm>> -> memref<1x1x32x40xi32, #tpu.memory_space<hbm>>
        %dma_start3A_68 = tpu.memref_squeeze %dma_start3A_67 : memref<1x1x32x40xi32, #tpu.memory_space<hbm>> -> memref<32x40xi32, #tpu.memory_space<hbm>>
        %dma_start3A_69 = arith.constant 0 : i32
        %dma_start3A_70 = tpu.memref_slice %arg3[%arg0, %arg1, %mul3A_15, %dma_start3A_69] : memref<2x16x256x40xi32, #tpu.memory_space<hbm>> -> memref<1x1x32x40xi32, #tpu.memory_space<hbm>>
        %dma_start3A_71 = tpu.memref_squeeze %dma_start3A_70 : memref<1x1x32x40xi32, #tpu.memory_space<hbm>> -> memref<32x40xi32, #tpu.memory_space<hbm>>
        tpu.enqueue_dma source(%dma_start3A_71 : memref<32x40xi32, #tpu.memory_space<hbm>>) target(%arg7 : memref<32x40xi32, #tpu.memory_space<vmem>>) target_semaphore(%run_scoped3A : memref<!tpu.dma_semaphore, #tpu.memory_space<semaphore_mem>>)
        %dma_wait3A_72 = arith.constant 0 : i32
        %dma_wait3A_73 = tpu.memref_slice %arg3[%arg0, %arg1, %mul3A_15, %dma_wait3A_72] : memref<2x16x256x40xi32, #tpu.memory_space<hbm>> -> memref<1x1x32x40xi32, #tpu.memory_space<hbm>>
        %dma_wait3A_74 = tpu.memref_squeeze %dma_wait3A_73 : memref<1x1x32x40xi32, #tpu.memory_space<hbm>> -> memref<32x40xi32, #tpu.memory_space<hbm>>
        %dma_wait3A_75 = arith.constant 0 : i32
        %dma_wait3A_76 = tpu.memref_slice %arg3[%arg0, %arg1, %mul3A_15, %dma_wait3A_75] : memref<2x16x256x40xi32, #tpu.memory_space<hbm>> -> memref<1x1x32x40xi32, #tpu.memory_space<hbm>>
        %dma_wait3A_77 = tpu.memref_squeeze %dma_wait3A_76 : memref<1x1x32x40xi32, #tpu.memory_space<hbm>> -> memref<32x40xi32, #tpu.memory_space<hbm>>
        tpu.wait_dma2 semaphore(%run_scoped3A : memref<!tpu.dma_semaphore, #tpu.memory_space<semaphore_mem>>) src(%dma_wait3A_77 : memref<32x40xi32, #tpu.memory_space<hbm>>) dst(%arg7 : memref<32x40xi32, #tpu.memory_space<vmem>>)
        tpu.yield
      }) : () -> ()
      %mul3A_16 = arith.constant 32 : i32
      %mul3A_17 = arith.muli %add3A_13, %mul3A_16 : i32
      "tpu.region"() ({
        %run_scoped3A = tpu.sem_alloc : memref<!tpu.dma_semaphore, #tpu.memory_space<semaphore_mem>>
        %dma_start3A_66 = arith.constant 0 : i32
        %dma_start3A_67 = tpu.memref_slice %arg4[%arg1, %mul3A_17, %dma_start3A_66] : memref<16x256x40xi32, #tpu.memory_space<hbm>> -> memref<1x32x40xi32, #tpu.memory_space<hbm>>
        %dma_start3A_68 = tpu.memref_squeeze %dma_start3A_67 : memref<1x32x40xi32, #tpu.memory_space<hbm>> -> memref<32x40xi32, #tpu.memory_space<hbm>>
        %dma_start3A_69 = arith.constant 0 : i32
        %dma_start3A_70 = tpu.memref_slice %arg4[%arg1, %mul3A_17, %dma_start3A_69] : memref<16x256x40xi32, #tpu.memory_space<hbm>> -> memref<1x32x40xi32, #tpu.memory_space<hbm>>
        %dma_start3A_71 = tpu.memref_squeeze %dma_start3A_70 : memref<1x32x40xi32, #tpu.memory_space<hbm>> -> memref<32x40xi32, #tpu.memory_space<hbm>>
        tpu.enqueue_dma source(%dma_start3A_71 : memref<32x40xi32, #tpu.memory_space<hbm>>) target(%arg8 : memref<32x40xi32, #tpu.memory_space<vmem>>) target_semaphore(%run_scoped3A : memref<!tpu.dma_semaphore, #tpu.memory_space<semaphore_mem>>)
        %dma_wait3A_72 = arith.constant 0 : i32
        %dma_wait3A_73 = tpu.memref_slice %arg4[%arg1, %mul3A_17, %dma_wait3A_72] : memref<16x256x40xi32, #tpu.memory_space<hbm>> -> memref<1x32x40xi32, #tpu.memory_space<hbm>>
        %dma_wait3A_74 = tpu.memref_squeeze %dma_wait3A_73 : memref<1x32x40xi32, #tpu.memory_space<hbm>> -> memref<32x40xi32, #tpu.memory_space<hbm>>
        %dma_wait3A_75 = arith.constant 0 : i32
        %dma_wait3A_76 = tpu.memref_slice %arg4[%arg1, %mul3A_17, %dma_wait3A_75] : memref<16x256x40xi32, #tpu.memory_space<hbm>> -> memref<1x32x40xi32, #tpu.memory_space<hbm>>
        %dma_wait3A_77 = tpu.memref_squeeze %dma_wait3A_76 : memref<1x32x40xi32, #tpu.memory_space<hbm>> -> memref<32x40xi32, #tpu.memory_space<hbm>>
        tpu.wait_dma2 semaphore(%run_scoped3A : memref<!tpu.dma_semaphore, #tpu.memory_space<semaphore_mem>>) src(%dma_wait3A_77 : memref<32x40xi32, #tpu.memory_space<hbm>>) dst(%arg8 : memref<32x40xi32, #tpu.memory_space<vmem>>)
        tpu.yield
      }) : () -> ()
      %dma_start3A = arith.constant 0 : i32
      %dma_start3A_18 = arith.constant 0 : i32
      %dma_start3A_19 = tpu.memref_slice %arg7[%dma_start3A, %dma_start3A_18] : memref<32x40xi32, #tpu.memory_space<vmem>> -> memref<1x40xi32, #tpu.memory_space<vmem>>
      %dma_start3A_20 = tpu.memref_squeeze %dma_start3A_19 : memref<1x40xi32, #tpu.memory_space<vmem>> -> memref<40xi32, #tpu.memory_space<vmem>>
      %dma_start3A_21 = arith.constant 0 : i32
      %dma_start3A_22 = arith.constant 0 : i32
      %dma_start3A_23 = tpu.memref_slice %arg2[%dma_start3A_21, %dma_start3A_22] : memref<20480x160xf32, #tpu.memory_space<hbm>> -> memref<20480x160xf32, #tpu.memory_space<hbm>>
      tpu.enqueue_indirect_dma source(%dma_start3A_23 : memref<20480x160xf32, #tpu.memory_space<hbm>>) target(%arg9 : memref<40x160xf32, #tpu.memory_space<vmem>>) offsets(%dma_start3A_20 : memref<40xi32, #tpu.memory_space<vmem>>) semaphore(%arg14 : memref<!tpu.dma_semaphore, #tpu.memory_space<semaphore_mem>>)
      %dma_start3A_24 = arith.constant 1 : i32
      %dma_start3A_25 = arith.constant 0 : i32
      %dma_start3A_26 = tpu.memref_slice %arg7[%dma_start3A_24, %dma_start3A_25] : memref<32x40xi32, #tpu.memory_space<vmem>> -> memref<1x40xi32, #tpu.memory_space<vmem>>
      %dma_start3A_27 = tpu.memref_squeeze %dma_start3A_26 : memref<1x40xi32, #tpu.memory_space<vmem>> -> memref<40xi32, #tpu.memory_space<vmem>>
      %dma_start3A_28 = arith.constant 0 : i32
      %dma_start3A_29 = arith.constant 0 : i32
      %dma_start3A_30 = tpu.memref_slice %arg2[%dma_start3A_28, %dma_start3A_29] : memref<20480x160xf32, #tpu.memory_space<hbm>> -> memref<20480x160xf32, #tpu.memory_space<hbm>>
      tpu.enqueue_indirect_dma source(%dma_start3A_30 : memref<20480x160xf32, #tpu.memory_space<hbm>>) target(%arg10 : memref<40x160xf32, #tpu.memory_space<vmem>>) offsets(%dma_start3A_27 : memref<40xi32, #tpu.memory_space<vmem>>) semaphore(%arg15 : memref<!tpu.dma_semaphore, #tpu.memory_space<semaphore_mem>>)
      %dma_start3A_31 = arith.constant 2 : i32
      %dma_start3A_32 = arith.constant 0 : i32
      %dma_start3A_33 = tpu.memref_slice %arg7[%dma_start3A_31, %dma_start3A_32] : memref<32x40xi32, #tpu.memory_space<vmem>> -> memref<1x40xi32, #tpu.memory_space<vmem>>
      %dma_start3A_34 = tpu.memref_squeeze %dma_start3A_33 : memref<1x40xi32, #tpu.memory_space<vmem>> -> memref<40xi32, #tpu.memory_space<vmem>>
      %dma_start3A_35 = arith.constant 0 : i32
      %dma_start3A_36 = arith.constant 0 : i32
      %dma_start3A_37 = tpu.memref_slice %arg2[%dma_start3A_35, %dma_start3A_36] : memref<20480x160xf32, #tpu.memory_space<hbm>> -> memref<20480x160xf32, #tpu.memory_space<hbm>>
      tpu.enqueue_indirect_dma source(%dma_start3A_37 : memref<20480x160xf32, #tpu.memory_space<hbm>>) target(%arg11 : memref<40x160xf32, #tpu.memory_space<vmem>>) offsets(%dma_start3A_34 : memref<40xi32, #tpu.memory_space<vmem>>) semaphore(%arg16 : memref<!tpu.dma_semaphore, #tpu.memory_space<semaphore_mem>>)
      %scan3A_38 = arith.constant 0 : i32
      %scan3A_39 = arith.constant 8 : i32
      %scan3A_40 = arith.addi %scan3A_38, %scan3A_39 : i32
      %scan3A_41 = arith.constant 1 : i32
      scf.for %scan3A_66 = %scan3A_38 to %scan3A_40 step %scan3A_41  : i32 {
        %mul3A_67 = arith.constant 1 : i32
        %mul3A_68 = arith.muli %scan3A_66, %mul3A_67 : i32
        %add3A_69 = arith.constant 0 : i32
        %add3A_70 = arith.addi %add3A_69, %mul3A_68 : i32
        %mul3A_71 = arith.constant 4 : i32
        %mul3A_72 = arith.muli %add3A_70, %mul3A_71 : i32
        %add3A_73 = arith.constant 0 : i32
        %add3A_74 = arith.addi %mul3A_72, %add3A_73 : i32
        %dma_wait3A_75 = arith.constant 0 : i32
        %dma_wait3A_76 = arith.constant 0 : i32
        %dma_wait3A_77 = tpu.memref_slice %arg2[%dma_wait3A_75, %dma_wait3A_76] : memref<20480x160xf32, #tpu.memory_space<hbm>> -> memref<40x160xf32, #tpu.memory_space<hbm>>
        %dma_wait3A_78 = arith.constant 0 : i32
        %dma_wait3A_79 = arith.constant 0 : i32
        %dma_wait3A_80 = tpu.memref_slice %arg2[%dma_wait3A_78, %dma_wait3A_79] : memref<20480x160xf32, #tpu.memory_space<hbm>> -> memref<40x160xf32, #tpu.memory_space<hbm>>
        tpu.wait_dma2 semaphore(%arg14 : memref<!tpu.dma_semaphore, #tpu.memory_space<semaphore_mem>>) src(%dma_wait3A_80 : memref<40x160xf32, #tpu.memory_space<hbm>>) dst(%arg9 : memref<40x160xf32, #tpu.memory_space<vmem>>)
        %dma_start3A_81 = arith.constant 0 : i32
        %dma_start3A_82 = tpu.memref_slice %arg8[%add3A_74, %dma_start3A_81] : memref<32x40xi32, #tpu.memory_space<vmem>> -> memref<1x40xi32, #tpu.memory_space<vmem>>
        %dma_start3A_83 = tpu.memref_squeeze %dma_start3A_82 : memref<1x40xi32, #tpu.memory_space<vmem>> -> memref<40xi32, #tpu.memory_space<vmem>>
        %dma_start3A_84 = arith.constant 0 : i32
        %dma_start3A_85 = arith.constant 0 : i32
        %dma_start3A_86 = tpu.memref_slice %arg13[%dma_start3A_84, %dma_start3A_85] : memref<10240x160xf32, #tpu.memory_space<vmem_shared>> -> memref<10240x160xf32, #tpu.memory_space<vmem_shared>>
        tpu.enqueue_indirect_dma source(%arg9 : memref<40x160xf32, #tpu.memory_space<vmem>>) target(%dma_start3A_86 : memref<10240x160xf32, #tpu.memory_space<vmem_shared>>) offsets(%dma_start3A_83 : memref<40xi32, #tpu.memory_space<vmem>>) semaphore(%arg18 : memref<!tpu.dma_semaphore, #tpu.memory_space<semaphore_mem>>) {add = true}
        %eq3A = arith.constant 0 : i32
        %eq3A_87 = arith.cmpi eq, %add3A_70, %eq3A : i32
        %convert_element_type3A = arith.extui %eq3A_87 : i1 to i32
        %cond3A = arith.constant 0 : i32
        %cond3A_88 = arith.cmpi ne, %convert_element_type3A, %cond3A : i32
        scf.if %cond3A_88 {
          %add3A_155 = arith.constant 3 : i32
          %add3A_156 = arith.addi %add3A_74, %add3A_155 : i32
          %dma_start3A_157 = arith.constant 0 : i32
          %dma_start3A_158 = tpu.memref_slice %arg7[%add3A_156, %dma_start3A_157] : memref<32x40xi32, #tpu.memory_space<vmem>> -> memref<1x40xi32, #tpu.memory_space<vmem>>
          %dma_start3A_159 = tpu.memref_squeeze %dma_start3A_158 : memref<1x40xi32, #tpu.memory_space<vmem>> -> memref<40xi32, #tpu.memory_space<vmem>>
          %dma_start3A_160 = arith.constant 0 : i32
          %dma_start3A_161 = arith.constant 0 : i32
          %dma_start3A_162 = tpu.memref_slice %arg2[%dma_start3A_160, %dma_start3A_161] : memref<20480x160xf32, #tpu.memory_space<hbm>> -> memref<20480x160xf32, #tpu.memory_space<hbm>>
          tpu.enqueue_indirect_dma source(%dma_start3A_162 : memref<20480x160xf32, #tpu.memory_space<hbm>>) target(%arg12 : memref<40x160xf32, #tpu.memory_space<vmem>>) offsets(%dma_start3A_159 : memref<40xi32, #tpu.memory_space<vmem>>) semaphore(%arg17 : memref<!tpu.dma_semaphore, #tpu.memory_space<semaphore_mem>>)
        } else {
        }
        %gt3A = arith.constant 0 : i32
        %gt3A_89 = arith.cmpi sgt, %add3A_70, %gt3A : i32
        %convert_element_type3A_90 = arith.extui %gt3A_89 : i1 to i32
        %cond3A_91 = arith.constant 0 : i32
        %cond3A_92 = arith.cmpi ne, %convert_element_type3A_90, %cond3A_91 : i32
        scf.if %cond3A_92 {
          %dma_wait3A_155 = arith.constant 0 : i32
          %dma_wait3A_156 = arith.constant 0 : i32
          %dma_wait3A_157 = tpu.memref_slice %arg2[%dma_wait3A_155, %dma_wait3A_156] : memref<20480x160xf32, #tpu.memory_space<hbm>> -> memref<40x160xf32, #tpu.memory_space<hbm>>
          %dma_wait3A_158 = arith.constant 0 : i32
          %dma_wait3A_159 = arith.constant 0 : i32
          %dma_wait3A_160 = tpu.memref_slice %arg2[%dma_wait3A_158, %dma_wait3A_159] : memref<20480x160xf32, #tpu.memory_space<hbm>> -> memref<40x160xf32, #tpu.memory_space<hbm>>
          tpu.wait_dma2 semaphore(%arg21 : memref<!tpu.dma_semaphore, #tpu.memory_space<semaphore_mem>>) src(%dma_wait3A_160 : memref<40x160xf32, #tpu.memory_space<hbm>>) dst(%arg12 : memref<40x160xf32, #tpu.memory_space<vmem>>)
          %add3A_161 = arith.constant 3 : i32
          %add3A_162 = arith.addi %add3A_74, %add3A_161 : i32
          %dma_start3A_163 = arith.constant 0 : i32
          %dma_start3A_164 = tpu.memref_slice %arg7[%add3A_162, %dma_start3A_163] : memref<32x40xi32, #tpu.memory_space<vmem>> -> memref<1x40xi32, #tpu.memory_space<vmem>>
          %dma_start3A_165 = tpu.memref_squeeze %dma_start3A_164 : memref<1x40xi32, #tpu.memory_space<vmem>> -> memref<40xi32, #tpu.memory_space<vmem>>
          %dma_start3A_166 = arith.constant 0 : i32
          %dma_start3A_167 = arith.constant 0 : i32
          %dma_start3A_168 = tpu.memref_slice %arg2[%dma_start3A_166, %dma_start3A_167] : memref<20480x160xf32, #tpu.memory_space<hbm>> -> memref<20480x160xf32, #tpu.memory_space<hbm>>
          tpu.enqueue_indirect_dma source(%dma_start3A_168 : memref<20480x160xf32, #tpu.memory_space<hbm>>) target(%arg12 : memref<40x160xf32, #tpu.memory_space<vmem>>) offsets(%dma_start3A_165 : memref<40xi32, #tpu.memory_space<vmem>>) semaphore(%arg17 : memref<!tpu.dma_semaphore, #tpu.memory_space<semaphore_mem>>)
        } else {
        }
        %mul3A_93 = arith.constant 4 : i32
        %mul3A_94 = arith.muli %add3A_70, %mul3A_93 : i32
        %add3A_95 = arith.constant 1 : i32
        %add3A_96 = arith.addi %mul3A_94, %add3A_95 : i32
        %dma_wait3A_97 = arith.constant 0 : i32
        %dma_wait3A_98 = arith.constant 0 : i32
        %dma_wait3A_99 = tpu.memref_slice %arg2[%dma_wait3A_97, %dma_wait3A_98] : memref<20480x160xf32, #tpu.memory_space<hbm>> -> memref<40x160xf32, #tpu.memory_space<hbm>>
        %dma_wait3A_100 = arith.constant 0 : i32
        %dma_wait3A_101 = arith.constant 0 : i32
        %dma_wait3A_102 = tpu.memref_slice %arg2[%dma_wait3A_100, %dma_wait3A_101] : memref<20480x160xf32, #tpu.memory_space<hbm>> -> memref<40x160xf32, #tpu.memory_space<hbm>>
        tpu.wait_dma2 semaphore(%arg15 : memref<!tpu.dma_semaphore, #tpu.memory_space<semaphore_mem>>) src(%dma_wait3A_102 : memref<40x160xf32, #tpu.memory_space<hbm>>) dst(%arg10 : memref<40x160xf32, #tpu.memory_space<vmem>>)
        %dma_start3A_103 = arith.constant 0 : i32
        %dma_start3A_104 = tpu.memref_slice %arg8[%add3A_96, %dma_start3A_103] : memref<32x40xi32, #tpu.memory_space<vmem>> -> memref<1x40xi32, #tpu.memory_space<vmem>>
        %dma_start3A_105 = tpu.memref_squeeze %dma_start3A_104 : memref<1x40xi32, #tpu.memory_space<vmem>> -> memref<40xi32, #tpu.memory_space<vmem>>
        %dma_start3A_106 = arith.constant 0 : i32
        %dma_start3A_107 = arith.constant 0 : i32
        %dma_start3A_108 = tpu.memref_slice %arg13[%dma_start3A_106, %dma_start3A_107] : memref<10240x160xf32, #tpu.memory_space<vmem_shared>> -> memref<10240x160xf32, #tpu.memory_space<vmem_shared>>
        tpu.enqueue_indirect_dma source(%arg10 : memref<40x160xf32, #tpu.memory_space<vmem>>) target(%dma_start3A_108 : memref<10240x160xf32, #tpu.memory_space<vmem_shared>>) offsets(%dma_start3A_105 : memref<40xi32, #tpu.memory_space<vmem>>) semaphore(%arg19 : memref<!tpu.dma_semaphore, #tpu.memory_space<semaphore_mem>>) {add = true}
        %lt3A = arith.constant 7 : i32
        %lt3A_109 = arith.cmpi slt, %add3A_70, %lt3A : i32
        %convert_element_type3A_110 = arith.extui %lt3A_109 : i1 to i32
        %cond3A_111 = arith.constant 0 : i32
        %cond3A_112 = arith.cmpi ne, %convert_element_type3A_110, %cond3A_111 : i32
        scf.if %cond3A_112 {
          %dma_wait3A_155 = arith.constant 0 : i32
          %dma_wait3A_156 = arith.constant 0 : i32
          %dma_wait3A_157 = tpu.memref_slice %arg2[%dma_wait3A_155, %dma_wait3A_156] : memref<20480x160xf32, #tpu.memory_space<hbm>> -> memref<40x160xf32, #tpu.memory_space<hbm>>
          %dma_wait3A_158 = arith.constant 0 : i32
          %dma_wait3A_159 = arith.constant 0 : i32
          %dma_wait3A_160 = tpu.memref_slice %arg2[%dma_wait3A_158, %dma_wait3A_159] : memref<20480x160xf32, #tpu.memory_space<hbm>> -> memref<40x160xf32, #tpu.memory_space<hbm>>
          tpu.wait_dma2 semaphore(%arg18 : memref<!tpu.dma_semaphore, #tpu.memory_space<semaphore_mem>>) src(%dma_wait3A_160 : memref<40x160xf32, #tpu.memory_space<hbm>>) dst(%arg9 : memref<40x160xf32, #tpu.memory_space<vmem>>)
          %add3A_161 = arith.constant 3 : i32
          %add3A_162 = arith.addi %add3A_96, %add3A_161 : i32
          %dma_start3A_163 = arith.constant 0 : i32
          %dma_start3A_164 = tpu.memref_slice %arg7[%add3A_162, %dma_start3A_163] : memref<32x40xi32, #tpu.memory_space<vmem>> -> memref<1x40xi32, #tpu.memory_space<vmem>>
          %dma_start3A_165 = tpu.memref_squeeze %dma_start3A_164 : memref<1x40xi32, #tpu.memory_space<vmem>> -> memref<40xi32, #tpu.memory_space<vmem>>
          %dma_start3A_166 = arith.constant 0 : i32
          %dma_start3A_167 = arith.constant 0 : i32
          %dma_start3A_168 = tpu.memref_slice %arg2[%dma_start3A_166, %dma_start3A_167] : memref<20480x160xf32, #tpu.memory_space<hbm>> -> memref<20480x160xf32, #tpu.memory_space<hbm>>
          tpu.enqueue_indirect_dma source(%dma_start3A_168 : memref<20480x160xf32, #tpu.memory_space<hbm>>) target(%arg9 : memref<40x160xf32, #tpu.memory_space<vmem>>) offsets(%dma_start3A_165 : memref<40xi32, #tpu.memory_space<vmem>>) semaphore(%arg14 : memref<!tpu.dma_semaphore, #tpu.memory_space<semaphore_mem>>)
        } else {
        }
        %mul3A_113 = arith.constant 4 : i32
        %mul3A_114 = arith.muli %add3A_70, %mul3A_113 : i32
        %add3A_115 = arith.constant 2 : i32
        %add3A_116 = arith.addi %mul3A_114, %add3A_115 : i32
        %dma_wait3A_117 = arith.constant 0 : i32
        %dma_wait3A_118 = arith.constant 0 : i32
        %dma_wait3A_119 = tpu.memref_slice %arg2[%dma_wait3A_117, %dma_wait3A_118] : memref<20480x160xf32, #tpu.memory_space<hbm>> -> memref<40x160xf32, #tpu.memory_space<hbm>>
        %dma_wait3A_120 = arith.constant 0 : i32
        %dma_wait3A_121 = arith.constant 0 : i32
        %dma_wait3A_122 = tpu.memref_slice %arg2[%dma_wait3A_120, %dma_wait3A_121] : memref<20480x160xf32, #tpu.memory_space<hbm>> -> memref<40x160xf32, #tpu.memory_space<hbm>>
        tpu.wait_dma2 semaphore(%arg16 : memref<!tpu.dma_semaphore, #tpu.memory_space<semaphore_mem>>) src(%dma_wait3A_122 : memref<40x160xf32, #tpu.memory_space<hbm>>) dst(%arg11 : memref<40x160xf32, #tpu.memory_space<vmem>>)
        %dma_start3A_123 = arith.constant 0 : i32
        %dma_start3A_124 = tpu.memref_slice %arg8[%add3A_116, %dma_start3A_123] : memref<32x40xi32, #tpu.memory_space<vmem>> -> memref<1x40xi32, #tpu.memory_space<vmem>>
        %dma_start3A_125 = tpu.memref_squeeze %dma_start3A_124 : memref<1x40xi32, #tpu.memory_space<vmem>> -> memref<40xi32, #tpu.memory_space<vmem>>
        %dma_start3A_126 = arith.constant 0 : i32
        %dma_start3A_127 = arith.constant 0 : i32
        %dma_start3A_128 = tpu.memref_slice %arg13[%dma_start3A_126, %dma_start3A_127] : memref<10240x160xf32, #tpu.memory_space<vmem_shared>> -> memref<10240x160xf32, #tpu.memory_space<vmem_shared>>
        tpu.enqueue_indirect_dma source(%arg11 : memref<40x160xf32, #tpu.memory_space<vmem>>) target(%dma_start3A_128 : memref<10240x160xf32, #tpu.memory_space<vmem_shared>>) offsets(%dma_start3A_125 : memref<40xi32, #tpu.memory_space<vmem>>) semaphore(%arg20 : memref<!tpu.dma_semaphore, #tpu.memory_space<semaphore_mem>>) {add = true}
        %lt3A_129 = arith.constant 7 : i32
        %lt3A_130 = arith.cmpi slt, %add3A_70, %lt3A_129 : i32
        %convert_element_type3A_131 = arith.extui %lt3A_130 : i1 to i32
        %cond3A_132 = arith.constant 0 : i32
        %cond3A_133 = arith.cmpi ne, %convert_element_type3A_131, %cond3A_132 : i32
        scf.if %cond3A_133 {
          %dma_wait3A_155 = arith.constant 0 : i32
          %dma_wait3A_156 = arith.constant 0 : i32
          %dma_wait3A_157 = tpu.memref_slice %arg2[%dma_wait3A_155, %dma_wait3A_156] : memref<20480x160xf32, #tpu.memory_space<hbm>> -> memref<40x160xf32, #tpu.memory_space<hbm>>
          %dma_wait3A_158 = arith.constant 0 : i32
          %dma_wait3A_159 = arith.constant 0 : i32
          %dma_wait3A_160 = tpu.memref_slice %arg2[%dma_wait3A_158, %dma_wait3A_159] : memref<20480x160xf32, #tpu.memory_space<hbm>> -> memref<40x160xf32, #tpu.memory_space<hbm>>
          tpu.wait_dma2 semaphore(%arg19 : memref<!tpu.dma_semaphore, #tpu.memory_space<semaphore_mem>>) src(%dma_wait3A_160 : memref<40x160xf32, #tpu.memory_space<hbm>>) dst(%arg10 : memref<40x160xf32, #tpu.memory_space<vmem>>)
          %add3A_161 = arith.constant 3 : i32
          %add3A_162 = arith.addi %add3A_116, %add3A_161 : i32
          %dma_start3A_163 = arith.constant 0 : i32
          %dma_start3A_164 = tpu.memref_slice %arg7[%add3A_162, %dma_start3A_163] : memref<32x40xi32, #tpu.memory_space<vmem>> -> memref<1x40xi32, #tpu.memory_space<vmem>>
          %dma_start3A_165 = tpu.memref_squeeze %dma_start3A_164 : memref<1x40xi32, #tpu.memory_space<vmem>> -> memref<40xi32, #tpu.memory_space<vmem>>
          %dma_start3A_166 = arith.constant 0 : i32
          %dma_start3A_167 = arith.constant 0 : i32
          %dma_start3A_168 = tpu.memref_slice %arg2[%dma_start3A_166, %dma_start3A_167] : memref<20480x160xf32, #tpu.memory_space<hbm>> -> memref<20480x160xf32, #tpu.memory_space<hbm>>
          tpu.enqueue_indirect_dma source(%dma_start3A_168 : memref<20480x160xf32, #tpu.memory_space<hbm>>) target(%arg10 : memref<40x160xf32, #tpu.memory_space<vmem>>) offsets(%dma_start3A_165 : memref<40xi32, #tpu.memory_space<vmem>>) semaphore(%arg15 : memref<!tpu.dma_semaphore, #tpu.memory_space<semaphore_mem>>)
        } else {
        }
        %mul3A_134 = arith.constant 4 : i32
        %mul3A_135 = arith.muli %add3A_70, %mul3A_134 : i32
        %add3A_136 = arith.constant 3 : i32
        %add3A_137 = arith.addi %mul3A_135, %add3A_136 : i32
        %dma_wait3A_138 = arith.constant 0 : i32
        %dma_wait3A_139 = arith.constant 0 : i32
        %dma_wait3A_140 = tpu.memref_slice %arg2[%dma_wait3A_138, %dma_wait3A_139] : memref<20480x160xf32, #tpu.memory_space<hbm>> -> memref<40x160xf32, #tpu.memory_space<hbm>>
        %dma_wait3A_141 = arith.constant 0 : i32
        %dma_wait3A_142 = arith.constant 0 : i32
        %dma_wait3A_143 = tpu.memref_slice %arg2[%dma_wait3A_141, %dma_wait3A_142] : memref<20480x160xf32, #tpu.memory_space<hbm>> -> memref<40x160xf32, #tpu.memory_space<hbm>>
        tpu.wait_dma2 semaphore(%arg17 : memref<!tpu.dma_semaphore, #tpu.memory_space<semaphore_mem>>) src(%dma_wait3A_143 : memref<40x160xf32, #tpu.memory_space<hbm>>) dst(%arg12 : memref<40x160xf32, #tpu.memory_space<vmem>>)
        %dma_start3A_144 = arith.constant 0 : i32
        %dma_start3A_145 = tpu.memref_slice %arg8[%add3A_137, %dma_start3A_144] : memref<32x40xi32, #tpu.memory_space<vmem>> -> memref<1x40xi32, #tpu.memory_space<vmem>>
        %dma_start3A_146 = tpu.memref_squeeze %dma_start3A_145 : memref<1x40xi32, #tpu.memory_space<vmem>> -> memref<40xi32, #tpu.memory_space<vmem>>
        %dma_start3A_147 = arith.constant 0 : i32
        %dma_start3A_148 = arith.constant 0 : i32
        %dma_start3A_149 = tpu.memref_slice %arg13[%dma_start3A_147, %dma_start3A_148] : memref<10240x160xf32, #tpu.memory_space<vmem_shared>> -> memref<10240x160xf32, #tpu.memory_space<vmem_shared>>
        tpu.enqueue_indirect_dma source(%arg12 : memref<40x160xf32, #tpu.memory_space<vmem>>) target(%dma_start3A_149 : memref<10240x160xf32, #tpu.memory_space<vmem_shared>>) offsets(%dma_start3A_146 : memref<40xi32, #tpu.memory_space<vmem>>) semaphore(%arg21 : memref<!tpu.dma_semaphore, #tpu.memory_space<semaphore_mem>>) {add = true}
        %lt3A_150 = arith.constant 7 : i32
        %lt3A_151 = arith.cmpi slt, %add3A_70, %lt3A_150 : i32
        %convert_element_type3A_152 = arith.extui %lt3A_151 : i1 to i32
        %cond3A_153 = arith.constant 0 : i32
        %cond3A_154 = arith.cmpi ne, %convert_element_type3A_152, %cond3A_153 : i32
        scf.if %cond3A_154 {
          %dma_wait3A_155 = arith.constant 0 : i32
          %dma_wait3A_156 = arith.constant 0 : i32
          %dma_wait3A_157 = tpu.memref_slice %arg2[%dma_wait3A_155, %dma_wait3A_156] : memref<20480x160xf32, #tpu.memory_space<hbm>> -> memref<40x160xf32, #tpu.memory_space<hbm>>
          %dma_wait3A_158 = arith.constant 0 : i32
          %dma_wait3A_159 = arith.constant 0 : i32
          %dma_wait3A_160 = tpu.memref_slice %arg2[%dma_wait3A_158, %dma_wait3A_159] : memref<20480x160xf32, #tpu.memory_space<hbm>> -> memref<40x160xf32, #tpu.memory_space<hbm>>
          tpu.wait_dma2 semaphore(%arg20 : memref<!tpu.dma_semaphore, #tpu.memory_space<semaphore_mem>>) src(%dma_wait3A_160 : memref<40x160xf32, #tpu.memory_space<hbm>>) dst(%arg11 : memref<40x160xf32, #tpu.memory_space<vmem>>)
          %add3A_161 = arith.constant 3 : i32
          %add3A_162 = arith.addi %add3A_137, %add3A_161 : i32
          %dma_start3A_163 = arith.constant 0 : i32
          %dma_start3A_164 = tpu.memref_slice %arg7[%add3A_162, %dma_start3A_163] : memref<32x40xi32, #tpu.memory_space<vmem>> -> memref<1x40xi32, #tpu.memory_space<vmem>>
          %dma_start3A_165 = tpu.memref_squeeze %dma_start3A_164 : memref<1x40xi32, #tpu.memory_space<vmem>> -> memref<40xi32, #tpu.memory_space<vmem>>
          %dma_start3A_166 = arith.constant 0 : i32
          %dma_start3A_167 = arith.constant 0 : i32
          %dma_start3A_168 = tpu.memref_slice %arg2[%dma_start3A_166, %dma_start3A_167] : memref<20480x160xf32, #tpu.memory_space<hbm>> -> memref<20480x160xf32, #tpu.memory_space<hbm>>
          tpu.enqueue_indirect_dma source(%dma_start3A_168 : memref<20480x160xf32, #tpu.memory_space<hbm>>) target(%arg11 : memref<40x160xf32, #tpu.memory_space<vmem>>) offsets(%dma_start3A_165 : memref<40xi32, #tpu.memory_space<vmem>>) semaphore(%arg16 : memref<!tpu.dma_semaphore, #tpu.memory_space<semaphore_mem>>)
        } else {
        }
      }
      %scan3A_42 = arith.constant 8 : i32
      %dma_wait3A = arith.constant 0 : i32
      %dma_wait3A_43 = arith.constant 0 : i32
      %dma_wait3A_44 = tpu.memref_slice %arg2[%dma_wait3A, %dma_wait3A_43] : memref<20480x160xf32, #tpu.memory_space<hbm>> -> memref<40x160xf32, #tpu.memory_space<hbm>>
      %dma_wait3A_45 = arith.constant 0 : i32
      %dma_wait3A_46 = arith.constant 0 : i32
      %dma_wait3A_47 = tpu.memref_slice %arg2[%dma_wait3A_45, %dma_wait3A_46] : memref<20480x160xf32, #tpu.memory_space<hbm>> -> memref<40x160xf32, #tpu.memory_space<hbm>>
      tpu.wait_dma2 semaphore(%arg18 : memref<!tpu.dma_semaphore, #tpu.memory_space<semaphore_mem>>) src(%dma_wait3A_47 : memref<40x160xf32, #tpu.memory_space<hbm>>) dst(%arg9 : memref<40x160xf32, #tpu.memory_space<vmem>>)
      %dma_wait3A_48 = arith.constant 0 : i32
      %dma_wait3A_49 = arith.constant 0 : i32
      %dma_wait3A_50 = tpu.memref_slice %arg2[%dma_wait3A_48, %dma_wait3A_49] : memref<20480x160xf32, #tpu.memory_space<hbm>> -> memref<40x160xf32, #tpu.memory_space<hbm>>
      %dma_wait3A_51 = arith.constant 0 : i32
      %dma_wait3A_52 = arith.constant 0 : i32
      %dma_wait3A_53 = tpu.memref_slice %arg2[%dma_wait3A_51, %dma_wait3A_52] : memref<20480x160xf32, #tpu.memory_space<hbm>> -> memref<40x160xf32, #tpu.memory_space<hbm>>
      tpu.wait_dma2 semaphore(%arg19 : memref<!tpu.dma_semaphore, #tpu.memory_space<semaphore_mem>>) src(%dma_wait3A_53 : memref<40x160xf32, #tpu.memory_space<hbm>>) dst(%arg10 : memref<40x160xf32, #tpu.memory_space<vmem>>)
      %dma_wait3A_54 = arith.constant 0 : i32
      %dma_wait3A_55 = arith.constant 0 : i32
      %dma_wait3A_56 = tpu.memref_slice %arg2[%dma_wait3A_54, %dma_wait3A_55] : memref<20480x160xf32, #tpu.memory_space<hbm>> -> memref<40x160xf32, #tpu.memory_space<hbm>>
      %dma_wait3A_57 = arith.constant 0 : i32
      %dma_wait3A_58 = arith.constant 0 : i32
      %dma_wait3A_59 = tpu.memref_slice %arg2[%dma_wait3A_57, %dma_wait3A_58] : memref<20480x160xf32, #tpu.memory_space<hbm>> -> memref<40x160xf32, #tpu.memory_space<hbm>>
      tpu.wait_dma2 semaphore(%arg20 : memref<!tpu.dma_semaphore, #tpu.memory_space<semaphore_mem>>) src(%dma_wait3A_59 : memref<40x160xf32, #tpu.memory_space<hbm>>) dst(%arg11 : memref<40x160xf32, #tpu.memory_space<vmem>>)
      %dma_wait3A_60 = arith.constant 0 : i32
      %dma_wait3A_61 = arith.constant 0 : i32
      %dma_wait3A_62 = tpu.memref_slice %arg2[%dma_wait3A_60, %dma_wait3A_61] : memref<20480x160xf32, #tpu.memory_space<hbm>> -> memref<40x160xf32, #tpu.memory_space<hbm>>
      %dma_wait3A_63 = arith.constant 0 : i32
      %dma_wait3A_64 = arith.constant 0 : i32
      %dma_wait3A_65 = tpu.memref_slice %arg2[%dma_wait3A_63, %dma_wait3A_64] : memref<20480x160xf32, #tpu.memory_space<hbm>> -> memref<40x160xf32, #tpu.memory_space<hbm>>
      tpu.wait_dma2 semaphore(%arg21 : memref<!tpu.dma_semaphore, #tpu.memory_space<semaphore_mem>>) src(%dma_wait3A_65 : memref<40x160xf32, #tpu.memory_space<hbm>>) dst(%arg12 : memref<40x160xf32, #tpu.memory_space<vmem>>)
    }
    %scan3A_4 = arith.constant 8 : i32
    %barrier3A_5 = arith.constant 0 : index
    tpu.barrier barrier_id(%barrier3A_5)
    %mul3A_6 = arith.constant 640 : i32
    %mul3A_7 = arith.muli %arg1, %mul3A_6 : i32
    %mul3A_8 = arith.constant 640 : i32
    %mul3A_9 = arith.muli %arg1, %mul3A_8 : i32
    "tpu.region"() ({
      %run_scoped3A = tpu.sem_alloc : memref<!tpu.dma_semaphore, #tpu.memory_space<semaphore_mem>>
      %dma_start3A = arith.constant 0 : i32
      %dma_start3A_10 = tpu.memref_slice %arg6[%arg0, %mul3A_9, %dma_start3A] : memref<2x10240x160xf32, #tpu.memory_space<hbm>> -> memref<1x640x160xf32, #tpu.memory_space<hbm>>
      %dma_start3A_11 = tpu.memref_squeeze %dma_start3A_10 : memref<1x640x160xf32, #tpu.memory_space<hbm>> -> memref<640x160xf32, #tpu.memory_space<hbm>>
      %dma_start3A_12 = arith.constant 0 : i32
      %dma_start3A_13 = tpu.memref_slice %arg13[%mul3A_7, %dma_start3A_12] : memref<10240x160xf32, #tpu.memory_space<vmem_shared>> -> memref<640x160xf32, #tpu.memory_space<vmem_shared>>
      tpu.enqueue_dma source(%dma_start3A_13 : memref<640x160xf32, #tpu.memory_space<vmem_shared>>) target(%dma_start3A_11 : memref<640x160xf32, #tpu.memory_space<hbm>>) target_semaphore(%run_scoped3A : memref<!tpu.dma_semaphore, #tpu.memory_space<semaphore_mem>>)
      %dma_wait3A = arith.constant 0 : i32
      %dma_wait3A_14 = tpu.memref_slice %arg6[%arg0, %mul3A_9, %dma_wait3A] : memref<2x10240x160xf32, #tpu.memory_space<hbm>> -> memref<1x640x160xf32, #tpu.memory_space<hbm>>
      %dma_wait3A_15 = tpu.memref_squeeze %dma_wait3A_14 : memref<1x640x160xf32, #tpu.memory_space<hbm>> -> memref<640x160xf32, #tpu.memory_space<hbm>>
      %dma_wait3A_16 = arith.constant 0 : i32
      %dma_wait3A_17 = tpu.memref_slice %arg13[%mul3A_7, %dma_wait3A_16] : memref<10240x160xf32, #tpu.memory_space<vmem_shared>> -> memref<640x160xf32, #tpu.memory_space<vmem_shared>>
      tpu.wait_dma2 semaphore(%run_scoped3A : memref<!tpu.dma_semaphore, #tpu.memory_space<semaphore_mem>>) src(%dma_wait3A_17 : memref<640x160xf32, #tpu.memory_space<vmem_shared>>) dst(%dma_wait3A_15 : memref<640x160xf32, #tpu.memory_space<hbm>>)
      tpu.yield
    }) : () -> ()
    return
  }
}

#map = affine_map<(d0, d1) -> (0, 0)>
#map1 = affine_map<(d0, d1) -> (0, 0, 0, 0)>
#map2 = affine_map<(d0, d1) -> (0, 0, 0)>
module attributes {stable_mosaic.version = 14 : i64} {
  func.func @_agg_kernel(%arg0: i32, %arg1: i32, %arg2: memref<20480x160xf32, #tpu.memory_space<hbm>>, %arg3: memref<2x16x256x40xi32, #tpu.memory_space<hbm>>, %arg4: memref<16x256x40xi32, #tpu.memory_space<hbm>>, %arg5: memref<640x160xf32, #tpu.memory_space<hbm>>, %arg6: memref<2x10240x160xf32, #tpu.memory_space<hbm>>, %arg7: memref<32x40xi32, #tpu.memory_space<vmem>>, %arg8: memref<32x40xi32, #tpu.memory_space<vmem>>, %arg9: memref<40x160xf32, #tpu.memory_space<vmem>>, %arg10: memref<40x160xf32, #tpu.memory_space<vmem>>, %arg11: memref<40x160xf32, #tpu.memory_space<vmem>>, %arg12: memref<40x160xf32, #tpu.memory_space<vmem>>, %arg13: memref<10240x160xf32, #tpu.memory_space<vmem_shared>>, %arg14: memref<!tpu.dma_semaphore, #tpu.memory_space<semaphore_mem>>, %arg15: memref<!tpu.dma_semaphore, #tpu.memory_space<semaphore_mem>>, %arg16: memref<!tpu.dma_semaphore, #tpu.memory_space<semaphore_mem>>, %arg17: memref<!tpu.dma_semaphore, #tpu.memory_space<semaphore_mem>>, %arg18: memref<!tpu.dma_semaphore, #tpu.memory_space<semaphore_mem>>, %arg19: memref<!tpu.dma_semaphore, #tpu.memory_space<semaphore_mem>>, %arg20: memref<!tpu.dma_semaphore, #tpu.memory_space<semaphore_mem>>, %arg21: memref<!tpu.dma_semaphore, #tpu.memory_space<semaphore_mem>>) attributes {dimension_semantics = [#tpu.dimension_semantics<core_parallel>, #tpu.dimension_semantics<subcore_parallel>], iteration_bounds = array<i64: 2, 16>, scalar_prefetch = 0 : i64, scratch_operands = 15 : i64, tpu.core_type = #tpu.core_type<sc_vector_subcore>, window_params = [{transform_indices = #map}, {transform_indices = #map1}, {transform_indices = #map2}, {transform_indices = #map}, {transform_indices = #map2}]} {
    %mul3A = arith.constant 640 : i32
    %mul3A_0 = arith.muli %arg1, %mul3A : i32
    "tpu.region"() ({
      %run_scoped3A = tpu.sem_alloc : memref<!tpu.dma_semaphore, #tpu.memory_space<semaphore_mem>>
      %dma_start3A = arith.constant 0 : i32
      %dma_start3A_10 = tpu.memref_slice %arg13[%mul3A_0, %dma_start3A] : memref<10240x160xf32, #tpu.memory_space<vmem_shared>> -> memref<640x160xf32, #tpu.memory_space<vmem_shared>>
      tpu.enqueue_dma source(%arg5 : memref<640x160xf32, #tpu.memory_space<hbm>>) target(%dma_start3A_10 : memref<640x160xf32, #tpu.memory_space<vmem_shared>>) target_semaphore(%run_scoped3A : memref<!tpu.dma_semaphore, #tpu.memory_space<semaphore_mem>>)
      %dma_wait3A = arith.constant 0 : i32
      %dma_wait3A_11 = tpu.memref_slice %arg13[%mul3A_0, %dma_wait3A] : memref<10240x160xf32, #tpu.memory_space<vmem_shared>> -> memref<640x160xf32, #tpu.memory_space<vmem_shared>>
      tpu.wait_dma2 semaphore(%run_scoped3A : memref<!tpu.dma_semaphore, #tpu.memory_space<semaphore_mem>>) src(%arg5 : memref<640x160xf32, #tpu.memory_space<hbm>>) dst(%dma_wait3A_11 : memref<640x160xf32, #tpu.memory_space<vmem_shared>>)
      tpu.yield
    }) : () -> ()
    %barrier3A = arith.constant 0 : index
    tpu.barrier barrier_id(%barrier3A)
    %scan3A = arith.constant 0 : i32
    %scan3A_1 = arith.constant 8 : i32
    %scan3A_2 = arith.addi %scan3A, %scan3A_1 : i32
    %scan3A_3 = arith.constant 1 : i32
    scf.for %scan3A_10 = %scan3A to %scan3A_2 step %scan3A_3  : i32 {
      %mul3A_11 = arith.constant 1 : i32
      %mul3A_12 = arith.muli %scan3A_10, %mul3A_11 : i32
      %add3A = arith.constant 0 : i32
      %add3A_13 = arith.addi %add3A, %mul3A_12 : i32
      %mul3A_14 = arith.constant 32 : i32
      %mul3A_15 = arith.muli %add3A_13, %mul3A_14 : i32
      "tpu.region"() ({
        %run_scoped3A = tpu.sem_alloc : memref<!tpu.dma_semaphore, #tpu.memory_space<semaphore_mem>>
        %dma_start3A_66 = arith.constant 0 : i32
        %dma_start3A_67 = tpu.memref_slice %arg3[%arg0, %arg1, %mul3A_15, %dma_start3A_66] : memref<2x16x256x40xi32, #tpu.memory_space<hbm>> -> memref<1x1x32x40xi32, #tpu.memory_space<hbm>>
        %dma_start3A_68 = tpu.memref_squeeze %dma_start3A_67 : memref<1x1x32x40xi32, #tpu.memory_space<hbm>> -> memref<32x40xi32, #tpu.memory_space<hbm>>
        %dma_start3A_69 = arith.constant 0 : i32
        %dma_start3A_70 = tpu.memref_slice %arg3[%arg0, %arg1, %mul3A_15, %dma_start3A_69] : memref<2x16x256x40xi32, #tpu.memory_space<hbm>> -> memref<1x1x32x40xi32, #tpu.memory_space<hbm>>
        %dma_start3A_71 = tpu.memref_squeeze %dma_start3A_70 : memref<1x1x32x40xi32, #tpu.memory_space<hbm>> -> memref<32x40xi32, #tpu.memory_space<hbm>>
        tpu.enqueue_dma source(%dma_start3A_71 : memref<32x40xi32, #tpu.memory_space<hbm>>) target(%arg7 : memref<32x40xi32, #tpu.memory_space<vmem>>) target_semaphore(%run_scoped3A : memref<!tpu.dma_semaphore, #tpu.memory_space<semaphore_mem>>)
        %dma_wait3A_72 = arith.constant 0 : i32
        %dma_wait3A_73 = tpu.memref_slice %arg3[%arg0, %arg1, %mul3A_15, %dma_wait3A_72] : memref<2x16x256x40xi32, #tpu.memory_space<hbm>> -> memref<1x1x32x40xi32, #tpu.memory_space<hbm>>
        %dma_wait3A_74 = tpu.memref_squeeze %dma_wait3A_73 : memref<1x1x32x40xi32, #tpu.memory_space<hbm>> -> memref<32x40xi32, #tpu.memory_space<hbm>>
        %dma_wait3A_75 = arith.constant 0 : i32
        %dma_wait3A_76 = tpu.memref_slice %arg3[%arg0, %arg1, %mul3A_15, %dma_wait3A_75] : memref<2x16x256x40xi32, #tpu.memory_space<hbm>> -> memref<1x1x32x40xi32, #tpu.memory_space<hbm>>
        %dma_wait3A_77 = tpu.memref_squeeze %dma_wait3A_76 : memref<1x1x32x40xi32, #tpu.memory_space<hbm>> -> memref<32x40xi32, #tpu.memory_space<hbm>>
        tpu.wait_dma2 semaphore(%run_scoped3A : memref<!tpu.dma_semaphore, #tpu.memory_space<semaphore_mem>>) src(%dma_wait3A_77 : memref<32x40xi32, #tpu.memory_space<hbm>>) dst(%arg7 : memref<32x40xi32, #tpu.memory_space<vmem>>)
        tpu.yield
      }) : () -> ()
      %mul3A_16 = arith.constant 32 : i32
      %mul3A_17 = arith.muli %add3A_13, %mul3A_16 : i32
      "tpu.region"() ({
        %run_scoped3A = tpu.sem_alloc : memref<!tpu.dma_semaphore, #tpu.memory_space<semaphore_mem>>
        %dma_start3A_66 = arith.constant 0 : i32
        %dma_start3A_67 = tpu.memref_slice %arg4[%arg1, %mul3A_17, %dma_start3A_66] : memref<16x256x40xi32, #tpu.memory_space<hbm>> -> memref<1x32x40xi32, #tpu.memory_space<hbm>>
        %dma_start3A_68 = tpu.memref_squeeze %dma_start3A_67 : memref<1x32x40xi32, #tpu.memory_space<hbm>> -> memref<32x40xi32, #tpu.memory_space<hbm>>
        %dma_start3A_69 = arith.constant 0 : i32
        %dma_start3A_70 = tpu.memref_slice %arg4[%arg1, %mul3A_17, %dma_start3A_69] : memref<16x256x40xi32, #tpu.memory_space<hbm>> -> memref<1x32x40xi32, #tpu.memory_space<hbm>>
        %dma_start3A_71 = tpu.memref_squeeze %dma_start3A_70 : memref<1x32x40xi32, #tpu.memory_space<hbm>> -> memref<32x40xi32, #tpu.memory_space<hbm>>
        tpu.enqueue_dma source(%dma_start3A_71 : memref<32x40xi32, #tpu.memory_space<hbm>>) target(%arg8 : memref<32x40xi32, #tpu.memory_space<vmem>>) target_semaphore(%run_scoped3A : memref<!tpu.dma_semaphore, #tpu.memory_space<semaphore_mem>>)
        %dma_wait3A_72 = arith.constant 0 : i32
        %dma_wait3A_73 = tpu.memref_slice %arg4[%arg1, %mul3A_17, %dma_wait3A_72] : memref<16x256x40xi32, #tpu.memory_space<hbm>> -> memref<1x32x40xi32, #tpu.memory_space<hbm>>
        %dma_wait3A_74 = tpu.memref_squeeze %dma_wait3A_73 : memref<1x32x40xi32, #tpu.memory_space<hbm>> -> memref<32x40xi32, #tpu.memory_space<hbm>>
        %dma_wait3A_75 = arith.constant 0 : i32
        %dma_wait3A_76 = tpu.memref_slice %arg4[%arg1, %mul3A_17, %dma_wait3A_75] : memref<16x256x40xi32, #tpu.memory_space<hbm>> -> memref<1x32x40xi32, #tpu.memory_space<hbm>>
        %dma_wait3A_77 = tpu.memref_squeeze %dma_wait3A_76 : memref<1x32x40xi32, #tpu.memory_space<hbm>> -> memref<32x40xi32, #tpu.memory_space<hbm>>
        tpu.wait_dma2 semaphore(%run_scoped3A : memref<!tpu.dma_semaphore, #tpu.memory_space<semaphore_mem>>) src(%dma_wait3A_77 : memref<32x40xi32, #tpu.memory_space<hbm>>) dst(%arg8 : memref<32x40xi32, #tpu.memory_space<vmem>>)
        tpu.yield
      }) : () -> ()
      %dma_start3A = arith.constant 0 : i32
      %dma_start3A_18 = arith.constant 0 : i32
      %dma_start3A_19 = tpu.memref_slice %arg7[%dma_start3A, %dma_start3A_18] : memref<32x40xi32, #tpu.memory_space<vmem>> -> memref<1x40xi32, #tpu.memory_space<vmem>>
      %dma_start3A_20 = tpu.memref_squeeze %dma_start3A_19 : memref<1x40xi32, #tpu.memory_space<vmem>> -> memref<40xi32, #tpu.memory_space<vmem>>
      %dma_start3A_21 = arith.constant 0 : i32
      %dma_start3A_22 = arith.constant 0 : i32
      %dma_start3A_23 = tpu.memref_slice %arg2[%dma_start3A_21, %dma_start3A_22] : memref<20480x160xf32, #tpu.memory_space<hbm>> -> memref<20480x160xf32, #tpu.memory_space<hbm>>
      tpu.enqueue_indirect_dma source(%dma_start3A_23 : memref<20480x160xf32, #tpu.memory_space<hbm>>) target(%arg9 : memref<40x160xf32, #tpu.memory_space<vmem>>) offsets(%dma_start3A_20 : memref<40xi32, #tpu.memory_space<vmem>>) semaphore(%arg14 : memref<!tpu.dma_semaphore, #tpu.memory_space<semaphore_mem>>)
      %dma_start3A_24 = arith.constant 1 : i32
      %dma_start3A_25 = arith.constant 0 : i32
      %dma_start3A_26 = tpu.memref_slice %arg7[%dma_start3A_24, %dma_start3A_25] : memref<32x40xi32, #tpu.memory_space<vmem>> -> memref<1x40xi32, #tpu.memory_space<vmem>>
      %dma_start3A_27 = tpu.memref_squeeze %dma_start3A_26 : memref<1x40xi32, #tpu.memory_space<vmem>> -> memref<40xi32, #tpu.memory_space<vmem>>
      %dma_start3A_28 = arith.constant 0 : i32
      %dma_start3A_29 = arith.constant 0 : i32
      %dma_start3A_30 = tpu.memref_slice %arg2[%dma_start3A_28, %dma_start3A_29] : memref<20480x160xf32, #tpu.memory_space<hbm>> -> memref<20480x160xf32, #tpu.memory_space<hbm>>
      tpu.enqueue_indirect_dma source(%dma_start3A_30 : memref<20480x160xf32, #tpu.memory_space<hbm>>) target(%arg10 : memref<40x160xf32, #tpu.memory_space<vmem>>) offsets(%dma_start3A_27 : memref<40xi32, #tpu.memory_space<vmem>>) semaphore(%arg15 : memref<!tpu.dma_semaphore, #tpu.memory_space<semaphore_mem>>)
      %dma_start3A_31 = arith.constant 2 : i32
      %dma_start3A_32 = arith.constant 0 : i32
      %dma_start3A_33 = tpu.memref_slice %arg7[%dma_start3A_31, %dma_start3A_32] : memref<32x40xi32, #tpu.memory_space<vmem>> -> memref<1x40xi32, #tpu.memory_space<vmem>>
      %dma_start3A_34 = tpu.memref_squeeze %dma_start3A_33 : memref<1x40xi32, #tpu.memory_space<vmem>> -> memref<40xi32, #tpu.memory_space<vmem>>
      %dma_start3A_35 = arith.constant 0 : i32
      %dma_start3A_36 = arith.constant 0 : i32
      %dma_start3A_37 = tpu.memref_slice %arg2[%dma_start3A_35, %dma_start3A_36] : memref<20480x160xf32, #tpu.memory_space<hbm>> -> memref<20480x160xf32, #tpu.memory_space<hbm>>
      tpu.enqueue_indirect_dma source(%dma_start3A_37 : memref<20480x160xf32, #tpu.memory_space<hbm>>) target(%arg11 : memref<40x160xf32, #tpu.memory_space<vmem>>) offsets(%dma_start3A_34 : memref<40xi32, #tpu.memory_space<vmem>>) semaphore(%arg16 : memref<!tpu.dma_semaphore, #tpu.memory_space<semaphore_mem>>)
      %scan3A_38 = arith.constant 0 : i32
      %scan3A_39 = arith.constant 8 : i32
      %scan3A_40 = arith.addi %scan3A_38, %scan3A_39 : i32
      %scan3A_41 = arith.constant 1 : i32
      scf.for %scan3A_66 = %scan3A_38 to %scan3A_40 step %scan3A_41  : i32 {
        %mul3A_67 = arith.constant 1 : i32
        %mul3A_68 = arith.muli %scan3A_66, %mul3A_67 : i32
        %add3A_69 = arith.constant 0 : i32
        %add3A_70 = arith.addi %add3A_69, %mul3A_68 : i32
        %mul3A_71 = arith.constant 4 : i32
        %mul3A_72 = arith.muli %add3A_70, %mul3A_71 : i32
        %add3A_73 = arith.constant 0 : i32
        %add3A_74 = arith.addi %mul3A_72, %add3A_73 : i32
        %dma_wait3A_75 = arith.constant 0 : i32
        %dma_wait3A_76 = arith.constant 0 : i32
        %dma_wait3A_77 = tpu.memref_slice %arg2[%dma_wait3A_75, %dma_wait3A_76] : memref<20480x160xf32, #tpu.memory_space<hbm>> -> memref<40x160xf32, #tpu.memory_space<hbm>>
        %dma_wait3A_78 = arith.constant 0 : i32
        %dma_wait3A_79 = arith.constant 0 : i32
        %dma_wait3A_80 = tpu.memref_slice %arg2[%dma_wait3A_78, %dma_wait3A_79] : memref<20480x160xf32, #tpu.memory_space<hbm>> -> memref<40x160xf32, #tpu.memory_space<hbm>>
        tpu.wait_dma2 semaphore(%arg14 : memref<!tpu.dma_semaphore, #tpu.memory_space<semaphore_mem>>) src(%dma_wait3A_80 : memref<40x160xf32, #tpu.memory_space<hbm>>) dst(%arg9 : memref<40x160xf32, #tpu.memory_space<vmem>>)
        %dma_start3A_81 = arith.constant 0 : i32
        %dma_start3A_82 = tpu.memref_slice %arg8[%add3A_74, %dma_start3A_81] : memref<32x40xi32, #tpu.memory_space<vmem>> -> memref<1x40xi32, #tpu.memory_space<vmem>>
        %dma_start3A_83 = tpu.memref_squeeze %dma_start3A_82 : memref<1x40xi32, #tpu.memory_space<vmem>> -> memref<40xi32, #tpu.memory_space<vmem>>
        %dma_start3A_84 = arith.constant 0 : i32
        %dma_start3A_85 = arith.constant 0 : i32
        %dma_start3A_86 = tpu.memref_slice %arg13[%dma_start3A_84, %dma_start3A_85] : memref<10240x160xf32, #tpu.memory_space<vmem_shared>> -> memref<10240x160xf32, #tpu.memory_space<vmem_shared>>
        tpu.enqueue_indirect_dma source(%arg9 : memref<40x160xf32, #tpu.memory_space<vmem>>) target(%dma_start3A_86 : memref<10240x160xf32, #tpu.memory_space<vmem_shared>>) offsets(%dma_start3A_83 : memref<40xi32, #tpu.memory_space<vmem>>) semaphore(%arg18 : memref<!tpu.dma_semaphore, #tpu.memory_space<semaphore_mem>>) {add = true}
        %eq3A = arith.constant 0 : i32
        %eq3A_87 = arith.cmpi eq, %add3A_70, %eq3A : i32
        %convert_element_type3A = arith.extui %eq3A_87 : i1 to i32
        %cond3A = arith.constant 0 : i32
        %cond3A_88 = arith.cmpi ne, %convert_element_type3A, %cond3A : i32
        scf.if %cond3A_88 {
          %add3A_155 = arith.constant 3 : i32
          %add3A_156 = arith.addi %add3A_74, %add3A_155 : i32
          %dma_start3A_157 = arith.constant 0 : i32
          %dma_start3A_158 = tpu.memref_slice %arg7[%add3A_156, %dma_start3A_157] : memref<32x40xi32, #tpu.memory_space<vmem>> -> memref<1x40xi32, #tpu.memory_space<vmem>>
          %dma_start3A_159 = tpu.memref_squeeze %dma_start3A_158 : memref<1x40xi32, #tpu.memory_space<vmem>> -> memref<40xi32, #tpu.memory_space<vmem>>
          %dma_start3A_160 = arith.constant 0 : i32
          %dma_start3A_161 = arith.constant 0 : i32
          %dma_start3A_162 = tpu.memref_slice %arg2[%dma_start3A_160, %dma_start3A_161] : memref<20480x160xf32, #tpu.memory_space<hbm>> -> memref<20480x160xf32, #tpu.memory_space<hbm>>
          tpu.enqueue_indirect_dma source(%dma_start3A_162 : memref<20480x160xf32, #tpu.memory_space<hbm>>) target(%arg12 : memref<40x160xf32, #tpu.memory_space<vmem>>) offsets(%dma_start3A_159 : memref<40xi32, #tpu.memory_space<vmem>>) semaphore(%arg17 : memref<!tpu.dma_semaphore, #tpu.memory_space<semaphore_mem>>)
        } else {
        }
        %gt3A = arith.constant 0 : i32
        %gt3A_89 = arith.cmpi sgt, %add3A_70, %gt3A : i32
        %convert_element_type3A_90 = arith.extui %gt3A_89 : i1 to i32
        %cond3A_91 = arith.constant 0 : i32
        %cond3A_92 = arith.cmpi ne, %convert_element_type3A_90, %cond3A_91 : i32
        scf.if %cond3A_92 {
          %dma_wait3A_155 = arith.constant 0 : i32
          %dma_wait3A_156 = arith.constant 0 : i32
          %dma_wait3A_157 = tpu.memref_slice %arg2[%dma_wait3A_155, %dma_wait3A_156] : memref<20480x160xf32, #tpu.memory_space<hbm>> -> memref<40x160xf32, #tpu.memory_space<hbm>>
          %dma_wait3A_158 = arith.constant 0 : i32
          %dma_wait3A_159 = arith.constant 0 : i32
          %dma_wait3A_160 = tpu.memref_slice %arg2[%dma_wait3A_158, %dma_wait3A_159] : memref<20480x160xf32, #tpu.memory_space<hbm>> -> memref<40x160xf32, #tpu.memory_space<hbm>>
          tpu.wait_dma2 semaphore(%arg21 : memref<!tpu.dma_semaphore, #tpu.memory_space<semaphore_mem>>) src(%dma_wait3A_160 : memref<40x160xf32, #tpu.memory_space<hbm>>) dst(%arg12 : memref<40x160xf32, #tpu.memory_space<vmem>>)
          %add3A_161 = arith.constant 3 : i32
          %add3A_162 = arith.addi %add3A_74, %add3A_161 : i32
          %dma_start3A_163 = arith.constant 0 : i32
          %dma_start3A_164 = tpu.memref_slice %arg7[%add3A_162, %dma_start3A_163] : memref<32x40xi32, #tpu.memory_space<vmem>> -> memref<1x40xi32, #tpu.memory_space<vmem>>
          %dma_start3A_165 = tpu.memref_squeeze %dma_start3A_164 : memref<1x40xi32, #tpu.memory_space<vmem>> -> memref<40xi32, #tpu.memory_space<vmem>>
          %dma_start3A_166 = arith.constant 0 : i32
          %dma_start3A_167 = arith.constant 0 : i32
          %dma_start3A_168 = tpu.memref_slice %arg2[%dma_start3A_166, %dma_start3A_167] : memref<20480x160xf32, #tpu.memory_space<hbm>> -> memref<20480x160xf32, #tpu.memory_space<hbm>>
          tpu.enqueue_indirect_dma source(%dma_start3A_168 : memref<20480x160xf32, #tpu.memory_space<hbm>>) target(%arg12 : memref<40x160xf32, #tpu.memory_space<vmem>>) offsets(%dma_start3A_165 : memref<40xi32, #tpu.memory_space<vmem>>) semaphore(%arg17 : memref<!tpu.dma_semaphore, #tpu.memory_space<semaphore_mem>>)
        } else {
        }
        %mul3A_93 = arith.constant 4 : i32
        %mul3A_94 = arith.muli %add3A_70, %mul3A_93 : i32
        %add3A_95 = arith.constant 1 : i32
        %add3A_96 = arith.addi %mul3A_94, %add3A_95 : i32
        %dma_wait3A_97 = arith.constant 0 : i32
        %dma_wait3A_98 = arith.constant 0 : i32
        %dma_wait3A_99 = tpu.memref_slice %arg2[%dma_wait3A_97, %dma_wait3A_98] : memref<20480x160xf32, #tpu.memory_space<hbm>> -> memref<40x160xf32, #tpu.memory_space<hbm>>
        %dma_wait3A_100 = arith.constant 0 : i32
        %dma_wait3A_101 = arith.constant 0 : i32
        %dma_wait3A_102 = tpu.memref_slice %arg2[%dma_wait3A_100, %dma_wait3A_101] : memref<20480x160xf32, #tpu.memory_space<hbm>> -> memref<40x160xf32, #tpu.memory_space<hbm>>
        tpu.wait_dma2 semaphore(%arg15 : memref<!tpu.dma_semaphore, #tpu.memory_space<semaphore_mem>>) src(%dma_wait3A_102 : memref<40x160xf32, #tpu.memory_space<hbm>>) dst(%arg10 : memref<40x160xf32, #tpu.memory_space<vmem>>)
        %dma_start3A_103 = arith.constant 0 : i32
        %dma_start3A_104 = tpu.memref_slice %arg8[%add3A_96, %dma_start3A_103] : memref<32x40xi32, #tpu.memory_space<vmem>> -> memref<1x40xi32, #tpu.memory_space<vmem>>
        %dma_start3A_105 = tpu.memref_squeeze %dma_start3A_104 : memref<1x40xi32, #tpu.memory_space<vmem>> -> memref<40xi32, #tpu.memory_space<vmem>>
        %dma_start3A_106 = arith.constant 0 : i32
        %dma_start3A_107 = arith.constant 0 : i32
        %dma_start3A_108 = tpu.memref_slice %arg13[%dma_start3A_106, %dma_start3A_107] : memref<10240x160xf32, #tpu.memory_space<vmem_shared>> -> memref<10240x160xf32, #tpu.memory_space<vmem_shared>>
        tpu.enqueue_indirect_dma source(%arg10 : memref<40x160xf32, #tpu.memory_space<vmem>>) target(%dma_start3A_108 : memref<10240x160xf32, #tpu.memory_space<vmem_shared>>) offsets(%dma_start3A_105 : memref<40xi32, #tpu.memory_space<vmem>>) semaphore(%arg19 : memref<!tpu.dma_semaphore, #tpu.memory_space<semaphore_mem>>) {add = true}
        %lt3A = arith.constant 7 : i32
        %lt3A_109 = arith.cmpi slt, %add3A_70, %lt3A : i32
        %convert_element_type3A_110 = arith.extui %lt3A_109 : i1 to i32
        %cond3A_111 = arith.constant 0 : i32
        %cond3A_112 = arith.cmpi ne, %convert_element_type3A_110, %cond3A_111 : i32
        scf.if %cond3A_112 {
          %dma_wait3A_155 = arith.constant 0 : i32
          %dma_wait3A_156 = arith.constant 0 : i32
          %dma_wait3A_157 = tpu.memref_slice %arg2[%dma_wait3A_155, %dma_wait3A_156] : memref<20480x160xf32, #tpu.memory_space<hbm>> -> memref<40x160xf32, #tpu.memory_space<hbm>>
          %dma_wait3A_158 = arith.constant 0 : i32
          %dma_wait3A_159 = arith.constant 0 : i32
          %dma_wait3A_160 = tpu.memref_slice %arg2[%dma_wait3A_158, %dma_wait3A_159] : memref<20480x160xf32, #tpu.memory_space<hbm>> -> memref<40x160xf32, #tpu.memory_space<hbm>>
          tpu.wait_dma2 semaphore(%arg18 : memref<!tpu.dma_semaphore, #tpu.memory_space<semaphore_mem>>) src(%dma_wait3A_160 : memref<40x160xf32, #tpu.memory_space<hbm>>) dst(%arg9 : memref<40x160xf32, #tpu.memory_space<vmem>>)
          %add3A_161 = arith.constant 3 : i32
          %add3A_162 = arith.addi %add3A_96, %add3A_161 : i32
          %dma_start3A_163 = arith.constant 0 : i32
          %dma_start3A_164 = tpu.memref_slice %arg7[%add3A_162, %dma_start3A_163] : memref<32x40xi32, #tpu.memory_space<vmem>> -> memref<1x40xi32, #tpu.memory_space<vmem>>
          %dma_start3A_165 = tpu.memref_squeeze %dma_start3A_164 : memref<1x40xi32, #tpu.memory_space<vmem>> -> memref<40xi32, #tpu.memory_space<vmem>>
          %dma_start3A_166 = arith.constant 0 : i32
          %dma_start3A_167 = arith.constant 0 : i32
          %dma_start3A_168 = tpu.memref_slice %arg2[%dma_start3A_166, %dma_start3A_167] : memref<20480x160xf32, #tpu.memory_space<hbm>> -> memref<20480x160xf32, #tpu.memory_space<hbm>>
          tpu.enqueue_indirect_dma source(%dma_start3A_168 : memref<20480x160xf32, #tpu.memory_space<hbm>>) target(%arg9 : memref<40x160xf32, #tpu.memory_space<vmem>>) offsets(%dma_start3A_165 : memref<40xi32, #tpu.memory_space<vmem>>) semaphore(%arg14 : memref<!tpu.dma_semaphore, #tpu.memory_space<semaphore_mem>>)
        } else {
        }
        %mul3A_113 = arith.constant 4 : i32
        %mul3A_114 = arith.muli %add3A_70, %mul3A_113 : i32
        %add3A_115 = arith.constant 2 : i32
        %add3A_116 = arith.addi %mul3A_114, %add3A_115 : i32
        %dma_wait3A_117 = arith.constant 0 : i32
        %dma_wait3A_118 = arith.constant 0 : i32
        %dma_wait3A_119 = tpu.memref_slice %arg2[%dma_wait3A_117, %dma_wait3A_118] : memref<20480x160xf32, #tpu.memory_space<hbm>> -> memref<40x160xf32, #tpu.memory_space<hbm>>
        %dma_wait3A_120 = arith.constant 0 : i32
        %dma_wait3A_121 = arith.constant 0 : i32
        %dma_wait3A_122 = tpu.memref_slice %arg2[%dma_wait3A_120, %dma_wait3A_121] : memref<20480x160xf32, #tpu.memory_space<hbm>> -> memref<40x160xf32, #tpu.memory_space<hbm>>
        tpu.wait_dma2 semaphore(%arg16 : memref<!tpu.dma_semaphore, #tpu.memory_space<semaphore_mem>>) src(%dma_wait3A_122 : memref<40x160xf32, #tpu.memory_space<hbm>>) dst(%arg11 : memref<40x160xf32, #tpu.memory_space<vmem>>)
        %dma_start3A_123 = arith.constant 0 : i32
        %dma_start3A_124 = tpu.memref_slice %arg8[%add3A_116, %dma_start3A_123] : memref<32x40xi32, #tpu.memory_space<vmem>> -> memref<1x40xi32, #tpu.memory_space<vmem>>
        %dma_start3A_125 = tpu.memref_squeeze %dma_start3A_124 : memref<1x40xi32, #tpu.memory_space<vmem>> -> memref<40xi32, #tpu.memory_space<vmem>>
        %dma_start3A_126 = arith.constant 0 : i32
        %dma_start3A_127 = arith.constant 0 : i32
        %dma_start3A_128 = tpu.memref_slice %arg13[%dma_start3A_126, %dma_start3A_127] : memref<10240x160xf32, #tpu.memory_space<vmem_shared>> -> memref<10240x160xf32, #tpu.memory_space<vmem_shared>>
        tpu.enqueue_indirect_dma source(%arg11 : memref<40x160xf32, #tpu.memory_space<vmem>>) target(%dma_start3A_128 : memref<10240x160xf32, #tpu.memory_space<vmem_shared>>) offsets(%dma_start3A_125 : memref<40xi32, #tpu.memory_space<vmem>>) semaphore(%arg20 : memref<!tpu.dma_semaphore, #tpu.memory_space<semaphore_mem>>) {add = true}
        %lt3A_129 = arith.constant 7 : i32
        %lt3A_130 = arith.cmpi slt, %add3A_70, %lt3A_129 : i32
        %convert_element_type3A_131 = arith.extui %lt3A_130 : i1 to i32
        %cond3A_132 = arith.constant 0 : i32
        %cond3A_133 = arith.cmpi ne, %convert_element_type3A_131, %cond3A_132 : i32
        scf.if %cond3A_133 {
          %dma_wait3A_155 = arith.constant 0 : i32
          %dma_wait3A_156 = arith.constant 0 : i32
          %dma_wait3A_157 = tpu.memref_slice %arg2[%dma_wait3A_155, %dma_wait3A_156] : memref<20480x160xf32, #tpu.memory_space<hbm>> -> memref<40x160xf32, #tpu.memory_space<hbm>>
          %dma_wait3A_158 = arith.constant 0 : i32
          %dma_wait3A_159 = arith.constant 0 : i32
          %dma_wait3A_160 = tpu.memref_slice %arg2[%dma_wait3A_158, %dma_wait3A_159] : memref<20480x160xf32, #tpu.memory_space<hbm>> -> memref<40x160xf32, #tpu.memory_space<hbm>>
          tpu.wait_dma2 semaphore(%arg19 : memref<!tpu.dma_semaphore, #tpu.memory_space<semaphore_mem>>) src(%dma_wait3A_160 : memref<40x160xf32, #tpu.memory_space<hbm>>) dst(%arg10 : memref<40x160xf32, #tpu.memory_space<vmem>>)
          %add3A_161 = arith.constant 3 : i32
          %add3A_162 = arith.addi %add3A_116, %add3A_161 : i32
          %dma_start3A_163 = arith.constant 0 : i32
          %dma_start3A_164 = tpu.memref_slice %arg7[%add3A_162, %dma_start3A_163] : memref<32x40xi32, #tpu.memory_space<vmem>> -> memref<1x40xi32, #tpu.memory_space<vmem>>
          %dma_start3A_165 = tpu.memref_squeeze %dma_start3A_164 : memref<1x40xi32, #tpu.memory_space<vmem>> -> memref<40xi32, #tpu.memory_space<vmem>>
          %dma_start3A_166 = arith.constant 0 : i32
          %dma_start3A_167 = arith.constant 0 : i32
          %dma_start3A_168 = tpu.memref_slice %arg2[%dma_start3A_166, %dma_start3A_167] : memref<20480x160xf32, #tpu.memory_space<hbm>> -> memref<20480x160xf32, #tpu.memory_space<hbm>>
          tpu.enqueue_indirect_dma source(%dma_start3A_168 : memref<20480x160xf32, #tpu.memory_space<hbm>>) target(%arg10 : memref<40x160xf32, #tpu.memory_space<vmem>>) offsets(%dma_start3A_165 : memref<40xi32, #tpu.memory_space<vmem>>) semaphore(%arg15 : memref<!tpu.dma_semaphore, #tpu.memory_space<semaphore_mem>>)
        } else {
        }
        %mul3A_134 = arith.constant 4 : i32
        %mul3A_135 = arith.muli %add3A_70, %mul3A_134 : i32
        %add3A_136 = arith.constant 3 : i32
        %add3A_137 = arith.addi %mul3A_135, %add3A_136 : i32
        %dma_wait3A_138 = arith.constant 0 : i32
        %dma_wait3A_139 = arith.constant 0 : i32
        %dma_wait3A_140 = tpu.memref_slice %arg2[%dma_wait3A_138, %dma_wait3A_139] : memref<20480x160xf32, #tpu.memory_space<hbm>> -> memref<40x160xf32, #tpu.memory_space<hbm>>
        %dma_wait3A_141 = arith.constant 0 : i32
        %dma_wait3A_142 = arith.constant 0 : i32
        %dma_wait3A_143 = tpu.memref_slice %arg2[%dma_wait3A_141, %dma_wait3A_142] : memref<20480x160xf32, #tpu.memory_space<hbm>> -> memref<40x160xf32, #tpu.memory_space<hbm>>
        tpu.wait_dma2 semaphore(%arg17 : memref<!tpu.dma_semaphore, #tpu.memory_space<semaphore_mem>>) src(%dma_wait3A_143 : memref<40x160xf32, #tpu.memory_space<hbm>>) dst(%arg12 : memref<40x160xf32, #tpu.memory_space<vmem>>)
        %dma_start3A_144 = arith.constant 0 : i32
        %dma_start3A_145 = tpu.memref_slice %arg8[%add3A_137, %dma_start3A_144] : memref<32x40xi32, #tpu.memory_space<vmem>> -> memref<1x40xi32, #tpu.memory_space<vmem>>
        %dma_start3A_146 = tpu.memref_squeeze %dma_start3A_145 : memref<1x40xi32, #tpu.memory_space<vmem>> -> memref<40xi32, #tpu.memory_space<vmem>>
        %dma_start3A_147 = arith.constant 0 : i32
        %dma_start3A_148 = arith.constant 0 : i32
        %dma_start3A_149 = tpu.memref_slice %arg13[%dma_start3A_147, %dma_start3A_148] : memref<10240x160xf32, #tpu.memory_space<vmem_shared>> -> memref<10240x160xf32, #tpu.memory_space<vmem_shared>>
        tpu.enqueue_indirect_dma source(%arg12 : memref<40x160xf32, #tpu.memory_space<vmem>>) target(%dma_start3A_149 : memref<10240x160xf32, #tpu.memory_space<vmem_shared>>) offsets(%dma_start3A_146 : memref<40xi32, #tpu.memory_space<vmem>>) semaphore(%arg21 : memref<!tpu.dma_semaphore, #tpu.memory_space<semaphore_mem>>) {add = true}
        %lt3A_150 = arith.constant 7 : i32
        %lt3A_151 = arith.cmpi slt, %add3A_70, %lt3A_150 : i32
        %convert_element_type3A_152 = arith.extui %lt3A_151 : i1 to i32
        %cond3A_153 = arith.constant 0 : i32
        %cond3A_154 = arith.cmpi ne, %convert_element_type3A_152, %cond3A_153 : i32
        scf.if %cond3A_154 {
          %dma_wait3A_155 = arith.constant 0 : i32
          %dma_wait3A_156 = arith.constant 0 : i32
          %dma_wait3A_157 = tpu.memref_slice %arg2[%dma_wait3A_155, %dma_wait3A_156] : memref<20480x160xf32, #tpu.memory_space<hbm>> -> memref<40x160xf32, #tpu.memory_space<hbm>>
          %dma_wait3A_158 = arith.constant 0 : i32
          %dma_wait3A_159 = arith.constant 0 : i32
          %dma_wait3A_160 = tpu.memref_slice %arg2[%dma_wait3A_158, %dma_wait3A_159] : memref<20480x160xf32, #tpu.memory_space<hbm>> -> memref<40x160xf32, #tpu.memory_space<hbm>>
          tpu.wait_dma2 semaphore(%arg20 : memref<!tpu.dma_semaphore, #tpu.memory_space<semaphore_mem>>) src(%dma_wait3A_160 : memref<40x160xf32, #tpu.memory_space<hbm>>) dst(%arg11 : memref<40x160xf32, #tpu.memory_space<vmem>>)
          %add3A_161 = arith.constant 3 : i32
          %add3A_162 = arith.addi %add3A_137, %add3A_161 : i32
          %dma_start3A_163 = arith.constant 0 : i32
          %dma_start3A_164 = tpu.memref_slice %arg7[%add3A_162, %dma_start3A_163] : memref<32x40xi32, #tpu.memory_space<vmem>> -> memref<1x40xi32, #tpu.memory_space<vmem>>
          %dma_start3A_165 = tpu.memref_squeeze %dma_start3A_164 : memref<1x40xi32, #tpu.memory_space<vmem>> -> memref<40xi32, #tpu.memory_space<vmem>>
          %dma_start3A_166 = arith.constant 0 : i32
          %dma_start3A_167 = arith.constant 0 : i32
          %dma_start3A_168 = tpu.memref_slice %arg2[%dma_start3A_166, %dma_start3A_167] : memref<20480x160xf32, #tpu.memory_space<hbm>> -> memref<20480x160xf32, #tpu.memory_space<hbm>>
          tpu.enqueue_indirect_dma source(%dma_start3A_168 : memref<20480x160xf32, #tpu.memory_space<hbm>>) target(%arg11 : memref<40x160xf32, #tpu.memory_space<vmem>>) offsets(%dma_start3A_165 : memref<40xi32, #tpu.memory_space<vmem>>) semaphore(%arg16 : memref<!tpu.dma_semaphore, #tpu.memory_space<semaphore_mem>>)
        } else {
        }
      }
      %scan3A_42 = arith.constant 8 : i32
      %dma_wait3A = arith.constant 0 : i32
      %dma_wait3A_43 = arith.constant 0 : i32
      %dma_wait3A_44 = tpu.memref_slice %arg2[%dma_wait3A, %dma_wait3A_43] : memref<20480x160xf32, #tpu.memory_space<hbm>> -> memref<40x160xf32, #tpu.memory_space<hbm>>
      %dma_wait3A_45 = arith.constant 0 : i32
      %dma_wait3A_46 = arith.constant 0 : i32
      %dma_wait3A_47 = tpu.memref_slice %arg2[%dma_wait3A_45, %dma_wait3A_46] : memref<20480x160xf32, #tpu.memory_space<hbm>> -> memref<40x160xf32, #tpu.memory_space<hbm>>
      tpu.wait_dma2 semaphore(%arg18 : memref<!tpu.dma_semaphore, #tpu.memory_space<semaphore_mem>>) src(%dma_wait3A_47 : memref<40x160xf32, #tpu.memory_space<hbm>>) dst(%arg9 : memref<40x160xf32, #tpu.memory_space<vmem>>)
      %dma_wait3A_48 = arith.constant 0 : i32
      %dma_wait3A_49 = arith.constant 0 : i32
      %dma_wait3A_50 = tpu.memref_slice %arg2[%dma_wait3A_48, %dma_wait3A_49] : memref<20480x160xf32, #tpu.memory_space<hbm>> -> memref<40x160xf32, #tpu.memory_space<hbm>>
      %dma_wait3A_51 = arith.constant 0 : i32
      %dma_wait3A_52 = arith.constant 0 : i32
      %dma_wait3A_53 = tpu.memref_slice %arg2[%dma_wait3A_51, %dma_wait3A_52] : memref<20480x160xf32, #tpu.memory_space<hbm>> -> memref<40x160xf32, #tpu.memory_space<hbm>>
      tpu.wait_dma2 semaphore(%arg19 : memref<!tpu.dma_semaphore, #tpu.memory_space<semaphore_mem>>) src(%dma_wait3A_53 : memref<40x160xf32, #tpu.memory_space<hbm>>) dst(%arg10 : memref<40x160xf32, #tpu.memory_space<vmem>>)
      %dma_wait3A_54 = arith.constant 0 : i32
      %dma_wait3A_55 = arith.constant 0 : i32
      %dma_wait3A_56 = tpu.memref_slice %arg2[%dma_wait3A_54, %dma_wait3A_55] : memref<20480x160xf32, #tpu.memory_space<hbm>> -> memref<40x160xf32, #tpu.memory_space<hbm>>
      %dma_wait3A_57 = arith.constant 0 : i32
      %dma_wait3A_58 = arith.constant 0 : i32
      %dma_wait3A_59 = tpu.memref_slice %arg2[%dma_wait3A_57, %dma_wait3A_58] : memref<20480x160xf32, #tpu.memory_space<hbm>> -> memref<40x160xf32, #tpu.memory_space<hbm>>
      tpu.wait_dma2 semaphore(%arg20 : memref<!tpu.dma_semaphore, #tpu.memory_space<semaphore_mem>>) src(%dma_wait3A_59 : memref<40x160xf32, #tpu.memory_space<hbm>>) dst(%arg11 : memref<40x160xf32, #tpu.memory_space<vmem>>)
      %dma_wait3A_60 = arith.constant 0 : i32
      %dma_wait3A_61 = arith.constant 0 : i32
      %dma_wait3A_62 = tpu.memref_slice %arg2[%dma_wait3A_60, %dma_wait3A_61] : memref<20480x160xf32, #tpu.memory_space<hbm>> -> memref<40x160xf32, #tpu.memory_space<hbm>>
      %dma_wait3A_63 = arith.constant 0 : i32
      %dma_wait3A_64 = arith.constant 0 : i32
      %dma_wait3A_65 = tpu.memref_slice %arg2[%dma_wait3A_63, %dma_wait3A_64] : memref<20480x160xf32, #tpu.memory_space<hbm>> -> memref<40x160xf32, #tpu.memory_space<hbm>>
      tpu.wait_dma2 semaphore(%arg21 : memref<!tpu.dma_semaphore, #tpu.memory_space<semaphore_mem>>) src(%dma_wait3A_65 : memref<40x160xf32, #tpu.memory_space<hbm>>) dst(%arg12 : memref<40x160xf32, #tpu.memory_space<vmem>>)
    }
    %scan3A_4 = arith.constant 8 : i32
    %barrier3A_5 = arith.constant 0 : index
    tpu.barrier barrier_id(%barrier3A_5)
    %mul3A_6 = arith.constant 640 : i32
    %mul3A_7 = arith.muli %arg1, %mul3A_6 : i32
    %mul3A_8 = arith.constant 640 : i32
    %mul3A_9 = arith.muli %arg1, %mul3A_8 : i32
    "tpu.region"() ({
      %run_scoped3A = tpu.sem_alloc : memref<!tpu.dma_semaphore, #tpu.memory_space<semaphore_mem>>
      %dma_start3A = arith.constant 0 : i32
      %dma_start3A_10 = tpu.memref_slice %arg6[%arg0, %mul3A_9, %dma_start3A] : memref<2x10240x160xf32, #tpu.memory_space<hbm>> -> memref<1x640x160xf32, #tpu.memory_space<hbm>>
      %dma_start3A_11 = tpu.memref_squeeze %dma_start3A_10 : memref<1x640x160xf32, #tpu.memory_space<hbm>> -> memref<640x160xf32, #tpu.memory_space<hbm>>
      %dma_start3A_12 = arith.constant 0 : i32
      %dma_start3A_13 = tpu.memref_slice %arg13[%mul3A_7, %dma_start3A_12] : memref<10240x160xf32, #tpu.memory_space<vmem_shared>> -> memref<640x160xf32, #tpu.memory_space<vmem_shared>>
      tpu.enqueue_dma source(%dma_start3A_13 : memref<640x160xf32, #tpu.memory_space<vmem_shared>>) target(%dma_start3A_11 : memref<640x160xf32, #tpu.memory_space<hbm>>) target_semaphore(%run_scoped3A : memref<!tpu.dma_semaphore, #tpu.memory_space<semaphore_mem>>)
      %dma_wait3A = arith.constant 0 : i32
      %dma_wait3A_14 = tpu.memref_slice %arg6[%arg0, %mul3A_9, %dma_wait3A] : memref<2x10240x160xf32, #tpu.memory_space<hbm>> -> memref<1x640x160xf32, #tpu.memory_space<hbm>>
      %dma_wait3A_15 = tpu.memref_squeeze %dma_wait3A_14 : memref<1x640x160xf32, #tpu.memory_space<hbm>> -> memref<640x160xf32, #tpu.memory_space<hbm>>
      %dma_wait3A_16 = arith.constant 0 : i32
      %dma_wait3A_17 = tpu.memref_slice %arg13[%mul3A_7, %dma_wait3A_16] : memref<10240x160xf32, #tpu.memory_space<vmem_shared>> -> memref<640x160xf32, #tpu.memory_space<vmem_shared>>
      tpu.wait_dma2 semaphore(%run_scoped3A : memref<!tpu.dma_semaphore, #tpu.memory_space<semaphore_mem>>) src(%dma_wait3A_17 : memref<640x160xf32, #tpu.memory_space<vmem_shared>>) dst(%dma_wait3A_15 : memref<640x160xf32, #tpu.memory_space<hbm>>)
      tpu.yield
    }) : () -> ()
    return
  }
}

#map = affine_map<(d0, d1) -> (0, 0)>
#map1 = affine_map<(d0, d1) -> (0, 0, 0)>
module attributes {stable_mosaic.version = 14 : i64} {
  func.func @_readout_kernel(%arg0: i32, %arg1: i32, %arg2: memref<20480x160xf32, #tpu.memory_space<hbm>>, %arg3: memref<16x5x128xi32, #tpu.memory_space<hbm>>, %arg4: memref<40x160xf32, #tpu.memory_space<hbm>>, %arg5: memref<2x640x160xf32, #tpu.memory_space<hbm>>, %arg6: memref<5x128xi32, #tpu.memory_space<vmem>>, %arg7: memref<128x160xf32, #tpu.memory_space<vmem>>, %arg8: memref<640x160xf32, #tpu.memory_space<vmem_shared>>) attributes {dimension_semantics = [#tpu.dimension_semantics<core_parallel>, #tpu.dimension_semantics<subcore_parallel>], iteration_bounds = array<i64: 2, 16>, scalar_prefetch = 0 : i64, scratch_operands = 3 : i64, tpu.core_type = #tpu.core_type<sc_vector_subcore>, window_params = [{transform_indices = #map}, {transform_indices = #map1}, {transform_indices = #map}, {transform_indices = #map1}]} {
    %mul3A = arith.constant 40 : i32
    %mul3A_0 = arith.muli %arg1, %mul3A : i32
    "tpu.region"() ({
      %run_scoped3A = tpu.sem_alloc : memref<!tpu.dma_semaphore, #tpu.memory_space<semaphore_mem>>
      %dma_start3A = arith.constant 0 : i32
      %dma_start3A_10 = tpu.memref_slice %arg8[%mul3A_0, %dma_start3A] : memref<640x160xf32, #tpu.memory_space<vmem_shared>> -> memref<40x160xf32, #tpu.memory_space<vmem_shared>>
      tpu.enqueue_dma source(%arg4 : memref<40x160xf32, #tpu.memory_space<hbm>>) target(%dma_start3A_10 : memref<40x160xf32, #tpu.memory_space<vmem_shared>>) target_semaphore(%run_scoped3A : memref<!tpu.dma_semaphore, #tpu.memory_space<semaphore_mem>>)
      %dma_wait3A = arith.constant 0 : i32
      %dma_wait3A_11 = tpu.memref_slice %arg8[%mul3A_0, %dma_wait3A] : memref<640x160xf32, #tpu.memory_space<vmem_shared>> -> memref<40x160xf32, #tpu.memory_space<vmem_shared>>
      tpu.wait_dma2 semaphore(%run_scoped3A : memref<!tpu.dma_semaphore, #tpu.memory_space<semaphore_mem>>) src(%arg4 : memref<40x160xf32, #tpu.memory_space<hbm>>) dst(%dma_wait3A_11 : memref<40x160xf32, #tpu.memory_space<vmem_shared>>)
      tpu.yield
    }) : () -> ()
    %barrier3A = arith.constant 0 : index
    tpu.barrier barrier_id(%barrier3A)
    "tpu.region"() ({
      %run_scoped3A = tpu.sem_alloc : memref<!tpu.dma_semaphore, #tpu.memory_space<semaphore_mem>>
      %dma_start3A = arith.constant 0 : i32
      %dma_start3A_10 = arith.constant 0 : i32
      %dma_start3A_11 = tpu.memref_slice %arg3[%arg1, %dma_start3A, %dma_start3A_10] : memref<16x5x128xi32, #tpu.memory_space<hbm>> -> memref<1x5x128xi32, #tpu.memory_space<hbm>>
      %dma_start3A_12 = tpu.memref_squeeze %dma_start3A_11 : memref<1x5x128xi32, #tpu.memory_space<hbm>> -> memref<5x128xi32, #tpu.memory_space<hbm>>
      %dma_start3A_13 = arith.constant 0 : i32
      %dma_start3A_14 = arith.constant 0 : i32
      %dma_start3A_15 = tpu.memref_slice %arg3[%arg1, %dma_start3A_13, %dma_start3A_14] : memref<16x5x128xi32, #tpu.memory_space<hbm>> -> memref<1x5x128xi32, #tpu.memory_space<hbm>>
      %dma_start3A_16 = tpu.memref_squeeze %dma_start3A_15 : memref<1x5x128xi32, #tpu.memory_space<hbm>> -> memref<5x128xi32, #tpu.memory_space<hbm>>
      tpu.enqueue_dma source(%dma_start3A_16 : memref<5x128xi32, #tpu.memory_space<hbm>>) target(%arg6 : memref<5x128xi32, #tpu.memory_space<vmem>>) target_semaphore(%run_scoped3A : memref<!tpu.dma_semaphore, #tpu.memory_space<semaphore_mem>>)
      %dma_wait3A = arith.constant 0 : i32
      %dma_wait3A_17 = arith.constant 0 : i32
      %dma_wait3A_18 = tpu.memref_slice %arg3[%arg1, %dma_wait3A, %dma_wait3A_17] : memref<16x5x128xi32, #tpu.memory_space<hbm>> -> memref<1x5x128xi32, #tpu.memory_space<hbm>>
      %dma_wait3A_19 = tpu.memref_squeeze %dma_wait3A_18 : memref<1x5x128xi32, #tpu.memory_space<hbm>> -> memref<5x128xi32, #tpu.memory_space<hbm>>
      %dma_wait3A_20 = arith.constant 0 : i32
      %dma_wait3A_21 = arith.constant 0 : i32
      %dma_wait3A_22 = tpu.memref_slice %arg3[%arg1, %dma_wait3A_20, %dma_wait3A_21] : memref<16x5x128xi32, #tpu.memory_space<hbm>> -> memref<1x5x128xi32, #tpu.memory_space<hbm>>
      %dma_wait3A_23 = tpu.memref_squeeze %dma_wait3A_22 : memref<1x5x128xi32, #tpu.memory_space<hbm>> -> memref<5x128xi32, #tpu.memory_space<hbm>>
      tpu.wait_dma2 semaphore(%run_scoped3A : memref<!tpu.dma_semaphore, #tpu.memory_space<semaphore_mem>>) src(%dma_wait3A_23 : memref<5x128xi32, #tpu.memory_space<hbm>>) dst(%arg6 : memref<5x128xi32, #tpu.memory_space<vmem>>)
      tpu.yield
    }) : () -> ()
    %scan3A = arith.constant 0 : i32
    %scan3A_1 = arith.constant 5 : i32
    %scan3A_2 = arith.addi %scan3A, %scan3A_1 : i32
    %scan3A_3 = arith.constant 1 : i32
    scf.for %scan3A_10 = %scan3A to %scan3A_2 step %scan3A_3  : i32 {
      %mul3A_11 = arith.constant 1 : i32
      %mul3A_12 = arith.muli %scan3A_10, %mul3A_11 : i32
      %add3A = arith.constant 0 : i32
      %add3A_13 = arith.addi %add3A, %mul3A_12 : i32
      %mul3A_14 = arith.constant 10240 : i32
      %mul3A_15 = arith.muli %arg0, %mul3A_14 : i32
      %mul3A_16 = arith.constant 640 : i32
      %mul3A_17 = arith.muli %arg1, %mul3A_16 : i32
      %add3A_18 = arith.addi %mul3A_15, %mul3A_17 : i32
      %mul3A_19 = arith.constant 128 : i32
      %mul3A_20 = arith.muli %add3A_13, %mul3A_19 : i32
      %add3A_21 = arith.addi %add3A_18, %mul3A_20 : i32
      "tpu.region"() ({
        %run_scoped3A = tpu.sem_alloc : memref<!tpu.dma_semaphore, #tpu.memory_space<semaphore_mem>>
        %dma_start3A = arith.constant 0 : i32
        %dma_start3A_22 = tpu.memref_slice %arg2[%add3A_21, %dma_start3A] : memref<20480x160xf32, #tpu.memory_space<hbm>> -> memref<128x160xf32, #tpu.memory_space<hbm>>
        %dma_start3A_23 = arith.constant 0 : i32
        %dma_start3A_24 = tpu.memref_slice %arg2[%add3A_21, %dma_start3A_23] : memref<20480x160xf32, #tpu.memory_space<hbm>> -> memref<128x160xf32, #tpu.memory_space<hbm>>
        tpu.enqueue_dma source(%dma_start3A_24 : memref<128x160xf32, #tpu.memory_space<hbm>>) target(%arg7 : memref<128x160xf32, #tpu.memory_space<vmem>>) target_semaphore(%run_scoped3A : memref<!tpu.dma_semaphore, #tpu.memory_space<semaphore_mem>>)
        %dma_wait3A = arith.constant 0 : i32
        %dma_wait3A_25 = tpu.memref_slice %arg2[%add3A_21, %dma_wait3A] : memref<20480x160xf32, #tpu.memory_space<hbm>> -> memref<128x160xf32, #tpu.memory_space<hbm>>
        %dma_wait3A_26 = arith.constant 0 : i32
        %dma_wait3A_27 = tpu.memref_slice %arg2[%add3A_21, %dma_wait3A_26] : memref<20480x160xf32, #tpu.memory_space<hbm>> -> memref<128x160xf32, #tpu.memory_space<hbm>>
        tpu.wait_dma2 semaphore(%run_scoped3A : memref<!tpu.dma_semaphore, #tpu.memory_space<semaphore_mem>>) src(%dma_wait3A_27 : memref<128x160xf32, #tpu.memory_space<hbm>>) dst(%arg7 : memref<128x160xf32, #tpu.memory_space<vmem>>)
        tpu.yield
      }) : () -> ()
      "tpu.region"() ({
        %run_scoped3A = tpu.sem_alloc : memref<!tpu.dma_semaphore, #tpu.memory_space<semaphore_mem>>
        %dma_start3A = arith.constant 0 : i32
        %dma_start3A_22 = tpu.memref_slice %arg6[%add3A_13, %dma_start3A] : memref<5x128xi32, #tpu.memory_space<vmem>> -> memref<1x128xi32, #tpu.memory_space<vmem>>
        %dma_start3A_23 = tpu.memref_squeeze %dma_start3A_22 : memref<1x128xi32, #tpu.memory_space<vmem>> -> memref<128xi32, #tpu.memory_space<vmem>>
        %dma_start3A_24 = arith.constant 0 : i32
        %dma_start3A_25 = arith.constant 0 : i32
        %dma_start3A_26 = tpu.memref_slice %arg8[%dma_start3A_24, %dma_start3A_25] : memref<640x160xf32, #tpu.memory_space<vmem_shared>> -> memref<640x160xf32, #tpu.memory_space<vmem_shared>>
        tpu.enqueue_indirect_dma source(%arg7 : memref<128x160xf32, #tpu.memory_space<vmem>>) target(%dma_start3A_26 : memref<640x160xf32, #tpu.memory_space<vmem_shared>>) offsets(%dma_start3A_23 : memref<128xi32, #tpu.memory_space<vmem>>) semaphore(%run_scoped3A : memref<!tpu.dma_semaphore, #tpu.memory_space<semaphore_mem>>) {add = true}
        %dma_wait3A = arith.constant 0 : i32
        %dma_wait3A_27 = tpu.memref_slice %arg6[%add3A_13, %dma_wait3A] : memref<5x128xi32, #tpu.memory_space<vmem>> -> memref<1x128xi32, #tpu.memory_space<vmem>>
        %dma_wait3A_28 = tpu.memref_squeeze %dma_wait3A_27 : memref<1x128xi32, #tpu.memory_space<vmem>> -> memref<128xi32, #tpu.memory_space<vmem>>
        %dma_wait3A_29 = arith.constant 0 : i32
        %dma_wait3A_30 = arith.constant 0 : i32
        %dma_wait3A_31 = tpu.memref_slice %arg8[%dma_wait3A_29, %dma_wait3A_30] : memref<640x160xf32, #tpu.memory_space<vmem_shared>> -> memref<640x160xf32, #tpu.memory_space<vmem_shared>>
        tpu.wait_indirect_dma semaphore(%run_scoped3A : memref<!tpu.dma_semaphore, #tpu.memory_space<semaphore_mem>>) src(%arg7 : memref<128x160xf32, #tpu.memory_space<vmem>>) dst(%dma_wait3A_31 : memref<640x160xf32, #tpu.memory_space<vmem_shared>>)
        tpu.yield
      }) : () -> ()
    }
    %scan3A_4 = arith.constant 5 : i32
    %barrier3A_5 = arith.constant 0 : index
    tpu.barrier barrier_id(%barrier3A_5)
    %mul3A_6 = arith.constant 40 : i32
    %mul3A_7 = arith.muli %arg1, %mul3A_6 : i32
    %mul3A_8 = arith.constant 40 : i32
    %mul3A_9 = arith.muli %arg1, %mul3A_8 : i32
    "tpu.region"() ({
      %run_scoped3A = tpu.sem_alloc : memref<!tpu.dma_semaphore, #tpu.memory_space<semaphore_mem>>
      %dma_start3A = arith.constant 0 : i32
      %dma_start3A_10 = tpu.memref_slice %arg5[%arg0, %mul3A_9, %dma_start3A] : memref<2x640x160xf32, #tpu.memory_space<hbm>> -> memref<1x40x160xf32, #tpu.memory_space<hbm>>
      %dma_start3A_11 = tpu.memref_squeeze %dma_start3A_10 : memref<1x40x160xf32, #tpu.memory_space<hbm>> -> memref<40x160xf32, #tpu.memory_space<hbm>>
      %dma_start3A_12 = arith.constant 0 : i32
      %dma_start3A_13 = tpu.memref_slice %arg8[%mul3A_7, %dma_start3A_12] : memref<640x160xf32, #tpu.memory_space<vmem_shared>> -> memref<40x160xf32, #tpu.memory_space<vmem_shared>>
      tpu.enqueue_dma source(%dma_start3A_13 : memref<40x160xf32, #tpu.memory_space<vmem_shared>>) target(%dma_start3A_11 : memref<40x160xf32, #tpu.memory_space<hbm>>) target_semaphore(%run_scoped3A : memref<!tpu.dma_semaphore, #tpu.memory_space<semaphore_mem>>)
      %dma_wait3A = arith.constant 0 : i32
      %dma_wait3A_14 = tpu.memref_slice %arg5[%arg0, %mul3A_9, %dma_wait3A] : memref<2x640x160xf32, #tpu.memory_space<hbm>> -> memref<1x40x160xf32, #tpu.memory_space<hbm>>
      %dma_wait3A_15 = tpu.memref_squeeze %dma_wait3A_14 : memref<1x40x160xf32, #tpu.memory_space<hbm>> -> memref<40x160xf32, #tpu.memory_space<hbm>>
      %dma_wait3A_16 = arith.constant 0 : i32
      %dma_wait3A_17 = tpu.memref_slice %arg8[%mul3A_7, %dma_wait3A_16] : memref<640x160xf32, #tpu.memory_space<vmem_shared>> -> memref<40x160xf32, #tpu.memory_space<vmem_shared>>
      tpu.wait_dma2 semaphore(%run_scoped3A : memref<!tpu.dma_semaphore, #tpu.memory_space<semaphore_mem>>) src(%dma_wait3A_17 : memref<40x160xf32, #tpu.memory_space<vmem_shared>>) dst(%dma_wait3A_15 : memref<40x160xf32, #tpu.memory_space<hbm>>)
      tpu.yield
    }) : () -> ()
    return
  }
}

module attributes {stable_mosaic.version = 14 : i64} {
  func.func @_mlp_body(%arg0: i32, %arg1: memref<2x1024x160xf32, #tpu.memory_space<vmem>>, %arg2: memref<2x1024x32xf32, #tpu.memory_space<vmem>>, %arg3: memref<32x160xf32, #tpu.memory_space<vmem>>, %arg4: memref<32x160xf32, #tpu.memory_space<vmem>>, %arg5: memref<160x600xf32, #tpu.memory_space<vmem>>, %arg6: memref<160x600xf32, #tpu.memory_space<vmem>>, %arg7: memref<1x600xf32, #tpu.memory_space<vmem>>, %arg8: memref<600x160xf32, #tpu.memory_space<vmem>>, %arg9: memref<600x160xf32, #tpu.memory_space<vmem>>, %arg10: memref<1x160xf32, #tpu.memory_space<vmem>>, %arg11: memref<1x160xf32, #tpu.memory_space<vmem>>, %arg12: memref<2x1024x160xf32, #tpu.memory_space<vmem>>) attributes {dimension_semantics = [#tpu.dimension_semantics<arbitrary>], iteration_bounds = array<i64: 10>, scalar_prefetch = 0 : i64, scratch_operands = 0 : i64, tpu.core_type = #tpu.core_type<tc>, window_params = [{transform_indices = @transform_0, window_bounds = array<i64: 2, 1024, 160>}, {transform_indices = @transform_1, window_bounds = array<i64: 2, 1024, 32>}, {pipeline_mode = #tpu.pipeline_mode<synchronous>, transform_indices = @transform_2, window_bounds = array<i64: 32, 160>}, {pipeline_mode = #tpu.pipeline_mode<synchronous>, transform_indices = @transform_3, window_bounds = array<i64: 32, 160>}, {pipeline_mode = #tpu.pipeline_mode<synchronous>, transform_indices = @transform_4, window_bounds = array<i64: 160, 600>}, {pipeline_mode = #tpu.pipeline_mode<synchronous>, transform_indices = @transform_5, window_bounds = array<i64: 160, 600>}, {pipeline_mode = #tpu.pipeline_mode<synchronous>, transform_indices = @transform_6, window_bounds = array<i64: 1, 600>}, {pipeline_mode = #tpu.pipeline_mode<synchronous>, transform_indices = @transform_7, window_bounds = array<i64: 600, 160>}, {pipeline_mode = #tpu.pipeline_mode<synchronous>, transform_indices = @transform_8, window_bounds = array<i64: 600, 160>}, {pipeline_mode = #tpu.pipeline_mode<synchronous>, transform_indices = @transform_9, window_bounds = array<i64: 1, 160>}, {pipeline_mode = #tpu.pipeline_mode<synchronous>, transform_indices = @transform_10, window_bounds = array<i64: 1, 160>}, {transform_indices = @transform_11, window_bounds = array<i64: 2, 1024, 160>}]} {
    %get3A = arith.constant 0 : index
    %get3A_0 = arith.constant 0 : index
    %get3A_1 = arith.constant 0 : index
    %get3A_2 = vector.load %arg2[%get3A, %get3A_0, %get3A_1] : memref<2x1024x32xf32, #tpu.memory_space<vmem>>, vector<1x1024x32xf32>
    %get3A_3 = vector.shape_cast %get3A_2 : vector<1x1024x32xf32> to vector<1024x32xf32>
    %get3A_4 = arith.constant 1 : index
    %get3A_5 = arith.constant 0 : index
    %get3A_6 = arith.constant 0 : index
    %get3A_7 = vector.load %arg2[%get3A_4, %get3A_5, %get3A_6] : memref<2x1024x32xf32, #tpu.memory_space<vmem>>, vector<1x1024x32xf32>
    %get3A_8 = vector.shape_cast %get3A_7 : vector<1x1024x32xf32> to vector<1024x32xf32>
    %add3A = arith.addf %get3A_3, %get3A_8 : vector<1024x32xf32>
    %get3A_9 = arith.constant 0 : index
    %get3A_10 = arith.constant 0 : index
    %get3A_11 = arith.constant 0 : index
    %get3A_12 = vector.load %arg1[%get3A_9, %get3A_10, %get3A_11] : memref<2x1024x160xf32, #tpu.memory_space<vmem>>, vector<1x1024x160xf32>
    %get3A_13 = vector.shape_cast %get3A_12 : vector<1x1024x160xf32> to vector<1024x160xf32>
    %get3A_14 = arith.constant 0 : index
    %get3A_15 = arith.constant 0 : index
    %get3A_16 = vector.load %arg3[%get3A_14, %get3A_15] : memref<32x160xf32, #tpu.memory_space<vmem>>, vector<32x160xf32>
    %dot_general3A = arith.constant dense<0.000000e+00> : vector<1024x160xf32>
    %dot_general3A_17 = tpu.matmul %add3A, %get3A_16, %dot_general3A {dimension_numbers = #tpu.dot_dimension_numbers<[1], [0], [0], [1], [0, 0, 1, 1], [], []>, transpose_lhs_hint = false} : vector<1024x32xf32>, vector<32x160xf32>, vector<1024x160xf32> -> vector<1024x160xf32>
    %add3A_18 = arith.addf %get3A_13, %dot_general3A_17 : vector<1024x160xf32>
    %get3A_19 = arith.constant 1 : index
    %get3A_20 = arith.constant 0 : index
    %get3A_21 = arith.constant 0 : index
    %get3A_22 = vector.load %arg1[%get3A_19, %get3A_20, %get3A_21] : memref<2x1024x160xf32, #tpu.memory_space<vmem>>, vector<1x1024x160xf32>
    %get3A_23 = vector.shape_cast %get3A_22 : vector<1x1024x160xf32> to vector<1024x160xf32>
    %get3A_24 = arith.constant 0 : index
    %get3A_25 = arith.constant 0 : index
    %get3A_26 = vector.load %arg4[%get3A_24, %get3A_25] : memref<32x160xf32, #tpu.memory_space<vmem>>, vector<32x160xf32>
    %dot_general3A_27 = arith.constant dense<0.000000e+00> : vector<1024x160xf32>
    %dot_general3A_28 = tpu.matmul %add3A, %get3A_26, %dot_general3A_27 {dimension_numbers = #tpu.dot_dimension_numbers<[1], [0], [0], [1], [0, 0, 1, 1], [], []>, transpose_lhs_hint = false} : vector<1024x32xf32>, vector<32x160xf32>, vector<1024x160xf32> -> vector<1024x160xf32>
    %add3A_29 = arith.addf %get3A_23, %dot_general3A_28 : vector<1024x160xf32>
    %get3A_30 = arith.constant 0 : index
    %get3A_31 = arith.constant 0 : index
    %get3A_32 = vector.load %arg5[%get3A_30, %get3A_31] : memref<160x600xf32, #tpu.memory_space<vmem>>, vector<160x600xf32>
    %dot_general3A_33 = arith.constant dense<0.000000e+00> : vector<1024x600xf32>
    %dot_general3A_34 = tpu.matmul %add3A_18, %get3A_32, %dot_general3A_33 {dimension_numbers = #tpu.dot_dimension_numbers<[1], [0], [0], [1], [0, 0, 1, 1], [], []>, transpose_lhs_hint = false} : vector<1024x160xf32>, vector<160x600xf32>, vector<1024x600xf32> -> vector<1024x600xf32>
    %get3A_35 = arith.constant 0 : index
    %get3A_36 = arith.constant 0 : index
    %get3A_37 = vector.load %arg6[%get3A_35, %get3A_36] : memref<160x600xf32, #tpu.memory_space<vmem>>, vector<160x600xf32>
    %dot_general3A_38 = arith.constant dense<0.000000e+00> : vector<1024x600xf32>
    %dot_general3A_39 = tpu.matmul %add3A_29, %get3A_37, %dot_general3A_38 {dimension_numbers = #tpu.dot_dimension_numbers<[1], [0], [0], [1], [0, 0, 1, 1], [], []>, transpose_lhs_hint = false} : vector<1024x160xf32>, vector<160x600xf32>, vector<1024x600xf32> -> vector<1024x600xf32>
    %add3A_40 = arith.addf %dot_general3A_34, %dot_general3A_39 : vector<1024x600xf32>
    %get3A_41 = arith.constant 0 : index
    %get3A_42 = arith.constant 0 : index
    %get3A_43 = vector.load %arg7[%get3A_41, %get3A_42] : memref<1x600xf32, #tpu.memory_space<vmem>>, vector<1x600xf32>
    %add3A_44 = vector.broadcast %get3A_43 : vector<1x600xf32> to vector<1024x600xf32>
    %add3A_45 = arith.addf %add3A_40, %add3A_44 : vector<1024x600xf32>
    %max3A = arith.constant 0.000000e+00 : f32
    %max3A_46 = vector.broadcast %max3A : f32 to vector<1024x600xf32>
    %max3A_47 = arith.maximumf %add3A_45, %max3A_46 : vector<1024x600xf32>
    %get3A_48 = arith.constant 0 : index
    %get3A_49 = arith.constant 0 : index
    %get3A_50 = vector.load %arg8[%get3A_48, %get3A_49] : memref<600x160xf32, #tpu.memory_space<vmem>>, vector<600x160xf32>
    %dot_general3A_51 = arith.constant dense<0.000000e+00> : vector<1024x160xf32>
    %dot_general3A_52 = tpu.matmul %max3A_47, %get3A_50, %dot_general3A_51 {dimension_numbers = #tpu.dot_dimension_numbers<[1], [0], [0], [1], [0, 0, 1, 1], [], []>, transpose_lhs_hint = false} : vector<1024x600xf32>, vector<600x160xf32>, vector<1024x160xf32> -> vector<1024x160xf32>
    %get3A_53 = arith.constant 0 : index
    %get3A_54 = arith.constant 0 : index
    %get3A_55 = vector.load %arg10[%get3A_53, %get3A_54] : memref<1x160xf32, #tpu.memory_space<vmem>>, vector<1x160xf32>
    %add3A_56 = vector.broadcast %get3A_55 : vector<1x160xf32> to vector<1024x160xf32>
    %add3A_57 = arith.addf %dot_general3A_52, %add3A_56 : vector<1024x160xf32>
    %get3A_58 = arith.constant 0 : index
    %get3A_59 = arith.constant 0 : index
    %get3A_60 = vector.load %arg9[%get3A_58, %get3A_59] : memref<600x160xf32, #tpu.memory_space<vmem>>, vector<600x160xf32>
    %dot_general3A_61 = arith.constant dense<0.000000e+00> : vector<1024x160xf32>
    %dot_general3A_62 = tpu.matmul %max3A_47, %get3A_60, %dot_general3A_61 {dimension_numbers = #tpu.dot_dimension_numbers<[1], [0], [0], [1], [0, 0, 1, 1], [], []>, transpose_lhs_hint = false} : vector<1024x600xf32>, vector<600x160xf32>, vector<1024x160xf32> -> vector<1024x160xf32>
    %get3A_63 = arith.constant 0 : index
    %get3A_64 = arith.constant 0 : index
    %get3A_65 = vector.load %arg11[%get3A_63, %get3A_64] : memref<1x160xf32, #tpu.memory_space<vmem>>, vector<1x160xf32>
    %add3A_66 = vector.broadcast %get3A_65 : vector<1x160xf32> to vector<1024x160xf32>
    %add3A_67 = arith.addf %dot_general3A_62, %add3A_66 : vector<1024x160xf32>
    %max3A_68 = arith.constant 0.000000e+00 : f32
    %max3A_69 = vector.broadcast %max3A_68 : f32 to vector<1024x160xf32>
    %max3A_70 = arith.maximumf %add3A_57, %max3A_69 : vector<1024x160xf32>
    %max3A_71 = arith.constant 0.000000e+00 : f32
    %max3A_72 = vector.broadcast %max3A_71 : f32 to vector<1024x160xf32>
    %max3A_73 = arith.maximumf %add3A_67, %max3A_72 : vector<1024x160xf32>
    %swap3A = arith.constant 0 : index
    %swap3A_74 = arith.constant 0 : index
    %swap3A_75 = arith.constant 0 : index
    %swap3A_76 = vector.load %arg12[%swap3A, %swap3A_74, %swap3A_75] : memref<2x1024x160xf32, #tpu.memory_space<vmem>>, vector<1x1024x160xf32>
    %swap3A_77 = vector.shape_cast %swap3A_76 : vector<1x1024x160xf32> to vector<1024x160xf32>
    %swap3A_78 = vector.shape_cast %max3A_70 : vector<1024x160xf32> to vector<1x1024x160xf32>
    tpu.vector_store %arg12[%swap3A, %swap3A_74, %swap3A_75], %swap3A_78 {strides = array<i32>} : memref<2x1024x160xf32, #tpu.memory_space<vmem>>, vector<1x1024x160xf32>,
    %swap3A_79 = arith.constant 1 : index
    %swap3A_80 = arith.constant 0 : index
    %swap3A_81 = arith.constant 0 : index
    %swap3A_82 = vector.load %arg12[%swap3A_79, %swap3A_80, %swap3A_81] : memref<2x1024x160xf32, #tpu.memory_space<vmem>>, vector<1x1024x160xf32>
    %swap3A_83 = vector.shape_cast %swap3A_82 : vector<1x1024x160xf32> to vector<1024x160xf32>
    %swap3A_84 = vector.shape_cast %max3A_73 : vector<1024x160xf32> to vector<1x1024x160xf32>
    tpu.vector_store %arg12[%swap3A_79, %swap3A_80, %swap3A_81], %swap3A_84 {strides = array<i32>} : memref<2x1024x160xf32, #tpu.memory_space<vmem>>, vector<1x1024x160xf32>,
    return
  }
  func.func @transform_0(%arg0: i32) -> (i32, i32, i32) {
    %c0_i32 = arith.constant 0 : i32
    %c0_i32_0 = arith.constant 0 : i32
    %c0_i32_1 = arith.constant 0 : i32
    return %c0_i32, %arg0, %c0_i32_0 : i32, i32, i32
  }
  func.func @transform_1(%arg0: i32) -> (i32, i32, i32) {
    %c0_i32 = arith.constant 0 : i32
    %c0_i32_0 = arith.constant 0 : i32
    %c0_i32_1 = arith.constant 0 : i32
    return %c0_i32, %arg0, %c0_i32_0 : i32, i32, i32
  }
  func.func @transform_2(%arg0: i32) -> (i32, i32) {
    %c0_i32 = arith.constant 0 : i32
    %c0_i32_0 = arith.constant 0 : i32
    %c0_i32_1 = arith.constant 0 : i32
    return %c0_i32, %c0_i32_0 : i32, i32
  }
  func.func @transform_3(%arg0: i32) -> (i32, i32) {
    %c0_i32 = arith.constant 0 : i32
    %c0_i32_0 = arith.constant 0 : i32
    %c0_i32_1 = arith.constant 0 : i32
    return %c0_i32, %c0_i32_0 : i32, i32
  }
  func.func @transform_4(%arg0: i32) -> (i32, i32) {
    %c0_i32 = arith.constant 0 : i32
    %c0_i32_0 = arith.constant 0 : i32
    %c0_i32_1 = arith.constant 0 : i32
    return %c0_i32, %c0_i32_0 : i32, i32
  }
  func.func @transform_5(%arg0: i32) -> (i32, i32) {
    %c0_i32 = arith.constant 0 : i32
    %c0_i32_0 = arith.constant 0 : i32
    %c0_i32_1 = arith.constant 0 : i32
    return %c0_i32, %c0_i32_0 : i32, i32
  }
  func.func @transform_6(%arg0: i32) -> (i32, i32) {
    %c0_i32 = arith.constant 0 : i32
    %c0_i32_0 = arith.constant 0 : i32
    %c0_i32_1 = arith.constant 0 : i32
    return %c0_i32, %c0_i32_0 : i32, i32
  }
  func.func @transform_7(%arg0: i32) -> (i32, i32) {
    %c0_i32 = arith.constant 0 : i32
    %c0_i32_0 = arith.constant 0 : i32
    %c0_i32_1 = arith.constant 0 : i32
    return %c0_i32, %c0_i32_0 : i32, i32
  }
  func.func @transform_8(%arg0: i32) -> (i32, i32) {
    %c0_i32 = arith.constant 0 : i32
    %c0_i32_0 = arith.constant 0 : i32
    %c0_i32_1 = arith.constant 0 : i32
    return %c0_i32, %c0_i32_0 : i32, i32
  }
  func.func @transform_9(%arg0: i32) -> (i32, i32) {
    %c0_i32 = arith.constant 0 : i32
    %c0_i32_0 = arith.constant 0 : i32
    %c0_i32_1 = arith.constant 0 : i32
    return %c0_i32, %c0_i32_0 : i32, i32
  }
  func.func @transform_10(%arg0: i32) -> (i32, i32) {
    %c0_i32 = arith.constant 0 : i32
    %c0_i32_0 = arith.constant 0 : i32
    %c0_i32_1 = arith.constant 0 : i32
    return %c0_i32, %c0_i32_0 : i32, i32
  }
  func.func @transform_11(%arg0: i32) -> (i32, i32, i32) {
    %c0_i32 = arith.constant 0 : i32
    %c0_i32_0 = arith.constant 0 : i32
    %c0_i32_1 = arith.constant 0 : i32
    return %c0_i32, %arg0, %c0_i32_0 : i32, i32, i32
  }
}

module attributes {stable_mosaic.version = 14 : i64} {
  func.func @_mlp_body(%arg0: i32, %arg1: memref<2x1024x160xf32, #tpu.memory_space<vmem>>, %arg2: memref<2x1024x32xf32, #tpu.memory_space<vmem>>, %arg3: memref<32x160xf32, #tpu.memory_space<vmem>>, %arg4: memref<32x160xf32, #tpu.memory_space<vmem>>, %arg5: memref<160x600xf32, #tpu.memory_space<vmem>>, %arg6: memref<160x600xf32, #tpu.memory_space<vmem>>, %arg7: memref<1x600xf32, #tpu.memory_space<vmem>>, %arg8: memref<600x160xf32, #tpu.memory_space<vmem>>, %arg9: memref<600x160xf32, #tpu.memory_space<vmem>>, %arg10: memref<1x160xf32, #tpu.memory_space<vmem>>, %arg11: memref<1x160xf32, #tpu.memory_space<vmem>>, %arg12: memref<2x1024x160xf32, #tpu.memory_space<vmem>>) attributes {dimension_semantics = [#tpu.dimension_semantics<arbitrary>], iteration_bounds = array<i64: 10>, scalar_prefetch = 0 : i64, scratch_operands = 0 : i64, tpu.core_type = #tpu.core_type<tc>, window_params = [{transform_indices = @transform_0, window_bounds = array<i64: 2, 1024, 160>}, {transform_indices = @transform_1, window_bounds = array<i64: 2, 1024, 32>}, {pipeline_mode = #tpu.pipeline_mode<synchronous>, transform_indices = @transform_2, window_bounds = array<i64: 32, 160>}, {pipeline_mode = #tpu.pipeline_mode<synchronous>, transform_indices = @transform_3, window_bounds = array<i64: 32, 160>}, {pipeline_mode = #tpu.pipeline_mode<synchronous>, transform_indices = @transform_4, window_bounds = array<i64: 160, 600>}, {pipeline_mode = #tpu.pipeline_mode<synchronous>, transform_indices = @transform_5, window_bounds = array<i64: 160, 600>}, {pipeline_mode = #tpu.pipeline_mode<synchronous>, transform_indices = @transform_6, window_bounds = array<i64: 1, 600>}, {pipeline_mode = #tpu.pipeline_mode<synchronous>, transform_indices = @transform_7, window_bounds = array<i64: 600, 160>}, {pipeline_mode = #tpu.pipeline_mode<synchronous>, transform_indices = @transform_8, window_bounds = array<i64: 600, 160>}, {pipeline_mode = #tpu.pipeline_mode<synchronous>, transform_indices = @transform_9, window_bounds = array<i64: 1, 160>}, {pipeline_mode = #tpu.pipeline_mode<synchronous>, transform_indices = @transform_10, window_bounds = array<i64: 1, 160>}, {transform_indices = @transform_11, window_bounds = array<i64: 2, 1024, 160>}]} {
    %get3A = arith.constant 0 : index
    %get3A_0 = arith.constant 0 : index
    %get3A_1 = arith.constant 0 : index
    %get3A_2 = vector.load %arg2[%get3A, %get3A_0, %get3A_1] : memref<2x1024x32xf32, #tpu.memory_space<vmem>>, vector<1x1024x32xf32>
    %get3A_3 = vector.shape_cast %get3A_2 : vector<1x1024x32xf32> to vector<1024x32xf32>
    %get3A_4 = arith.constant 1 : index
    %get3A_5 = arith.constant 0 : index
    %get3A_6 = arith.constant 0 : index
    %get3A_7 = vector.load %arg2[%get3A_4, %get3A_5, %get3A_6] : memref<2x1024x32xf32, #tpu.memory_space<vmem>>, vector<1x1024x32xf32>
    %get3A_8 = vector.shape_cast %get3A_7 : vector<1x1024x32xf32> to vector<1024x32xf32>
    %add3A = arith.addf %get3A_3, %get3A_8 : vector<1024x32xf32>
    %get3A_9 = arith.constant 0 : index
    %get3A_10 = arith.constant 0 : index
    %get3A_11 = arith.constant 0 : index
    %get3A_12 = vector.load %arg1[%get3A_9, %get3A_10, %get3A_11] : memref<2x1024x160xf32, #tpu.memory_space<vmem>>, vector<1x1024x160xf32>
    %get3A_13 = vector.shape_cast %get3A_12 : vector<1x1024x160xf32> to vector<1024x160xf32>
    %get3A_14 = arith.constant 0 : index
    %get3A_15 = arith.constant 0 : index
    %get3A_16 = vector.load %arg3[%get3A_14, %get3A_15] : memref<32x160xf32, #tpu.memory_space<vmem>>, vector<32x160xf32>
    %dot_general3A = arith.constant dense<0.000000e+00> : vector<1024x160xf32>
    %dot_general3A_17 = tpu.matmul %add3A, %get3A_16, %dot_general3A {dimension_numbers = #tpu.dot_dimension_numbers<[1], [0], [0], [1], [0, 0, 1, 1], [], []>, transpose_lhs_hint = false} : vector<1024x32xf32>, vector<32x160xf32>, vector<1024x160xf32> -> vector<1024x160xf32>
    %add3A_18 = arith.addf %get3A_13, %dot_general3A_17 : vector<1024x160xf32>
    %get3A_19 = arith.constant 1 : index
    %get3A_20 = arith.constant 0 : index
    %get3A_21 = arith.constant 0 : index
    %get3A_22 = vector.load %arg1[%get3A_19, %get3A_20, %get3A_21] : memref<2x1024x160xf32, #tpu.memory_space<vmem>>, vector<1x1024x160xf32>
    %get3A_23 = vector.shape_cast %get3A_22 : vector<1x1024x160xf32> to vector<1024x160xf32>
    %get3A_24 = arith.constant 0 : index
    %get3A_25 = arith.constant 0 : index
    %get3A_26 = vector.load %arg4[%get3A_24, %get3A_25] : memref<32x160xf32, #tpu.memory_space<vmem>>, vector<32x160xf32>
    %dot_general3A_27 = arith.constant dense<0.000000e+00> : vector<1024x160xf32>
    %dot_general3A_28 = tpu.matmul %add3A, %get3A_26, %dot_general3A_27 {dimension_numbers = #tpu.dot_dimension_numbers<[1], [0], [0], [1], [0, 0, 1, 1], [], []>, transpose_lhs_hint = false} : vector<1024x32xf32>, vector<32x160xf32>, vector<1024x160xf32> -> vector<1024x160xf32>
    %add3A_29 = arith.addf %get3A_23, %dot_general3A_28 : vector<1024x160xf32>
    %get3A_30 = arith.constant 0 : index
    %get3A_31 = arith.constant 0 : index
    %get3A_32 = vector.load %arg5[%get3A_30, %get3A_31] : memref<160x600xf32, #tpu.memory_space<vmem>>, vector<160x600xf32>
    %dot_general3A_33 = arith.constant dense<0.000000e+00> : vector<1024x600xf32>
    %dot_general3A_34 = tpu.matmul %add3A_18, %get3A_32, %dot_general3A_33 {dimension_numbers = #tpu.dot_dimension_numbers<[1], [0], [0], [1], [0, 0, 1, 1], [], []>, transpose_lhs_hint = false} : vector<1024x160xf32>, vector<160x600xf32>, vector<1024x600xf32> -> vector<1024x600xf32>
    %get3A_35 = arith.constant 0 : index
    %get3A_36 = arith.constant 0 : index
    %get3A_37 = vector.load %arg6[%get3A_35, %get3A_36] : memref<160x600xf32, #tpu.memory_space<vmem>>, vector<160x600xf32>
    %dot_general3A_38 = arith.constant dense<0.000000e+00> : vector<1024x600xf32>
    %dot_general3A_39 = tpu.matmul %add3A_29, %get3A_37, %dot_general3A_38 {dimension_numbers = #tpu.dot_dimension_numbers<[1], [0], [0], [1], [0, 0, 1, 1], [], []>, transpose_lhs_hint = false} : vector<1024x160xf32>, vector<160x600xf32>, vector<1024x600xf32> -> vector<1024x600xf32>
    %add3A_40 = arith.addf %dot_general3A_34, %dot_general3A_39 : vector<1024x600xf32>
    %get3A_41 = arith.constant 0 : index
    %get3A_42 = arith.constant 0 : index
    %get3A_43 = vector.load %arg7[%get3A_41, %get3A_42] : memref<1x600xf32, #tpu.memory_space<vmem>>, vector<1x600xf32>
    %add3A_44 = vector.broadcast %get3A_43 : vector<1x600xf32> to vector<1024x600xf32>
    %add3A_45 = arith.addf %add3A_40, %add3A_44 : vector<1024x600xf32>
    %max3A = arith.constant 0.000000e+00 : f32
    %max3A_46 = vector.broadcast %max3A : f32 to vector<1024x600xf32>
    %max3A_47 = arith.maximumf %add3A_45, %max3A_46 : vector<1024x600xf32>
    %get3A_48 = arith.constant 0 : index
    %get3A_49 = arith.constant 0 : index
    %get3A_50 = vector.load %arg8[%get3A_48, %get3A_49] : memref<600x160xf32, #tpu.memory_space<vmem>>, vector<600x160xf32>
    %dot_general3A_51 = arith.constant dense<0.000000e+00> : vector<1024x160xf32>
    %dot_general3A_52 = tpu.matmul %max3A_47, %get3A_50, %dot_general3A_51 {dimension_numbers = #tpu.dot_dimension_numbers<[1], [0], [0], [1], [0, 0, 1, 1], [], []>, transpose_lhs_hint = false} : vector<1024x600xf32>, vector<600x160xf32>, vector<1024x160xf32> -> vector<1024x160xf32>
    %get3A_53 = arith.constant 0 : index
    %get3A_54 = arith.constant 0 : index
    %get3A_55 = vector.load %arg10[%get3A_53, %get3A_54] : memref<1x160xf32, #tpu.memory_space<vmem>>, vector<1x160xf32>
    %add3A_56 = vector.broadcast %get3A_55 : vector<1x160xf32> to vector<1024x160xf32>
    %add3A_57 = arith.addf %dot_general3A_52, %add3A_56 : vector<1024x160xf32>
    %get3A_58 = arith.constant 0 : index
    %get3A_59 = arith.constant 0 : index
    %get3A_60 = vector.load %arg9[%get3A_58, %get3A_59] : memref<600x160xf32, #tpu.memory_space<vmem>>, vector<600x160xf32>
    %dot_general3A_61 = arith.constant dense<0.000000e+00> : vector<1024x160xf32>
    %dot_general3A_62 = tpu.matmul %max3A_47, %get3A_60, %dot_general3A_61 {dimension_numbers = #tpu.dot_dimension_numbers<[1], [0], [0], [1], [0, 0, 1, 1], [], []>, transpose_lhs_hint = false} : vector<1024x600xf32>, vector<600x160xf32>, vector<1024x160xf32> -> vector<1024x160xf32>
    %get3A_63 = arith.constant 0 : index
    %get3A_64 = arith.constant 0 : index
    %get3A_65 = vector.load %arg11[%get3A_63, %get3A_64] : memref<1x160xf32, #tpu.memory_space<vmem>>, vector<1x160xf32>
    %add3A_66 = vector.broadcast %get3A_65 : vector<1x160xf32> to vector<1024x160xf32>
    %add3A_67 = arith.addf %dot_general3A_62, %add3A_66 : vector<1024x160xf32>
    %swap3A = arith.constant 0 : index
    %swap3A_68 = arith.constant 0 : index
    %swap3A_69 = arith.constant 0 : index
    %swap3A_70 = vector.load %arg12[%swap3A, %swap3A_68, %swap3A_69] : memref<2x1024x160xf32, #tpu.memory_space<vmem>>, vector<1x1024x160xf32>
    %swap3A_71 = vector.shape_cast %swap3A_70 : vector<1x1024x160xf32> to vector<1024x160xf32>
    %swap3A_72 = vector.shape_cast %add3A_57 : vector<1024x160xf32> to vector<1x1024x160xf32>
    tpu.vector_store %arg12[%swap3A, %swap3A_68, %swap3A_69], %swap3A_72 {strides = array<i32>} : memref<2x1024x160xf32, #tpu.memory_space<vmem>>, vector<1x1024x160xf32>,
    %swap3A_73 = arith.constant 1 : index
    %swap3A_74 = arith.constant 0 : index
    %swap3A_75 = arith.constant 0 : index
    %swap3A_76 = vector.load %arg12[%swap3A_73, %swap3A_74, %swap3A_75] : memref<2x1024x160xf32, #tpu.memory_space<vmem>>, vector<1x1024x160xf32>
    %swap3A_77 = vector.shape_cast %swap3A_76 : vector<1x1024x160xf32> to vector<1024x160xf32>
    %swap3A_78 = vector.shape_cast %add3A_67 : vector<1024x160xf32> to vector<1x1024x160xf32>
    tpu.vector_store %arg12[%swap3A_73, %swap3A_74, %swap3A_75], %swap3A_78 {strides = array<i32>} : memref<2x1024x160xf32, #tpu.memory_space<vmem>>, vector<1x1024x160xf32>,
    return
  }
  func.func @transform_0(%arg0: i32) -> (i32, i32, i32) {
    %c0_i32 = arith.constant 0 : i32
    %c0_i32_0 = arith.constant 0 : i32
    %c0_i32_1 = arith.constant 0 : i32
    return %c0_i32, %arg0, %c0_i32_0 : i32, i32, i32
  }
  func.func @transform_1(%arg0: i32) -> (i32, i32, i32) {
    %c0_i32 = arith.constant 0 : i32
    %c0_i32_0 = arith.constant 0 : i32
    %c0_i32_1 = arith.constant 0 : i32
    return %c0_i32, %arg0, %c0_i32_0 : i32, i32, i32
  }
  func.func @transform_2(%arg0: i32) -> (i32, i32) {
    %c0_i32 = arith.constant 0 : i32
    %c0_i32_0 = arith.constant 0 : i32
    %c0_i32_1 = arith.constant 0 : i32
    return %c0_i32, %c0_i32_0 : i32, i32
  }
  func.func @transform_3(%arg0: i32) -> (i32, i32) {
    %c0_i32 = arith.constant 0 : i32
    %c0_i32_0 = arith.constant 0 : i32
    %c0_i32_1 = arith.constant 0 : i32
    return %c0_i32, %c0_i32_0 : i32, i32
  }
  func.func @transform_4(%arg0: i32) -> (i32, i32) {
    %c0_i32 = arith.constant 0 : i32
    %c0_i32_0 = arith.constant 0 : i32
    %c0_i32_1 = arith.constant 0 : i32
    return %c0_i32, %c0_i32_0 : i32, i32
  }
  func.func @transform_5(%arg0: i32) -> (i32, i32) {
    %c0_i32 = arith.constant 0 : i32
    %c0_i32_0 = arith.constant 0 : i32
    %c0_i32_1 = arith.constant 0 : i32
    return %c0_i32, %c0_i32_0 : i32, i32
  }
  func.func @transform_6(%arg0: i32) -> (i32, i32) {
    %c0_i32 = arith.constant 0 : i32
    %c0_i32_0 = arith.constant 0 : i32
    %c0_i32_1 = arith.constant 0 : i32
    return %c0_i32, %c0_i32_0 : i32, i32
  }
  func.func @transform_7(%arg0: i32) -> (i32, i32) {
    %c0_i32 = arith.constant 0 : i32
    %c0_i32_0 = arith.constant 0 : i32
    %c0_i32_1 = arith.constant 0 : i32
    return %c0_i32, %c0_i32_0 : i32, i32
  }
  func.func @transform_8(%arg0: i32) -> (i32, i32) {
    %c0_i32 = arith.constant 0 : i32
    %c0_i32_0 = arith.constant 0 : i32
    %c0_i32_1 = arith.constant 0 : i32
    return %c0_i32, %c0_i32_0 : i32, i32
  }
  func.func @transform_9(%arg0: i32) -> (i32, i32) {
    %c0_i32 = arith.constant 0 : i32
    %c0_i32_0 = arith.constant 0 : i32
    %c0_i32_1 = arith.constant 0 : i32
    return %c0_i32, %c0_i32_0 : i32, i32
  }
  func.func @transform_10(%arg0: i32) -> (i32, i32) {
    %c0_i32 = arith.constant 0 : i32
    %c0_i32_0 = arith.constant 0 : i32
    %c0_i32_1 = arith.constant 0 : i32
    return %c0_i32, %c0_i32_0 : i32, i32
  }
  func.func @transform_11(%arg0: i32) -> (i32, i32, i32) {
    %c0_i32 = arith.constant 0 : i32
    %c0_i32_0 = arith.constant 0 : i32
    %c0_i32_1 = arith.constant 0 : i32
    return %c0_i32, %arg0, %c0_i32_0 : i32, i32, i32
  }
}

module attributes {stable_mosaic.version = 14 : i64} {
  func.func @_final_body(%arg0: memref<2x640x160xf32, #tpu.memory_space<vmem>>, %arg1: memref<10x1000xi32, #tpu.memory_space<vmem>>, %arg2: memref<160x128xf32, #tpu.memory_space<vmem>>, %arg3: memref<160x128xf32, #tpu.memory_space<vmem>>, %arg4: memref<1x128xf32, #tpu.memory_space<vmem>>, %arg5: memref<512x128xf32, #tpu.memory_space<vmem>>) attributes {dimension_semantics = [], scalar_prefetch = 0 : i64, scratch_operands = 0 : i64, tpu.core_type = #tpu.core_type<tc>} {
    %get3A = arith.constant 0 : index
    %get3A_0 = arith.constant 0 : index
    %get3A_1 = vector.load %arg1[%get3A, %get3A_0] : memref<10x1000xi32, #tpu.memory_space<vmem>>, vector<10x1000xi32>
    %broadcast_in_dim3A = arith.constant 0.000000e+00 : f32
    %broadcast_in_dim3A_2 = vector.broadcast %broadcast_in_dim3A : f32 to vector<512x1xf32>
    %slice3A = vector.extract_strided_slice %get3A_1 {offsets = [0, 0], sizes = [1, 1000], strides = [1, 1]} : vector<10x1000xi32> to vector<1x1000xi32>
    %squeeze3A = vector.shape_cast %slice3A : vector<1x1000xi32> to vector<1000xi32>
    %broadcast_in_dim3A_3 = vector.shape_cast %squeeze3A : vector<1000xi32> to vector<1x1000xi32>
    %iota3A = tpu.iota {dimensions = array<i32: 0>} : vector<512x1000xi32>
    %eq3A = vector.broadcast %broadcast_in_dim3A_3 : vector<1x1000xi32> to vector<512x1000xi32>
    %eq3A_4 = arith.cmpi eq, %eq3A, %iota3A : vector<512x1000xi32>
    %convert_element_type3A = arith.extui %eq3A_4 : vector<512x1000xi1> to vector<512x1000xi32>
    %convert_element_type3A_5 = arith.sitofp %convert_element_type3A : vector<512x1000xi32> to vector<512x1000xf32>
    %reduce_sum3A = arith.constant dense<0.000000e+00> : vector<512xf32>
    %reduce_sum3A_6 = vector.multi_reduction <add>, %convert_element_type3A_5, %reduce_sum3A [1] : vector<512x1000xf32> to vector<512xf32>
    %broadcast_in_dim3A_7 = vector.shape_cast %reduce_sum3A_6 : vector<512xf32> to vector<512x1xf32>
    %add3A = arith.addf %broadcast_in_dim3A_2, %broadcast_in_dim3A_7 : vector<512x1xf32>
    %slice3A_8 = vector.extract_strided_slice %get3A_1 {offsets = [1, 0], sizes = [1, 1000], strides = [1, 1]} : vector<10x1000xi32> to vector<1x1000xi32>
    %squeeze3A_9 = vector.shape_cast %slice3A_8 : vector<1x1000xi32> to vector<1000xi32>
    %broadcast_in_dim3A_10 = vector.shape_cast %squeeze3A_9 : vector<1000xi32> to vector<1x1000xi32>
    %iota3A_11 = tpu.iota {dimensions = array<i32: 0>} : vector<512x1000xi32>
    %eq3A_12 = vector.broadcast %broadcast_in_dim3A_10 : vector<1x1000xi32> to vector<512x1000xi32>
    %eq3A_13 = arith.cmpi eq, %eq3A_12, %iota3A_11 : vector<512x1000xi32>
    %convert_element_type3A_14 = arith.extui %eq3A_13 : vector<512x1000xi1> to vector<512x1000xi32>
    %convert_element_type3A_15 = arith.sitofp %convert_element_type3A_14 : vector<512x1000xi32> to vector<512x1000xf32>
    %reduce_sum3A_16 = arith.constant dense<0.000000e+00> : vector<512xf32>
    %reduce_sum3A_17 = vector.multi_reduction <add>, %convert_element_type3A_15, %reduce_sum3A_16 [1] : vector<512x1000xf32> to vector<512xf32>
    %broadcast_in_dim3A_18 = vector.shape_cast %reduce_sum3A_17 : vector<512xf32> to vector<512x1xf32>
    %add3A_19 = arith.addf %add3A, %broadcast_in_dim3A_18 : vector<512x1xf32>
    %slice3A_20 = vector.extract_strided_slice %get3A_1 {offsets = [2, 0], sizes = [1, 1000], strides = [1, 1]} : vector<10x1000xi32> to vector<1x1000xi32>
    %squeeze3A_21 = vector.shape_cast %slice3A_20 : vector<1x1000xi32> to vector<1000xi32>
    %broadcast_in_dim3A_22 = vector.shape_cast %squeeze3A_21 : vector<1000xi32> to vector<1x1000xi32>
    %iota3A_23 = tpu.iota {dimensions = array<i32: 0>} : vector<512x1000xi32>
    %eq3A_24 = vector.broadcast %broadcast_in_dim3A_22 : vector<1x1000xi32> to vector<512x1000xi32>
    %eq3A_25 = arith.cmpi eq, %eq3A_24, %iota3A_23 : vector<512x1000xi32>
    %convert_element_type3A_26 = arith.extui %eq3A_25 : vector<512x1000xi1> to vector<512x1000xi32>
    %convert_element_type3A_27 = arith.sitofp %convert_element_type3A_26 : vector<512x1000xi32> to vector<512x1000xf32>
    %reduce_sum3A_28 = arith.constant dense<0.000000e+00> : vector<512xf32>
    %reduce_sum3A_29 = vector.multi_reduction <add>, %convert_element_type3A_27, %reduce_sum3A_28 [1] : vector<512x1000xf32> to vector<512xf32>
    %broadcast_in_dim3A_30 = vector.shape_cast %reduce_sum3A_29 : vector<512xf32> to vector<512x1xf32>
    %add3A_31 = arith.addf %add3A_19, %broadcast_in_dim3A_30 : vector<512x1xf32>
    %slice3A_32 = vector.extract_strided_slice %get3A_1 {offsets = [3, 0], sizes = [1, 1000], strides = [1, 1]} : vector<10x1000xi32> to vector<1x1000xi32>
    %squeeze3A_33 = vector.shape_cast %slice3A_32 : vector<1x1000xi32> to vector<1000xi32>
    %broadcast_in_dim3A_34 = vector.shape_cast %squeeze3A_33 : vector<1000xi32> to vector<1x1000xi32>
    %iota3A_35 = tpu.iota {dimensions = array<i32: 0>} : vector<512x1000xi32>
    %eq3A_36 = vector.broadcast %broadcast_in_dim3A_34 : vector<1x1000xi32> to vector<512x1000xi32>
    %eq3A_37 = arith.cmpi eq, %eq3A_36, %iota3A_35 : vector<512x1000xi32>
    %convert_element_type3A_38 = arith.extui %eq3A_37 : vector<512x1000xi1> to vector<512x1000xi32>
    %convert_element_type3A_39 = arith.sitofp %convert_element_type3A_38 : vector<512x1000xi32> to vector<512x1000xf32>
    %reduce_sum3A_40 = arith.constant dense<0.000000e+00> : vector<512xf32>
    %reduce_sum3A_41 = vector.multi_reduction <add>, %convert_element_type3A_39, %reduce_sum3A_40 [1] : vector<512x1000xf32> to vector<512xf32>
    %broadcast_in_dim3A_42 = vector.shape_cast %reduce_sum3A_41 : vector<512xf32> to vector<512x1xf32>
    %add3A_43 = arith.addf %add3A_31, %broadcast_in_dim3A_42 : vector<512x1xf32>
    %slice3A_44 = vector.extract_strided_slice %get3A_1 {offsets = [4, 0], sizes = [1, 1000], strides = [1, 1]} : vector<10x1000xi32> to vector<1x1000xi32>
    %squeeze3A_45 = vector.shape_cast %slice3A_44 : vector<1x1000xi32> to vector<1000xi32>
    %broadcast_in_dim3A_46 = vector.shape_cast %squeeze3A_45 : vector<1000xi32> to vector<1x1000xi32>
    %iota3A_47 = tpu.iota {dimensions = array<i32: 0>} : vector<512x1000xi32>
    %eq3A_48 = vector.broadcast %broadcast_in_dim3A_46 : vector<1x1000xi32> to vector<512x1000xi32>
    %eq3A_49 = arith.cmpi eq, %eq3A_48, %iota3A_47 : vector<512x1000xi32>
    %convert_element_type3A_50 = arith.extui %eq3A_49 : vector<512x1000xi1> to vector<512x1000xi32>
    %convert_element_type3A_51 = arith.sitofp %convert_element_type3A_50 : vector<512x1000xi32> to vector<512x1000xf32>
    %reduce_sum3A_52 = arith.constant dense<0.000000e+00> : vector<512xf32>
    %reduce_sum3A_53 = vector.multi_reduction <add>, %convert_element_type3A_51, %reduce_sum3A_52 [1] : vector<512x1000xf32> to vector<512xf32>
    %broadcast_in_dim3A_54 = vector.shape_cast %reduce_sum3A_53 : vector<512xf32> to vector<512x1xf32>
    %add3A_55 = arith.addf %add3A_43, %broadcast_in_dim3A_54 : vector<512x1xf32>
    %slice3A_56 = vector.extract_strided_slice %get3A_1 {offsets = [5, 0], sizes = [1, 1000], strides = [1, 1]} : vector<10x1000xi32> to vector<1x1000xi32>
    %squeeze3A_57 = vector.shape_cast %slice3A_56 : vector<1x1000xi32> to vector<1000xi32>
    %broadcast_in_dim3A_58 = vector.shape_cast %squeeze3A_57 : vector<1000xi32> to vector<1x1000xi32>
    %iota3A_59 = tpu.iota {dimensions = array<i32: 0>} : vector<512x1000xi32>
    %eq3A_60 = vector.broadcast %broadcast_in_dim3A_58 : vector<1x1000xi32> to vector<512x1000xi32>
    %eq3A_61 = arith.cmpi eq, %eq3A_60, %iota3A_59 : vector<512x1000xi32>
    %convert_element_type3A_62 = arith.extui %eq3A_61 : vector<512x1000xi1> to vector<512x1000xi32>
    %convert_element_type3A_63 = arith.sitofp %convert_element_type3A_62 : vector<512x1000xi32> to vector<512x1000xf32>
    %reduce_sum3A_64 = arith.constant dense<0.000000e+00> : vector<512xf32>
    %reduce_sum3A_65 = vector.multi_reduction <add>, %convert_element_type3A_63, %reduce_sum3A_64 [1] : vector<512x1000xf32> to vector<512xf32>
    %broadcast_in_dim3A_66 = vector.shape_cast %reduce_sum3A_65 : vector<512xf32> to vector<512x1xf32>
    %add3A_67 = arith.addf %add3A_55, %broadcast_in_dim3A_66 : vector<512x1xf32>
    %slice3A_68 = vector.extract_strided_slice %get3A_1 {offsets = [6, 0], sizes = [1, 1000], strides = [1, 1]} : vector<10x1000xi32> to vector<1x1000xi32>
    %squeeze3A_69 = vector.shape_cast %slice3A_68 : vector<1x1000xi32> to vector<1000xi32>
    %broadcast_in_dim3A_70 = vector.shape_cast %squeeze3A_69 : vector<1000xi32> to vector<1x1000xi32>
    %iota3A_71 = tpu.iota {dimensions = array<i32: 0>} : vector<512x1000xi32>
    %eq3A_72 = vector.broadcast %broadcast_in_dim3A_70 : vector<1x1000xi32> to vector<512x1000xi32>
    %eq3A_73 = arith.cmpi eq, %eq3A_72, %iota3A_71 : vector<512x1000xi32>
    %convert_element_type3A_74 = arith.extui %eq3A_73 : vector<512x1000xi1> to vector<512x1000xi32>
    %convert_element_type3A_75 = arith.sitofp %convert_element_type3A_74 : vector<512x1000xi32> to vector<512x1000xf32>
    %reduce_sum3A_76 = arith.constant dense<0.000000e+00> : vector<512xf32>
    %reduce_sum3A_77 = vector.multi_reduction <add>, %convert_element_type3A_75, %reduce_sum3A_76 [1] : vector<512x1000xf32> to vector<512xf32>
    %broadcast_in_dim3A_78 = vector.shape_cast %reduce_sum3A_77 : vector<512xf32> to vector<512x1xf32>
    %add3A_79 = arith.addf %add3A_67, %broadcast_in_dim3A_78 : vector<512x1xf32>
    %slice3A_80 = vector.extract_strided_slice %get3A_1 {offsets = [7, 0], sizes = [1, 1000], strides = [1, 1]} : vector<10x1000xi32> to vector<1x1000xi32>
    %squeeze3A_81 = vector.shape_cast %slice3A_80 : vector<1x1000xi32> to vector<1000xi32>
    %broadcast_in_dim3A_82 = vector.shape_cast %squeeze3A_81 : vector<1000xi32> to vector<1x1000xi32>
    %iota3A_83 = tpu.iota {dimensions = array<i32: 0>} : vector<512x1000xi32>
    %eq3A_84 = vector.broadcast %broadcast_in_dim3A_82 : vector<1x1000xi32> to vector<512x1000xi32>
    %eq3A_85 = arith.cmpi eq, %eq3A_84, %iota3A_83 : vector<512x1000xi32>
    %convert_element_type3A_86 = arith.extui %eq3A_85 : vector<512x1000xi1> to vector<512x1000xi32>
    %convert_element_type3A_87 = arith.sitofp %convert_element_type3A_86 : vector<512x1000xi32> to vector<512x1000xf32>
    %reduce_sum3A_88 = arith.constant dense<0.000000e+00> : vector<512xf32>
    %reduce_sum3A_89 = vector.multi_reduction <add>, %convert_element_type3A_87, %reduce_sum3A_88 [1] : vector<512x1000xf32> to vector<512xf32>
    %broadcast_in_dim3A_90 = vector.shape_cast %reduce_sum3A_89 : vector<512xf32> to vector<512x1xf32>
    %add3A_91 = arith.addf %add3A_79, %broadcast_in_dim3A_90 : vector<512x1xf32>
    %slice3A_92 = vector.extract_strided_slice %get3A_1 {offsets = [8, 0], sizes = [1, 1000], strides = [1, 1]} : vector<10x1000xi32> to vector<1x1000xi32>
    %squeeze3A_93 = vector.shape_cast %slice3A_92 : vector<1x1000xi32> to vector<1000xi32>
    %broadcast_in_dim3A_94 = vector.shape_cast %squeeze3A_93 : vector<1000xi32> to vector<1x1000xi32>
    %iota3A_95 = tpu.iota {dimensions = array<i32: 0>} : vector<512x1000xi32>
    %eq3A_96 = vector.broadcast %broadcast_in_dim3A_94 : vector<1x1000xi32> to vector<512x1000xi32>
    %eq3A_97 = arith.cmpi eq, %eq3A_96, %iota3A_95 : vector<512x1000xi32>
    %convert_element_type3A_98 = arith.extui %eq3A_97 : vector<512x1000xi1> to vector<512x1000xi32>
    %convert_element_type3A_99 = arith.sitofp %convert_element_type3A_98 : vector<512x1000xi32> to vector<512x1000xf32>
    %reduce_sum3A_100 = arith.constant dense<0.000000e+00> : vector<512xf32>
    %reduce_sum3A_101 = vector.multi_reduction <add>, %convert_element_type3A_99, %reduce_sum3A_100 [1] : vector<512x1000xf32> to vector<512xf32>
    %broadcast_in_dim3A_102 = vector.shape_cast %reduce_sum3A_101 : vector<512xf32> to vector<512x1xf32>
    %add3A_103 = arith.addf %add3A_91, %broadcast_in_dim3A_102 : vector<512x1xf32>
    %slice3A_104 = vector.extract_strided_slice %get3A_1 {offsets = [9, 0], sizes = [1, 1000], strides = [1, 1]} : vector<10x1000xi32> to vector<1x1000xi32>
    %squeeze3A_105 = vector.shape_cast %slice3A_104 : vector<1x1000xi32> to vector<1000xi32>
    %broadcast_in_dim3A_106 = vector.shape_cast %squeeze3A_105 : vector<1000xi32> to vector<1x1000xi32>
    %iota3A_107 = tpu.iota {dimensions = array<i32: 0>} : vector<512x1000xi32>
    %eq3A_108 = vector.broadcast %broadcast_in_dim3A_106 : vector<1x1000xi32> to vector<512x1000xi32>
    %eq3A_109 = arith.cmpi eq, %eq3A_108, %iota3A_107 : vector<512x1000xi32>
    %convert_element_type3A_110 = arith.extui %eq3A_109 : vector<512x1000xi1> to vector<512x1000xi32>
    %convert_element_type3A_111 = arith.sitofp %convert_element_type3A_110 : vector<512x1000xi32> to vector<512x1000xf32>
    %reduce_sum3A_112 = arith.constant dense<0.000000e+00> : vector<512xf32>
    %reduce_sum3A_113 = vector.multi_reduction <add>, %convert_element_type3A_111, %reduce_sum3A_112 [1] : vector<512x1000xf32> to vector<512xf32>
    %broadcast_in_dim3A_114 = vector.shape_cast %reduce_sum3A_113 : vector<512xf32> to vector<512x1xf32>
    %add3A_115 = arith.addf %add3A_103, %broadcast_in_dim3A_114 : vector<512x1xf32>
    %max3A = arith.constant 1.000000e+00 : f32
    %max3A_116 = vector.broadcast %max3A : f32 to vector<512x1xf32>
    %max3A_117 = arith.maximumf %add3A_115, %max3A_116 : vector<512x1xf32>
    %get3A_118 = arith.constant 0 : index
    %get3A_119 = arith.constant 0 : index
    %get3A_120 = arith.constant 0 : index
    %get3A_121 = vector.load %arg0[%get3A_118, %get3A_119, %get3A_120] : memref<2x640x160xf32, #tpu.memory_space<vmem>>, vector<1x512x160xf32>
    %get3A_122 = vector.shape_cast %get3A_121 : vector<1x512x160xf32> to vector<512x160xf32>
    %div3A = vector.broadcast %max3A_117 : vector<512x1xf32> to vector<512x160xf32>
    %div3A_123 = arith.divf %get3A_122, %div3A : vector<512x160xf32>
    %get3A_124 = arith.constant 1 : index
    %get3A_125 = arith.constant 0 : index
    %get3A_126 = arith.constant 0 : index
    %get3A_127 = vector.load %arg0[%get3A_124, %get3A_125, %get3A_126] : memref<2x640x160xf32, #tpu.memory_space<vmem>>, vector<1x512x160xf32>
    %get3A_128 = vector.shape_cast %get3A_127 : vector<1x512x160xf32> to vector<512x160xf32>
    %div3A_129 = vector.broadcast %max3A_117 : vector<512x1xf32> to vector<512x160xf32>
    %div3A_130 = arith.divf %get3A_128, %div3A_129 : vector<512x160xf32>
    %get3A_131 = arith.constant 0 : index
    %get3A_132 = arith.constant 0 : index
    %get3A_133 = vector.load %arg2[%get3A_131, %get3A_132] : memref<160x128xf32, #tpu.memory_space<vmem>>, vector<160x128xf32>
    %dot_general3A = arith.constant dense<0.000000e+00> : vector<512x128xf32>
    %dot_general3A_134 = tpu.matmul %div3A_123, %get3A_133, %dot_general3A {dimension_numbers = #tpu.dot_dimension_numbers<[1], [0], [0], [1], [0, 0, 1, 1], [], []>, transpose_lhs_hint = false} : vector<512x160xf32>, vector<160x128xf32>, vector<512x128xf32> -> vector<512x128xf32>
    %get3A_135 = arith.constant 0 : index
    %get3A_136 = arith.constant 0 : index
    %get3A_137 = vector.load %arg3[%get3A_135, %get3A_136] : memref<160x128xf32, #tpu.memory_space<vmem>>, vector<160x128xf32>
    %dot_general3A_138 = arith.constant dense<0.000000e+00> : vector<512x128xf32>
    %dot_general3A_139 = tpu.matmul %div3A_130, %get3A_137, %dot_general3A_138 {dimension_numbers = #tpu.dot_dimension_numbers<[1], [0], [0], [1], [0, 0, 1, 1], [], []>, transpose_lhs_hint = false} : vector<512x160xf32>, vector<160x128xf32>, vector<512x128xf32> -> vector<512x128xf32>
    %add3A_140 = arith.addf %dot_general3A_134, %dot_general3A_139 : vector<512x128xf32>
    %get3A_141 = arith.constant 0 : index
    %get3A_142 = arith.constant 0 : index
    %get3A_143 = vector.load %arg4[%get3A_141, %get3A_142] : memref<1x128xf32, #tpu.memory_space<vmem>>, vector<1x128xf32>
    %add3A_144 = vector.broadcast %get3A_143 : vector<1x128xf32> to vector<512x128xf32>
    %add3A_145 = arith.addf %add3A_140, %add3A_144 : vector<512x128xf32>
    %swap3A = arith.constant 0 : index
    %swap3A_146 = arith.constant 0 : index
    %swap3A_147 = vector.load %arg5[%swap3A, %swap3A_146] : memref<512x128xf32, #tpu.memory_space<vmem>>, vector<512x128xf32>
    tpu.vector_store %arg5[%swap3A, %swap3A_146], %add3A_145 {strides = array<i32>} : memref<512x128xf32, #tpu.memory_space<vmem>>, vector<512x128xf32>,
    return
  }
}

</mosaic_0001>

<sc_bundles>
// kernel: kernel.16.cloned.1.call-start
scs
__scs_entry_jumppad:
0x0: {  	(pc) =	sbr.rel $0x88, $3  }
0x1: {  	(tag) =	ssettag $0x0;
	lr =	simm.s32 $0x1  }
0x2: {  	[smem:$0x3F65] =	sst lr;
	_ =	strace $0xD0000000  }
0x3: {  	_ = 	snop  }
0x4: {  	_ = 	snop  }
0x5: {  	_ = 	snop  }
0x6: {  	_ = 	snop  }
0x7: {  	_ = 	snop  }
__scs_overlays_trampoline_lowered:
0x8: {  	[smem:$0x3F74] =	sst s0  }
0x9: {  	[smem:$0x3F75] =	sst s1  }
0xa: {  	[smem:$0x3F76] =	sst s2  }
0xb: {  	[smem:$0x3F77] =	sst s3  }
0xc: {  	[smem:$0x3F78] =	sst s4  }
0xd: {  	[smem:$0x3F79] =	sst s5  }
0xe: {  	[smem:$0x3F7A] =	sst s6  }
0xf: {  	[smem:$0x3F7B] =	sst s7  }
0x10: {  	[smem:$0x3F7C] =	sst s8  }
0x11: {  	[smem:$0x3F7D] =	sst s9;
	s0 =	simm.s32 @!p0 $0x0  }
0x12: {  	s1 =	sld [smem:$0x3F63];
	s0 =	simm.s32 @p0 $0x1  }
0x13: {  	[smem:$0x3F7E] =	sst s0;
	s0 =	simm.s32 @!p1 $0x0  }
0x14: {  	s2 =	sld [smem:$0x3F62];
	s0 =	simm.s32 @p1 $0x1  }
0x15: {  	[smem:$0x3F7F] =	sst s0;
	s0 =	simm.s32 @!p2 $0x0  }
0x16: {  	s3 =	sld [smem:$0x3FDB];
	s0 =	simm.s32 @p2 $0x1  }
0x17: {  	s4 =	simm.s32 $0x1BF5;
	[smem:$0x3F81] =	sst s0  }
0x18: {  	s0 =	sld [smem:$0x3F64];
	_ =	swait.ge [sflag:s4], $0x0  }
0x19: {  	s7 =	sld [smem:$0x3F65]  }
0x1a: {  	s8 =	sadd.s32 $0xFFFFE003, lr  }
0x1b: {  	s9 =	sadd.s32 $0xFFFFFEF7, lr;
	s5 =	simm.s32 $0xFFFFFFFF;
	p2 =	slt.u32 s8, $0xFFFFF086  }
0x1c: {  	p1 =	slt.u32 s9, $0xF7A;
	s5 =	simm.s32 @!p2 $0x0  }
0x1d: {  	s5 =	simm.s32 @p1 $0x1;
	p0 =	seq.s32 s7, s2  }
0x1e: {  	s7 =	smul.u32 @!p0 $0xF7A, s2;
	p2 =	seq.s32 @!p0 s5, $0x0  }
0x1f: {  	s9 =	smul.u32 $0xF7A, s1;
	s8 =	simm.s32 @!p0 $0x1BF5;
	p2 =	por !p2, p0  }
0x20: {  	[sflag:s8] =	ssyncset.s32 @!p0 $0xFFFFF086;
	s6 =	sadd.s32 @!p0 s3, s7;
	s7 =	simm.s32 @!p0 $0x108  }
0x21: {  	s3 =	sadd.s32 s3, s9;
	s6 =	sadd.s32 @!p0 $0x88, s6;
	s7 =	simm.s32 @p2 $0x1082  }
0x22: {  	[simem:s7], [sflag:s8] =	dma.local @!p0 [hbm:s6], $0xF7A  }
0x23: {  	s9 =	sor.u32 $0xD0000000, s2;
	s6 =	simm.s32 $0x108;
	_ =	swait.ge @!p0 [sflag:s8], $0x0  }
0x24: {  	s3 =	sadd.s32 $0x88, s3;
	s6 =	simm.s32 @!p1 $0x1082;
	[sflag:s4] =	ssyncset.s32 $0xFFFFF086  }
0x25: {  	[simem:s6], [sflag:s4] =	dma.local [hbm:s3], $0xF7A  }
0x26: {  	[smem:$0x3F65] =	sst s1;
	(tag) =	ssettag s2;
	_ =	strace s9  }
0x27: {  	s1 =	sld [smem:$0x3F75]  }
0x28: {  	s2 =	sld [smem:$0x3F76]  }
0x29: {  	s4 =	sld [smem:$0x3F78]  }
0x2a: {  	p0 =	seq.s32 s5, $0x0;
	s5 =	sld [smem:$0x3F79]  }
0x2b: {  	s6 =	sld [smem:$0x3F7A]  }
0x2c: {  	s7 =	sld [smem:$0x3F7B]  }
0x2d: {  	s3 =	simm.s32 $0x108;
	s8 =	sld [smem:$0x3F7C]  }
0x2e: {  	s3 =	simm.s32 @!p0 $0x1082;
	s9 =	sld [smem:$0x3F7D]  }
0x2f: {  	lr =	sadd.s32 s0, s3;
	s0 =	sld [smem:$0x3F74]  }
0x30: {  	s3 =	sld [smem:$0x3F77]  }
0x31: {  	[smem:$0x3F80] =	sst s10  }
0x32: {  	s10 =	sld [smem:$0x3F7E];
	_ =	sdelay $0x3  }
0x33: {  	p0 =	seq.s32 s10, $0x1;
	s10 =	sld [smem:$0x3F80];
	_ =	sdelay $0x3  }
0x34: {  	[smem:$0x3F80] =	sst s10  }
0x35: {  	s10 =	sld [smem:$0x3F7F];
	_ =	sdelay $0x3  }
0x36: {  	p1 =	seq.s32 s10, $0x1;
	s10 =	sld [smem:$0x3F80];
	_ =	sdelay $0x3  }
0x37: {  	[smem:$0x3F80] =	sst s10  }
0x38: {  	s10 =	sld [smem:$0x3F81]  }
0x39: {  	_ = 	snop;
	(pc) =	sbr.ind lr, $3  }
0x3a: {  	_ = 	snop  }
0x3b: {  	_ = 	snop  }
0x3c: {  	p2 =	seq.s32 s10, $0x1;
	s10 =	sld [smem:$0x3F80]  }
0x3d: {  	_ =	shalt  }
0x3e: {  	_ =	shalt  }
0x3f: {  	_ =	shalt  }
0x40: {  	_ =	shalt  }
0x41: {  	_ =	shalt  }
0x42: {  	_ =	shalt  }
0x43: {  	_ =	shalt  }
0x44: {  	_ =	shalt  }
0x45: {  	_ =	shalt  }
0x46: {  	_ =	shalt  }
0x47: {  	_ =	shalt  }
0x48: {  	_ =	shalt  }
0x49: {  	_ =	shalt  }
0x4a: {  	_ =	shalt  }
0x4b: {  	_ =	shalt  }
0x4c: {  	_ =	shalt  }
0x4d: {  	_ =	shalt  }
0x4e: {  	_ =	shalt  }
0x4f: {  	_ =	shalt  }
0x50: {  	_ =	shalt  }
0x51: {  	_ =	shalt  }
0x52: {  	_ =	shalt  }
0x53: {  	_ =	shalt  }
0x54: {  	_ =	shalt  }
0x55: {  	_ =	shalt  }
0x56: {  	_ =	shalt  }
0x57: {  	_ =	shalt  }
0x58: {  	_ =	shalt  }
0x59: {  	_ =	shalt  }
0x5a: {  	_ =	shalt  }
0x5b: {  	_ =	shalt  }
0x5c: {  	_ =	shalt  }
0x5d: {  	_ =	shalt  }
0x5e: {  	_ =	shalt  }
0x5f: {  	_ =	shalt  }
0x60: {  	_ =	shalt  }
0x61: {  	_ =	shalt  }
0x62: {  	_ =	shalt  }
0x63: {  	_ =	shalt  }
0x64: {  	_ =	shalt  }
0x65: {  	_ =	shalt  }
0x66: {  	_ =	shalt  }
0x67: {  	_ =	shalt  }
0x68: {  	_ =	shalt  }
0x69: {  	_ =	shalt  }
0x6a: {  	_ =	shalt  }
0x6b: {  	_ =	shalt  }
0x6c: {  	_ =	shalt  }
0x6d: {  	_ =	shalt  }
0x6e: {  	_ =	shalt  }
0x6f: {  	_ =	shalt  }
0x70: {  	_ =	shalt  }
0x71: {  	_ =	shalt  }
0x72: {  	_ =	shalt  }
0x73: {  	_ =	shalt  }
0x74: {  	_ =	shalt  }
0x75: {  	_ =	shalt  }
0x76: {  	_ =	shalt  }
0x77: {  	_ =	shalt  }
0x78: {  	_ =	shalt  }
0x79: {  	_ =	shalt  }
0x7a: {  	_ =	shalt  }
0x7b: {  	_ =	shalt  }
0x7c: {  	_ =	shalt  }
0x7d: {  	_ =	shalt  }
0x7e: {  	_ =	shalt  }
0x7f: {  	_ =	shalt  }
0x80: {  	_ =	shalt  }
0x81: {  	_ =	shalt  }
0x82: {  	_ =	shalt  }
0x83: {  	_ =	shalt  }
0x84: {  	_ =	shalt  }
0x85: {  	_ =	shalt  }
0x86: {  	_ =	shalt  }
0x87: {  	_ =	shalt  }
.Lfunc_end0:
.L_simem_size_0:
called_computation_lowered:
.L_overlay_start_0:
0x88: {  	s2 =	sld [smem:$0x3FD9]  }
0x89: {  	s3 =	sld [smem:$0x3FFE];
	_ =	sdelay $0x1  }
0x8a: {  	s1 =	srdreg.scid  }
0x8b: {  	s0 =	sand.u32 $0x1, s1  }
0x8c: {  	s16 =	sshll.u32 s0, $0xA;
	s2 =	sadd.s32 s3, s2  }
0x8d: {  	s2 =	sadd.s32 s2, s16  }
0x8e: {  	[smem:$0x3F8C] =	sst s2  }
0x8f: {  	_ = 	snop  }
0x90: {  	(tm) =	ssettm $0x1  }
0x91: {  	s17 =	sld [smem:$0x3FFB];
	_ =	sdelay $0x3  }
0x92: {  	_ =	strace s17  }
0x93: {  	s2 =	sld [smem:$0x3FFC];
	_ =	sdelay $0x3  }
0x94: {  	_ =	strace s2  }
0x95: {  	s2 =	sld [smem:$0x3FFD];
	_ =	sdelay $0x3  }
0x96: {  	_ =	strace s2  }
0x97: {  	_ =	strace $0x8FFFFFFF  }
0x98: {  	s18 =	sld [smem:$0x3FDB];
	_ =	sdelay $0x1  }
0x99: {  	s19 =	simm.s32 $_scs_section_size  }
0x9a: {  	s4 =	simm.s32 $_size__tile_overlayer_lowered;
	s5 =	simm.s32 $_tile_overlayer_lowered  }
0x9b: {  	s22 =	simm.s32 $0x1BFF;
	s21 =	sshll.u32 s5, $0x1;
	s2 =	sadd.s32 s19, s18  }
0x9c: {  	s6 =	simm.s32 $0x0;
	s20 =	sshll.u32 s4, $0x1;
	s4 =	sadd.s32 s21, s2  }
0x9d: {  	[timem:s6], [sflag:s22] =	dma.local [hbm:s4], s20  }
0x9e: {  	_ =	swait.ge [sflag:s22], s20  }
0x9f: {  	s3 =	ssub.s32 $0x0, s20;
	[sflag:s22] =	ssyncset.done $0x0  }
0xa0: {  	[sflag:s22] =	ssyncadd.s32 s3;
	_ =	sdelay $0x1  }
0xa1: {  	s23 =	simm.s32 $0x1B8B  }
0xa2: {  	_ =	swait.ge [sflag:s23], $0x1  }
0xa3: {  	[sflag:s23] =	ssyncset.done $0x0  }
0xa4: {  	s25 =	simm.s32 $0x1B8E;
	s24 =	sld [smem:$0x3FFE];
	[sflag:s23] =	ssyncadd.s32 $0xFFFFFFFF  }
0xa5: {  	s26 =	simm.s32 $execute0_lowered;
	[smem:$0x3FD2] =	sst s25  }
0xa6: {  	s4 =	sshll.u32 s26, $0x1;
	_ =	strace $0x80000046;
	[dreg:$0x1] =	wrdreg $0xFFFFFFFF  }
0xa7: {  	s28 =	simm.s32 $_size_execute0_lowered;
	s2 =	sadd.s32 s2, s4;
	[dreg:$0x0] =	wrdreg $0x0  }
0xa8: {  	s4 =	sshll.u32 s28, $0x1;
	[dreg:$0x2] =	wrdreg s2  }
0xa9: {  	[dreg:$0x3] =	wrdreg s4  }
0xaa: {  	[dreg:$0x4] =	wrdreg $0xC0  }
0xab: {  	_ =	task [dreg:s6], $0x5FFFF  }
0xac: {  	[dreg:$0x1] =	wrdreg $0xFFFFFFFF  }
0xad: {  	[dreg:$0x0] =	wrdreg $0x60  }
0xae: {  	[dreg:$0x2] =	wrdreg s24  }
0xaf: {  	[dreg:$0x3] =	wrdreg $0xA  }
0xb0: {  	_ =	task.clear_ibuf [dreg:s6], $0x4FFFF;
	_ =	strace $0x90000046  }
0xb1: {  	s29 =	simm.s32 $0xA;
	_ =	strace $0x80000048  }
0xb2: {  	_ =	swait.ge [sflag:s29], $0x1  }
0xb3: {  	[sflag:s29] =	ssyncadd.s32 $0xFFFFFFFF  }
0xb4: {  	_ =	strace $0x90000048  }
0xb5: {  	_ =	sfence  }
0xb6: {  	s30 =	sld [smem:$0x0];
	_ =	sdelay $0x2  }
0xb7: {  	s31 =	sshll.u32 s1, $0xD;
	s1 =	sshrl.u32 s1, $0x2  }
0xb8: {  	s3 =	sand.u32 $0x4000, s31;
	s1 =	sadd.s32 s1, s30  }
0xb9: {  	s0 =	sor.u32 s3, s0;
	s1 =	sshll.u32 s1, $0x11  }
0xba: {  	s0 =	sor.u32 s1, s0  }
0xbb: {  	s0 =	sadd.s32 $0x8F2B, s0  }
0xbc: {  	[sflag:s0] =	ssyncadd.remote.s32 $0x1  }
0xbd: {  	_ =	sfence.sel $0xFFFF  }
0xbe: {  	[dreg:$0x0] =	wrdreg $0xFFFFFFFF;
	(pc) =	sbr.abs _section_cstart, $3  }
0xbf: {  	[dreg:$0x1] =	wrdreg $0xFFFFFFFF  }
0xc0: {  	_ =	task.clear_ibuf [dreg:s6], $0x2FFFF;
	_ =	strace $0x9FFFFFFF  }
0xc1: {  	(tm) =	ssettm $0x7FFFFFFF  }
tec
execute0_lowered:
.L_overlay_start_1:
0x0: {  	(tag) =	ssettag $0x1  }
0x1: {  	s1 =	srdreg.scid;
	s0 =	stileid.u32  }
0x2: {  	s14 =	sand.u32 $0x1, s1;
	s3 =	smul.u32 $0x280, s0  }
0x3: {  	s4 =	smul.u32 $0x2800, s14  }
0x4: {  	s8 =	rddreg [dreg:$0x0]  }
0x5: {  	s2 =	simm.s32 $0x0;
	s1 =	rddreg [dreg:$0x1];
	s3 =	sadd.s32 s3, s4  }
0x6: {  	[smem:$0x7FF] =	sst s2;
	s3 =	sshrl.u32 s3, $0x3  }
0x7: {  	s7 =	smul.u32 $0x19000, s0;
	_ =	strace $0x80000047;
	s3 =	sadd.s32 s3, s8  }
0x8: {  	s6 =	smul.u32 $0x190000, s14;
	s4 =	sadd.s32 $0xFC00, s3;
	s3 =	simm.s32 $0x1  }
0x9: {  	[tilespmem:s2], [sflag:$0x1] =	stream.linear.gather [hbm4b:s4+s2], $0x280, $0x38;
	[tilespmem:$0x5280] =	vst v63  }
0xa: {  	_ =	swait.ge [sflag:s3], $0x280  }
0xb: {  	s5 =	sadd.s32 $0xC200, s8;
	s9 =	sadd.s32 s6, s7;
	[sflag:s3] =	ssyncset.done $0x0  }
0xc: {  	s6 =	simm.s32 $0x80;
	s7 =	simm.s32 $0x280;
	[sflag:s3] =	ssyncadd.s32 $0xFFFFFD80  }
0xd: {  	[tilespmem:s7], [sflag:$0x1] =	stream.indirect.gather [hbm4b:s5+s6], $0xA0, s2, s6, $0xb8;
	[tilespmem:$0x5280] =	vst v63  }
0xe: {  	s9 =	sshrl.u32 s9, $0x3;
	_ =	swait.ge [sflag:s3], $0x5000  }
0xf: {  	s15 =	sadd.s32 s9, s8;
	[sflag:s3] =	ssyncset.done $0x0  }
0x10: {  	s8 =	sadd.s32 $0x10600, s15;
	[sflag:s3] =	ssyncadd.s32 $0xFFFFB000  }
0x11: {  	[hbm4b:s8+s2] =	stream.linear.scatter [tilespmem:s7], [sflag:$0x1], $0x5000, $0x38;
	[tilespmem:$0x5280] =	vst v63  }
0x12: {  	_ =	swait.ge [sflag:s3], $0x5000  }
0x13: {  	[sflag:s3] =	ssyncset.done $0x0  }
0x14: {  	[sflag:s3] =	ssyncadd.s32 $0xFFFFB000  }
0x15: {  	[tilespmem:s7], [sflag:$0x1] =	stream.indirect.gather [hbm4b:s5+s6], $0xA0, s6, s6, $0xb8;
	[tilespmem:$0x5280] =	vst v63  }
0x16: {  	_ =	swait.ge [sflag:s3], $0x5000  }
0x17: {  	[sflag:s3] =	ssyncset.done $0x0  }
0x18: {  	s9 =	sadd.s32 $0x11000, s15;
	[sflag:s3] =	ssyncadd.s32 $0xFFFFB000  }
0x19: {  	[hbm4b:s9+s2] =	stream.linear.scatter [tilespmem:s7], [sflag:$0x1], $0x5000, $0x38;
	[tilespmem:$0x5280] =	vst v63  }
0x1a: {  	_ =	swait.ge [sflag:s3], $0x5000  }
0x1b: {  	[sflag:s3] =	ssyncset.done $0x0  }
0x1c: {  	s10 =	simm.s32 $0x100;
	[sflag:s3] =	ssyncadd.s32 $0xFFFFB000  }
0x1d: {  	[tilespmem:s7], [sflag:$0x1] =	stream.indirect.gather [hbm4b:s5+s6], $0xA0, s10, s6, $0xb8;
	[tilespmem:$0x5280] =	vst v63  }
0x1e: {  	_ =	swait.ge [sflag:s3], $0x5000  }
0x1f: {  	[sflag:s3] =	ssyncset.done $0x0  }
0x20: {  	s11 =	sadd.s32 $0x11A00, s15;
	[sflag:s3] =	ssyncadd.s32 $0xFFFFB000  }
0x21: {  	[hbm4b:s11+s2] =	stream.linear.scatter [tilespmem:s7], [sflag:$0x1], $0x5000, $0x38;
	[tilespmem:$0x5280] =	vst v63  }
0x22: {  	_ =	swait.ge [sflag:s3], $0x5000  }
0x23: {  	[sflag:s3] =	ssyncset.done $0x0  }
0x24: {  	s12 =	simm.s32 $0x180;
	[sflag:s3] =	ssyncadd.s32 $0xFFFFB000  }
0x25: {  	[tilespmem:s7], [sflag:$0x1] =	stream.indirect.gather [hbm4b:s5+s6], $0xA0, s12, s6, $0xb8;
	[tilespmem:$0x5280] =	vst v63  }
0x26: {  	_ =	swait.ge [sflag:s3], $0x5000  }
0x27: {  	[sflag:s3] =	ssyncset.done $0x0  }
0x28: {  	s16 =	ssub.s32 $0x2, s14;
	s13 =	sadd.s32 $0x12400, s15;
	[sflag:s3] =	ssyncadd.s32 $0xFFFFB000  }
0x29: {  	[hbm4b:s13+s2] =	stream.linear.scatter [tilespmem:s7], [sflag:$0x1], $0x5000, $0x38;
	[tilespmem:$0x5280] =	vst v63  }
0x2a: {  	s17 =	sshrl.u32 s16, $0x1;
	_ =	swait.ge [sflag:s3], $0x5000  }
0x2b: {  	s16 =	ssub.s32 s16, s17;
	[sflag:s3] =	ssyncset.done $0x0  }
0x2c: {  	s14 =	simm.s32 $0x200;
	s16 =	smax.u32 s16, $0x1;
	[sflag:s3] =	ssyncadd.s32 $0xFFFFB000  }
0x2d: {  	[tilespmem:s7], [sflag:$0x1] =	stream.indirect.gather [hbm4b:s5+s6], $0xA0, s14, s6, $0xb8;
	[tilespmem:$0x5280] =	vst v63  }
0x2e: {  	p0 =	sne.s32 s16, $0x1;
	_ =	swait.ge [sflag:s3], $0x5000  }
.Ltmp0:
0x2f: {  	[sflag:s3] =	ssyncset.done $0x0;
	(pc) =	sbr.rel @!p0 .LBB2_2-.Ltmp0, $4  }
0x30: {  	s15 =	sadd.s32 $0x12E00, s15;
	[sflag:s3] =	ssyncadd.s32 $0xFFFFB000  }
0x31: {  	[hbm4b:s15+s2] =	stream.linear.scatter [tilespmem:s7], [sflag:$0x1], $0x5000, $0x38;
	[tilespmem:$0x5280] =	vst v63  }
0x32: {  	_ =	swait.ge [sflag:s3], $0x5000  }
0x33: {  	s16 =	sadd.s32 $0xFFFFFFFF, s16;
	[sflag:s3] =	ssyncset.done $0x0  }
.LBB2_1:
0x34: {  	p0 =	sne.s32 s16, $0x1;
	s16 =	sadd.s32 $0xFFFFFFFF, s16;
	[sflag:s3] =	ssyncadd.s32 $0xFFFFB000  }
0x35: {  	[tilespmem:s2], [sflag:$0x1] =	stream.linear.gather [hbm4b:s4+s2], $0x280, $0x38;
	[tilespmem:$0x5280] =	vst v63  }
0x36: {  	_ =	swait.ge [sflag:s3], $0x280  }
0x37: {  	[sflag:s3] =	ssyncset.done $0x0  }
0x38: {  	[sflag:s3] =	ssyncadd.s32 $0xFFFFFD80  }
0x39: {  	[tilespmem:s7], [sflag:$0x1] =	stream.indirect.gather [hbm4b:s5+s6], $0xA0, s2, s6, $0xb8;
	[tilespmem:$0x5280] =	vst v63  }
0x3a: {  	_ =	swait.ge [sflag:s3], $0x5000  }
0x3b: {  	[sflag:s3] =	ssyncset.done $0x0  }
0x3c: {  	[sflag:s3] =	ssyncadd.s32 $0xFFFFB000  }
0x3d: {  	[hbm4b:s8+s2] =	stream.linear.scatter [tilespmem:s7], [sflag:$0x1], $0x5000, $0x38;
	[tilespmem:$0x5280] =	vst v63  }
0x3e: {  	_ =	swait.ge [sflag:s3], $0x5000  }
0x3f: {  	[sflag:s3] =	ssyncset.done $0x0  }
0x40: {  	[sflag:s3] =	ssyncadd.s32 $0xFFFFB000  }
0x41: {  	[tilespmem:s7], [sflag:$0x1] =	stream.indirect.gather [hbm4b:s5+s6], $0xA0, s6, s6, $0xb8;
	[tilespmem:$0x5280] =	vst v63  }
0x42: {  	_ =	swait.ge [sflag:s3], $0x5000  }
0x43: {  	[sflag:s3] =	ssyncset.done $0x0  }
0x44: {  	[sflag:s3] =	ssyncadd.s32 $0xFFFFB000  }
0x45: {  	[hbm4b:s9+s2] =	stream.linear.scatter [tilespmem:s7], [sflag:$0x1], $0x5000, $0x38;
	[tilespmem:$0x5280] =	vst v63  }
0x46: {  	_ =	swait.ge [sflag:s3], $0x5000  }
0x47: {  	[sflag:s3] =	ssyncset.done $0x0  }
0x48: {  	[sflag:s3] =	ssyncadd.s32 $0xFFFFB000  }
0x49: {  	[tilespmem:s7], [sflag:$0x1] =	stream.indirect.gather [hbm4b:s5+s6], $0xA0, s10, s6, $0xb8;
	[tilespmem:$0x5280] =	vst v63  }
0x4a: {  	_ =	swait.ge [sflag:s3], $0x5000  }
0x4b: {  	[sflag:s3] =	ssyncset.done $0x0  }
0x4c: {  	[sflag:s3] =	ssyncadd.s32 $0xFFFFB000  }
0x4d: {  	[hbm4b:s11+s2] =	stream.linear.scatter [tilespmem:s7], [sflag:$0x1], $0x5000, $0x38;
	[tilespmem:$0x5280] =	vst v63  }
0x4e: {  	_ =	swait.ge [sflag:s3], $0x5000  }
0x4f: {  	[sflag:s3] =	ssyncset.done $0x0  }
0x50: {  	[sflag:s3] =	ssyncadd.s32 $0xFFFFB000  }
0x51: {  	[tilespmem:s7], [sflag:$0x1] =	stream.indirect.gather [hbm4b:s5+s6], $0xA0, s12, s6, $0xb8;
	[tilespmem:$0x5280] =	vst v63  }
0x52: {  	_ =	swait.ge [sflag:s3], $0x5000  }
0x53: {  	[sflag:s3] =	ssyncset.done $0x0  }
0x54: {  	[sflag:s3] =	ssyncadd.s32 $0xFFFFB000  }
0x55: {  	[hbm4b:s13+s2] =	stream.linear.scatter [tilespmem:s7], [sflag:$0x1], $0x5000, $0x38;
	[tilespmem:$0x5280] =	vst v63  }
0x56: {  	_ =	swait.ge [sflag:s3], $0x5000  }
0x57: {  	[sflag:s3] =	ssyncset.done $0x0  }
0x58: {  	[sflag:s3] =	ssyncadd.s32 $0xFFFFB000  }
0x59: {  	[tilespmem:s7], [sflag:$0x1] =	stream.indirect.gather [hbm4b:s5+s6], $0xA0, s14, s6, $0xb8;
	[tilespmem:$0x5280] =	vst v63  }
0x5a: {  	_ =	swait.ge [sflag:s3], $0x5000  }
.Ltmp1:
0x5b: {  	[sflag:s3] =	ssyncset.done $0x0;
	(pc) =	sbr.rel @p0 .LBB2_1-.Ltmp1, $4  }
0x5c: {  	[sflag:s3] =	ssyncadd.s32 $0xFFFFB000  }
0x5d: {  	[hbm4b:s15+s2] =	stream.linear.scatter [tilespmem:s7], [sflag:$0x1], $0x5000, $0x38;
	[tilespmem:$0x5280] =	vst v63  }
0x5e: {  	_ =	swait.ge [sflag:s3], $0x5000  }
0x5f: {  	[sflag:s3] =	ssyncset.done $0x0  }
.LBB2_2:
0x60: {  	[sflag:s3] =	ssyncadd.s32 $0xFFFFB000  }
0x61: {  	_ =	sfence.sel $0x180000  }
0x62: {  	[bflag:$0x0] =	sbarrier.arrive $0xFFFF  }
0x63: {  	p0 =	sne.s32 s0, $0x0;
	_ =	strace $0x90000047  }
0x64: {  	s0 =	sadd.s32 @!p0 $0x100000, s1;
	[bflag:$0x2] =	sbarrier.arrive $0xFFFF  }
0x65: {  	[sflag:s0] =	ssyncadd.tile.s32 @!p0 $0x1;
	_ =	shalt  }
.Lfunc_end2:
_tile_overlayer_lowered:
.L_overlay_start_2:
0x66: {  	(tag) =	ssettag $0x2  }
0x67: {  	s0 =	rddreg [dreg:$0x0];
	s2 =	stileid.u32  }
0x68: {  	s1 =	rddreg [dreg:$0x1];
	p0 =	sne.s32 s2, $0x0  }
0x69: {  	s3 =	rddreg [dreg:$0x2];
	[bflag:$0x3] =	sbarrier.arrive $0xFFFF;
	s2 =	simm.s32 @!p0 $0x1C01  }
0x6a: {  	[timem:s3], [sflag:s2] =	dma.local @!p0 [hbm:s0], s1  }
0x6b: {  	s0 =	simm.s32 @!p0 $0x1  }
0x6c: {  	_ =	swait.ge @!p0 [sflag:s0], s1  }
0x6d: {  	s1 =	ssub.s32 @!p0 $0x0, s1;
	[sflag:s0] =	ssyncset.done @!p0 $0x0  }
0x6e: {  	[sflag:s0] =	ssyncadd.s32 @!p0 s1  }
0x6f: {  	[bflag:$0x3] =	sbarrier.arrive $0xFFFF  }
0x70: {  	_ =	shalt  }

// kernel: kernel.19.cloned.1.call-start
scs
__scs_entry_jumppad:
0x0: {  	(pc) =	sbr.rel $0x88, $3  }
0x1: {  	(tag) =	ssettag $0x0;
	lr =	simm.s32 $0x1  }
0x2: {  	[smem:$0x3F65] =	sst lr;
	_ =	strace $0xD0000000  }
0x3: {  	_ = 	snop  }
0x4: {  	_ = 	snop  }
0x5: {  	_ = 	snop  }
0x6: {  	_ = 	snop  }
0x7: {  	_ = 	snop  }
__scs_overlays_trampoline_lowered:
0x8: {  	[smem:$0x3F74] =	sst s0  }
0x9: {  	[smem:$0x3F75] =	sst s1  }
0xa: {  	[smem:$0x3F76] =	sst s2  }
0xb: {  	[smem:$0x3F77] =	sst s3  }
0xc: {  	[smem:$0x3F78] =	sst s4  }
0xd: {  	[smem:$0x3F79] =	sst s5  }
0xe: {  	[smem:$0x3F7A] =	sst s6  }
0xf: {  	[smem:$0x3F7B] =	sst s7  }
0x10: {  	[smem:$0x3F7C] =	sst s8  }
0x11: {  	[smem:$0x3F7D] =	sst s9;
	s0 =	simm.s32 @!p0 $0x0  }
0x12: {  	s1 =	sld [smem:$0x3F63];
	s0 =	simm.s32 @p0 $0x1  }
0x13: {  	[smem:$0x3F7E] =	sst s0;
	s0 =	simm.s32 @!p1 $0x0  }
0x14: {  	s2 =	sld [smem:$0x3F62];
	s0 =	simm.s32 @p1 $0x1  }
0x15: {  	[smem:$0x3F7F] =	sst s0;
	s0 =	simm.s32 @!p2 $0x0  }
0x16: {  	s3 =	sld [smem:$0x3FDB];
	s0 =	simm.s32 @p2 $0x1  }
0x17: {  	s4 =	simm.s32 $0x1BF5;
	[smem:$0x3F81] =	sst s0  }
0x18: {  	s0 =	sld [smem:$0x3F64];
	_ =	swait.ge [sflag:s4], $0x0  }
0x19: {  	s7 =	sld [smem:$0x3F65]  }
0x1a: {  	s8 =	sadd.s32 $0xFFFFE003, lr  }
0x1b: {  	s9 =	sadd.s32 $0xFFFFFEF7, lr;
	s5 =	simm.s32 $0xFFFFFFFF;
	p2 =	slt.u32 s8, $0xFFFFF086  }
0x1c: {  	p1 =	slt.u32 s9, $0xF7A;
	s5 =	simm.s32 @!p2 $0x0  }
0x1d: {  	s5 =	simm.s32 @p1 $0x1;
	p0 =	seq.s32 s7, s2  }
0x1e: {  	s7 =	smul.u32 @!p0 $0xF7A, s2;
	p2 =	seq.s32 @!p0 s5, $0x0  }
0x1f: {  	s9 =	smul.u32 $0xF7A, s1;
	s8 =	simm.s32 @!p0 $0x1BF5;
	p2 =	por !p2, p0  }
0x20: {  	[sflag:s8] =	ssyncset.s32 @!p0 $0xFFFFF086;
	s6 =	sadd.s32 @!p0 s3, s7;
	s7 =	simm.s32 @!p0 $0x108  }
0x21: {  	s3 =	sadd.s32 s3, s9;
	s6 =	sadd.s32 @!p0 $0x88, s6;
	s7 =	simm.s32 @p2 $0x1082  }
0x22: {  	[simem:s7], [sflag:s8] =	dma.local @!p0 [hbm:s6], $0xF7A  }
0x23: {  	s9 =	sor.u32 $0xD0000000, s2;
	s6 =	simm.s32 $0x108;
	_ =	swait.ge @!p0 [sflag:s8], $0x0  }
0x24: {  	s3 =	sadd.s32 $0x88, s3;
	s6 =	simm.s32 @!p1 $0x1082;
	[sflag:s4] =	ssyncset.s32 $0xFFFFF086  }
0x25: {  	[simem:s6], [sflag:s4] =	dma.local [hbm:s3], $0xF7A  }
0x26: {  	[smem:$0x3F65] =	sst s1;
	(tag) =	ssettag s2;
	_ =	strace s9  }
0x27: {  	s1 =	sld [smem:$0x3F75]  }
0x28: {  	s2 =	sld [smem:$0x3F76]  }
0x29: {  	s4 =	sld [smem:$0x3F78]  }
0x2a: {  	p0 =	seq.s32 s5, $0x0;
	s5 =	sld [smem:$0x3F79]  }
0x2b: {  	s6 =	sld [smem:$0x3F7A]  }
0x2c: {  	s7 =	sld [smem:$0x3F7B]  }
0x2d: {  	s3 =	simm.s32 $0x108;
	s8 =	sld [smem:$0x3F7C]  }
0x2e: {  	s3 =	simm.s32 @!p0 $0x1082;
	s9 =	sld [smem:$0x3F7D]  }
0x2f: {  	lr =	sadd.s32 s0, s3;
	s0 =	sld [smem:$0x3F74]  }
0x30: {  	s3 =	sld [smem:$0x3F77]  }
0x31: {  	[smem:$0x3F80] =	sst s10  }
0x32: {  	s10 =	sld [smem:$0x3F7E];
	_ =	sdelay $0x3  }
0x33: {  	p0 =	seq.s32 s10, $0x1;
	s10 =	sld [smem:$0x3F80];
	_ =	sdelay $0x3  }
0x34: {  	[smem:$0x3F80] =	sst s10  }
0x35: {  	s10 =	sld [smem:$0x3F7F];
	_ =	sdelay $0x3  }
0x36: {  	p1 =	seq.s32 s10, $0x1;
	s10 =	sld [smem:$0x3F80];
	_ =	sdelay $0x3  }
0x37: {  	[smem:$0x3F80] =	sst s10  }
0x38: {  	s10 =	sld [smem:$0x3F81]  }
0x39: {  	_ = 	snop;
	(pc) =	sbr.ind lr, $3  }
0x3a: {  	_ = 	snop  }
0x3b: {  	_ = 	snop  }
0x3c: {  	p2 =	seq.s32 s10, $0x1;
	s10 =	sld [smem:$0x3F80]  }
0x3d: {  	_ =	shalt  }
0x3e: {  	_ =	shalt  }
0x3f: {  	_ =	shalt  }
0x40: {  	_ =	shalt  }
0x41: {  	_ =	shalt  }
0x42: {  	_ =	shalt  }
0x43: {  	_ =	shalt  }
0x44: {  	_ =	shalt  }
0x45: {  	_ =	shalt  }
0x46: {  	_ =	shalt  }
0x47: {  	_ =	shalt  }
0x48: {  	_ =	shalt  }
0x49: {  	_ =	shalt  }
0x4a: {  	_ =	shalt  }
0x4b: {  	_ =	shalt  }
0x4c: {  	_ =	shalt  }
0x4d: {  	_ =	shalt  }
0x4e: {  	_ =	shalt  }
0x4f: {  	_ =	shalt  }
0x50: {  	_ =	shalt  }
0x51: {  	_ =	shalt  }
0x52: {  	_ =	shalt  }
0x53: {  	_ =	shalt  }
0x54: {  	_ =	shalt  }
0x55: {  	_ =	shalt  }
0x56: {  	_ =	shalt  }
0x57: {  	_ =	shalt  }
0x58: {  	_ =	shalt  }
0x59: {  	_ =	shalt  }
0x5a: {  	_ =	shalt  }
0x5b: {  	_ =	shalt  }
0x5c: {  	_ =	shalt  }
0x5d: {  	_ =	shalt  }
0x5e: {  	_ =	shalt  }
0x5f: {  	_ =	shalt  }
0x60: {  	_ =	shalt  }
0x61: {  	_ =	shalt  }
0x62: {  	_ =	shalt  }
0x63: {  	_ =	shalt  }
0x64: {  	_ =	shalt  }
0x65: {  	_ =	shalt  }
0x66: {  	_ =	shalt  }
0x67: {  	_ =	shalt  }
0x68: {  	_ =	shalt  }
0x69: {  	_ =	shalt  }
0x6a: {  	_ =	shalt  }
0x6b: {  	_ =	shalt  }
0x6c: {  	_ =	shalt  }
0x6d: {  	_ =	shalt  }
0x6e: {  	_ =	shalt  }
0x6f: {  	_ =	shalt  }
0x70: {  	_ =	shalt  }
0x71: {  	_ =	shalt  }
0x72: {  	_ =	shalt  }
0x73: {  	_ =	shalt  }
0x74: {  	_ =	shalt  }
0x75: {  	_ =	shalt  }
0x76: {  	_ =	shalt  }
0x77: {  	_ =	shalt  }
0x78: {  	_ =	shalt  }
0x79: {  	_ =	shalt  }
0x7a: {  	_ =	shalt  }
0x7b: {  	_ =	shalt  }
0x7c: {  	_ =	shalt  }
0x7d: {  	_ =	shalt  }
0x7e: {  	_ =	shalt  }
0x7f: {  	_ =	shalt  }
0x80: {  	_ =	shalt  }
0x81: {  	_ =	shalt  }
0x82: {  	_ =	shalt  }
0x83: {  	_ =	shalt  }
0x84: {  	_ =	shalt  }
0x85: {  	_ =	shalt  }
0x86: {  	_ =	shalt  }
0x87: {  	_ =	shalt  }
.Lfunc_end0:
.L_simem_size_0:
called_computation.1_lowered:
.L_overlay_start_0:
0x88: {  	s2 =	sld [smem:$0x3FD9]  }
0x89: {  	s3 =	sld [smem:$0x3FFE];
	_ =	sdelay $0x1  }
0x8a: {  	s1 =	srdreg.scid  }
0x8b: {  	s0 =	sand.u32 $0x1, s1  }
0x8c: {  	s17 =	sshll.u32 s0, $0xA;
	s2 =	sadd.s32 s3, s2  }
0x8d: {  	s2 =	sadd.s32 s2, s17  }
0x8e: {  	[smem:$0x3F8C] =	sst s2  }
0x8f: {  	_ = 	snop  }
0x90: {  	s18 =	sld [smem:$0x3FD0];
	(tm) =	ssettm $0x1  }
0x91: {  	s19 =	sld [smem:$0x3FFB];
	_ =	sdelay $0x3  }
0x92: {  	_ =	strace s19  }
0x93: {  	s2 =	sld [smem:$0x3FFC];
	_ =	sdelay $0x3  }
0x94: {  	_ =	strace s2  }
0x95: {  	s2 =	sld [smem:$0x3FFD];
	_ =	sdelay $0x3  }
0x96: {  	_ =	strace s2  }
0x97: {  	_ =	strace $0x8FFFFFFF  }
0x98: {  	s20 =	sld [smem:$0x3FDB];
	_ =	sdelay $0x1  }
0x99: {  	s4 =	simm.s32 $_scs_section_size  }
0x9a: {  	s5 =	simm.s32 $_size__tile_overlayer_lowered;
	s6 =	simm.s32 $_tile_overlayer_lowered  }
0x9b: {  	s7 =	simm.s32 $0x1BFF;
	s21 =	sshll.u32 s6, $0x1;
	s4 =	sadd.s32 s4, s20  }
0x9c: {  	s22 =	simm.s32 $0x0;
	s5 =	sshll.u32 s5, $0x1;
	s6 =	sadd.s32 s21, s4  }
0x9d: {  	[timem:s22], [sflag:s7] =	dma.local [hbm:s6], s5  }
0x9e: {  	_ =	swait.ge [sflag:s7], s5  }
0x9f: {  	s5 =	ssub.s32 $0x0, s5;
	[sflag:s7] =	ssyncset.done $0x0  }
0xa0: {  	[sflag:s7] =	ssyncadd.s32 s5;
	_ =	sdelay $0x1  }
0xa1: {  	s23 =	simm.s32 $0x1B8B  }
0xa2: {  	_ =	swait.ge [sflag:s23], $0x1  }
0xa3: {  	[sflag:s23] =	ssyncset.done $0x0  }
0xa4: {  	[sflag:s23] =	ssyncadd.s32 $0xFFFFFFFF  }
0xa5: {  	s5 =	sld [smem:$0x0]  }
0xa6: {  	s6 =	sand.u32 $0xFFFFFFFE, s1  }
0xa7: {  	p0 =	sne.s32 s1, s6  }
0xa8: {  	s6 =	sshll.u32 @p0 s6, $0xE  }
0xa9: {  	s6 =	sadd.s32 @p0 $0x11B8D, s6;
	s7 =	sshll.u32 @p0 s5, $0x11  }
0xaa: {  	s6 =	sor.u32 @p0 s7, s6  }
0xab: {  	[sflag:s6] =	ssyncadd.remote.s32 @p0 $0x1;
	_ =	sdelay $0x1  }
0xac: {  	s6 =	simm.s32 @p0 $0x1B8D  }
0xad: {  	_ =	swait.eq @p0 [sflag:s6], $0x1  }
0xae: {  	[sflag:s6] =	ssyncadd.s32 @p0 $0xFFFFFFFF  }
0xaf: {  	s7 =	sshll.u32 @!p0 s1, $0xE  }
0xb0: {  	s7 =	sor.u32 @!p0 $0x4000, s7;
	s6 =	simm.s32 @!p0 $0x1B8D  }
0xb1: {  	s5 =	sshll.u32 @!p0 s5, $0x11;
	s7 =	sadd.s32 @!p0 $0x11B8D, s7;
	_ =	swait.eq @!p0 [sflag:s6], $0x1  }
0xb2: {  	s5 =	sor.u32 @!p0 s5, s7;
	[sflag:s6] =	ssyncadd.s32 @!p0 $0xFFFFFFFF  }
0xb3: {  	s25 =	simm.s32 $0x1B8E;
	s24 =	sld [smem:$0x3FFE];
	[sflag:s5] =	ssyncadd.remote.s32 @!p0 $0x1  }
0xb4: {  	s26 =	simm.s32 $execute0_lowered;
	[smem:$0x3FD2] =	sst s25  }
0xb5: {  	s6 =	sshll.u32 s26, $0x1;
	_ =	strace $0x80000049;
	[dreg:$0x1] =	wrdreg $0xFFFFFFFF  }
0xb6: {  	s28 =	simm.s32 $_size_execute0_lowered;
	s4 =	sadd.s32 s4, s6;
	[dreg:$0x0] =	wrdreg $0x0  }
0xb7: {  	s6 =	sshll.u32 s28, $0x1;
	[dreg:$0x2] =	wrdreg s4  }
0xb8: {  	[dreg:$0x3] =	wrdreg s6  }
0xb9: {  	[dreg:$0x4] =	wrdreg $0xC0  }
0xba: {  	_ =	task [dreg:s22], $0x5FFFF  }
0xbb: {  	[dreg:$0x1] =	wrdreg $0xFFFFFFFF  }
0xbc: {  	[dreg:$0x0] =	wrdreg $0x60  }
0xbd: {  	[dreg:$0x2] =	wrdreg s18  }
0xbe: {  	[dreg:$0x3] =	wrdreg s24  }
0xbf: {  	[dreg:$0x4] =	wrdreg $0x68000  }
0xc0: {  	[dreg:$0x5] =	wrdreg $0x9  }
0xc1: {  	_ =	task.clear_ibuf [dreg:s22], $0x6FFFF;
	_ =	strace $0x90000049  }
0xc2: {  	s29 =	simm.s32 $0x9;
	_ =	strace $0x8000004B  }
0xc3: {  	_ =	swait.ge [sflag:s29], $0x1  }
0xc4: {  	[sflag:s29] =	ssyncadd.s32 $0xFFFFFFFF  }
0xc5: {  	_ =	strace $0x9000004B  }
0xc6: {  	_ =	sfence  }
0xc7: {  	s30 =	sld [smem:$0x0];
	_ =	sdelay $0x2  }
0xc8: {  	s31 =	sshll.u32 s1, $0xD;
	s1 =	sshrl.u32 s1, $0x2  }
0xc9: {  	s4 =	sand.u32 $0x4000, s31;
	s1 =	sadd.s32 s1, s30  }
0xca: {  	s0 =	sor.u32 s4, s0;
	s1 =	sshll.u32 s1, $0x11  }
0xcb: {  	s0 =	sor.u32 s1, s0  }
0xcc: {  	s0 =	sadd.s32 $0x8F2B, s0  }
0xcd: {  	[sflag:s0] =	ssyncadd.remote.s32 $0x1  }
0xce: {  	_ =	sfence.sel $0xFFFF  }
0xcf: {  	[dreg:$0x0] =	wrdreg $0xFFFFFFFF;
	(pc) =	sbr.abs _section_cstart, $3  }
0xd0: {  	[dreg:$0x1] =	wrdreg $0xFFFFFFFF  }
0xd1: {  	_ =	task.clear_ibuf [dreg:s22], $0x2FFFF;
	_ =	strace $0x9FFFFFFF  }
0xd2: {  	(tm) =	ssettm $0x7FFFFFFF  }
0xd3: {  	_ =	shalt  }
tec
execute0_lowered:
.L_overlay_start_1:
0x0: {  	(tag) =	ssettag $0x1  }
0x1: {  	s0 =	srdreg.scid;
	s1 =	rddreg [dreg:$0x0]  }
0x2: {  	s10 =	stileid.u32;
	s6 =	rddreg [dreg:$0x1]  }
0x3: {  	s3 =	rddreg [dreg:$0x2];
	s4 =	simm.s32 $0x0;
	s12 =	simm.s32 $0x9  }
0x4: {  	s13 =	simm.s32 $0x1400;
	s14 =	simm.s32 $0x80;
	s15 =	simm.s32 $0x2800  }
0x5: {  	s16 =	simm.s32 $0x3800;
	s18 =	simm.s32 $0x4800;
	s19 =	simm.s32 $0x1  }
0x6: {  	s21 =	simm.s32 $0x5800;
	s22 =	simm.s32 $0x2;
	s24 =	simm.s32 $0x5  }
0x7: {  	s29 =	simm.s32 $0x6;
	s31 =	simm.s32 $0x4;
	s5 =	smul.u32 $0x1400, s10  }
0x8: {  	s20 =	simm.s32 $0x8;
	s0 =	sand.u32 $0x1, s0;
	s7 =	smul.u32 $0x5000, s10  }
0x9: {  	s23 =	simm.s32 $0x0;
	[smem:$0x7FF] =	sst s4;
	s2 =	smul.u32 $0x14000, s0  }
0xa: {  	s26 =	sadd.s32 $0x7E600, s6;
	s30 =	sshll.u32 s10, $0x6;
	s8 =	smul.u32 $0x50000, s0  }
0xb: {  	_ =	strace $0x8000004A;
	s0 =	ssub.s32 $0x2, s0;
	[dreg:$0x4] =	wrdreg s26  }
0xc: {  	s26 =	simm.s32 $0x3;
	s28 =	sshrl.u32 s0, $0x1;
	s11 =	sadd.s32 s7, s3  }
.Ltmp0:
0xd: {  	s2 =	sadd.s32 s5, s2;
	s25 =	sadd.s32 s7, s8;
	(pc) =	sbr.rel .LBB2_1-.Ltmp0, $4  }
0xe: {  	s0 =	ssub.s32 s0, s28;
	s11 =	sshrl.u32 s11, $0x3;
	s2 =	sshrl.u32 s2, $0x3  }
0xf: {  	s8 =	sshrl.u32 s25, $0x3;
	s10 =	smax.u32 s0, $0x1;
	s0 =	simm.s32 $0x7  }
0x10: {  	s2 =	sadd.s32 s2, s6;
	s9 =	sadd.s32 s8, s6;
	s6 =	sor.u32 $0x1C09, s30  }
0x11: {  	s7 =	sadd.s32 $0x79600, s2;
	s8 =	sadd.s32 $0x74600, s2;
	s9 =	sadd.s32 $0x7F000, s9  }
.LBB2_4:
0x12: {  	_ =	swait.ge [sflag:s24], $0x1000  }
0x13: {  	[sflag:s24] =	ssyncset.done $0x0  }
0x14: {  	[sflag:s24] =	ssyncadd.s32 $0xFFFFF000  }
0x15: {  	_ =	swait.ge [sflag:s29], $0x1000  }
0x16: {  	[sflag:s29] =	ssyncset.done $0x0  }
0x17: {  	[sflag:s29] =	ssyncadd.s32 $0xFFFFF000  }
0x18: {  	_ =	swait.ge [sflag:s0], $0x1000  }
0x19: {  	[sflag:s0] =	ssyncset.done $0x0  }
0x1a: {  	[sflag:s0] =	ssyncadd.s32 $0xFFFFF000  }
0x1b: {  	_ =	swait.ge [sflag:s20], $0x1000  }
0x1c: {  	s23 =	sadd.s32 $0x1, s23;
	[sflag:s20] =	ssyncset.done $0x0  }
0x1d: {  	p0 =	sne.s32 s23, s10;
	[sflag:s20] =	ssyncadd.s32 $0xFFFFF000  }
.Ltmp1:
0x1e: {  	[bflag:$0x0] =	sbarrier.arrive $0xFFFF;
	(pc) =	sbr.rel @!p0 .LBB2_5-.Ltmp1, $4  }
0x1f: {  	[hbm:s9], [sflag:s6] =	dma.local [spmem:s11], $0xA00  }
0x20: {  	_ =	swait.ge [sflag:s12], $0xA00  }
0x21: {  	[sflag:s12] =	ssyncset.done $0x0  }
0x22: {  	[sflag:s12] =	ssyncadd.s32 $0xFFFFF600  }
.LBB2_1:
0x23: {  	s2 =	rddreg [dreg:$0x4]  }
0x24: {  	[spmem:s11], [sflag:s6] =	dma.local [hbm:s2], $0xA00  }
0x25: {  	_ =	swait.ge [sflag:s12], $0xA00  }
0x26: {  	[sflag:s12] =	ssyncset.done $0x0  }
0x27: {  	[sflag:s12] =	ssyncadd.s32 $0xFFFFF600  }
0x28: {  	[bflag:$0x0] =	sbarrier.arrive $0xFFFF  }
0x29: {  	[tilespmem:s4], [sflag:$0x9] =	stream.linear.gather [hbm4b:s7+s4], $0x1400, $0x38;
	[tilespmem:$0xB800] =	vst v63  }
0x2a: {  	_ =	swait.ge [sflag:s12], $0x1400  }
0x2b: {  	[sflag:s12] =	ssyncset.done $0x0  }
0x2c: {  	[sflag:s12] =	ssyncadd.s32 $0xFFFFEC00  }
0x2d: {  	[tilespmem:s13], [sflag:$0x9] =	stream.linear.gather [hbm4b:s8+s4], $0x1400, $0x38;
	[tilespmem:$0xB800] =	vst v63  }
0x2e: {  	_ =	swait.ge [sflag:s12], $0x1400  }
0x2f: {  	[sflag:s12] =	ssyncset.done $0x0  }
0x30: {  	[sflag:s12] =	ssyncadd.s32 $0xFFFFEC00  }
0x31: {  	[tilespmem:s15], [sflag:$0x1] =	stream.indirect.gather [hbm4b:s1+s14], $0x20, s4, s14, $0xb8;
	[tilespmem:$0xB800] =	vst v63  }
0x32: {  	_ = 	snop  }
0x33: {  	[tilespmem:s16], [sflag:$0x2] =	stream.indirect.gather [hbm4b:s1+s14], $0x20, s14, s14, $0xb8;
	[tilespmem:$0xB800] =	vst v63  }
0x34: {  	s25 =	simm.s32 $0x100  }
0x35: {  	[tilespmem:s18], [sflag:$0x3] =	stream.indirect.gather [hbm4b:s1+s14], $0x20, s25, s14, $0xb8;
	[tilespmem:$0xB800] =	vst v63  }
0x36: {  	_ =	swait.ge [sflag:s19], $0x1000  }
0x37: {  	[sflag:s19] =	ssyncset.done $0x0  }
0x38: {  	[sflag:s19] =	ssyncadd.s32 $0xFFFFF000  }
0x39: {  	[spmem:s3] =	stream.indirect.scatter.add.f32 [tilespmem:s15], [sflag:$0x5], $0x20, s13, s14, $0xb8;
	[tilespmem:$0xB800] =	vst v63  }
0x3a: {  	s28 =	simm.s32 $0x180  }
0x3b: {  	[tilespmem:s21], [sflag:$0x4] =	stream.indirect.gather [hbm4b:s1+s14], $0x20, s28, s14, $0xb8;
	[tilespmem:$0xB800] =	vst v63  }
0x3c: {  	_ =	swait.ge [sflag:s22], $0x1000  }
0x3d: {  	[sflag:s22] =	ssyncset.done $0x0  }
0x3e: {  	s30 =	simm.s32 $0x1480;
	[sflag:s22] =	ssyncadd.s32 $0xFFFFF000  }
0x3f: {  	[spmem:s3] =	stream.indirect.scatter.add.f32 [tilespmem:s16], [sflag:$0x6], $0x20, s30, s14, $0xb8;
	[tilespmem:$0xB800] =	vst v63  }
0x40: {  	_ =	swait.ge [sflag:s24], $0x1000  }
0x41: {  	[sflag:s24] =	ssyncset.done $0x0  }
0x42: {  	s5 =	simm.s32 $0x200;
	[sflag:s24] =	ssyncadd.s32 $0xFFFFF000  }
0x43: {  	[tilespmem:s15], [sflag:$0x1] =	stream.indirect.gather [hbm4b:s1+s14], $0x20, s5, s14, $0xb8;
	[tilespmem:$0xB800] =	vst v63  }
0x44: {  	_ =	swait.ge [sflag:s26], $0x1000  }
0x45: {  	[sflag:s26] =	ssyncset.done $0x0  }
0x46: {  	s17 =	simm.s32 $0x1500;
	[sflag:s26] =	ssyncadd.s32 $0xFFFFF000  }
0x47: {  	[spmem:s3] =	stream.indirect.scatter.add.f32 [tilespmem:s18], [sflag:$0x7], $0x20, s17, s14, $0xb8;
	[tilespmem:$0xB800] =	vst v63  }
0x48: {  	_ =	swait.ge [sflag:s29], $0x1000  }
0x49: {  	[sflag:s29] =	ssyncset.done $0x0  }
0x4a: {  	s25 =	simm.s32 $0x280;
	[sflag:s29] =	ssyncadd.s32 $0xFFFFF000  }
0x4b: {  	[tilespmem:s16], [sflag:$0x2] =	stream.indirect.gather [hbm4b:s1+s14], $0x20, s25, s14, $0xb8;
	[tilespmem:$0xB800] =	vst v63  }
0x4c: {  	_ =	swait.ge [sflag:s31], $0x1000  }
0x4d: {  	[sflag:s31] =	ssyncset.done $0x0  }
0x4e: {  	s28 =	simm.s32 $0x1580;
	[sflag:s31] =	ssyncadd.s32 $0xFFFFF000  }
0x4f: {  	[spmem:s3] =	stream.indirect.scatter.add.f32 [tilespmem:s21], [sflag:$0x8], $0x20, s28, s14, $0xb8;
	[tilespmem:$0xB800] =	vst v63  }
0x50: {  	_ =	swait.ge [sflag:s0], $0x1000  }
0x51: {  	[sflag:s0] =	ssyncset.done $0x0  }
0x52: {  	s30 =	simm.s32 $0x300;
	s25 =	simm.s32 $0x0;
	[sflag:s0] =	ssyncadd.s32 $0xFFFFF000  }
0x53: {  	[tilespmem:s18], [sflag:$0x3] =	stream.indirect.gather [hbm4b:s1+s14], $0x20, s30, s14, $0xb8;
	[tilespmem:$0xB800] =	vst v63  }
.LBB2_2:
0x54: {  	_ =	swait.ge [sflag:s19], $0x1000  }
0x55: {  	s28 =	sshra.s32 s25, $0x2;
	[sflag:s19] =	ssyncset.done $0x0  }
0x56: {  	s30 =	sadd.s32 $0x1600, s28;
	[sflag:s19] =	ssyncadd.s32 $0xFFFFF000  }
0x57: {  	[spmem:s3] =	stream.indirect.scatter.add.f32 [tilespmem:s15], [sflag:$0x5], $0x20, s30, s14, $0xb8;
	[tilespmem:$0xB800] =	vst v63  }
0x58: {  	_ =	swait.ge [sflag:s20], $0x1000  }
0x59: {  	[sflag:s20] =	ssyncset.done $0x0  }
0x5a: {  	s5 =	sadd.s32 $0x380, s28;
	[sflag:s20] =	ssyncadd.s32 $0xFFFFF000  }
0x5b: {  	[tilespmem:s21], [sflag:$0x4] =	stream.indirect.gather [hbm4b:s1+s14], $0x20, s5, s14, $0xb8;
	[tilespmem:$0xB800] =	vst v63  }
0x5c: {  	_ =	swait.ge [sflag:s22], $0x1000  }
0x5d: {  	p0 =	seq.s32 s25, $0x4000;
	[sflag:s22] =	ssyncset.done $0x0  }
0x5e: {  	s17 =	sadd.s32 $0x1680, s28;
	s30 =	simm.s32 @p0 $0x3;
	[sflag:s22] =	ssyncadd.s32 $0xFFFFF000  }
0x5f: {  	[spmem:s3] =	stream.indirect.scatter.add.f32 [tilespmem:s16], [sflag:$0x6], $0x20, s17, s14, $0xb8;
	[tilespmem:$0xB800] =	vst v63  }
0x60: {  	_ =	swait.ge @p0 [sflag:s30], $0x1000  }
0x61: {  	[sflag:s30] =	ssyncset.done @p0 $0x0  }
0x62: {  	[sflag:s30] =	ssyncadd.s32 @p0 $0xFFFFF000;
	s30 =	sshra.s32 @p0 s25, $0x2  }
0x63: {  	s2 =	simm.s32 @p0 $0x80;
	s17 =	simm.s32 @p0 $0x4800;
	s30 =	sadd.s32 @p0 $0x1700, s30  }
0x64: {  	[spmem:s3] =	stream.indirect.scatter.add.f32 @p0 [tilespmem:s17], [sflag:$0x7], $0x20, s30, s2, $0xb8;
	[tilespmem:$0xB800] =	vst v63  }
0x65: {  	s2 =	simm.s32 @!p0 $0x5  }
0x66: {  	_ =	swait.ge @!p0 [sflag:s2], $0x1000  }
0x67: {  	[sflag:s2] =	ssyncset.done @!p0 $0x0  }
0x68: {  	[sflag:s2] =	ssyncadd.s32 @!p0 $0xFFFFF000;
	s2 =	sshra.s32 @!p0 s25, $0x2  }
0x69: {  	s5 =	simm.s32 @!p0 $0x2800;
	s30 =	simm.s32 @!p0 $0x80;
	s17 =	sadd.s32 @!p0 $0x400, s2  }
0x6a: {  	[tilespmem:s5], [sflag:$0x1] =	stream.indirect.gather @!p0 [hbm4b:s1+s30], $0x20, s17, s30, $0xb8;
	[tilespmem:$0xB800] =	vst v63  }
0x6b: {  	s5 =	simm.s32 @!p0 $0x3  }
0x6c: {  	_ =	swait.ge @!p0 [sflag:s5], $0x1000  }
0x6d: {  	[sflag:s5] =	ssyncset.done @!p0 $0x0  }
0x6e: {  	s17 =	simm.s32 @!p0 $0x4800;
	[sflag:s5] =	ssyncadd.s32 @!p0 $0xFFFFF000;
	s5 =	sadd.s32 @!p0 $0x1700, s2  }
0x6f: {  	[spmem:s3] =	stream.indirect.scatter.add.f32 @!p0 [tilespmem:s17], [sflag:$0x7], $0x20, s5, s30, $0xb8;
	[tilespmem:$0xB800] =	vst v63  }
0x70: {  	s5 =	simm.s32 @!p0 $0x6  }
0x71: {  	_ =	swait.ge @!p0 [sflag:s5], $0x1000  }
0x72: {  	[sflag:s5] =	ssyncset.done @!p0 $0x0  }
0x73: {  	s2 =	sadd.s32 @!p0 $0x480, s2;
	[sflag:s5] =	ssyncadd.s32 @!p0 $0xFFFFF000;
	s5 =	simm.s32 @!p0 $0x3800  }
0x74: {  	[tilespmem:s5], [sflag:$0x2] =	stream.indirect.gather @!p0 [hbm4b:s1+s30], $0x20, s2, s30, $0xb8;
	[tilespmem:$0xB800] =	vst v63  }
.Ltmp2:
0x75: {  	_ = 	snop;
	(pc) =	sbr.rel @p0 .LBB2_4-.Ltmp2, $4  }
0x76: {  	_ =	swait.ge [sflag:s31], $0x1000  }
0x77: {  	[sflag:s31] =	ssyncset.done $0x0  }
0x78: {  	s30 =	sadd.s32 $0x1780, s28;
	[sflag:s31] =	ssyncadd.s32 $0xFFFFF000  }
0x79: {  	[spmem:s3] =	stream.indirect.scatter.add.f32 [tilespmem:s21], [sflag:$0x8], $0x20, s30, s14, $0xb8;
	[tilespmem:$0xB800] =	vst v63  }
.Ltmp3:
0x7a: {  	(pc) =	sbr.rel .LBB2_2-.Ltmp3, $4  }
0x7b: {  	_ =	swait.ge [sflag:s0], $0x1000  }
0x7c: {  	[sflag:s0] =	ssyncset.done $0x0  }
0x7d: {  	s2 =	sadd.s32 $0x500, s28;
	s25 =	sadd.s32 $0x800, s25;
	[sflag:s0] =	ssyncadd.s32 $0xFFFFF000  }
0x7e: {  	[tilespmem:s18], [sflag:$0x3] =	stream.indirect.gather [hbm4b:s1+s14], $0x20, s2, s14, $0xb8;
	[tilespmem:$0xB800] =	vst v63  }
.LBB2_5:
0x7f: {  	_ =	sfence.sel $0x180000  }
0x80: {  	[bflag:$0x0] =	sbarrier.arrive $0xFFFF  }
0x81: {  	_ =	strace $0x9000004A  }
0x82: {  	s0 =	stileid.u32;
	[bflag:$0x2] =	sbarrier.arrive $0xFFFF  }
0x83: {  	p0 =	sne.s32 s0, $0x0;
	s0 =	rddreg [dreg:$0x3]  }
0x84: {  	s0 =	sadd.s32 @!p0 $0x100000, s0  }
0x85: {  	[sflag:s0] =	ssyncadd.tile.s32 @!p0 $0x1;
	_ =	shalt  }
.Lfunc_end2:
_tile_overlayer_lowered:
.L_overlay_start_2:
0x86: {  	(tag) =	ssettag $0x2  }
0x87: {  	s0 =	rddreg [dreg:$0x0];
	s2 =	stileid.u32  }
0x88: {  	s1 =	rddreg [dreg:$0x1];
	p0 =	sne.s32 s2, $0x0  }
0x89: {  	s3 =	rddreg [dreg:$0x2];
	[bflag:$0x3] =	sbarrier.arrive $0xFFFF;
	s2 =	simm.s32 @!p0 $0x1C09  }
0x8a: {  	[timem:s3], [sflag:s2] =	dma.local @!p0 [hbm:s0], s1  }
0x8b: {  	s0 =	simm.s32 @!p0 $0x9  }
0x8c: {  	_ =	swait.ge @!p0 [sflag:s0], s1  }
0x8d: {  	s1 =	ssub.s32 @!p0 $0x0, s1;
	[sflag:s0] =	ssyncset.done @!p0 $0x0  }
0x8e: {  	[sflag:s0] =	ssyncadd.s32 @!p0 s1  }
0x8f: {  	[bflag:$0x3] =	sbarrier.arrive $0xFFFF  }
0x90: {  	_ =	shalt  }

// kernel: kernel.22.cloned.1.call-start
scs
__scs_entry_jumppad:
0x0: {  	(pc) =	sbr.rel $0x88, $3  }
0x1: {  	(tag) =	ssettag $0x0;
	lr =	simm.s32 $0x1  }
0x2: {  	[smem:$0x3F65] =	sst lr;
	_ =	strace $0xD0000000  }
0x3: {  	_ = 	snop  }
0x4: {  	_ = 	snop  }
0x5: {  	_ = 	snop  }
0x6: {  	_ = 	snop  }
0x7: {  	_ = 	snop  }
__scs_overlays_trampoline_lowered:
0x8: {  	[smem:$0x3F74] =	sst s0  }
0x9: {  	[smem:$0x3F75] =	sst s1  }
0xa: {  	[smem:$0x3F76] =	sst s2  }
0xb: {  	[smem:$0x3F77] =	sst s3  }
0xc: {  	[smem:$0x3F78] =	sst s4  }
0xd: {  	[smem:$0x3F79] =	sst s5  }
0xe: {  	[smem:$0x3F7A] =	sst s6  }
0xf: {  	[smem:$0x3F7B] =	sst s7  }
0x10: {  	[smem:$0x3F7C] =	sst s8  }
0x11: {  	[smem:$0x3F7D] =	sst s9;
	s0 =	simm.s32 @!p0 $0x0  }
0x12: {  	s1 =	sld [smem:$0x3F63];
	s0 =	simm.s32 @p0 $0x1  }
0x13: {  	[smem:$0x3F7E] =	sst s0;
	s0 =	simm.s32 @!p1 $0x0  }
0x14: {  	s2 =	sld [smem:$0x3F62];
	s0 =	simm.s32 @p1 $0x1  }
0x15: {  	[smem:$0x3F7F] =	sst s0;
	s0 =	simm.s32 @!p2 $0x0  }
0x16: {  	s3 =	sld [smem:$0x3FDB];
	s0 =	simm.s32 @p2 $0x1  }
0x17: {  	s4 =	simm.s32 $0x1BF5;
	[smem:$0x3F81] =	sst s0  }
0x18: {  	s0 =	sld [smem:$0x3F64];
	_ =	swait.ge [sflag:s4], $0x0  }
0x19: {  	s7 =	sld [smem:$0x3F65]  }
0x1a: {  	s8 =	sadd.s32 $0xFFFFE003, lr  }
0x1b: {  	s9 =	sadd.s32 $0xFFFFFEF7, lr;
	s5 =	simm.s32 $0xFFFFFFFF;
	p2 =	slt.u32 s8, $0xFFFFF086  }
0x1c: {  	p1 =	slt.u32 s9, $0xF7A;
	s5 =	simm.s32 @!p2 $0x0  }
0x1d: {  	s5 =	simm.s32 @p1 $0x1;
	p0 =	seq.s32 s7, s2  }
0x1e: {  	s7 =	smul.u32 @!p0 $0xF7A, s2;
	p2 =	seq.s32 @!p0 s5, $0x0  }
0x1f: {  	s9 =	smul.u32 $0xF7A, s1;
	s8 =	simm.s32 @!p0 $0x1BF5;
	p2 =	por !p2, p0  }
0x20: {  	[sflag:s8] =	ssyncset.s32 @!p0 $0xFFFFF086;
	s6 =	sadd.s32 @!p0 s3, s7;
	s7 =	simm.s32 @!p0 $0x108  }
0x21: {  	s3 =	sadd.s32 s3, s9;
	s6 =	sadd.s32 @!p0 $0x88, s6;
	s7 =	simm.s32 @p2 $0x1082  }
0x22: {  	[simem:s7], [sflag:s8] =	dma.local @!p0 [hbm:s6], $0xF7A  }
0x23: {  	s9 =	sor.u32 $0xD0000000, s2;
	s6 =	simm.s32 $0x108;
	_ =	swait.ge @!p0 [sflag:s8], $0x0  }
0x24: {  	s3 =	sadd.s32 $0x88, s3;
	s6 =	simm.s32 @!p1 $0x1082;
	[sflag:s4] =	ssyncset.s32 $0xFFFFF086  }
0x25: {  	[simem:s6], [sflag:s4] =	dma.local [hbm:s3], $0xF7A  }
0x26: {  	[smem:$0x3F65] =	sst s1;
	(tag) =	ssettag s2;
	_ =	strace s9  }
0x27: {  	s1 =	sld [smem:$0x3F75]  }
0x28: {  	s2 =	sld [smem:$0x3F76]  }
0x29: {  	s4 =	sld [smem:$0x3F78]  }
0x2a: {  	p0 =	seq.s32 s5, $0x0;
	s5 =	sld [smem:$0x3F79]  }
0x2b: {  	s6 =	sld [smem:$0x3F7A]  }
0x2c: {  	s7 =	sld [smem:$0x3F7B]  }
0x2d: {  	s3 =	simm.s32 $0x108;
	s8 =	sld [smem:$0x3F7C]  }
0x2e: {  	s3 =	simm.s32 @!p0 $0x1082;
	s9 =	sld [smem:$0x3F7D]  }
0x2f: {  	lr =	sadd.s32 s0, s3;
	s0 =	sld [smem:$0x3F74]  }
0x30: {  	s3 =	sld [smem:$0x3F77]  }
0x31: {  	[smem:$0x3F80] =	sst s10  }
0x32: {  	s10 =	sld [smem:$0x3F7E];
	_ =	sdelay $0x3  }
0x33: {  	p0 =	seq.s32 s10, $0x1;
	s10 =	sld [smem:$0x3F80];
	_ =	sdelay $0x3  }
0x34: {  	[smem:$0x3F80] =	sst s10  }
0x35: {  	s10 =	sld [smem:$0x3F7F];
	_ =	sdelay $0x3  }
0x36: {  	p1 =	seq.s32 s10, $0x1;
	s10 =	sld [smem:$0x3F80];
	_ =	sdelay $0x3  }
0x37: {  	[smem:$0x3F80] =	sst s10  }
0x38: {  	s10 =	sld [smem:$0x3F81]  }
0x39: {  	_ = 	snop;
	(pc) =	sbr.ind lr, $3  }
0x3a: {  	_ = 	snop  }
0x3b: {  	_ = 	snop  }
0x3c: {  	p2 =	seq.s32 s10, $0x1;
	s10 =	sld [smem:$0x3F80]  }
0x3d: {  	_ =	shalt  }
0x3e: {  	_ =	shalt  }
0x3f: {  	_ =	shalt  }
0x40: {  	_ =	shalt  }
0x41: {  	_ =	shalt  }
0x42: {  	_ =	shalt  }
0x43: {  	_ =	shalt  }
0x44: {  	_ =	shalt  }
0x45: {  	_ =	shalt  }
0x46: {  	_ =	shalt  }
0x47: {  	_ =	shalt  }
0x48: {  	_ =	shalt  }
0x49: {  	_ =	shalt  }
0x4a: {  	_ =	shalt  }
0x4b: {  	_ =	shalt  }
0x4c: {  	_ =	shalt  }
0x4d: {  	_ =	shalt  }
0x4e: {  	_ =	shalt  }
0x4f: {  	_ =	shalt  }
0x50: {  	_ =	shalt  }
0x51: {  	_ =	shalt  }
0x52: {  	_ =	shalt  }
0x53: {  	_ =	shalt  }
0x54: {  	_ =	shalt  }
0x55: {  	_ =	shalt  }
0x56: {  	_ =	shalt  }
0x57: {  	_ =	shalt  }
0x58: {  	_ =	shalt  }
0x59: {  	_ =	shalt  }
0x5a: {  	_ =	shalt  }
0x5b: {  	_ =	shalt  }
0x5c: {  	_ =	shalt  }
0x5d: {  	_ =	shalt  }
0x5e: {  	_ =	shalt  }
0x5f: {  	_ =	shalt  }
0x60: {  	_ =	shalt  }
0x61: {  	_ =	shalt  }
0x62: {  	_ =	shalt  }
0x63: {  	_ =	shalt  }
0x64: {  	_ =	shalt  }
0x65: {  	_ =	shalt  }
0x66: {  	_ =	shalt  }
0x67: {  	_ =	shalt  }
0x68: {  	_ =	shalt  }
0x69: {  	_ =	shalt  }
0x6a: {  	_ =	shalt  }
0x6b: {  	_ =	shalt  }
0x6c: {  	_ =	shalt  }
0x6d: {  	_ =	shalt  }
0x6e: {  	_ =	shalt  }
0x6f: {  	_ =	shalt  }
0x70: {  	_ =	shalt  }
0x71: {  	_ =	shalt  }
0x72: {  	_ =	shalt  }
0x73: {  	_ =	shalt  }
0x74: {  	_ =	shalt  }
0x75: {  	_ =	shalt  }
0x76: {  	_ =	shalt  }
0x77: {  	_ =	shalt  }
0x78: {  	_ =	shalt  }
0x79: {  	_ =	shalt  }
0x7a: {  	_ =	shalt  }
0x7b: {  	_ =	shalt  }
0x7c: {  	_ =	shalt  }
0x7d: {  	_ =	shalt  }
0x7e: {  	_ =	shalt  }
0x7f: {  	_ =	shalt  }
0x80: {  	_ =	shalt  }
0x81: {  	_ =	shalt  }
0x82: {  	_ =	shalt  }
0x83: {  	_ =	shalt  }
0x84: {  	_ =	shalt  }
0x85: {  	_ =	shalt  }
0x86: {  	_ =	shalt  }
0x87: {  	_ =	shalt  }
.Lfunc_end0:
.L_simem_size_0:
called_computation.2_lowered:
.L_overlay_start_0:
0x88: {  	s2 =	sld [smem:$0x3FD9]  }
0x89: {  	s3 =	sld [smem:$0x3FFE];
	_ =	sdelay $0x1  }
0x8a: {  	s1 =	srdreg.scid  }
0x8b: {  	s0 =	sand.u32 $0x1, s1  }
0x8c: {  	s17 =	sshll.u32 s0, $0xA;
	s2 =	sadd.s32 s3, s2  }
0x8d: {  	s2 =	sadd.s32 s2, s17  }
0x8e: {  	[smem:$0x3F8C] =	sst s2  }
0x8f: {  	_ = 	snop  }
0x90: {  	(tm) =	ssettm $0x1  }
0x91: {  	s18 =	sld [smem:$0x3FFB];
	_ =	sdelay $0x3  }
0x92: {  	_ =	strace s18  }
0x93: {  	s2 =	sld [smem:$0x3FFC];
	_ =	sdelay $0x3  }
0x94: {  	_ =	strace s2  }
0x95: {  	s2 =	sld [smem:$0x3FFD];
	_ =	sdelay $0x3  }
0x96: {  	_ =	strace s2  }
0x97: {  	_ =	strace $0x8FFFFFFF  }
0x98: {  	s19 =	sld [smem:$0x3FDB];
	_ =	sdelay $0x1  }
0x99: {  	s20 =	simm.s32 $_scs_section_size  }
0x9a: {  	s4 =	simm.s32 $_size__tile_overlayer_lowered;
	s5 =	simm.s32 $_tile_overlayer_lowered  }
0x9b: {  	s6 =	simm.s32 $0x1BFF;
	s21 =	sshll.u32 s5, $0x1;
	s3 =	sadd.s32 s20, s19  }
0x9c: {  	s22 =	simm.s32 $0x0;
	s4 =	sshll.u32 s4, $0x1;
	s5 =	sadd.s32 s21, s3  }
0x9d: {  	[timem:s22], [sflag:s6] =	dma.local [hbm:s5], s4  }
0x9e: {  	_ =	swait.ge [sflag:s6], s4  }
0x9f: {  	s4 =	ssub.s32 $0x0, s4;
	[sflag:s6] =	ssyncset.done $0x0  }
0xa0: {  	[sflag:s6] =	ssyncadd.s32 s4;
	_ =	sdelay $0x1  }
0xa1: {  	s23 =	simm.s32 $0x1B8B  }
0xa2: {  	_ =	swait.ge [sflag:s23], $0x1  }
0xa3: {  	[sflag:s23] =	ssyncset.done $0x0  }
0xa4: {  	[sflag:s23] =	ssyncadd.s32 $0xFFFFFFFF  }
0xa5: {  	s4 =	sld [smem:$0x0]  }
0xa6: {  	s5 =	sand.u32 $0xFFFFFFFE, s1  }
0xa7: {  	p0 =	sne.s32 s1, s5  }
0xa8: {  	s5 =	sshll.u32 @p0 s5, $0xE  }
0xa9: {  	s5 =	sadd.s32 @p0 $0x11B8D, s5;
	s6 =	sshll.u32 @p0 s4, $0x11  }
0xaa: {  	s5 =	sor.u32 @p0 s6, s5  }
0xab: {  	[sflag:s5] =	ssyncadd.remote.s32 @p0 $0x1;
	_ =	sdelay $0x1  }
0xac: {  	s5 =	simm.s32 @p0 $0x1B8D  }
0xad: {  	_ =	swait.eq @p0 [sflag:s5], $0x1  }
0xae: {  	[sflag:s5] =	ssyncadd.s32 @p0 $0xFFFFFFFF  }
0xaf: {  	s6 =	sshll.u32 @!p0 s1, $0xE  }
0xb0: {  	s6 =	sor.u32 @!p0 $0x4000, s6;
	s5 =	simm.s32 @!p0 $0x1B8D  }
0xb1: {  	s4 =	sshll.u32 @!p0 s4, $0x11;
	s6 =	sadd.s32 @!p0 $0x11B8D, s6;
	_ =	swait.eq @!p0 [sflag:s5], $0x1  }
0xb2: {  	s4 =	sor.u32 @!p0 s4, s6;
	[sflag:s5] =	ssyncadd.s32 @!p0 $0xFFFFFFFF  }
0xb3: {  	s25 =	simm.s32 $0x1B8E;
	s24 =	sld [smem:$0x3FFE];
	[sflag:s4] =	ssyncadd.remote.s32 @!p0 $0x1  }
0xb4: {  	s26 =	simm.s32 $execute0_lowered;
	[smem:$0x3FD2] =	sst s25  }
0xb5: {  	s5 =	sshll.u32 s26, $0x1;
	_ =	strace $0x8000004C;
	[dreg:$0x1] =	wrdreg $0xFFFFFFFF  }
0xb6: {  	s28 =	simm.s32 $_size_execute0_lowered;
	s3 =	sadd.s32 s3, s5;
	[dreg:$0x0] =	wrdreg $0x0  }
0xb7: {  	s5 =	sshll.u32 s28, $0x1;
	[dreg:$0x2] =	wrdreg s3  }
0xb8: {  	[dreg:$0x3] =	wrdreg s5  }
0xb9: {  	[dreg:$0x4] =	wrdreg $0xC0  }
0xba: {  	_ =	task [dreg:s22], $0x5FFFF  }
0xbb: {  	[dreg:$0x1] =	wrdreg $0xFFFFFFFF  }
0xbc: {  	[dreg:$0x0] =	wrdreg $0x60  }
0xbd: {  	[dreg:$0x2] =	wrdreg s24  }
0xbe: {  	[dreg:$0x3] =	wrdreg $0x6E000  }
0xbf: {  	[dreg:$0x4] =	wrdreg $0xA  }
0xc0: {  	_ =	task.clear_ibuf [dreg:s22], $0x5FFFF;
	_ =	strace $0x9000004C  }
0xc1: {  	s29 =	simm.s32 $0xA;
	_ =	strace $0x8000004E  }
0xc2: {  	_ =	swait.ge [sflag:s29], $0x1  }
0xc3: {  	[sflag:s29] =	ssyncadd.s32 $0xFFFFFFFF  }
0xc4: {  	_ =	strace $0x9000004E  }
0xc5: {  	_ =	sfence  }
0xc6: {  	s30 =	sld [smem:$0x0];
	_ =	sdelay $0x2  }
0xc7: {  	s31 =	sshll.u32 s1, $0xD;
	s1 =	sshrl.u32 s1, $0x2  }
0xc8: {  	s4 =	sand.u32 $0x4000, s31;
	s1 =	sadd.s32 s1, s30  }
0xc9: {  	s0 =	sor.u32 s4, s0;
	s1 =	sshll.u32 s1, $0x11  }
0xca: {  	s0 =	sor.u32 s1, s0  }
0xcb: {  	s0 =	sadd.s32 $0x8F2B, s0  }
0xcc: {  	[sflag:s0] =	ssyncadd.remote.s32 $0x1  }
0xcd: {  	_ =	sfence.sel $0xFFFF  }
0xce: {  	[dreg:$0x0] =	wrdreg $0xFFFFFFFF;
	(pc) =	sbr.abs _section_cstart, $3  }
0xcf: {  	[dreg:$0x1] =	wrdreg $0xFFFFFFFF  }
0xd0: {  	_ =	task.clear_ibuf [dreg:s22], $0x2FFFF;
	_ =	strace $0x9FFFFFFF  }
0xd1: {  	(tm) =	ssettm $0x7FFFFFFF  }
tec
execute0_lowered:
.L_overlay_start_1:
0x0: {  	(tag) =	ssettag $0x1  }
0x1: {  	s0 =	rddreg [dreg:$0x0]  }
0x2: {  	s2 =	rddreg [dreg:$0x1]  }
0x3: {  	s1 =	srdreg.scid;
	s8 =	stileid.u32;
	s13 =	simm.s32 $0x0  }
0x4: {  	s14 =	simm.s32 $0x9;
	s15 =	simm.s32 $0x500;
	s16 =	simm.s32 $0x28  }
0x5: {  	s17 =	simm.s32 $0xA00;
	s18 =	simm.s32 $0x2300;
	s20 =	simm.s32 $0x3C00  }
0x6: {  	s21 =	simm.s32 $0x1;
	s23 =	simm.s32 $0x5500;
	s24 =	simm.s32 $0x2  }
0x7: {  	s29 =	simm.s32 $0x3;
	s31 =	simm.s32 $0x6;
	s11 =	simm.s32 $0x7  }
0x8: {  	s12 =	simm.s32 $0xF0;
	s1 =	sand.u32 $0x1, s1;
	s3 =	smul.u32 $0x19000, s8  }
0x9: {  	[smem:$0x7FF] =	sst s13;
	s4 =	sadd.s32 $0x10600, s0;
	s5 =	sadd.s32 $0x93000, s0  }
0xa: {  	s9 =	sadd.s32 $0xC200, s0;
	s10 =	sshll.u32 s8, $0x6;
	s8 =	smul.u32 $0x2800, s8  }
0xb: {  	s6 =	smul.u32 $0x190000, s1;
	_ =	strace $0x8000004D;
	[dreg:$0x4] =	wrdreg s9  }
0xc: {  	s26 =	ssub.s32 $0x2, s1;
	s1 =	smul.u32 $0x28000, s1;
	s19 =	sor.u32 $0x1C09, s10  }
0xd: {  	s9 =	simm.s32 $0x8;
	s28 =	sshrl.u32 s26, $0x1;
	[dreg:$0x5] =	wrdreg s19  }
0xe: {  	s7 =	sadd.s32 s3, s6;
	s6 =	sadd.s32 $0x74600, s0;
	s3 =	sadd.s32 s3, s2  }
.Ltmp0:
0xf: {  	s10 =	sadd.s32 s1, s8;
	s7 =	sshrl.u32 s7, $0x3;
	(pc) =	sbr.rel .LBB2_1-.Ltmp0, $4  }
0x10: {  	s1 =	simm.s32 $0x4;
	s22 =	sshrl.u32 s3, $0x3;
	s0 =	sadd.s32 s7, s0  }
0x11: {  	s7 =	ssub.s32 s26, s28;
	[dreg:$0x8] =	wrdreg s22;
	s0 =	sadd.s32 $0x9D000, s0  }
0x12: {  	s26 =	simm.s32 $0x5;
	s30 =	smax.u32 s7, $0x1;
	[dreg:$0x6] =	wrdreg s0  }
0x13: {  	s7 =	simm.s32 $0x578;
	[dreg:$0x7] =	wrdreg s30;
	s0 =	simm.s32 $0xC8  }
.LBB2_6:
0x14: {  	[bflag:$0x0] =	sbarrier.arrive $0xFFFF  }
0x15: {  	s19 =	rddreg [dreg:$0x5]  }
0x16: {  	s3 =	rddreg [dreg:$0x6]  }
0x17: {  	s22 =	rddreg [dreg:$0x8]  }
0x18: {  	[hbm:s3], [sflag:s19] =	dma.local [spmem:s22], $0x3200  }
0x19: {  	_ =	swait.ge [sflag:s14], $0x3200  }
0x1a: {  	s13 =	rddreg [dreg:$0x3]  }
0x1b: {  	s30 =	rddreg [dreg:$0x7];
	s13 =	sadd.s32 $0x1, s13  }
0x1c: {  	p0 =	sne.s32 s13, s30  }
.Ltmp1:
0x1d: {  	_ = 	snop;
	(pc) =	sbr.rel @!p0 .LBB2_7-.Ltmp1, $3  }
0x1e: {  	_ =	sdelay $0x1  }
0x1f: {  	[sflag:s14] =	ssyncset.done $0x0  }
0x20: {  	[sflag:s14] =	ssyncadd.s32 $0xFFFFCE00  }
.LBB2_1:
0x21: {  	[dreg:$0x3] =	wrdreg s13  }
0x22: {  	s3 =	rddreg [dreg:$0x4]  }
0x23: {  	[spmem:s22], [sflag:s19] =	dma.local [hbm:s3], $0x3200  }
.Ltmp2:
0x24: {  	_ =	swait.ge [sflag:s14], $0x3200;
	(pc) =	sbr.rel .LBB2_2-.Ltmp2, $4  }
0x25: {  	[sflag:s14] =	ssyncset.done $0x0  }
0x26: {  	[sflag:s14] =	ssyncadd.s32 $0xFFFFCE00  }
0x27: {  	[bflag:$0x0] =	sbarrier.arrive $0xFFFF  }
0x28: {  	s13 =	simm.s32 $0x0  }
.LBB2_5:
0x29: {  	_ =	swait.ge [sflag:s26], $0x1900  }
0x2a: {  	[sflag:s26] =	ssyncset.done $0x0  }
0x2b: {  	[sflag:s26] =	ssyncadd.s32 $0xFFFFE700  }
0x2c: {  	_ =	swait.ge [sflag:s31], $0x1900  }
0x2d: {  	[sflag:s31] =	ssyncset.done $0x0  }
0x2e: {  	s13 =	sadd.s32 $0x1, s13;
	[sflag:s31] =	ssyncadd.s32 $0xFFFFE700  }
0x2f: {  	p0 =	sne.s32 s13, $0x8;
	_ =	swait.ge [sflag:s11], $0x1900  }
.Ltmp3:
0x30: {  	[sflag:s11] =	ssyncset.done $0x0;
	(pc) =	sbr.rel @!p0 .LBB2_6-.Ltmp3, $4  }
0x31: {  	[sflag:s11] =	ssyncadd.s32 $0xFFFFE700  }
0x32: {  	_ =	swait.ge [sflag:s9], $0x1900  }
0x33: {  	[sflag:s9] =	ssyncset.done $0x0  }
0x34: {  	[sflag:s9] =	ssyncadd.s32 $0xFFFFE700  }
.LBB2_2:
0x35: {  	s19 =	smul.u32 $0x500, s13;
	_ =	sdelay $0x1  }
0x36: {  	s3 =	sadd.s32 s10, s19  }
0x37: {  	s3 =	sshrl.u32 s3, $0x3  }
0x38: {  	s22 =	sadd.s32 s5, s3;
	s3 =	simm.s32 $0x0  }
0x39: {  	[tilespmem:s3], [sflag:$0x9] =	stream.linear.gather [hbm4b:s22+s3], $0x500, $0x38;
	[tilespmem:$0x1FE00] =	vst v63  }
0x3a: {  	s19 =	sadd.s32 s8, s19;
	_ =	swait.ge [sflag:s14], $0x500  }
0x3b: {  	s19 =	sshrl.u32 s19, $0x3;
	[sflag:s14] =	ssyncset.done $0x0  }
0x3c: {  	s19 =	sadd.s32 s6, s19;
	[sflag:s14] =	ssyncadd.s32 $0xFFFFFB00  }
0x3d: {  	[tilespmem:s15], [sflag:$0x9] =	stream.linear.gather [hbm4b:s19+s3], $0x500, $0x38;
	[tilespmem:$0x1FE00] =	vst v63  }
0x3e: {  	_ =	swait.ge [sflag:s14], $0x500  }
0x3f: {  	[sflag:s14] =	ssyncset.done $0x0  }
0x40: {  	[sflag:s14] =	ssyncadd.s32 $0xFFFFFB00  }
0x41: {  	[tilespmem:s17], [sflag:$0x1] =	stream.indirect.gather [hbm4b:s4+s16], $0xA0, s3, s16, $0xb8;
	[tilespmem:$0x1FE00] =	vst v63  }
0x42: {  	_ = 	snop  }
0x43: {  	[tilespmem:s18], [sflag:$0x2] =	stream.indirect.gather [hbm4b:s4+s16], $0xA0, s16, s16, $0xb8;
	[tilespmem:$0x1FE00] =	vst v63  }
0x44: {  	s30 =	simm.s32 $0x50  }
0x45: {  	[tilespmem:s20], [sflag:$0x3] =	stream.indirect.gather [hbm4b:s4+s16], $0xA0, s30, s16, $0xb8;
	[tilespmem:$0x1FE00] =	vst v63  }
0x46: {  	_ =	swait.ge [sflag:s21], $0x1900  }
0x47: {  	[sflag:s21] =	ssyncset.done $0x0  }
0x48: {  	[sflag:s21] =	ssyncadd.s32 $0xFFFFE700  }
0x49: {  	[spmem:s2] =	stream.indirect.scatter.add.f32 [tilespmem:s17], [sflag:$0x5], $0xA0, s15, s16, $0xb8;
	[tilespmem:$0x1FE00] =	vst v63  }
0x4a: {  	s22 =	simm.s32 $0x78  }
0x4b: {  	[tilespmem:s23], [sflag:$0x4] =	stream.indirect.gather [hbm4b:s4+s16], $0xA0, s22, s16, $0xb8;
	[tilespmem:$0x1FE00] =	vst v63  }
0x4c: {  	_ =	swait.ge [sflag:s24], $0x1900  }
0x4d: {  	[sflag:s24] =	ssyncset.done $0x0  }
0x4e: {  	s25 =	simm.s32 $0x528;
	[sflag:s24] =	ssyncadd.s32 $0xFFFFE700  }
0x4f: {  	[spmem:s2] =	stream.indirect.scatter.add.f32 [tilespmem:s18], [sflag:$0x6], $0xA0, s25, s16, $0xb8;
	[tilespmem:$0x1FE00] =	vst v63  }
0x50: {  	_ =	swait.ge [sflag:s26], $0x1900  }
0x51: {  	[sflag:s26] =	ssyncset.done $0x0  }
0x52: {  	s28 =	simm.s32 $0xA0;
	[sflag:s26] =	ssyncadd.s32 $0xFFFFE700  }
0x53: {  	[tilespmem:s17], [sflag:$0x1] =	stream.indirect.gather [hbm4b:s4+s16], $0xA0, s28, s16, $0xb8;
	[tilespmem:$0x1FE00] =	vst v63  }
0x54: {  	_ =	swait.ge [sflag:s29], $0x1900  }
0x55: {  	[sflag:s29] =	ssyncset.done $0x0  }
0x56: {  	s30 =	simm.s32 $0x550;
	[sflag:s29] =	ssyncadd.s32 $0xFFFFE700  }
0x57: {  	[spmem:s2] =	stream.indirect.scatter.add.f32 [tilespmem:s20], [sflag:$0x7], $0xA0, s30, s16, $0xb8;
	[tilespmem:$0x1FE00] =	vst v63  }
0x58: {  	_ =	swait.ge [sflag:s31], $0x1900  }
0x59: {  	[sflag:s31] =	ssyncset.done $0x0  }
0x5a: {  	[sflag:s31] =	ssyncadd.s32 $0xFFFFE700  }
0x5b: {  	[tilespmem:s18], [sflag:$0x2] =	stream.indirect.gather [hbm4b:s4+s16], $0xA0, s0, s16, $0xb8;
	[tilespmem:$0x1FE00] =	vst v63  }
0x5c: {  	_ =	swait.ge [sflag:s1], $0x1900  }
0x5d: {  	[sflag:s1] =	ssyncset.done $0x0  }
0x5e: {  	[sflag:s1] =	ssyncadd.s32 $0xFFFFE700  }
0x5f: {  	[spmem:s2] =	stream.indirect.scatter.add.f32 [tilespmem:s23], [sflag:$0x8], $0xA0, s7, s16, $0xb8;
	[tilespmem:$0x1FE00] =	vst v63  }
0x60: {  	_ =	swait.ge [sflag:s11], $0x1900  }
0x61: {  	[sflag:s11] =	ssyncset.done $0x0  }
0x62: {  	[sflag:s11] =	ssyncadd.s32 $0xFFFFE700  }
0x63: {  	[tilespmem:s20], [sflag:$0x3] =	stream.indirect.gather [hbm4b:s4+s16], $0xA0, s12, s16, $0xb8;
	[tilespmem:$0x1FE00] =	vst v63  }
.LBB2_3:
0x64: {  	_ =	swait.ge [sflag:s21], $0x1900  }
0x65: {  	s19 =	sshra.s32 s3, $0x2;
	[sflag:s21] =	ssyncset.done $0x0  }
0x66: {  	s22 =	sadd.s32 $0x5A0, s19;
	[sflag:s21] =	ssyncadd.s32 $0xFFFFE700  }
0x67: {  	[spmem:s2] =	stream.indirect.scatter.add.f32 [tilespmem:s17], [sflag:$0x5], $0xA0, s22, s16, $0xb8;
	[tilespmem:$0x1FE00] =	vst v63  }
0x68: {  	_ =	swait.ge [sflag:s9], $0x1900  }
0x69: {  	[sflag:s9] =	ssyncset.done $0x0  }
0x6a: {  	s25 =	sadd.s32 $0x118, s19;
	[sflag:s9] =	ssyncadd.s32 $0xFFFFE700  }
0x6b: {  	[tilespmem:s23], [sflag:$0x4] =	stream.indirect.gather [hbm4b:s4+s16], $0xA0, s25, s16, $0xb8;
	[tilespmem:$0x1FE00] =	vst v63  }
0x6c: {  	_ =	swait.ge [sflag:s24], $0x1900  }
0x6d: {  	p0 =	seq.s32 s3, $0xF00;
	[sflag:s24] =	ssyncset.done $0x0  }
0x6e: {  	s28 =	sadd.s32 $0x5C8, s19;
	s22 =	simm.s32 @p0 $0x3;
	[sflag:s24] =	ssyncadd.s32 $0xFFFFE700  }
0x6f: {  	[spmem:s2] =	stream.indirect.scatter.add.f32 [tilespmem:s18], [sflag:$0x6], $0xA0, s28, s16, $0xb8;
	[tilespmem:$0x1FE00] =	vst v63  }
0x70: {  	_ =	swait.ge @p0 [sflag:s22], $0x1900  }
0x71: {  	[sflag:s22] =	ssyncset.done @p0 $0x0  }
0x72: {  	[sflag:s22] =	ssyncadd.s32 @p0 $0xFFFFE700;
	s22 =	sshra.s32 @p0 s3, $0x2  }
0x73: {  	s25 =	simm.s32 @p0 $0x28;
	s28 =	simm.s32 @p0 $0x3C00;
	s22 =	sadd.s32 @p0 $0x5F0, s22  }
0x74: {  	[spmem:s2] =	stream.indirect.scatter.add.f32 @p0 [tilespmem:s28], [sflag:$0x7], $0xA0, s22, s25, $0xb8;
	[tilespmem:$0x1FE00] =	vst v63  }
0x75: {  	s22 =	simm.s32 @!p0 $0x5  }
0x76: {  	_ =	swait.ge @!p0 [sflag:s22], $0x1900  }
0x77: {  	[sflag:s22] =	ssyncset.done @!p0 $0x0  }
0x78: {  	[sflag:s22] =	ssyncadd.s32 @!p0 $0xFFFFE700;
	s22 =	sshra.s32 @!p0 s3, $0x2  }
0x79: {  	s30 =	simm.s32 @!p0 $0xA00;
	s28 =	simm.s32 @!p0 $0x28;
	s25 =	sadd.s32 @!p0 $0x140, s22  }
0x7a: {  	[tilespmem:s30], [sflag:$0x1] =	stream.indirect.gather @!p0 [hbm4b:s4+s28], $0xA0, s25, s28, $0xb8;
	[tilespmem:$0x1FE00] =	vst v63  }
0x7b: {  	s25 =	simm.s32 @!p0 $0x3  }
0x7c: {  	_ =	swait.ge @!p0 [sflag:s25], $0x1900  }
0x7d: {  	[sflag:s25] =	ssyncset.done @!p0 $0x0  }
0x7e: {  	s30 =	simm.s32 @!p0 $0x3C00;
	[sflag:s25] =	ssyncadd.s32 @!p0 $0xFFFFE700;
	s25 =	sadd.s32 @!p0 $0x5F0, s22  }
0x7f: {  	[spmem:s2] =	stream.indirect.scatter.add.f32 @!p0 [tilespmem:s30], [sflag:$0x7], $0xA0, s25, s28, $0xb8;
	[tilespmem:$0x1FE00] =	vst v63  }
0x80: {  	s25 =	simm.s32 @!p0 $0x6  }
0x81: {  	_ =	swait.ge @!p0 [sflag:s25], $0x1900  }
0x82: {  	[sflag:s25] =	ssyncset.done @!p0 $0x0  }
0x83: {  	s22 =	sadd.s32 @!p0 $0x168, s22;
	[sflag:s25] =	ssyncadd.s32 @!p0 $0xFFFFE700;
	s25 =	simm.s32 @!p0 $0x2300  }
0x84: {  	[tilespmem:s25], [sflag:$0x2] =	stream.indirect.gather @!p0 [hbm4b:s4+s28], $0xA0, s22, s28, $0xb8;
	[tilespmem:$0x1FE00] =	vst v63  }
.Ltmp4:
0x85: {  	_ = 	snop;
	(pc) =	sbr.rel @p0 .LBB2_5-.Ltmp4, $4  }
0x86: {  	_ =	swait.ge [sflag:s1], $0x1900  }
0x87: {  	[sflag:s1] =	ssyncset.done $0x0  }
0x88: {  	s30 =	sadd.s32 $0x618, s19;
	[sflag:s1] =	ssyncadd.s32 $0xFFFFE700  }
0x89: {  	[spmem:s2] =	stream.indirect.scatter.add.f32 [tilespmem:s23], [sflag:$0x8], $0xA0, s30, s16, $0xb8;
	[tilespmem:$0x1FE00] =	vst v63  }
.Ltmp5:
0x8a: {  	(pc) =	sbr.rel .LBB2_3-.Ltmp5, $4  }
0x8b: {  	_ =	swait.ge [sflag:s11], $0x1900  }
0x8c: {  	[sflag:s11] =	ssyncset.done $0x0  }
0x8d: {  	s19 =	sadd.s32 $0x190, s19;
	s3 =	sadd.s32 $0x280, s3;
	[sflag:s11] =	ssyncadd.s32 $0xFFFFE700  }
0x8e: {  	[tilespmem:s20], [sflag:$0x3] =	stream.indirect.gather [hbm4b:s4+s16], $0xA0, s19, s16, $0xb8;
	[tilespmem:$0x1FE00] =	vst v63  }
.LBB2_7:
0x8f: {  	_ =	sfence.sel $0x180000  }
0x90: {  	[bflag:$0x0] =	sbarrier.arrive $0xFFFF  }
0x91: {  	_ =	strace $0x9000004D  }
0x92: {  	s0 =	stileid.u32;
	[bflag:$0x2] =	sbarrier.arrive $0xFFFF  }
0x93: {  	p0 =	sne.s32 s0, $0x0;
	s0 =	rddreg [dreg:$0x2]  }
0x94: {  	s0 =	sadd.s32 @!p0 $0x100000, s0  }
0x95: {  	[sflag:s0] =	ssyncadd.tile.s32 @!p0 $0x1;
	_ =	shalt  }
.Lfunc_end2:
_tile_overlayer_lowered:
.L_overlay_start_2:
0x96: {  	(tag) =	ssettag $0x2  }
0x97: {  	s0 =	rddreg [dreg:$0x0];
	s2 =	stileid.u32  }
0x98: {  	s1 =	rddreg [dreg:$0x1];
	p0 =	sne.s32 s2, $0x0  }
0x99: {  	s3 =	rddreg [dreg:$0x2];
	[bflag:$0x3] =	sbarrier.arrive $0xFFFF;
	s2 =	simm.s32 @!p0 $0x1C09  }
0x9a: {  	[timem:s3], [sflag:s2] =	dma.local @!p0 [hbm:s0], s1  }
0x9b: {  	s0 =	simm.s32 @!p0 $0x9  }
0x9c: {  	_ =	swait.ge @!p0 [sflag:s0], s1  }
0x9d: {  	s1 =	ssub.s32 @!p0 $0x0, s1;
	[sflag:s0] =	ssyncset.done @!p0 $0x0  }
0x9e: {  	[sflag:s0] =	ssyncadd.s32 @!p0 s1  }
0x9f: {  	[bflag:$0x3] =	sbarrier.arrive $0xFFFF  }
0xa0: {  	_ =	shalt  }

// kernel: kernel.25.cloned.1.call-start
scs
__scs_entry_jumppad:
0x0: {  	(pc) =	sbr.rel $0x88, $3  }
0x1: {  	(tag) =	ssettag $0x0;
	lr =	simm.s32 $0x1  }
0x2: {  	[smem:$0x3F65] =	sst lr;
	_ =	strace $0xD0000000  }
0x3: {  	_ = 	snop  }
0x4: {  	_ = 	snop  }
0x5: {  	_ = 	snop  }
0x6: {  	_ = 	snop  }
0x7: {  	_ = 	snop  }
__scs_overlays_trampoline_lowered:
0x8: {  	[smem:$0x3F74] =	sst s0  }
0x9: {  	[smem:$0x3F75] =	sst s1  }
0xa: {  	[smem:$0x3F76] =	sst s2  }
0xb: {  	[smem:$0x3F77] =	sst s3  }
0xc: {  	[smem:$0x3F78] =	sst s4  }
0xd: {  	[smem:$0x3F79] =	sst s5  }
0xe: {  	[smem:$0x3F7A] =	sst s6  }
0xf: {  	[smem:$0x3F7B] =	sst s7  }
0x10: {  	[smem:$0x3F7C] =	sst s8  }
0x11: {  	[smem:$0x3F7D] =	sst s9;
	s0 =	simm.s32 @!p0 $0x0  }
0x12: {  	s1 =	sld [smem:$0x3F63];
	s0 =	simm.s32 @p0 $0x1  }
0x13: {  	[smem:$0x3F7E] =	sst s0;
	s0 =	simm.s32 @!p1 $0x0  }
0x14: {  	s2 =	sld [smem:$0x3F62];
	s0 =	simm.s32 @p1 $0x1  }
0x15: {  	[smem:$0x3F7F] =	sst s0;
	s0 =	simm.s32 @!p2 $0x0  }
0x16: {  	s3 =	sld [smem:$0x3FDB];
	s0 =	simm.s32 @p2 $0x1  }
0x17: {  	s4 =	simm.s32 $0x1BF5;
	[smem:$0x3F81] =	sst s0  }
0x18: {  	s0 =	sld [smem:$0x3F64];
	_ =	swait.ge [sflag:s4], $0x0  }
0x19: {  	s7 =	sld [smem:$0x3F65]  }
0x1a: {  	s8 =	sadd.s32 $0xFFFFE003, lr  }
0x1b: {  	s9 =	sadd.s32 $0xFFFFFEF7, lr;
	s5 =	simm.s32 $0xFFFFFFFF;
	p2 =	slt.u32 s8, $0xFFFFF086  }
0x1c: {  	p1 =	slt.u32 s9, $0xF7A;
	s5 =	simm.s32 @!p2 $0x0  }
0x1d: {  	s5 =	simm.s32 @p1 $0x1;
	p0 =	seq.s32 s7, s2  }
0x1e: {  	s7 =	smul.u32 @!p0 $0xF7A, s2;
	p2 =	seq.s32 @!p0 s5, $0x0  }
0x1f: {  	s9 =	smul.u32 $0xF7A, s1;
	s8 =	simm.s32 @!p0 $0x1BF5;
	p2 =	por !p2, p0  }
0x20: {  	[sflag:s8] =	ssyncset.s32 @!p0 $0xFFFFF086;
	s6 =	sadd.s32 @!p0 s3, s7;
	s7 =	simm.s32 @!p0 $0x108  }
0x21: {  	s3 =	sadd.s32 s3, s9;
	s6 =	sadd.s32 @!p0 $0x88, s6;
	s7 =	simm.s32 @p2 $0x1082  }
0x22: {  	[simem:s7], [sflag:s8] =	dma.local @!p0 [hbm:s6], $0xF7A  }
0x23: {  	s9 =	sor.u32 $0xD0000000, s2;
	s6 =	simm.s32 $0x108;
	_ =	swait.ge @!p0 [sflag:s8], $0x0  }
0x24: {  	s3 =	sadd.s32 $0x88, s3;
	s6 =	simm.s32 @!p1 $0x1082;
	[sflag:s4] =	ssyncset.s32 $0xFFFFF086  }
0x25: {  	[simem:s6], [sflag:s4] =	dma.local [hbm:s3], $0xF7A  }
0x26: {  	[smem:$0x3F65] =	sst s1;
	(tag) =	ssettag s2;
	_ =	strace s9  }
0x27: {  	s1 =	sld [smem:$0x3F75]  }
0x28: {  	s2 =	sld [smem:$0x3F76]  }
0x29: {  	s4 =	sld [smem:$0x3F78]  }
0x2a: {  	p0 =	seq.s32 s5, $0x0;
	s5 =	sld [smem:$0x3F79]  }
0x2b: {  	s6 =	sld [smem:$0x3F7A]  }
0x2c: {  	s7 =	sld [smem:$0x3F7B]  }
0x2d: {  	s3 =	simm.s32 $0x108;
	s8 =	sld [smem:$0x3F7C]  }
0x2e: {  	s3 =	simm.s32 @!p0 $0x1082;
	s9 =	sld [smem:$0x3F7D]  }
0x2f: {  	lr =	sadd.s32 s0, s3;
	s0 =	sld [smem:$0x3F74]  }
0x30: {  	s3 =	sld [smem:$0x3F77]  }
0x31: {  	[smem:$0x3F80] =	sst s10  }
0x32: {  	s10 =	sld [smem:$0x3F7E];
	_ =	sdelay $0x3  }
0x33: {  	p0 =	seq.s32 s10, $0x1;
	s10 =	sld [smem:$0x3F80];
	_ =	sdelay $0x3  }
0x34: {  	[smem:$0x3F80] =	sst s10  }
0x35: {  	s10 =	sld [smem:$0x3F7F];
	_ =	sdelay $0x3  }
0x36: {  	p1 =	seq.s32 s10, $0x1;
	s10 =	sld [smem:$0x3F80];
	_ =	sdelay $0x3  }
0x37: {  	[smem:$0x3F80] =	sst s10  }
0x38: {  	s10 =	sld [smem:$0x3F81]  }
0x39: {  	_ = 	snop;
	(pc) =	sbr.ind lr, $3  }
0x3a: {  	_ = 	snop  }
0x3b: {  	_ = 	snop  }
0x3c: {  	p2 =	seq.s32 s10, $0x1;
	s10 =	sld [smem:$0x3F80]  }
0x3d: {  	_ =	shalt  }
0x3e: {  	_ =	shalt  }
0x3f: {  	_ =	shalt  }
0x40: {  	_ =	shalt  }
0x41: {  	_ =	shalt  }
0x42: {  	_ =	shalt  }
0x43: {  	_ =	shalt  }
0x44: {  	_ =	shalt  }
0x45: {  	_ =	shalt  }
0x46: {  	_ =	shalt  }
0x47: {  	_ =	shalt  }
0x48: {  	_ =	shalt  }
0x49: {  	_ =	shalt  }
0x4a: {  	_ =	shalt  }
0x4b: {  	_ =	shalt  }
0x4c: {  	_ =	shalt  }
0x4d: {  	_ =	shalt  }
0x4e: {  	_ =	shalt  }
0x4f: {  	_ =	shalt  }
0x50: {  	_ =	shalt  }
0x51: {  	_ =	shalt  }
0x52: {  	_ =	shalt  }
0x53: {  	_ =	shalt  }
0x54: {  	_ =	shalt  }
0x55: {  	_ =	shalt  }
0x56: {  	_ =	shalt  }
0x57: {  	_ =	shalt  }
0x58: {  	_ =	shalt  }
0x59: {  	_ =	shalt  }
0x5a: {  	_ =	shalt  }
0x5b: {  	_ =	shalt  }
0x5c: {  	_ =	shalt  }
0x5d: {  	_ =	shalt  }
0x5e: {  	_ =	shalt  }
0x5f: {  	_ =	shalt  }
0x60: {  	_ =	shalt  }
0x61: {  	_ =	shalt  }
0x62: {  	_ =	shalt  }
0x63: {  	_ =	shalt  }
0x64: {  	_ =	shalt  }
0x65: {  	_ =	shalt  }
0x66: {  	_ =	shalt  }
0x67: {  	_ =	shalt  }
0x68: {  	_ =	shalt  }
0x69: {  	_ =	shalt  }
0x6a: {  	_ =	shalt  }
0x6b: {  	_ =	shalt  }
0x6c: {  	_ =	shalt  }
0x6d: {  	_ =	shalt  }
0x6e: {  	_ =	shalt  }
0x6f: {  	_ =	shalt  }
0x70: {  	_ =	shalt  }
0x71: {  	_ =	shalt  }
0x72: {  	_ =	shalt  }
0x73: {  	_ =	shalt  }
0x74: {  	_ =	shalt  }
0x75: {  	_ =	shalt  }
0x76: {  	_ =	shalt  }
0x77: {  	_ =	shalt  }
0x78: {  	_ =	shalt  }
0x79: {  	_ =	shalt  }
0x7a: {  	_ =	shalt  }
0x7b: {  	_ =	shalt  }
0x7c: {  	_ =	shalt  }
0x7d: {  	_ =	shalt  }
0x7e: {  	_ =	shalt  }
0x7f: {  	_ =	shalt  }
0x80: {  	_ =	shalt  }
0x81: {  	_ =	shalt  }
0x82: {  	_ =	shalt  }
0x83: {  	_ =	shalt  }
0x84: {  	_ =	shalt  }
0x85: {  	_ =	shalt  }
0x86: {  	_ =	shalt  }
0x87: {  	_ =	shalt  }
.Lfunc_end0:
.L_simem_size_0:
called_computation.3_lowered:
.L_overlay_start_0:
0x88: {  	s2 =	sld [smem:$0x3FD9]  }
0x89: {  	s3 =	sld [smem:$0x3FFE];
	_ =	sdelay $0x1  }
0x8a: {  	s1 =	srdreg.scid  }
0x8b: {  	s0 =	sand.u32 $0x1, s1  }
0x8c: {  	s16 =	sshll.u32 s0, $0xA;
	s2 =	sadd.s32 s3, s2  }
0x8d: {  	s2 =	sadd.s32 s2, s16  }
0x8e: {  	[smem:$0x3F8C] =	sst s2  }
0x8f: {  	_ = 	snop  }
0x90: {  	(tm) =	ssettm $0x1  }
0x91: {  	s17 =	sld [smem:$0x3FFB];
	_ =	sdelay $0x3  }
0x92: {  	_ =	strace s17  }
0x93: {  	s2 =	sld [smem:$0x3FFC];
	_ =	sdelay $0x3  }
0x94: {  	_ =	strace s2  }
0x95: {  	s2 =	sld [smem:$0x3FFD];
	_ =	sdelay $0x3  }
0x96: {  	_ =	strace s2  }
0x97: {  	_ =	strace $0x8FFFFFFF  }
0x98: {  	s18 =	sld [smem:$0x3FDB];
	_ =	sdelay $0x1  }
0x99: {  	s19 =	simm.s32 $_scs_section_size  }
0x9a: {  	s4 =	simm.s32 $_size__tile_overlayer_lowered;
	s5 =	simm.s32 $_tile_overlayer_lowered  }
0x9b: {  	s22 =	simm.s32 $0x1BFF;
	s21 =	sshll.u32 s5, $0x1;
	s2 =	sadd.s32 s19, s18  }
0x9c: {  	s6 =	simm.s32 $0x0;
	s20 =	sshll.u32 s4, $0x1;
	s4 =	sadd.s32 s21, s2  }
0x9d: {  	[timem:s6], [sflag:s22] =	dma.local [hbm:s4], s20  }
0x9e: {  	_ =	swait.ge [sflag:s22], s20  }
0x9f: {  	s3 =	ssub.s32 $0x0, s20;
	[sflag:s22] =	ssyncset.done $0x0  }
0xa0: {  	[sflag:s22] =	ssyncadd.s32 s3;
	_ =	sdelay $0x1  }
0xa1: {  	s23 =	simm.s32 $0x1B8B  }
0xa2: {  	_ =	swait.ge [sflag:s23], $0x1  }
0xa3: {  	[sflag:s23] =	ssyncset.done $0x0  }
0xa4: {  	s25 =	simm.s32 $0x1B8E;
	s24 =	sld [smem:$0x3FFE];
	[sflag:s23] =	ssyncadd.s32 $0xFFFFFFFF  }
0xa5: {  	s26 =	simm.s32 $execute0_lowered;
	[smem:$0x3FD2] =	sst s25  }
0xa6: {  	s4 =	sshll.u32 s26, $0x1;
	_ =	strace $0x8000004F;
	[dreg:$0x1] =	wrdreg $0xFFFFFFFF  }
0xa7: {  	s28 =	simm.s32 $_size_execute0_lowered;
	s2 =	sadd.s32 s2, s4;
	[dreg:$0x0] =	wrdreg $0x0  }
0xa8: {  	s4 =	sshll.u32 s28, $0x1;
	[dreg:$0x2] =	wrdreg s2  }
0xa9: {  	[dreg:$0x3] =	wrdreg s4  }
0xaa: {  	[dreg:$0x4] =	wrdreg $0xC0  }
0xab: {  	_ =	task [dreg:s6], $0x5FFFF  }
0xac: {  	[dreg:$0x1] =	wrdreg $0xFFFFFFFF  }
0xad: {  	[dreg:$0x0] =	wrdreg $0x60  }
0xae: {  	[dreg:$0x2] =	wrdreg s24  }
0xaf: {  	[dreg:$0x3] =	wrdreg $0x6E000  }
0xb0: {  	[dreg:$0x4] =	wrdreg $0x9  }
0xb1: {  	_ =	task.clear_ibuf [dreg:s6], $0x5FFFF;
	_ =	strace $0x9000004F  }
0xb2: {  	s29 =	simm.s32 $0x9;
	_ =	strace $0x80000051  }
0xb3: {  	_ =	swait.ge [sflag:s29], $0x1  }
0xb4: {  	[sflag:s29] =	ssyncadd.s32 $0xFFFFFFFF  }
0xb5: {  	_ =	strace $0x90000051  }
0xb6: {  	_ =	sfence  }
0xb7: {  	s30 =	sld [smem:$0x0];
	_ =	sdelay $0x2  }
0xb8: {  	s31 =	sshll.u32 s1, $0xD;
	s1 =	sshrl.u32 s1, $0x2  }
0xb9: {  	s3 =	sand.u32 $0x4000, s31;
	s1 =	sadd.s32 s1, s30  }
0xba: {  	s0 =	sor.u32 s3, s0;
	s1 =	sshll.u32 s1, $0x11  }
0xbb: {  	s0 =	sor.u32 s1, s0  }
0xbc: {  	s0 =	sadd.s32 $0x8F2B, s0  }
0xbd: {  	[sflag:s0] =	ssyncadd.remote.s32 $0x1  }
0xbe: {  	_ =	sfence.sel $0xFFFF  }
0xbf: {  	[dreg:$0x0] =	wrdreg $0xFFFFFFFF;
	(pc) =	sbr.abs _section_cstart, $3  }
0xc0: {  	[dreg:$0x1] =	wrdreg $0xFFFFFFFF  }
0xc1: {  	_ =	task.clear_ibuf [dreg:s6], $0x2FFFF;
	_ =	strace $0x9FFFFFFF  }
0xc2: {  	(tm) =	ssettm $0x7FFFFFFF  }
0xc3: {  	_ =	shalt  }
tec
execute0_lowered:
.L_overlay_start_1:
0x0: {  	(tag) =	ssettag $0x1  }
0x1: {  	s0 =	rddreg [dreg:$0x0]  }
0x2: {  	s2 =	rddreg [dreg:$0x1]  }
0x3: {  	s1 =	srdreg.scid;
	s8 =	stileid.u32;
	s13 =	simm.s32 $0x0  }
0x4: {  	s14 =	simm.s32 $0x9;
	s15 =	simm.s32 $0x500;
	s16 =	simm.s32 $0x28  }
0x5: {  	s17 =	simm.s32 $0xA00;
	s18 =	simm.s32 $0x2300;
	s20 =	simm.s32 $0x3C00  }
0x6: {  	s21 =	simm.s32 $0x1;
	s23 =	simm.s32 $0x5500;
	s24 =	simm.s32 $0x2  }
0x7: {  	s29 =	simm.s32 $0x3;
	s31 =	simm.s32 $0x6;
	s11 =	simm.s32 $0x7  }
0x8: {  	s12 =	simm.s32 $0xF0;
	s1 =	sand.u32 $0x1, s1;
	s3 =	smul.u32 $0x19000, s8  }
0x9: {  	[smem:$0x7FF] =	sst s13;
	s4 =	sadd.s32 $0xF400, s0;
	s5 =	sadd.s32 $0x93000, s0  }
0xa: {  	s9 =	sadd.s32 $0xC200, s0;
	s10 =	sshll.u32 s8, $0x6;
	s8 =	smul.u32 $0x2800, s8  }
0xb: {  	s6 =	smul.u32 $0x190000, s1;
	_ =	strace $0x80000050;
	[dreg:$0x4] =	wrdreg s9  }
0xc: {  	s26 =	ssub.s32 $0x2, s1;
	s1 =	smul.u32 $0x28000, s1;
	s19 =	sor.u32 $0x1C09, s10  }
0xd: {  	s9 =	simm.s32 $0x8;
	s28 =	sshrl.u32 s26, $0x1;
	[dreg:$0x5] =	wrdreg s19  }
0xe: {  	s7 =	sadd.s32 s3, s6;
	s6 =	sadd.s32 $0x74600, s0;
	s3 =	sadd.s32 s3, s2  }
.Ltmp0:
0xf: {  	s10 =	sadd.s32 s1, s8;
	s7 =	sshrl.u32 s7, $0x3;
	(pc) =	sbr.rel .LBB2_1-.Ltmp0, $4  }
0x10: {  	s1 =	simm.s32 $0x4;
	s22 =	sshrl.u32 s3, $0x3;
	s0 =	sadd.s32 s7, s0  }
0x11: {  	s7 =	ssub.s32 s26, s28;
	[dreg:$0x8] =	wrdreg s22;
	s0 =	sadd.s32 $0x9D000, s0  }
0x12: {  	s26 =	simm.s32 $0x5;
	s30 =	smax.u32 s7, $0x1;
	[dreg:$0x6] =	wrdreg s0  }
0x13: {  	s7 =	simm.s32 $0x578;
	[dreg:$0x7] =	wrdreg s30;
	s0 =	simm.s32 $0xC8  }
.LBB2_6:
0x14: {  	[bflag:$0x0] =	sbarrier.arrive $0xFFFF  }
0x15: {  	s19 =	rddreg [dreg:$0x5]  }
0x16: {  	s3 =	rddreg [dreg:$0x6]  }
0x17: {  	s22 =	rddreg [dreg:$0x8]  }
0x18: {  	[hbm:s3], [sflag:s19] =	dma.local [spmem:s22], $0x3200  }
0x19: {  	_ =	swait.ge [sflag:s14], $0x3200  }
0x1a: {  	s13 =	rddreg [dreg:$0x3]  }
0x1b: {  	s30 =	rddreg [dreg:$0x7];
	s13 =	sadd.s32 $0x1, s13  }
0x1c: {  	p0 =	sne.s32 s13, s30  }
.Ltmp1:
0x1d: {  	_ = 	snop;
	(pc) =	sbr.rel @!p0 .LBB2_7-.Ltmp1, $3  }
0x1e: {  	_ =	sdelay $0x1  }
0x1f: {  	[sflag:s14] =	ssyncset.done $0x0  }
0x20: {  	[sflag:s14] =	ssyncadd.s32 $0xFFFFCE00  }
.LBB2_1:
0x21: {  	[dreg:$0x3] =	wrdreg s13  }
0x22: {  	s3 =	rddreg [dreg:$0x4]  }
0x23: {  	[spmem:s22], [sflag:s19] =	dma.local [hbm:s3], $0x3200  }
.Ltmp2:
0x24: {  	_ =	swait.ge [sflag:s14], $0x3200;
	(pc) =	sbr.rel .LBB2_2-.Ltmp2, $4  }
0x25: {  	[sflag:s14] =	ssyncset.done $0x0  }
0x26: {  	[sflag:s14] =	ssyncadd.s32 $0xFFFFCE00  }
0x27: {  	[bflag:$0x0] =	sbarrier.arrive $0xFFFF  }
0x28: {  	s13 =	simm.s32 $0x0  }
.LBB2_5:
0x29: {  	_ =	swait.ge [sflag:s26], $0x1900  }
0x2a: {  	[sflag:s26] =	ssyncset.done $0x0  }
0x2b: {  	[sflag:s26] =	ssyncadd.s32 $0xFFFFE700  }
0x2c: {  	_ =	swait.ge [sflag:s31], $0x1900  }
0x2d: {  	[sflag:s31] =	ssyncset.done $0x0  }
0x2e: {  	s13 =	sadd.s32 $0x1, s13;
	[sflag:s31] =	ssyncadd.s32 $0xFFFFE700  }
0x2f: {  	p0 =	sne.s32 s13, $0x8;
	_ =	swait.ge [sflag:s11], $0x1900  }
.Ltmp3:
0x30: {  	[sflag:s11] =	ssyncset.done $0x0;
	(pc) =	sbr.rel @!p0 .LBB2_6-.Ltmp3, $4  }
0x31: {  	[sflag:s11] =	ssyncadd.s32 $0xFFFFE700  }
0x32: {  	_ =	swait.ge [sflag:s9], $0x1900  }
0x33: {  	[sflag:s9] =	ssyncset.done $0x0  }
0x34: {  	[sflag:s9] =	ssyncadd.s32 $0xFFFFE700  }
.LBB2_2:
0x35: {  	s19 =	smul.u32 $0x500, s13;
	_ =	sdelay $0x1  }
0x36: {  	s3 =	sadd.s32 s10, s19  }
0x37: {  	s3 =	sshrl.u32 s3, $0x3  }
0x38: {  	s22 =	sadd.s32 s5, s3;
	s3 =	simm.s32 $0x0  }
0x39: {  	[tilespmem:s3], [sflag:$0x9] =	stream.linear.gather [hbm4b:s22+s3], $0x500, $0x38;
	[tilespmem:$0x1FE00] =	vst v63  }
0x3a: {  	s19 =	sadd.s32 s8, s19;
	_ =	swait.ge [sflag:s14], $0x500  }
0x3b: {  	s19 =	sshrl.u32 s19, $0x3;
	[sflag:s14] =	ssyncset.done $0x0  }
0x3c: {  	s19 =	sadd.s32 s6, s19;
	[sflag:s14] =	ssyncadd.s32 $0xFFFFFB00  }
0x3d: {  	[tilespmem:s15], [sflag:$0x9] =	stream.linear.gather [hbm4b:s19+s3], $0x500, $0x38;
	[tilespmem:$0x1FE00] =	vst v63  }
0x3e: {  	_ =	swait.ge [sflag:s14], $0x500  }
0x3f: {  	[sflag:s14] =	ssyncset.done $0x0  }
0x40: {  	[sflag:s14] =	ssyncadd.s32 $0xFFFFFB00  }
0x41: {  	[tilespmem:s17], [sflag:$0x1] =	stream.indirect.gather [hbm4b:s4+s16], $0xA0, s3, s16, $0xb8;
	[tilespmem:$0x1FE00] =	vst v63  }
0x42: {  	_ = 	snop  }
0x43: {  	[tilespmem:s18], [sflag:$0x2] =	stream.indirect.gather [hbm4b:s4+s16], $0xA0, s16, s16, $0xb8;
	[tilespmem:$0x1FE00] =	vst v63  }
0x44: {  	s30 =	simm.s32 $0x50  }
0x45: {  	[tilespmem:s20], [sflag:$0x3] =	stream.indirect.gather [hbm4b:s4+s16], $0xA0, s30, s16, $0xb8;
	[tilespmem:$0x1FE00] =	vst v63  }
0x46: {  	_ =	swait.ge [sflag:s21], $0x1900  }
0x47: {  	[sflag:s21] =	ssyncset.done $0x0  }
0x48: {  	[sflag:s21] =	ssyncadd.s32 $0xFFFFE700  }
0x49: {  	[spmem:s2] =	stream.indirect.scatter.add.f32 [tilespmem:s17], [sflag:$0x5], $0xA0, s15, s16, $0xb8;
	[tilespmem:$0x1FE00] =	vst v63  }
0x4a: {  	s22 =	simm.s32 $0x78  }
0x4b: {  	[tilespmem:s23], [sflag:$0x4] =	stream.indirect.gather [hbm4b:s4+s16], $0xA0, s22, s16, $0xb8;
	[tilespmem:$0x1FE00] =	vst v63  }
0x4c: {  	_ =	swait.ge [sflag:s24], $0x1900  }
0x4d: {  	[sflag:s24] =	ssyncset.done $0x0  }
0x4e: {  	s25 =	simm.s32 $0x528;
	[sflag:s24] =	ssyncadd.s32 $0xFFFFE700  }
0x4f: {  	[spmem:s2] =	stream.indirect.scatter.add.f32 [tilespmem:s18], [sflag:$0x6], $0xA0, s25, s16, $0xb8;
	[tilespmem:$0x1FE00] =	vst v63  }
0x50: {  	_ =	swait.ge [sflag:s26], $0x1900  }
0x51: {  	[sflag:s26] =	ssyncset.done $0x0  }
0x52: {  	s28 =	simm.s32 $0xA0;
	[sflag:s26] =	ssyncadd.s32 $0xFFFFE700  }
0x53: {  	[tilespmem:s17], [sflag:$0x1] =	stream.indirect.gather [hbm4b:s4+s16], $0xA0, s28, s16, $0xb8;
	[tilespmem:$0x1FE00] =	vst v63  }
0x54: {  	_ =	swait.ge [sflag:s29], $0x1900  }
0x55: {  	[sflag:s29] =	ssyncset.done $0x0  }
0x56: {  	s30 =	simm.s32 $0x550;
	[sflag:s29] =	ssyncadd.s32 $0xFFFFE700  }
0x57: {  	[spmem:s2] =	stream.indirect.scatter.add.f32 [tilespmem:s20], [sflag:$0x7], $0xA0, s30, s16, $0xb8;
	[tilespmem:$0x1FE00] =	vst v63  }
0x58: {  	_ =	swait.ge [sflag:s31], $0x1900  }
0x59: {  	[sflag:s31] =	ssyncset.done $0x0  }
0x5a: {  	[sflag:s31] =	ssyncadd.s32 $0xFFFFE700  }
0x5b: {  	[tilespmem:s18], [sflag:$0x2] =	stream.indirect.gather [hbm4b:s4+s16], $0xA0, s0, s16, $0xb8;
	[tilespmem:$0x1FE00] =	vst v63  }
0x5c: {  	_ =	swait.ge [sflag:s1], $0x1900  }
0x5d: {  	[sflag:s1] =	ssyncset.done $0x0  }
0x5e: {  	[sflag:s1] =	ssyncadd.s32 $0xFFFFE700  }
0x5f: {  	[spmem:s2] =	stream.indirect.scatter.add.f32 [tilespmem:s23], [sflag:$0x8], $0xA0, s7, s16, $0xb8;
	[tilespmem:$0x1FE00] =	vst v63  }
0x60: {  	_ =	swait.ge [sflag:s11], $0x1900  }
0x61: {  	[sflag:s11] =	ssyncset.done $0x0  }
0x62: {  	[sflag:s11] =	ssyncadd.s32 $0xFFFFE700  }
0x63: {  	[tilespmem:s20], [sflag:$0x3] =	stream.indirect.gather [hbm4b:s4+s16], $0xA0, s12, s16, $0xb8;
	[tilespmem:$0x1FE00] =	vst v63  }
.LBB2_3:
0x64: {  	_ =	swait.ge [sflag:s21], $0x1900  }
0x65: {  	s19 =	sshra.s32 s3, $0x2;
	[sflag:s21] =	ssyncset.done $0x0  }
0x66: {  	s22 =	sadd.s32 $0x5A0, s19;
	[sflag:s21] =	ssyncadd.s32 $0xFFFFE700  }
0x67: {  	[spmem:s2] =	stream.indirect.scatter.add.f32 [tilespmem:s17], [sflag:$0x5], $0xA0, s22, s16, $0xb8;
	[tilespmem:$0x1FE00] =	vst v63  }
0x68: {  	_ =	swait.ge [sflag:s9], $0x1900  }
0x69: {  	[sflag:s9] =	ssyncset.done $0x0  }
0x6a: {  	s25 =	sadd.s32 $0x118, s19;
	[sflag:s9] =	ssyncadd.s32 $0xFFFFE700  }
0x6b: {  	[tilespmem:s23], [sflag:$0x4] =	stream.indirect.gather [hbm4b:s4+s16], $0xA0, s25, s16, $0xb8;
	[tilespmem:$0x1FE00] =	vst v63  }
0x6c: {  	_ =	swait.ge [sflag:s24], $0x1900  }
0x6d: {  	p0 =	seq.s32 s3, $0xF00;
	[sflag:s24] =	ssyncset.done $0x0  }
0x6e: {  	s28 =	sadd.s32 $0x5C8, s19;
	s22 =	simm.s32 @p0 $0x3;
	[sflag:s24] =	ssyncadd.s32 $0xFFFFE700  }
0x6f: {  	[spmem:s2] =	stream.indirect.scatter.add.f32 [tilespmem:s18], [sflag:$0x6], $0xA0, s28, s16, $0xb8;
	[tilespmem:$0x1FE00] =	vst v63  }
0x70: {  	_ =	swait.ge @p0 [sflag:s22], $0x1900  }
0x71: {  	[sflag:s22] =	ssyncset.done @p0 $0x0  }
0x72: {  	[sflag:s22] =	ssyncadd.s32 @p0 $0xFFFFE700;
	s22 =	sshra.s32 @p0 s3, $0x2  }
0x73: {  	s25 =	simm.s32 @p0 $0x28;
	s28 =	simm.s32 @p0 $0x3C00;
	s22 =	sadd.s32 @p0 $0x5F0, s22  }
0x74: {  	[spmem:s2] =	stream.indirect.scatter.add.f32 @p0 [tilespmem:s28], [sflag:$0x7], $0xA0, s22, s25, $0xb8;
	[tilespmem:$0x1FE00] =	vst v63  }
0x75: {  	s22 =	simm.s32 @!p0 $0x5  }
0x76: {  	_ =	swait.ge @!p0 [sflag:s22], $0x1900  }
0x77: {  	[sflag:s22] =	ssyncset.done @!p0 $0x0  }
0x78: {  	[sflag:s22] =	ssyncadd.s32 @!p0 $0xFFFFE700;
	s22 =	sshra.s32 @!p0 s3, $0x2  }
0x79: {  	s30 =	simm.s32 @!p0 $0xA00;
	s28 =	simm.s32 @!p0 $0x28;
	s25 =	sadd.s32 @!p0 $0x140, s22  }
0x7a: {  	[tilespmem:s30], [sflag:$0x1] =	stream.indirect.gather @!p0 [hbm4b:s4+s28], $0xA0, s25, s28, $0xb8;
	[tilespmem:$0x1FE00] =	vst v63  }
0x7b: {  	s25 =	simm.s32 @!p0 $0x3  }
0x7c: {  	_ =	swait.ge @!p0 [sflag:s25], $0x1900  }
0x7d: {  	[sflag:s25] =	ssyncset.done @!p0 $0x0  }
0x7e: {  	s30 =	simm.s32 @!p0 $0x3C00;
	[sflag:s25] =	ssyncadd.s32 @!p0 $0xFFFFE700;
	s25 =	sadd.s32 @!p0 $0x5F0, s22  }
0x7f: {  	[spmem:s2] =	stream.indirect.scatter.add.f32 @!p0 [tilespmem:s30], [sflag:$0x7], $0xA0, s25, s28, $0xb8;
	[tilespmem:$0x1FE00] =	vst v63  }
0x80: {  	s25 =	simm.s32 @!p0 $0x6  }
0x81: {  	_ =	swait.ge @!p0 [sflag:s25], $0x1900  }
0x82: {  	[sflag:s25] =	ssyncset.done @!p0 $0x0  }
0x83: {  	s22 =	sadd.s32 @!p0 $0x168, s22;
	[sflag:s25] =	ssyncadd.s32 @!p0 $0xFFFFE700;
	s25 =	simm.s32 @!p0 $0x2300  }
0x84: {  	[tilespmem:s25], [sflag:$0x2] =	stream.indirect.gather @!p0 [hbm4b:s4+s28], $0xA0, s22, s28, $0xb8;
	[tilespmem:$0x1FE00] =	vst v63  }
.Ltmp4:
0x85: {  	_ = 	snop;
	(pc) =	sbr.rel @p0 .LBB2_5-.Ltmp4, $4  }
0x86: {  	_ =	swait.ge [sflag:s1], $0x1900  }
0x87: {  	[sflag:s1] =	ssyncset.done $0x0  }
0x88: {  	s30 =	sadd.s32 $0x618, s19;
	[sflag:s1] =	ssyncadd.s32 $0xFFFFE700  }
0x89: {  	[spmem:s2] =	stream.indirect.scatter.add.f32 [tilespmem:s23], [sflag:$0x8], $0xA0, s30, s16, $0xb8;
	[tilespmem:$0x1FE00] =	vst v63  }
.Ltmp5:
0x8a: {  	(pc) =	sbr.rel .LBB2_3-.Ltmp5, $4  }
0x8b: {  	_ =	swait.ge [sflag:s11], $0x1900  }
0x8c: {  	[sflag:s11] =	ssyncset.done $0x0  }
0x8d: {  	s19 =	sadd.s32 $0x190, s19;
	s3 =	sadd.s32 $0x280, s3;
	[sflag:s11] =	ssyncadd.s32 $0xFFFFE700  }
0x8e: {  	[tilespmem:s20], [sflag:$0x3] =	stream.indirect.gather [hbm4b:s4+s16], $0xA0, s19, s16, $0xb8;
	[tilespmem:$0x1FE00] =	vst v63  }
.LBB2_7:
0x8f: {  	_ =	sfence.sel $0x180000  }
0x90: {  	[bflag:$0x0] =	sbarrier.arrive $0xFFFF  }
0x91: {  	_ =	strace $0x90000050  }
0x92: {  	s0 =	stileid.u32;
	[bflag:$0x2] =	sbarrier.arrive $0xFFFF  }
0x93: {  	p0 =	sne.s32 s0, $0x0;
	s0 =	rddreg [dreg:$0x2]  }
0x94: {  	s0 =	sadd.s32 @!p0 $0x100000, s0  }
0x95: {  	[sflag:s0] =	ssyncadd.tile.s32 @!p0 $0x1;
	_ =	shalt  }
.Lfunc_end2:
_tile_overlayer_lowered:
.L_overlay_start_2:
0x96: {  	(tag) =	ssettag $0x2  }
0x97: {  	s0 =	rddreg [dreg:$0x0];
	s2 =	stileid.u32  }
0x98: {  	s1 =	rddreg [dreg:$0x1];
	p0 =	sne.s32 s2, $0x0  }
0x99: {  	s3 =	rddreg [dreg:$0x2];
	[bflag:$0x3] =	sbarrier.arrive $0xFFFF;
	s2 =	simm.s32 @!p0 $0x1C09  }
0x9a: {  	[timem:s3], [sflag:s2] =	dma.local @!p0 [hbm:s0], s1  }
0x9b: {  	s0 =	simm.s32 @!p0 $0x9  }
0x9c: {  	_ =	swait.ge @!p0 [sflag:s0], s1  }
0x9d: {  	s1 =	ssub.s32 @!p0 $0x0, s1;
	[sflag:s0] =	ssyncset.done @!p0 $0x0  }
0x9e: {  	[sflag:s0] =	ssyncadd.s32 @!p0 s1  }
0x9f: {  	[bflag:$0x3] =	sbarrier.arrive $0xFFFF  }
0xa0: {  	_ =	shalt  }

// kernel: kernel.28.cloned.1.call-start
scs
__scs_entry_jumppad:
0x0: {  	(pc) =	sbr.rel $0x88, $3  }
0x1: {  	(tag) =	ssettag $0x0;
	lr =	simm.s32 $0x1  }
0x2: {  	[smem:$0x3F65] =	sst lr;
	_ =	strace $0xD0000000  }
0x3: {  	_ = 	snop  }
0x4: {  	_ = 	snop  }
0x5: {  	_ = 	snop  }
0x6: {  	_ = 	snop  }
0x7: {  	_ = 	snop  }
__scs_overlays_trampoline_lowered:
0x8: {  	[smem:$0x3F74] =	sst s0  }
0x9: {  	[smem:$0x3F75] =	sst s1  }
0xa: {  	[smem:$0x3F76] =	sst s2  }
0xb: {  	[smem:$0x3F77] =	sst s3  }
0xc: {  	[smem:$0x3F78] =	sst s4  }
0xd: {  	[smem:$0x3F79] =	sst s5  }
0xe: {  	[smem:$0x3F7A] =	sst s6  }
0xf: {  	[smem:$0x3F7B] =	sst s7  }
0x10: {  	[smem:$0x3F7C] =	sst s8  }
0x11: {  	[smem:$0x3F7D] =	sst s9;
	s0 =	simm.s32 @!p0 $0x0  }
0x12: {  	s1 =	sld [smem:$0x3F63];
	s0 =	simm.s32 @p0 $0x1  }
0x13: {  	[smem:$0x3F7E] =	sst s0;
	s0 =	simm.s32 @!p1 $0x0  }
0x14: {  	s2 =	sld [smem:$0x3F62];
	s0 =	simm.s32 @p1 $0x1  }
0x15: {  	[smem:$0x3F7F] =	sst s0;
	s0 =	simm.s32 @!p2 $0x0  }
0x16: {  	s3 =	sld [smem:$0x3FDB];
	s0 =	simm.s32 @p2 $0x1  }
0x17: {  	s4 =	simm.s32 $0x1BF5;
	[smem:$0x3F81] =	sst s0  }
0x18: {  	s0 =	sld [smem:$0x3F64];
	_ =	swait.ge [sflag:s4], $0x0  }
0x19: {  	s7 =	sld [smem:$0x3F65]  }
0x1a: {  	s8 =	sadd.s32 $0xFFFFE003, lr  }
0x1b: {  	s9 =	sadd.s32 $0xFFFFFEF7, lr;
	s5 =	simm.s32 $0xFFFFFFFF;
	p2 =	slt.u32 s8, $0xFFFFF086  }
0x1c: {  	p1 =	slt.u32 s9, $0xF7A;
	s5 =	simm.s32 @!p2 $0x0  }
0x1d: {  	s5 =	simm.s32 @p1 $0x1;
	p0 =	seq.s32 s7, s2  }
0x1e: {  	s7 =	smul.u32 @!p0 $0xF7A, s2;
	p2 =	seq.s32 @!p0 s5, $0x0  }
0x1f: {  	s9 =	smul.u32 $0xF7A, s1;
	s8 =	simm.s32 @!p0 $0x1BF5;
	p2 =	por !p2, p0  }
0x20: {  	[sflag:s8] =	ssyncset.s32 @!p0 $0xFFFFF086;
	s6 =	sadd.s32 @!p0 s3, s7;
	s7 =	simm.s32 @!p0 $0x108  }
0x21: {  	s3 =	sadd.s32 s3, s9;
	s6 =	sadd.s32 @!p0 $0x88, s6;
	s7 =	simm.s32 @p2 $0x1082  }
0x22: {  	[simem:s7], [sflag:s8] =	dma.local @!p0 [hbm:s6], $0xF7A  }
0x23: {  	s9 =	sor.u32 $0xD0000000, s2;
	s6 =	simm.s32 $0x108;
	_ =	swait.ge @!p0 [sflag:s8], $0x0  }
0x24: {  	s3 =	sadd.s32 $0x88, s3;
	s6 =	simm.s32 @!p1 $0x1082;
	[sflag:s4] =	ssyncset.s32 $0xFFFFF086  }
0x25: {  	[simem:s6], [sflag:s4] =	dma.local [hbm:s3], $0xF7A  }
0x26: {  	[smem:$0x3F65] =	sst s1;
	(tag) =	ssettag s2;
	_ =	strace s9  }
0x27: {  	s1 =	sld [smem:$0x3F75]  }
0x28: {  	s2 =	sld [smem:$0x3F76]  }
0x29: {  	s4 =	sld [smem:$0x3F78]  }
0x2a: {  	p0 =	seq.s32 s5, $0x0;
	s5 =	sld [smem:$0x3F79]  }
0x2b: {  	s6 =	sld [smem:$0x3F7A]  }
0x2c: {  	s7 =	sld [smem:$0x3F7B]  }
0x2d: {  	s3 =	simm.s32 $0x108;
	s8 =	sld [smem:$0x3F7C]  }
0x2e: {  	s3 =	simm.s32 @!p0 $0x1082;
	s9 =	sld [smem:$0x3F7D]  }
0x2f: {  	lr =	sadd.s32 s0, s3;
	s0 =	sld [smem:$0x3F74]  }
0x30: {  	s3 =	sld [smem:$0x3F77]  }
0x31: {  	[smem:$0x3F80] =	sst s10  }
0x32: {  	s10 =	sld [smem:$0x3F7E];
	_ =	sdelay $0x3  }
0x33: {  	p0 =	seq.s32 s10, $0x1;
	s10 =	sld [smem:$0x3F80];
	_ =	sdelay $0x3  }
0x34: {  	[smem:$0x3F80] =	sst s10  }
0x35: {  	s10 =	sld [smem:$0x3F7F];
	_ =	sdelay $0x3  }
0x36: {  	p1 =	seq.s32 s10, $0x1;
	s10 =	sld [smem:$0x3F80];
	_ =	sdelay $0x3  }
0x37: {  	[smem:$0x3F80] =	sst s10  }
0x38: {  	s10 =	sld [smem:$0x3F81]  }
0x39: {  	_ = 	snop;
	(pc) =	sbr.ind lr, $3  }
0x3a: {  	_ = 	snop  }
0x3b: {  	_ = 	snop  }
0x3c: {  	p2 =	seq.s32 s10, $0x1;
	s10 =	sld [smem:$0x3F80]  }
0x3d: {  	_ =	shalt  }
0x3e: {  	_ =	shalt  }
0x3f: {  	_ =	shalt  }
0x40: {  	_ =	shalt  }
0x41: {  	_ =	shalt  }
0x42: {  	_ =	shalt  }
0x43: {  	_ =	shalt  }
0x44: {  	_ =	shalt  }
0x45: {  	_ =	shalt  }
0x46: {  	_ =	shalt  }
0x47: {  	_ =	shalt  }
0x48: {  	_ =	shalt  }
0x49: {  	_ =	shalt  }
0x4a: {  	_ =	shalt  }
0x4b: {  	_ =	shalt  }
0x4c: {  	_ =	shalt  }
0x4d: {  	_ =	shalt  }
0x4e: {  	_ =	shalt  }
0x4f: {  	_ =	shalt  }
0x50: {  	_ =	shalt  }
0x51: {  	_ =	shalt  }
0x52: {  	_ =	shalt  }
0x53: {  	_ =	shalt  }
0x54: {  	_ =	shalt  }
0x55: {  	_ =	shalt  }
0x56: {  	_ =	shalt  }
0x57: {  	_ =	shalt  }
0x58: {  	_ =	shalt  }
0x59: {  	_ =	shalt  }
0x5a: {  	_ =	shalt  }
0x5b: {  	_ =	shalt  }
0x5c: {  	_ =	shalt  }
0x5d: {  	_ =	shalt  }
0x5e: {  	_ =	shalt  }
0x5f: {  	_ =	shalt  }
0x60: {  	_ =	shalt  }
0x61: {  	_ =	shalt  }
0x62: {  	_ =	shalt  }
0x63: {  	_ =	shalt  }
0x64: {  	_ =	shalt  }
0x65: {  	_ =	shalt  }
0x66: {  	_ =	shalt  }
0x67: {  	_ =	shalt  }
0x68: {  	_ =	shalt  }
0x69: {  	_ =	shalt  }
0x6a: {  	_ =	shalt  }
0x6b: {  	_ =	shalt  }
0x6c: {  	_ =	shalt  }
0x6d: {  	_ =	shalt  }
0x6e: {  	_ =	shalt  }
0x6f: {  	_ =	shalt  }
0x70: {  	_ =	shalt  }
0x71: {  	_ =	shalt  }
0x72: {  	_ =	shalt  }
0x73: {  	_ =	shalt  }
0x74: {  	_ =	shalt  }
0x75: {  	_ =	shalt  }
0x76: {  	_ =	shalt  }
0x77: {  	_ =	shalt  }
0x78: {  	_ =	shalt  }
0x79: {  	_ =	shalt  }
0x7a: {  	_ =	shalt  }
0x7b: {  	_ =	shalt  }
0x7c: {  	_ =	shalt  }
0x7d: {  	_ =	shalt  }
0x7e: {  	_ =	shalt  }
0x7f: {  	_ =	shalt  }
0x80: {  	_ =	shalt  }
0x81: {  	_ =	shalt  }
0x82: {  	_ =	shalt  }
0x83: {  	_ =	shalt  }
0x84: {  	_ =	shalt  }
0x85: {  	_ =	shalt  }
0x86: {  	_ =	shalt  }
0x87: {  	_ =	shalt  }
.Lfunc_end0:
.L_simem_size_0:
called_computation.4_lowered:
.L_overlay_start_0:
0x88: {  	s2 =	sld [smem:$0x3FD9]  }
0x89: {  	s3 =	sld [smem:$0x3FFE];
	_ =	sdelay $0x1  }
0x8a: {  	s1 =	srdreg.scid  }
0x8b: {  	s0 =	sand.u32 $0x1, s1  }
0x8c: {  	s16 =	sshll.u32 s0, $0xA;
	s2 =	sadd.s32 s3, s2  }
0x8d: {  	s2 =	sadd.s32 s2, s16  }
0x8e: {  	[smem:$0x3F8C] =	sst s2  }
0x8f: {  	_ = 	snop  }
0x90: {  	(tm) =	ssettm $0x1  }
0x91: {  	s17 =	sld [smem:$0x3FFB];
	_ =	sdelay $0x3  }
0x92: {  	_ =	strace s17  }
0x93: {  	s2 =	sld [smem:$0x3FFC];
	_ =	sdelay $0x3  }
0x94: {  	_ =	strace s2  }
0x95: {  	s2 =	sld [smem:$0x3FFD];
	_ =	sdelay $0x3  }
0x96: {  	_ =	strace s2  }
0x97: {  	_ =	strace $0x8FFFFFFF  }
0x98: {  	s18 =	sld [smem:$0x3FDB];
	_ =	sdelay $0x1  }
0x99: {  	s19 =	simm.s32 $_scs_section_size  }
0x9a: {  	s4 =	simm.s32 $_size__tile_overlayer_lowered;
	s5 =	simm.s32 $_tile_overlayer_lowered  }
0x9b: {  	s22 =	simm.s32 $0x1BFF;
	s21 =	sshll.u32 s5, $0x1;
	s2 =	sadd.s32 s19, s18  }
0x9c: {  	s6 =	simm.s32 $0x0;
	s20 =	sshll.u32 s4, $0x1;
	s4 =	sadd.s32 s21, s2  }
0x9d: {  	[timem:s6], [sflag:s22] =	dma.local [hbm:s4], s20  }
0x9e: {  	_ =	swait.ge [sflag:s22], s20  }
0x9f: {  	s3 =	ssub.s32 $0x0, s20;
	[sflag:s22] =	ssyncset.done $0x0  }
0xa0: {  	[sflag:s22] =	ssyncadd.s32 s3;
	_ =	sdelay $0x1  }
0xa1: {  	s23 =	simm.s32 $0x1B8B  }
0xa2: {  	_ =	swait.ge [sflag:s23], $0x1  }
0xa3: {  	[sflag:s23] =	ssyncset.done $0x0  }
0xa4: {  	s25 =	simm.s32 $0x1B8E;
	s24 =	sld [smem:$0x3FFE];
	[sflag:s23] =	ssyncadd.s32 $0xFFFFFFFF  }
0xa5: {  	s26 =	simm.s32 $execute0_lowered;
	[smem:$0x3FD2] =	sst s25  }
0xa6: {  	s4 =	sshll.u32 s26, $0x1;
	_ =	strace $0x80000052;
	[dreg:$0x1] =	wrdreg $0xFFFFFFFF  }
0xa7: {  	s28 =	simm.s32 $_size_execute0_lowered;
	s2 =	sadd.s32 s2, s4;
	[dreg:$0x0] =	wrdreg $0x0  }
0xa8: {  	s4 =	sshll.u32 s28, $0x1;
	[dreg:$0x2] =	wrdreg s2  }
0xa9: {  	[dreg:$0x3] =	wrdreg s4  }
0xaa: {  	[dreg:$0x4] =	wrdreg $0xC0  }
0xab: {  	_ =	task [dreg:s6], $0x5FFFF  }
0xac: {  	[dreg:$0x1] =	wrdreg $0xFFFFFFFF  }
0xad: {  	[dreg:$0x0] =	wrdreg $0x60  }
0xae: {  	[dreg:$0x2] =	wrdreg s24  }
0xaf: {  	[dreg:$0x3] =	wrdreg $0x6E000  }
0xb0: {  	[dreg:$0x4] =	wrdreg $0x9  }
0xb1: {  	_ =	task.clear_ibuf [dreg:s6], $0x5FFFF;
	_ =	strace $0x90000052  }
0xb2: {  	s29 =	simm.s32 $0x9;
	_ =	strace $0x80000054  }
0xb3: {  	_ =	swait.ge [sflag:s29], $0x1  }
0xb4: {  	[sflag:s29] =	ssyncadd.s32 $0xFFFFFFFF  }
0xb5: {  	_ =	strace $0x90000054  }
0xb6: {  	_ =	sfence  }
0xb7: {  	s30 =	sld [smem:$0x0];
	_ =	sdelay $0x2  }
0xb8: {  	s31 =	sshll.u32 s1, $0xD;
	s1 =	sshrl.u32 s1, $0x2  }
0xb9: {  	s3 =	sand.u32 $0x4000, s31;
	s1 =	sadd.s32 s1, s30  }
0xba: {  	s0 =	sor.u32 s3, s0;
	s1 =	sshll.u32 s1, $0x11  }
0xbb: {  	s0 =	sor.u32 s1, s0  }
0xbc: {  	s0 =	sadd.s32 $0x8F2B, s0  }
0xbd: {  	[sflag:s0] =	ssyncadd.remote.s32 $0x1  }
0xbe: {  	_ =	sfence.sel $0xFFFF  }
0xbf: {  	[dreg:$0x0] =	wrdreg $0xFFFFFFFF;
	(pc) =	sbr.abs _section_cstart, $3  }
0xc0: {  	[dreg:$0x1] =	wrdreg $0xFFFFFFFF  }
0xc1: {  	_ =	task.clear_ibuf [dreg:s6], $0x2FFFF;
	_ =	strace $0x9FFFFFFF  }
0xc2: {  	(tm) =	ssettm $0x7FFFFFFF  }
0xc3: {  	_ =	shalt  }
tec
execute0_lowered:
.L_overlay_start_1:
0x0: {  	(tag) =	ssettag $0x1  }
0x1: {  	s0 =	rddreg [dreg:$0x0]  }
0x2: {  	s2 =	rddreg [dreg:$0x1]  }
0x3: {  	s1 =	srdreg.scid;
	s8 =	stileid.u32;
	s13 =	simm.s32 $0x0  }
0x4: {  	s14 =	simm.s32 $0x9;
	s15 =	simm.s32 $0x500;
	s16 =	simm.s32 $0x28  }
0x5: {  	s17 =	simm.s32 $0xA00;
	s18 =	simm.s32 $0x2300;
	s20 =	simm.s32 $0x3C00  }
0x6: {  	s21 =	simm.s32 $0x1;
	s23 =	simm.s32 $0x5500;
	s24 =	simm.s32 $0x2  }
0x7: {  	s29 =	simm.s32 $0x3;
	s31 =	simm.s32 $0x6;
	s11 =	simm.s32 $0x7  }
0x8: {  	s12 =	simm.s32 $0xF0;
	s1 =	sand.u32 $0x1, s1;
	s3 =	smul.u32 $0x19000, s8  }
0x9: {  	[smem:$0x7FF] =	sst s13;
	s4 =	sadd.s32 $0xF400, s0;
	s5 =	sadd.s32 $0x93000, s0  }
0xa: {  	s9 =	sadd.s32 $0xC200, s0;
	s10 =	sshll.u32 s8, $0x6;
	s8 =	smul.u32 $0x2800, s8  }
0xb: {  	s6 =	smul.u32 $0x190000, s1;
	_ =	strace $0x80000053;
	[dreg:$0x4] =	wrdreg s9  }
0xc: {  	s26 =	ssub.s32 $0x2, s1;
	s1 =	smul.u32 $0x28000, s1;
	s19 =	sor.u32 $0x1C09, s10  }
0xd: {  	s9 =	simm.s32 $0x8;
	s28 =	sshrl.u32 s26, $0x1;
	[dreg:$0x5] =	wrdreg s19  }
0xe: {  	s7 =	sadd.s32 s3, s6;
	s6 =	sadd.s32 $0x74600, s0;
	s3 =	sadd.s32 s3, s2  }
.Ltmp0:
0xf: {  	s10 =	sadd.s32 s1, s8;
	s7 =	sshrl.u32 s7, $0x3;
	(pc) =	sbr.rel .LBB2_1-.Ltmp0, $4  }
0x10: {  	s1 =	simm.s32 $0x4;
	s22 =	sshrl.u32 s3, $0x3;
	s0 =	sadd.s32 s7, s0  }
0x11: {  	s7 =	ssub.s32 s26, s28;
	[dreg:$0x8] =	wrdreg s22;
	s0 =	sadd.s32 $0x9D000, s0  }
0x12: {  	s26 =	simm.s32 $0x5;
	s30 =	smax.u32 s7, $0x1;
	[dreg:$0x6] =	wrdreg s0  }
0x13: {  	s7 =	simm.s32 $0x578;
	[dreg:$0x7] =	wrdreg s30;
	s0 =	simm.s32 $0xC8  }
.LBB2_6:
0x14: {  	[bflag:$0x0] =	sbarrier.arrive $0xFFFF  }
0x15: {  	s19 =	rddreg [dreg:$0x5]  }
0x16: {  	s3 =	rddreg [dreg:$0x6]  }
0x17: {  	s22 =	rddreg [dreg:$0x8]  }
0x18: {  	[hbm:s3], [sflag:s19] =	dma.local [spmem:s22], $0x3200  }
0x19: {  	_ =	swait.ge [sflag:s14], $0x3200  }
0x1a: {  	s13 =	rddreg [dreg:$0x3]  }
0x1b: {  	s30 =	rddreg [dreg:$0x7];
	s13 =	sadd.s32 $0x1, s13  }
0x1c: {  	p0 =	sne.s32 s13, s30  }
.Ltmp1:
0x1d: {  	_ = 	snop;
	(pc) =	sbr.rel @!p0 .LBB2_7-.Ltmp1, $3  }
0x1e: {  	_ =	sdelay $0x1  }
0x1f: {  	[sflag:s14] =	ssyncset.done $0x0  }
0x20: {  	[sflag:s14] =	ssyncadd.s32 $0xFFFFCE00  }
.LBB2_1:
0x21: {  	[dreg:$0x3] =	wrdreg s13  }
0x22: {  	s3 =	rddreg [dreg:$0x4]  }
0x23: {  	[spmem:s22], [sflag:s19] =	dma.local [hbm:s3], $0x3200  }
.Ltmp2:
0x24: {  	_ =	swait.ge [sflag:s14], $0x3200;
	(pc) =	sbr.rel .LBB2_2-.Ltmp2, $4  }
0x25: {  	[sflag:s14] =	ssyncset.done $0x0  }
0x26: {  	[sflag:s14] =	ssyncadd.s32 $0xFFFFCE00  }
0x27: {  	[bflag:$0x0] =	sbarrier.arrive $0xFFFF  }
0x28: {  	s13 =	simm.s32 $0x0  }
.LBB2_5:
0x29: {  	_ =	swait.ge [sflag:s26], $0x1900  }
0x2a: {  	[sflag:s26] =	ssyncset.done $0x0  }
0x2b: {  	[sflag:s26] =	ssyncadd.s32 $0xFFFFE700  }
0x2c: {  	_ =	swait.ge [sflag:s31], $0x1900  }
0x2d: {  	[sflag:s31] =	ssyncset.done $0x0  }
0x2e: {  	s13 =	sadd.s32 $0x1, s13;
	[sflag:s31] =	ssyncadd.s32 $0xFFFFE700  }
0x2f: {  	p0 =	sne.s32 s13, $0x8;
	_ =	swait.ge [sflag:s11], $0x1900  }
.Ltmp3:
0x30: {  	[sflag:s11] =	ssyncset.done $0x0;
	(pc) =	sbr.rel @!p0 .LBB2_6-.Ltmp3, $4  }
0x31: {  	[sflag:s11] =	ssyncadd.s32 $0xFFFFE700  }
0x32: {  	_ =	swait.ge [sflag:s9], $0x1900  }
0x33: {  	[sflag:s9] =	ssyncset.done $0x0  }
0x34: {  	[sflag:s9] =	ssyncadd.s32 $0xFFFFE700  }
.LBB2_2:
0x35: {  	s19 =	smul.u32 $0x500, s13;
	_ =	sdelay $0x1  }
0x36: {  	s3 =	sadd.s32 s10, s19  }
0x37: {  	s3 =	sshrl.u32 s3, $0x3  }
0x38: {  	s22 =	sadd.s32 s5, s3;
	s3 =	simm.s32 $0x0  }
0x39: {  	[tilespmem:s3], [sflag:$0x9] =	stream.linear.gather [hbm4b:s22+s3], $0x500, $0x38;
	[tilespmem:$0x1FE00] =	vst v63  }
0x3a: {  	s19 =	sadd.s32 s8, s19;
	_ =	swait.ge [sflag:s14], $0x500  }
0x3b: {  	s19 =	sshrl.u32 s19, $0x3;
	[sflag:s14] =	ssyncset.done $0x0  }
0x3c: {  	s19 =	sadd.s32 s6, s19;
	[sflag:s14] =	ssyncadd.s32 $0xFFFFFB00  }
0x3d: {  	[tilespmem:s15], [sflag:$0x9] =	stream.linear.gather [hbm4b:s19+s3], $0x500, $0x38;
	[tilespmem:$0x1FE00] =	vst v63  }
0x3e: {  	_ =	swait.ge [sflag:s14], $0x500  }
0x3f: {  	[sflag:s14] =	ssyncset.done $0x0  }
0x40: {  	[sflag:s14] =	ssyncadd.s32 $0xFFFFFB00  }
0x41: {  	[tilespmem:s17], [sflag:$0x1] =	stream.indirect.gather [hbm4b:s4+s16], $0xA0, s3, s16, $0xb8;
	[tilespmem:$0x1FE00] =	vst v63  }
0x42: {  	_ = 	snop  }
0x43: {  	[tilespmem:s18], [sflag:$0x2] =	stream.indirect.gather [hbm4b:s4+s16], $0xA0, s16, s16, $0xb8;
	[tilespmem:$0x1FE00] =	vst v63  }
0x44: {  	s30 =	simm.s32 $0x50  }
0x45: {  	[tilespmem:s20], [sflag:$0x3] =	stream.indirect.gather [hbm4b:s4+s16], $0xA0, s30, s16, $0xb8;
	[tilespmem:$0x1FE00] =	vst v63  }
0x46: {  	_ =	swait.ge [sflag:s21], $0x1900  }
0x47: {  	[sflag:s21] =	ssyncset.done $0x0  }
0x48: {  	[sflag:s21] =	ssyncadd.s32 $0xFFFFE700  }
0x49: {  	[spmem:s2] =	stream.indirect.scatter.add.f32 [tilespmem:s17], [sflag:$0x5], $0xA0, s15, s16, $0xb8;
	[tilespmem:$0x1FE00] =	vst v63  }
0x4a: {  	s22 =	simm.s32 $0x78  }
0x4b: {  	[tilespmem:s23], [sflag:$0x4] =	stream.indirect.gather [hbm4b:s4+s16], $0xA0, s22, s16, $0xb8;
	[tilespmem:$0x1FE00] =	vst v63  }
0x4c: {  	_ =	swait.ge [sflag:s24], $0x1900  }
0x4d: {  	[sflag:s24] =	ssyncset.done $0x0  }
0x4e: {  	s25 =	simm.s32 $0x528;
	[sflag:s24] =	ssyncadd.s32 $0xFFFFE700  }
0x4f: {  	[spmem:s2] =	stream.indirect.scatter.add.f32 [tilespmem:s18], [sflag:$0x6], $0xA0, s25, s16, $0xb8;
	[tilespmem:$0x1FE00] =	vst v63  }
0x50: {  	_ =	swait.ge [sflag:s26], $0x1900  }
0x51: {  	[sflag:s26] =	ssyncset.done $0x0  }
0x52: {  	s28 =	simm.s32 $0xA0;
	[sflag:s26] =	ssyncadd.s32 $0xFFFFE700  }
0x53: {  	[tilespmem:s17], [sflag:$0x1] =	stream.indirect.gather [hbm4b:s4+s16], $0xA0, s28, s16, $0xb8;
	[tilespmem:$0x1FE00] =	vst v63  }
0x54: {  	_ =	swait.ge [sflag:s29], $0x1900  }
0x55: {  	[sflag:s29] =	ssyncset.done $0x0  }
0x56: {  	s30 =	simm.s32 $0x550;
	[sflag:s29] =	ssyncadd.s32 $0xFFFFE700  }
0x57: {  	[spmem:s2] =	stream.indirect.scatter.add.f32 [tilespmem:s20], [sflag:$0x7], $0xA0, s30, s16, $0xb8;
	[tilespmem:$0x1FE00] =	vst v63  }
0x58: {  	_ =	swait.ge [sflag:s31], $0x1900  }
0x59: {  	[sflag:s31] =	ssyncset.done $0x0  }
0x5a: {  	[sflag:s31] =	ssyncadd.s32 $0xFFFFE700  }
0x5b: {  	[tilespmem:s18], [sflag:$0x2] =	stream.indirect.gather [hbm4b:s4+s16], $0xA0, s0, s16, $0xb8;
	[tilespmem:$0x1FE00] =	vst v63  }
0x5c: {  	_ =	swait.ge [sflag:s1], $0x1900  }
0x5d: {  	[sflag:s1] =	ssyncset.done $0x0  }
0x5e: {  	[sflag:s1] =	ssyncadd.s32 $0xFFFFE700  }
0x5f: {  	[spmem:s2] =	stream.indirect.scatter.add.f32 [tilespmem:s23], [sflag:$0x8], $0xA0, s7, s16, $0xb8;
	[tilespmem:$0x1FE00] =	vst v63  }
0x60: {  	_ =	swait.ge [sflag:s11], $0x1900  }
0x61: {  	[sflag:s11] =	ssyncset.done $0x0  }
0x62: {  	[sflag:s11] =	ssyncadd.s32 $0xFFFFE700  }
0x63: {  	[tilespmem:s20], [sflag:$0x3] =	stream.indirect.gather [hbm4b:s4+s16], $0xA0, s12, s16, $0xb8;
	[tilespmem:$0x1FE00] =	vst v63  }
.LBB2_3:
0x64: {  	_ =	swait.ge [sflag:s21], $0x1900  }
0x65: {  	s19 =	sshra.s32 s3, $0x2;
	[sflag:s21] =	ssyncset.done $0x0  }
0x66: {  	s22 =	sadd.s32 $0x5A0, s19;
	[sflag:s21] =	ssyncadd.s32 $0xFFFFE700  }
0x67: {  	[spmem:s2] =	stream.indirect.scatter.add.f32 [tilespmem:s17], [sflag:$0x5], $0xA0, s22, s16, $0xb8;
	[tilespmem:$0x1FE00] =	vst v63  }
0x68: {  	_ =	swait.ge [sflag:s9], $0x1900  }
0x69: {  	[sflag:s9] =	ssyncset.done $0x0  }
0x6a: {  	s25 =	sadd.s32 $0x118, s19;
	[sflag:s9] =	ssyncadd.s32 $0xFFFFE700  }
0x6b: {  	[tilespmem:s23], [sflag:$0x4] =	stream.indirect.gather [hbm4b:s4+s16], $0xA0, s25, s16, $0xb8;
	[tilespmem:$0x1FE00] =	vst v63  }
0x6c: {  	_ =	swait.ge [sflag:s24], $0x1900  }
0x6d: {  	p0 =	seq.s32 s3, $0xF00;
	[sflag:s24] =	ssyncset.done $0x0  }
0x6e: {  	s28 =	sadd.s32 $0x5C8, s19;
	s22 =	simm.s32 @p0 $0x3;
	[sflag:s24] =	ssyncadd.s32 $0xFFFFE700  }
0x6f: {  	[spmem:s2] =	stream.indirect.scatter.add.f32 [tilespmem:s18], [sflag:$0x6], $0xA0, s28, s16, $0xb8;
	[tilespmem:$0x1FE00] =	vst v63  }
0x70: {  	_ =	swait.ge @p0 [sflag:s22], $0x1900  }
0x71: {  	[sflag:s22] =	ssyncset.done @p0 $0x0  }
0x72: {  	[sflag:s22] =	ssyncadd.s32 @p0 $0xFFFFE700;
	s22 =	sshra.s32 @p0 s3, $0x2  }
0x73: {  	s25 =	simm.s32 @p0 $0x28;
	s28 =	simm.s32 @p0 $0x3C00;
	s22 =	sadd.s32 @p0 $0x5F0, s22  }
0x74: {  	[spmem:s2] =	stream.indirect.scatter.add.f32 @p0 [tilespmem:s28], [sflag:$0x7], $0xA0, s22, s25, $0xb8;
	[tilespmem:$0x1FE00] =	vst v63  }
0x75: {  	s22 =	simm.s32 @!p0 $0x5  }
0x76: {  	_ =	swait.ge @!p0 [sflag:s22], $0x1900  }
0x77: {  	[sflag:s22] =	ssyncset.done @!p0 $0x0  }
0x78: {  	[sflag:s22] =	ssyncadd.s32 @!p0 $0xFFFFE700;
	s22 =	sshra.s32 @!p0 s3, $0x2  }
0x79: {  	s30 =	simm.s32 @!p0 $0xA00;
	s28 =	simm.s32 @!p0 $0x28;
	s25 =	sadd.s32 @!p0 $0x140, s22  }
0x7a: {  	[tilespmem:s30], [sflag:$0x1] =	stream.indirect.gather @!p0 [hbm4b:s4+s28], $0xA0, s25, s28, $0xb8;
	[tilespmem:$0x1FE00] =	vst v63  }
0x7b: {  	s25 =	simm.s32 @!p0 $0x3  }
0x7c: {  	_ =	swait.ge @!p0 [sflag:s25], $0x1900  }
0x7d: {  	[sflag:s25] =	ssyncset.done @!p0 $0x0  }
0x7e: {  	s30 =	simm.s32 @!p0 $0x3C00;
	[sflag:s25] =	ssyncadd.s32 @!p0 $0xFFFFE700;
	s25 =	sadd.s32 @!p0 $0x5F0, s22  }
0x7f: {  	[spmem:s2] =	stream.indirect.scatter.add.f32 @!p0 [tilespmem:s30], [sflag:$0x7], $0xA0, s25, s28, $0xb8;
	[tilespmem:$0x1FE00] =	vst v63  }
0x80: {  	s25 =	simm.s32 @!p0 $0x6  }
0x81: {  	_ =	swait.ge @!p0 [sflag:s25], $0x1900  }
0x82: {  	[sflag:s25] =	ssyncset.done @!p0 $0x0  }
0x83: {  	s22 =	sadd.s32 @!p0 $0x168, s22;
	[sflag:s25] =	ssyncadd.s32 @!p0 $0xFFFFE700;
	s25 =	simm.s32 @!p0 $0x2300  }
0x84: {  	[tilespmem:s25], [sflag:$0x2] =	stream.indirect.gather @!p0 [hbm4b:s4+s28], $0xA0, s22, s28, $0xb8;
	[tilespmem:$0x1FE00] =	vst v63  }
.Ltmp4:
0x85: {  	_ = 	snop;
	(pc) =	sbr.rel @p0 .LBB2_5-.Ltmp4, $4  }
0x86: {  	_ =	swait.ge [sflag:s1], $0x1900  }
0x87: {  	[sflag:s1] =	ssyncset.done $0x0  }
0x88: {  	s30 =	sadd.s32 $0x618, s19;
	[sflag:s1] =	ssyncadd.s32 $0xFFFFE700  }
0x89: {  	[spmem:s2] =	stream.indirect.scatter.add.f32 [tilespmem:s23], [sflag:$0x8], $0xA0, s30, s16, $0xb8;
	[tilespmem:$0x1FE00] =	vst v63  }
.Ltmp5:
0x8a: {  	(pc) =	sbr.rel .LBB2_3-.Ltmp5, $4  }
0x8b: {  	_ =	swait.ge [sflag:s11], $0x1900  }
0x8c: {  	[sflag:s11] =	ssyncset.done $0x0  }
0x8d: {  	s19 =	sadd.s32 $0x190, s19;
	s3 =	sadd.s32 $0x280, s3;
	[sflag:s11] =	ssyncadd.s32 $0xFFFFE700  }
0x8e: {  	[tilespmem:s20], [sflag:$0x3] =	stream.indirect.gather [hbm4b:s4+s16], $0xA0, s19, s16, $0xb8;
	[tilespmem:$0x1FE00] =	vst v63  }
.LBB2_7:
0x8f: {  	_ =	sfence.sel $0x180000  }
0x90: {  	[bflag:$0x0] =	sbarrier.arrive $0xFFFF  }
0x91: {  	_ =	strace $0x90000053  }
0x92: {  	s0 =	stileid.u32;
	[bflag:$0x2] =	sbarrier.arrive $0xFFFF  }
0x93: {  	p0 =	sne.s32 s0, $0x0;
	s0 =	rddreg [dreg:$0x2]  }
0x94: {  	s0 =	sadd.s32 @!p0 $0x100000, s0  }
0x95: {  	[sflag:s0] =	ssyncadd.tile.s32 @!p0 $0x1;
	_ =	shalt  }
.Lfunc_end2:
_tile_overlayer_lowered:
.L_overlay_start_2:
0x96: {  	(tag) =	ssettag $0x2  }
0x97: {  	s0 =	rddreg [dreg:$0x0];
	s2 =	stileid.u32  }
0x98: {  	s1 =	rddreg [dreg:$0x1];
	p0 =	sne.s32 s2, $0x0  }
0x99: {  	s3 =	rddreg [dreg:$0x2];
	[bflag:$0x3] =	sbarrier.arrive $0xFFFF;
	s2 =	simm.s32 @!p0 $0x1C09  }
0x9a: {  	[timem:s3], [sflag:s2] =	dma.local @!p0 [hbm:s0], s1  }
0x9b: {  	s0 =	simm.s32 @!p0 $0x9  }
0x9c: {  	_ =	swait.ge @!p0 [sflag:s0], s1  }
0x9d: {  	s1 =	ssub.s32 @!p0 $0x0, s1;
	[sflag:s0] =	ssyncset.done @!p0 $0x0  }
0x9e: {  	[sflag:s0] =	ssyncadd.s32 @!p0 s1  }
0x9f: {  	[bflag:$0x3] =	sbarrier.arrive $0xFFFF  }
0xa0: {  	_ =	shalt  }

// kernel: kernel.31.cloned.1.call-start
scs
__scs_entry_jumppad:
0x0: {  	(pc) =	sbr.rel $0x88, $3  }
0x1: {  	(tag) =	ssettag $0x0;
	lr =	simm.s32 $0x1  }
0x2: {  	[smem:$0x3F65] =	sst lr;
	_ =	strace $0xD0000000  }
0x3: {  	_ = 	snop  }
0x4: {  	_ = 	snop  }
0x5: {  	_ = 	snop  }
0x6: {  	_ = 	snop  }
0x7: {  	_ = 	snop  }
__scs_overlays_trampoline_lowered:
0x8: {  	[smem:$0x3F74] =	sst s0  }
0x9: {  	[smem:$0x3F75] =	sst s1  }
0xa: {  	[smem:$0x3F76] =	sst s2  }
0xb: {  	[smem:$0x3F77] =	sst s3  }
0xc: {  	[smem:$0x3F78] =	sst s4  }
0xd: {  	[smem:$0x3F79] =	sst s5  }
0xe: {  	[smem:$0x3F7A] =	sst s6  }
0xf: {  	[smem:$0x3F7B] =	sst s7  }
0x10: {  	[smem:$0x3F7C] =	sst s8  }
0x11: {  	[smem:$0x3F7D] =	sst s9;
	s0 =	simm.s32 @!p0 $0x0  }
0x12: {  	s1 =	sld [smem:$0x3F63];
	s0 =	simm.s32 @p0 $0x1  }
0x13: {  	[smem:$0x3F7E] =	sst s0;
	s0 =	simm.s32 @!p1 $0x0  }
0x14: {  	s2 =	sld [smem:$0x3F62];
	s0 =	simm.s32 @p1 $0x1  }
0x15: {  	[smem:$0x3F7F] =	sst s0;
	s0 =	simm.s32 @!p2 $0x0  }
0x16: {  	s3 =	sld [smem:$0x3FDB];
	s0 =	simm.s32 @p2 $0x1  }
0x17: {  	s4 =	simm.s32 $0x1BF5;
	[smem:$0x3F81] =	sst s0  }
0x18: {  	s0 =	sld [smem:$0x3F64];
	_ =	swait.ge [sflag:s4], $0x0  }
0x19: {  	s7 =	sld [smem:$0x3F65]  }
0x1a: {  	s8 =	sadd.s32 $0xFFFFE003, lr  }
0x1b: {  	s9 =	sadd.s32 $0xFFFFFEF7, lr;
	s5 =	simm.s32 $0xFFFFFFFF;
	p2 =	slt.u32 s8, $0xFFFFF086  }
0x1c: {  	p1 =	slt.u32 s9, $0xF7A;
	s5 =	simm.s32 @!p2 $0x0  }
0x1d: {  	s5 =	simm.s32 @p1 $0x1;
	p0 =	seq.s32 s7, s2  }
0x1e: {  	s7 =	smul.u32 @!p0 $0xF7A, s2;
	p2 =	seq.s32 @!p0 s5, $0x0  }
0x1f: {  	s9 =	smul.u32 $0xF7A, s1;
	s8 =	simm.s32 @!p0 $0x1BF5;
	p2 =	por !p2, p0  }
0x20: {  	[sflag:s8] =	ssyncset.s32 @!p0 $0xFFFFF086;
	s6 =	sadd.s32 @!p0 s3, s7;
	s7 =	simm.s32 @!p0 $0x108  }
0x21: {  	s3 =	sadd.s32 s3, s9;
	s6 =	sadd.s32 @!p0 $0x88, s6;
	s7 =	simm.s32 @p2 $0x1082  }
0x22: {  	[simem:s7], [sflag:s8] =	dma.local @!p0 [hbm:s6], $0xF7A  }
0x23: {  	s9 =	sor.u32 $0xD0000000, s2;
	s6 =	simm.s32 $0x108;
	_ =	swait.ge @!p0 [sflag:s8], $0x0  }
0x24: {  	s3 =	sadd.s32 $0x88, s3;
	s6 =	simm.s32 @!p1 $0x1082;
	[sflag:s4] =	ssyncset.s32 $0xFFFFF086  }
0x25: {  	[simem:s6], [sflag:s4] =	dma.local [hbm:s3], $0xF7A  }
0x26: {  	[smem:$0x3F65] =	sst s1;
	(tag) =	ssettag s2;
	_ =	strace s9  }
0x27: {  	s1 =	sld [smem:$0x3F75]  }
0x28: {  	s2 =	sld [smem:$0x3F76]  }
0x29: {  	s4 =	sld [smem:$0x3F78]  }
0x2a: {  	p0 =	seq.s32 s5, $0x0;
	s5 =	sld [smem:$0x3F79]  }
0x2b: {  	s6 =	sld [smem:$0x3F7A]  }
0x2c: {  	s7 =	sld [smem:$0x3F7B]  }
0x2d: {  	s3 =	simm.s32 $0x108;
	s8 =	sld [smem:$0x3F7C]  }
0x2e: {  	s3 =	simm.s32 @!p0 $0x1082;
	s9 =	sld [smem:$0x3F7D]  }
0x2f: {  	lr =	sadd.s32 s0, s3;
	s0 =	sld [smem:$0x3F74]  }
0x30: {  	s3 =	sld [smem:$0x3F77]  }
0x31: {  	[smem:$0x3F80] =	sst s10  }
0x32: {  	s10 =	sld [smem:$0x3F7E];
	_ =	sdelay $0x3  }
0x33: {  	p0 =	seq.s32 s10, $0x1;
	s10 =	sld [smem:$0x3F80];
	_ =	sdelay $0x3  }
0x34: {  	[smem:$0x3F80] =	sst s10  }
0x35: {  	s10 =	sld [smem:$0x3F7F];
	_ =	sdelay $0x3  }
0x36: {  	p1 =	seq.s32 s10, $0x1;
	s10 =	sld [smem:$0x3F80];
	_ =	sdelay $0x3  }
0x37: {  	[smem:$0x3F80] =	sst s10  }
0x38: {  	s10 =	sld [smem:$0x3F81]  }
0x39: {  	_ = 	snop;
	(pc) =	sbr.ind lr, $3  }
0x3a: {  	_ = 	snop  }
0x3b: {  	_ = 	snop  }
0x3c: {  	p2 =	seq.s32 s10, $0x1;
	s10 =	sld [smem:$0x3F80]  }
0x3d: {  	_ =	shalt  }
0x3e: {  	_ =	shalt  }
0x3f: {  	_ =	shalt  }
0x40: {  	_ =	shalt  }
0x41: {  	_ =	shalt  }
0x42: {  	_ =	shalt  }
0x43: {  	_ =	shalt  }
0x44: {  	_ =	shalt  }
0x45: {  	_ =	shalt  }
0x46: {  	_ =	shalt  }
0x47: {  	_ =	shalt  }
0x48: {  	_ =	shalt  }
0x49: {  	_ =	shalt  }
0x4a: {  	_ =	shalt  }
0x4b: {  	_ =	shalt  }
0x4c: {  	_ =	shalt  }
0x4d: {  	_ =	shalt  }
0x4e: {  	_ =	shalt  }
0x4f: {  	_ =	shalt  }
0x50: {  	_ =	shalt  }
0x51: {  	_ =	shalt  }
0x52: {  	_ =	shalt  }
0x53: {  	_ =	shalt  }
0x54: {  	_ =	shalt  }
0x55: {  	_ =	shalt  }
0x56: {  	_ =	shalt  }
0x57: {  	_ =	shalt  }
0x58: {  	_ =	shalt  }
0x59: {  	_ =	shalt  }
0x5a: {  	_ =	shalt  }
0x5b: {  	_ =	shalt  }
0x5c: {  	_ =	shalt  }
0x5d: {  	_ =	shalt  }
0x5e: {  	_ =	shalt  }
0x5f: {  	_ =	shalt  }
0x60: {  	_ =	shalt  }
0x61: {  	_ =	shalt  }
0x62: {  	_ =	shalt  }
0x63: {  	_ =	shalt  }
0x64: {  	_ =	shalt  }
0x65: {  	_ =	shalt  }
0x66: {  	_ =	shalt  }
0x67: {  	_ =	shalt  }
0x68: {  	_ =	shalt  }
0x69: {  	_ =	shalt  }
0x6a: {  	_ =	shalt  }
0x6b: {  	_ =	shalt  }
0x6c: {  	_ =	shalt  }
0x6d: {  	_ =	shalt  }
0x6e: {  	_ =	shalt  }
0x6f: {  	_ =	shalt  }
0x70: {  	_ =	shalt  }
0x71: {  	_ =	shalt  }
0x72: {  	_ =	shalt  }
0x73: {  	_ =	shalt  }
0x74: {  	_ =	shalt  }
0x75: {  	_ =	shalt  }
0x76: {  	_ =	shalt  }
0x77: {  	_ =	shalt  }
0x78: {  	_ =	shalt  }
0x79: {  	_ =	shalt  }
0x7a: {  	_ =	shalt  }
0x7b: {  	_ =	shalt  }
0x7c: {  	_ =	shalt  }
0x7d: {  	_ =	shalt  }
0x7e: {  	_ =	shalt  }
0x7f: {  	_ =	shalt  }
0x80: {  	_ =	shalt  }
0x81: {  	_ =	shalt  }
0x82: {  	_ =	shalt  }
0x83: {  	_ =	shalt  }
0x84: {  	_ =	shalt  }
0x85: {  	_ =	shalt  }
0x86: {  	_ =	shalt  }
0x87: {  	_ =	shalt  }
.Lfunc_end0:
.L_simem_size_0:
called_computation.5_lowered:
.L_overlay_start_0:
0x88: {  	s2 =	sld [smem:$0x3FD9]  }
0x89: {  	s3 =	sld [smem:$0x3FFE];
	_ =	sdelay $0x1  }
0x8a: {  	s1 =	srdreg.scid  }
0x8b: {  	s0 =	sand.u32 $0x1, s1  }
0x8c: {  	s16 =	sshll.u32 s0, $0xA;
	s2 =	sadd.s32 s3, s2  }
0x8d: {  	s2 =	sadd.s32 s2, s16  }
0x8e: {  	[smem:$0x3F8C] =	sst s2  }
0x8f: {  	_ = 	snop  }
0x90: {  	(tm) =	ssettm $0x1  }
0x91: {  	s17 =	sld [smem:$0x3FFB];
	_ =	sdelay $0x3  }
0x92: {  	_ =	strace s17  }
0x93: {  	s2 =	sld [smem:$0x3FFC];
	_ =	sdelay $0x3  }
0x94: {  	_ =	strace s2  }
0x95: {  	s2 =	sld [smem:$0x3FFD];
	_ =	sdelay $0x3  }
0x96: {  	_ =	strace s2  }
0x97: {  	_ =	strace $0x8FFFFFFF  }
0x98: {  	s18 =	sld [smem:$0x3FDB];
	_ =	sdelay $0x1  }
0x99: {  	s19 =	simm.s32 $_scs_section_size  }
0x9a: {  	s4 =	simm.s32 $_size__tile_overlayer_lowered;
	s5 =	simm.s32 $_tile_overlayer_lowered  }
0x9b: {  	s22 =	simm.s32 $0x1BFF;
	s21 =	sshll.u32 s5, $0x1;
	s2 =	sadd.s32 s19, s18  }
0x9c: {  	s6 =	simm.s32 $0x0;
	s20 =	sshll.u32 s4, $0x1;
	s4 =	sadd.s32 s21, s2  }
0x9d: {  	[timem:s6], [sflag:s22] =	dma.local [hbm:s4], s20  }
0x9e: {  	_ =	swait.ge [sflag:s22], s20  }
0x9f: {  	s3 =	ssub.s32 $0x0, s20;
	[sflag:s22] =	ssyncset.done $0x0  }
0xa0: {  	[sflag:s22] =	ssyncadd.s32 s3;
	_ =	sdelay $0x1  }
0xa1: {  	s23 =	simm.s32 $0x1B8B  }
0xa2: {  	_ =	swait.ge [sflag:s23], $0x1  }
0xa3: {  	[sflag:s23] =	ssyncset.done $0x0  }
0xa4: {  	s25 =	simm.s32 $0x1B8E;
	s24 =	sld [smem:$0x3FFE];
	[sflag:s23] =	ssyncadd.s32 $0xFFFFFFFF  }
0xa5: {  	s26 =	simm.s32 $execute0_lowered;
	[smem:$0x3FD2] =	sst s25  }
0xa6: {  	s4 =	sshll.u32 s26, $0x1;
	_ =	strace $0x80000055;
	[dreg:$0x1] =	wrdreg $0xFFFFFFFF  }
0xa7: {  	s28 =	simm.s32 $_size_execute0_lowered;
	s2 =	sadd.s32 s2, s4;
	[dreg:$0x0] =	wrdreg $0x0  }
0xa8: {  	s4 =	sshll.u32 s28, $0x1;
	[dreg:$0x2] =	wrdreg s2  }
0xa9: {  	[dreg:$0x3] =	wrdreg s4  }
0xaa: {  	[dreg:$0x4] =	wrdreg $0xC0  }
0xab: {  	_ =	task [dreg:s6], $0x5FFFF  }
0xac: {  	[dreg:$0x1] =	wrdreg $0xFFFFFFFF  }
0xad: {  	[dreg:$0x0] =	wrdreg $0x60  }
0xae: {  	[dreg:$0x2] =	wrdreg s24  }
0xaf: {  	[dreg:$0x3] =	wrdreg $0x6E000  }
0xb0: {  	[dreg:$0x4] =	wrdreg $0x9  }
0xb1: {  	_ =	task.clear_ibuf [dreg:s6], $0x5FFFF;
	_ =	strace $0x90000055  }
0xb2: {  	s29 =	simm.s32 $0x9;
	_ =	strace $0x80000057  }
0xb3: {  	_ =	swait.ge [sflag:s29], $0x1  }
0xb4: {  	[sflag:s29] =	ssyncadd.s32 $0xFFFFFFFF  }
0xb5: {  	_ =	strace $0x90000057  }
0xb6: {  	_ =	sfence  }
0xb7: {  	s30 =	sld [smem:$0x0];
	_ =	sdelay $0x2  }
0xb8: {  	s31 =	sshll.u32 s1, $0xD;
	s1 =	sshrl.u32 s1, $0x2  }
0xb9: {  	s3 =	sand.u32 $0x4000, s31;
	s1 =	sadd.s32 s1, s30  }
0xba: {  	s0 =	sor.u32 s3, s0;
	s1 =	sshll.u32 s1, $0x11  }
0xbb: {  	s0 =	sor.u32 s1, s0  }
0xbc: {  	s0 =	sadd.s32 $0x8F2B, s0  }
0xbd: {  	[sflag:s0] =	ssyncadd.remote.s32 $0x1  }
0xbe: {  	_ =	sfence.sel $0xFFFF  }
0xbf: {  	[dreg:$0x0] =	wrdreg $0xFFFFFFFF;
	(pc) =	sbr.abs _section_cstart, $3  }
0xc0: {  	[dreg:$0x1] =	wrdreg $0xFFFFFFFF  }
0xc1: {  	_ =	task.clear_ibuf [dreg:s6], $0x2FFFF;
	_ =	strace $0x9FFFFFFF  }
0xc2: {  	(tm) =	ssettm $0x7FFFFFFF  }
0xc3: {  	_ =	shalt  }
tec
execute0_lowered:
.L_overlay_start_1:
0x0: {  	(tag) =	ssettag $0x1  }
0x1: {  	s0 =	rddreg [dreg:$0x0]  }
0x2: {  	s2 =	rddreg [dreg:$0x1]  }
0x3: {  	s1 =	srdreg.scid;
	s8 =	stileid.u32;
	s13 =	simm.s32 $0x0  }
0x4: {  	s14 =	simm.s32 $0x9;
	s15 =	simm.s32 $0x500;
	s16 =	simm.s32 $0x28  }
0x5: {  	s17 =	simm.s32 $0xA00;
	s18 =	simm.s32 $0x2300;
	s20 =	simm.s32 $0x3C00  }
0x6: {  	s21 =	simm.s32 $0x1;
	s23 =	simm.s32 $0x5500;
	s24 =	simm.s32 $0x2  }
0x7: {  	s29 =	simm.s32 $0x3;
	s31 =	simm.s32 $0x6;
	s11 =	simm.s32 $0x7  }
0x8: {  	s12 =	simm.s32 $0xF0;
	s1 =	sand.u32 $0x1, s1;
	s3 =	smul.u32 $0x19000, s8  }
0x9: {  	[smem:$0x7FF] =	sst s13;
	s4 =	sadd.s32 $0xF400, s0;
	s5 =	sadd.s32 $0x93000, s0  }
0xa: {  	s9 =	sadd.s32 $0xC200, s0;
	s10 =	sshll.u32 s8, $0x6;
	s8 =	smul.u32 $0x2800, s8  }
0xb: {  	s6 =	smul.u32 $0x190000, s1;
	_ =	strace $0x80000056;
	[dreg:$0x4] =	wrdreg s9  }
0xc: {  	s26 =	ssub.s32 $0x2, s1;
	s1 =	smul.u32 $0x28000, s1;
	s19 =	sor.u32 $0x1C09, s10  }
0xd: {  	s9 =	simm.s32 $0x8;
	s28 =	sshrl.u32 s26, $0x1;
	[dreg:$0x5] =	wrdreg s19  }
0xe: {  	s7 =	sadd.s32 s3, s6;
	s6 =	sadd.s32 $0x74600, s0;
	s3 =	sadd.s32 s3, s2  }
.Ltmp0:
0xf: {  	s10 =	sadd.s32 s1, s8;
	s7 =	sshrl.u32 s7, $0x3;
	(pc) =	sbr.rel .LBB2_1-.Ltmp0, $4  }
0x10: {  	s1 =	simm.s32 $0x4;
	s22 =	sshrl.u32 s3, $0x3;
	s0 =	sadd.s32 s7, s0  }
0x11: {  	s7 =	ssub.s32 s26, s28;
	[dreg:$0x8] =	wrdreg s22;
	s0 =	sadd.s32 $0x9D000, s0  }
0x12: {  	s26 =	simm.s32 $0x5;
	s30 =	smax.u32 s7, $0x1;
	[dreg:$0x6] =	wrdreg s0  }
0x13: {  	s7 =	simm.s32 $0x578;
	[dreg:$0x7] =	wrdreg s30;
	s0 =	simm.s32 $0xC8  }
.LBB2_6:
0x14: {  	[bflag:$0x0] =	sbarrier.arrive $0xFFFF  }
0x15: {  	s19 =	rddreg [dreg:$0x5]  }
0x16: {  	s3 =	rddreg [dreg:$0x6]  }
0x17: {  	s22 =	rddreg [dreg:$0x8]  }
0x18: {  	[hbm:s3], [sflag:s19] =	dma.local [spmem:s22], $0x3200  }
0x19: {  	_ =	swait.ge [sflag:s14], $0x3200  }
0x1a: {  	s13 =	rddreg [dreg:$0x3]  }
0x1b: {  	s30 =	rddreg [dreg:$0x7];
	s13 =	sadd.s32 $0x1, s13  }
0x1c: {  	p0 =	sne.s32 s13, s30  }
.Ltmp1:
0x1d: {  	_ = 	snop;
	(pc) =	sbr.rel @!p0 .LBB2_7-.Ltmp1, $3  }
0x1e: {  	_ =	sdelay $0x1  }
0x1f: {  	[sflag:s14] =	ssyncset.done $0x0  }
0x20: {  	[sflag:s14] =	ssyncadd.s32 $0xFFFFCE00  }
.LBB2_1:
0x21: {  	[dreg:$0x3] =	wrdreg s13  }
0x22: {  	s3 =	rddreg [dreg:$0x4]  }
0x23: {  	[spmem:s22], [sflag:s19] =	dma.local [hbm:s3], $0x3200  }
.Ltmp2:
0x24: {  	_ =	swait.ge [sflag:s14], $0x3200;
	(pc) =	sbr.rel .LBB2_2-.Ltmp2, $4  }
0x25: {  	[sflag:s14] =	ssyncset.done $0x0  }
0x26: {  	[sflag:s14] =	ssyncadd.s32 $0xFFFFCE00  }
0x27: {  	[bflag:$0x0] =	sbarrier.arrive $0xFFFF  }
0x28: {  	s13 =	simm.s32 $0x0  }
.LBB2_5:
0x29: {  	_ =	swait.ge [sflag:s26], $0x1900  }
0x2a: {  	[sflag:s26] =	ssyncset.done $0x0  }
0x2b: {  	[sflag:s26] =	ssyncadd.s32 $0xFFFFE700  }
0x2c: {  	_ =	swait.ge [sflag:s31], $0x1900  }
0x2d: {  	[sflag:s31] =	ssyncset.done $0x0  }
0x2e: {  	s13 =	sadd.s32 $0x1, s13;
	[sflag:s31] =	ssyncadd.s32 $0xFFFFE700  }
0x2f: {  	p0 =	sne.s32 s13, $0x8;
	_ =	swait.ge [sflag:s11], $0x1900  }
.Ltmp3:
0x30: {  	[sflag:s11] =	ssyncset.done $0x0;
	(pc) =	sbr.rel @!p0 .LBB2_6-.Ltmp3, $4  }
0x31: {  	[sflag:s11] =	ssyncadd.s32 $0xFFFFE700  }
0x32: {  	_ =	swait.ge [sflag:s9], $0x1900  }
0x33: {  	[sflag:s9] =	ssyncset.done $0x0  }
0x34: {  	[sflag:s9] =	ssyncadd.s32 $0xFFFFE700  }
.LBB2_2:
0x35: {  	s19 =	smul.u32 $0x500, s13;
	_ =	sdelay $0x1  }
0x36: {  	s3 =	sadd.s32 s10, s19  }
0x37: {  	s3 =	sshrl.u32 s3, $0x3  }
0x38: {  	s22 =	sadd.s32 s5, s3;
	s3 =	simm.s32 $0x0  }
0x39: {  	[tilespmem:s3], [sflag:$0x9] =	stream.linear.gather [hbm4b:s22+s3], $0x500, $0x38;
	[tilespmem:$0x1FE00] =	vst v63  }
0x3a: {  	s19 =	sadd.s32 s8, s19;
	_ =	swait.ge [sflag:s14], $0x500  }
0x3b: {  	s19 =	sshrl.u32 s19, $0x3;
	[sflag:s14] =	ssyncset.done $0x0  }
0x3c: {  	s19 =	sadd.s32 s6, s19;
	[sflag:s14] =	ssyncadd.s32 $0xFFFFFB00  }
0x3d: {  	[tilespmem:s15], [sflag:$0x9] =	stream.linear.gather [hbm4b:s19+s3], $0x500, $0x38;
	[tilespmem:$0x1FE00] =	vst v63  }
0x3e: {  	_ =	swait.ge [sflag:s14], $0x500  }
0x3f: {  	[sflag:s14] =	ssyncset.done $0x0  }
0x40: {  	[sflag:s14] =	ssyncadd.s32 $0xFFFFFB00  }
0x41: {  	[tilespmem:s17], [sflag:$0x1] =	stream.indirect.gather [hbm4b:s4+s16], $0xA0, s3, s16, $0xb8;
	[tilespmem:$0x1FE00] =	vst v63  }
0x42: {  	_ = 	snop  }
0x43: {  	[tilespmem:s18], [sflag:$0x2] =	stream.indirect.gather [hbm4b:s4+s16], $0xA0, s16, s16, $0xb8;
	[tilespmem:$0x1FE00] =	vst v63  }
0x44: {  	s30 =	simm.s32 $0x50  }
0x45: {  	[tilespmem:s20], [sflag:$0x3] =	stream.indirect.gather [hbm4b:s4+s16], $0xA0, s30, s16, $0xb8;
	[tilespmem:$0x1FE00] =	vst v63  }
0x46: {  	_ =	swait.ge [sflag:s21], $0x1900  }
0x47: {  	[sflag:s21] =	ssyncset.done $0x0  }
0x48: {  	[sflag:s21] =	ssyncadd.s32 $0xFFFFE700  }
0x49: {  	[spmem:s2] =	stream.indirect.scatter.add.f32 [tilespmem:s17], [sflag:$0x5], $0xA0, s15, s16, $0xb8;
	[tilespmem:$0x1FE00] =	vst v63  }
0x4a: {  	s22 =	simm.s32 $0x78  }
0x4b: {  	[tilespmem:s23], [sflag:$0x4] =	stream.indirect.gather [hbm4b:s4+s16], $0xA0, s22, s16, $0xb8;
	[tilespmem:$0x1FE00] =	vst v63  }
0x4c: {  	_ =	swait.ge [sflag:s24], $0x1900  }
0x4d: {  	[sflag:s24] =	ssyncset.done $0x0  }
0x4e: {  	s25 =	simm.s32 $0x528;
	[sflag:s24] =	ssyncadd.s32 $0xFFFFE700  }
0x4f: {  	[spmem:s2] =	stream.indirect.scatter.add.f32 [tilespmem:s18], [sflag:$0x6], $0xA0, s25, s16, $0xb8;
	[tilespmem:$0x1FE00] =	vst v63  }
0x50: {  	_ =	swait.ge [sflag:s26], $0x1900  }
0x51: {  	[sflag:s26] =	ssyncset.done $0x0  }
0x52: {  	s28 =	simm.s32 $0xA0;
	[sflag:s26] =	ssyncadd.s32 $0xFFFFE700  }
0x53: {  	[tilespmem:s17], [sflag:$0x1] =	stream.indirect.gather [hbm4b:s4+s16], $0xA0, s28, s16, $0xb8;
	[tilespmem:$0x1FE00] =	vst v63  }
0x54: {  	_ =	swait.ge [sflag:s29], $0x1900  }
0x55: {  	[sflag:s29] =	ssyncset.done $0x0  }
0x56: {  	s30 =	simm.s32 $0x550;
	[sflag:s29] =	ssyncadd.s32 $0xFFFFE700  }
0x57: {  	[spmem:s2] =	stream.indirect.scatter.add.f32 [tilespmem:s20], [sflag:$0x7], $0xA0, s30, s16, $0xb8;
	[tilespmem:$0x1FE00] =	vst v63  }
0x58: {  	_ =	swait.ge [sflag:s31], $0x1900  }
0x59: {  	[sflag:s31] =	ssyncset.done $0x0  }
0x5a: {  	[sflag:s31] =	ssyncadd.s32 $0xFFFFE700  }
0x5b: {  	[tilespmem:s18], [sflag:$0x2] =	stream.indirect.gather [hbm4b:s4+s16], $0xA0, s0, s16, $0xb8;
	[tilespmem:$0x1FE00] =	vst v63  }
0x5c: {  	_ =	swait.ge [sflag:s1], $0x1900  }
0x5d: {  	[sflag:s1] =	ssyncset.done $0x0  }
0x5e: {  	[sflag:s1] =	ssyncadd.s32 $0xFFFFE700  }
0x5f: {  	[spmem:s2] =	stream.indirect.scatter.add.f32 [tilespmem:s23], [sflag:$0x8], $0xA0, s7, s16, $0xb8;
	[tilespmem:$0x1FE00] =	vst v63  }
0x60: {  	_ =	swait.ge [sflag:s11], $0x1900  }
0x61: {  	[sflag:s11] =	ssyncset.done $0x0  }
0x62: {  	[sflag:s11] =	ssyncadd.s32 $0xFFFFE700  }
0x63: {  	[tilespmem:s20], [sflag:$0x3] =	stream.indirect.gather [hbm4b:s4+s16], $0xA0, s12, s16, $0xb8;
	[tilespmem:$0x1FE00] =	vst v63  }
.LBB2_3:
0x64: {  	_ =	swait.ge [sflag:s21], $0x1900  }
0x65: {  	s19 =	sshra.s32 s3, $0x2;
	[sflag:s21] =	ssyncset.done $0x0  }
0x66: {  	s22 =	sadd.s32 $0x5A0, s19;
	[sflag:s21] =	ssyncadd.s32 $0xFFFFE700  }
0x67: {  	[spmem:s2] =	stream.indirect.scatter.add.f32 [tilespmem:s17], [sflag:$0x5], $0xA0, s22, s16, $0xb8;
	[tilespmem:$0x1FE00] =	vst v63  }
0x68: {  	_ =	swait.ge [sflag:s9], $0x1900  }
0x69: {  	[sflag:s9] =	ssyncset.done $0x0  }
0x6a: {  	s25 =	sadd.s32 $0x118, s19;
	[sflag:s9] =	ssyncadd.s32 $0xFFFFE700  }
0x6b: {  	[tilespmem:s23], [sflag:$0x4] =	stream.indirect.gather [hbm4b:s4+s16], $0xA0, s25, s16, $0xb8;
	[tilespmem:$0x1FE00] =	vst v63  }
0x6c: {  	_ =	swait.ge [sflag:s24], $0x1900  }
0x6d: {  	p0 =	seq.s32 s3, $0xF00;
	[sflag:s24] =	ssyncset.done $0x0  }
0x6e: {  	s28 =	sadd.s32 $0x5C8, s19;
	s22 =	simm.s32 @p0 $0x3;
	[sflag:s24] =	ssyncadd.s32 $0xFFFFE700  }
0x6f: {  	[spmem:s2] =	stream.indirect.scatter.add.f32 [tilespmem:s18], [sflag:$0x6], $0xA0, s28, s16, $0xb8;
	[tilespmem:$0x1FE00] =	vst v63  }
0x70: {  	_ =	swait.ge @p0 [sflag:s22], $0x1900  }
0x71: {  	[sflag:s22] =	ssyncset.done @p0 $0x0  }
0x72: {  	[sflag:s22] =	ssyncadd.s32 @p0 $0xFFFFE700;
	s22 =	sshra.s32 @p0 s3, $0x2  }
0x73: {  	s25 =	simm.s32 @p0 $0x28;
	s28 =	simm.s32 @p0 $0x3C00;
	s22 =	sadd.s32 @p0 $0x5F0, s22  }
0x74: {  	[spmem:s2] =	stream.indirect.scatter.add.f32 @p0 [tilespmem:s28], [sflag:$0x7], $0xA0, s22, s25, $0xb8;
	[tilespmem:$0x1FE00] =	vst v63  }
0x75: {  	s22 =	simm.s32 @!p0 $0x5  }
0x76: {  	_ =	swait.ge @!p0 [sflag:s22], $0x1900  }
0x77: {  	[sflag:s22] =	ssyncset.done @!p0 $0x0  }
0x78: {  	[sflag:s22] =	ssyncadd.s32 @!p0 $0xFFFFE700;
	s22 =	sshra.s32 @!p0 s3, $0x2  }
0x79: {  	s30 =	simm.s32 @!p0 $0xA00;
	s28 =	simm.s32 @!p0 $0x28;
	s25 =	sadd.s32 @!p0 $0x140, s22  }
0x7a: {  	[tilespmem:s30], [sflag:$0x1] =	stream.indirect.gather @!p0 [hbm4b:s4+s28], $0xA0, s25, s28, $0xb8;
	[tilespmem:$0x1FE00] =	vst v63  }
0x7b: {  	s25 =	simm.s32 @!p0 $0x3  }
0x7c: {  	_ =	swait.ge @!p0 [sflag:s25], $0x1900  }
0x7d: {  	[sflag:s25] =	ssyncset.done @!p0 $0x0  }
0x7e: {  	s30 =	simm.s32 @!p0 $0x3C00;
	[sflag:s25] =	ssyncadd.s32 @!p0 $0xFFFFE700;
	s25 =	sadd.s32 @!p0 $0x5F0, s22  }
0x7f: {  	[spmem:s2] =	stream.indirect.scatter.add.f32 @!p0 [tilespmem:s30], [sflag:$0x7], $0xA0, s25, s28, $0xb8;
	[tilespmem:$0x1FE00] =	vst v63  }
0x80: {  	s25 =	simm.s32 @!p0 $0x6  }
0x81: {  	_ =	swait.ge @!p0 [sflag:s25], $0x1900  }
0x82: {  	[sflag:s25] =	ssyncset.done @!p0 $0x0  }
0x83: {  	s22 =	sadd.s32 @!p0 $0x168, s22;
	[sflag:s25] =	ssyncadd.s32 @!p0 $0xFFFFE700;
	s25 =	simm.s32 @!p0 $0x2300  }
0x84: {  	[tilespmem:s25], [sflag:$0x2] =	stream.indirect.gather @!p0 [hbm4b:s4+s28], $0xA0, s22, s28, $0xb8;
	[tilespmem:$0x1FE00] =	vst v63  }
.Ltmp4:
0x85: {  	_ = 	snop;
	(pc) =	sbr.rel @p0 .LBB2_5-.Ltmp4, $4  }
0x86: {  	_ =	swait.ge [sflag:s1], $0x1900  }
0x87: {  	[sflag:s1] =	ssyncset.done $0x0  }
0x88: {  	s30 =	sadd.s32 $0x618, s19;
	[sflag:s1] =	ssyncadd.s32 $0xFFFFE700  }
0x89: {  	[spmem:s2] =	stream.indirect.scatter.add.f32 [tilespmem:s23], [sflag:$0x8], $0xA0, s30, s16, $0xb8;
	[tilespmem:$0x1FE00] =	vst v63  }
.Ltmp5:
0x8a: {  	(pc) =	sbr.rel .LBB2_3-.Ltmp5, $4  }
0x8b: {  	_ =	swait.ge [sflag:s11], $0x1900  }
0x8c: {  	[sflag:s11] =	ssyncset.done $0x0  }
0x8d: {  	s19 =	sadd.s32 $0x190, s19;
	s3 =	sadd.s32 $0x280, s3;
	[sflag:s11] =	ssyncadd.s32 $0xFFFFE700  }
0x8e: {  	[tilespmem:s20], [sflag:$0x3] =	stream.indirect.gather [hbm4b:s4+s16], $0xA0, s19, s16, $0xb8;
	[tilespmem:$0x1FE00] =	vst v63  }
.LBB2_7:
0x8f: {  	_ =	sfence.sel $0x180000  }
0x90: {  	[bflag:$0x0] =	sbarrier.arrive $0xFFFF  }
0x91: {  	_ =	strace $0x90000056  }
0x92: {  	s0 =	stileid.u32;
	[bflag:$0x2] =	sbarrier.arrive $0xFFFF  }
0x93: {  	p0 =	sne.s32 s0, $0x0;
	s0 =	rddreg [dreg:$0x2]  }
0x94: {  	s0 =	sadd.s32 @!p0 $0x100000, s0  }
0x95: {  	[sflag:s0] =	ssyncadd.tile.s32 @!p0 $0x1;
	_ =	shalt  }
.Lfunc_end2:
_tile_overlayer_lowered:
.L_overlay_start_2:
0x96: {  	(tag) =	ssettag $0x2  }
0x97: {  	s0 =	rddreg [dreg:$0x0];
	s2 =	stileid.u32  }
0x98: {  	s1 =	rddreg [dreg:$0x1];
	p0 =	sne.s32 s2, $0x0  }
0x99: {  	s3 =	rddreg [dreg:$0x2];
	[bflag:$0x3] =	sbarrier.arrive $0xFFFF;
	s2 =	simm.s32 @!p0 $0x1C09  }
0x9a: {  	[timem:s3], [sflag:s2] =	dma.local @!p0 [hbm:s0], s1  }
0x9b: {  	s0 =	simm.s32 @!p0 $0x9  }
0x9c: {  	_ =	swait.ge @!p0 [sflag:s0], s1  }
0x9d: {  	s1 =	ssub.s32 @!p0 $0x0, s1;
	[sflag:s0] =	ssyncset.done @!p0 $0x0  }
0x9e: {  	[sflag:s0] =	ssyncadd.s32 @!p0 s1  }
0x9f: {  	[bflag:$0x3] =	sbarrier.arrive $0xFFFF  }
0xa0: {  	_ =	shalt  }

// kernel: kernel.34.cloned.1.call-start
scs
__scs_entry_jumppad:
0x0: {  	(pc) =	sbr.rel $0x88, $3  }
0x1: {  	(tag) =	ssettag $0x0;
	lr =	simm.s32 $0x1  }
0x2: {  	[smem:$0x3F65] =	sst lr;
	_ =	strace $0xD0000000  }
0x3: {  	_ = 	snop  }
0x4: {  	_ = 	snop  }
0x5: {  	_ = 	snop  }
0x6: {  	_ = 	snop  }
0x7: {  	_ = 	snop  }
__scs_overlays_trampoline_lowered:
0x8: {  	[smem:$0x3F74] =	sst s0  }
0x9: {  	[smem:$0x3F75] =	sst s1  }
0xa: {  	[smem:$0x3F76] =	sst s2  }
0xb: {  	[smem:$0x3F77] =	sst s3  }
0xc: {  	[smem:$0x3F78] =	sst s4  }
0xd: {  	[smem:$0x3F79] =	sst s5  }
0xe: {  	[smem:$0x3F7A] =	sst s6  }
0xf: {  	[smem:$0x3F7B] =	sst s7  }
0x10: {  	[smem:$0x3F7C] =	sst s8  }
0x11: {  	[smem:$0x3F7D] =	sst s9;
	s0 =	simm.s32 @!p0 $0x0  }
0x12: {  	s1 =	sld [smem:$0x3F63];
	s0 =	simm.s32 @p0 $0x1  }
0x13: {  	[smem:$0x3F7E] =	sst s0;
	s0 =	simm.s32 @!p1 $0x0  }
0x14: {  	s2 =	sld [smem:$0x3F62];
	s0 =	simm.s32 @p1 $0x1  }
0x15: {  	[smem:$0x3F7F] =	sst s0;
	s0 =	simm.s32 @!p2 $0x0  }
0x16: {  	s3 =	sld [smem:$0x3FDB];
	s0 =	simm.s32 @p2 $0x1  }
0x17: {  	s4 =	simm.s32 $0x1BF5;
	[smem:$0x3F81] =	sst s0  }
0x18: {  	s0 =	sld [smem:$0x3F64];
	_ =	swait.ge [sflag:s4], $0x0  }
0x19: {  	s7 =	sld [smem:$0x3F65]  }
0x1a: {  	s8 =	sadd.s32 $0xFFFFE003, lr  }
0x1b: {  	s9 =	sadd.s32 $0xFFFFFEF7, lr;
	s5 =	simm.s32 $0xFFFFFFFF;
	p2 =	slt.u32 s8, $0xFFFFF086  }
0x1c: {  	p1 =	slt.u32 s9, $0xF7A;
	s5 =	simm.s32 @!p2 $0x0  }
0x1d: {  	s5 =	simm.s32 @p1 $0x1;
	p0 =	seq.s32 s7, s2  }
0x1e: {  	s7 =	smul.u32 @!p0 $0xF7A, s2;
	p2 =	seq.s32 @!p0 s5, $0x0  }
0x1f: {  	s9 =	smul.u32 $0xF7A, s1;
	s8 =	simm.s32 @!p0 $0x1BF5;
	p2 =	por !p2, p0  }
0x20: {  	[sflag:s8] =	ssyncset.s32 @!p0 $0xFFFFF086;
	s6 =	sadd.s32 @!p0 s3, s7;
	s7 =	simm.s32 @!p0 $0x108  }
0x21: {  	s3 =	sadd.s32 s3, s9;
	s6 =	sadd.s32 @!p0 $0x88, s6;
	s7 =	simm.s32 @p2 $0x1082  }
0x22: {  	[simem:s7], [sflag:s8] =	dma.local @!p0 [hbm:s6], $0xF7A  }
0x23: {  	s9 =	sor.u32 $0xD0000000, s2;
	s6 =	simm.s32 $0x108;
	_ =	swait.ge @!p0 [sflag:s8], $0x0  }
0x24: {  	s3 =	sadd.s32 $0x88, s3;
	s6 =	simm.s32 @!p1 $0x1082;
	[sflag:s4] =	ssyncset.s32 $0xFFFFF086  }
0x25: {  	[simem:s6], [sflag:s4] =	dma.local [hbm:s3], $0xF7A  }
0x26: {  	[smem:$0x3F65] =	sst s1;
	(tag) =	ssettag s2;
	_ =	strace s9  }
0x27: {  	s1 =	sld [smem:$0x3F75]  }
0x28: {  	s2 =	sld [smem:$0x3F76]  }
0x29: {  	s4 =	sld [smem:$0x3F78]  }
0x2a: {  	p0 =	seq.s32 s5, $0x0;
	s5 =	sld [smem:$0x3F79]  }
0x2b: {  	s6 =	sld [smem:$0x3F7A]  }
0x2c: {  	s7 =	sld [smem:$0x3F7B]  }
0x2d: {  	s3 =	simm.s32 $0x108;
	s8 =	sld [smem:$0x3F7C]  }
0x2e: {  	s3 =	simm.s32 @!p0 $0x1082;
	s9 =	sld [smem:$0x3F7D]  }
0x2f: {  	lr =	sadd.s32 s0, s3;
	s0 =	sld [smem:$0x3F74]  }
0x30: {  	s3 =	sld [smem:$0x3F77]  }
0x31: {  	[smem:$0x3F80] =	sst s10  }
0x32: {  	s10 =	sld [smem:$0x3F7E];
	_ =	sdelay $0x3  }
0x33: {  	p0 =	seq.s32 s10, $0x1;
	s10 =	sld [smem:$0x3F80];
	_ =	sdelay $0x3  }
0x34: {  	[smem:$0x3F80] =	sst s10  }
0x35: {  	s10 =	sld [smem:$0x3F7F];
	_ =	sdelay $0x3  }
0x36: {  	p1 =	seq.s32 s10, $0x1;
	s10 =	sld [smem:$0x3F80];
	_ =	sdelay $0x3  }
0x37: {  	[smem:$0x3F80] =	sst s10  }
0x38: {  	s10 =	sld [smem:$0x3F81]  }
0x39: {  	_ = 	snop;
	(pc) =	sbr.ind lr, $3  }
0x3a: {  	_ = 	snop  }
0x3b: {  	_ = 	snop  }
0x3c: {  	p2 =	seq.s32 s10, $0x1;
	s10 =	sld [smem:$0x3F80]  }
0x3d: {  	_ =	shalt  }
0x3e: {  	_ =	shalt  }
0x3f: {  	_ =	shalt  }
0x40: {  	_ =	shalt  }
0x41: {  	_ =	shalt  }
0x42: {  	_ =	shalt  }
0x43: {  	_ =	shalt  }
0x44: {  	_ =	shalt  }
0x45: {  	_ =	shalt  }
0x46: {  	_ =	shalt  }
0x47: {  	_ =	shalt  }
0x48: {  	_ =	shalt  }
0x49: {  	_ =	shalt  }
0x4a: {  	_ =	shalt  }
0x4b: {  	_ =	shalt  }
0x4c: {  	_ =	shalt  }
0x4d: {  	_ =	shalt  }
0x4e: {  	_ =	shalt  }
0x4f: {  	_ =	shalt  }
0x50: {  	_ =	shalt  }
0x51: {  	_ =	shalt  }
0x52: {  	_ =	shalt  }
0x53: {  	_ =	shalt  }
0x54: {  	_ =	shalt  }
0x55: {  	_ =	shalt  }
0x56: {  	_ =	shalt  }
0x57: {  	_ =	shalt  }
0x58: {  	_ =	shalt  }
0x59: {  	_ =	shalt  }
0x5a: {  	_ =	shalt  }
0x5b: {  	_ =	shalt  }
0x5c: {  	_ =	shalt  }
0x5d: {  	_ =	shalt  }
0x5e: {  	_ =	shalt  }
0x5f: {  	_ =	shalt  }
0x60: {  	_ =	shalt  }
0x61: {  	_ =	shalt  }
0x62: {  	_ =	shalt  }
0x63: {  	_ =	shalt  }
0x64: {  	_ =	shalt  }
0x65: {  	_ =	shalt  }
0x66: {  	_ =	shalt  }
0x67: {  	_ =	shalt  }
0x68: {  	_ =	shalt  }
0x69: {  	_ =	shalt  }
0x6a: {  	_ =	shalt  }
0x6b: {  	_ =	shalt  }
0x6c: {  	_ =	shalt  }
0x6d: {  	_ =	shalt  }
0x6e: {  	_ =	shalt  }
0x6f: {  	_ =	shalt  }
0x70: {  	_ =	shalt  }
0x71: {  	_ =	shalt  }
0x72: {  	_ =	shalt  }
0x73: {  	_ =	shalt  }
0x74: {  	_ =	shalt  }
0x75: {  	_ =	shalt  }
0x76: {  	_ =	shalt  }
0x77: {  	_ =	shalt  }
0x78: {  	_ =	shalt  }
0x79: {  	_ =	shalt  }
0x7a: {  	_ =	shalt  }
0x7b: {  	_ =	shalt  }
0x7c: {  	_ =	shalt  }
0x7d: {  	_ =	shalt  }
0x7e: {  	_ =	shalt  }
0x7f: {  	_ =	shalt  }
0x80: {  	_ =	shalt  }
0x81: {  	_ =	shalt  }
0x82: {  	_ =	shalt  }
0x83: {  	_ =	shalt  }
0x84: {  	_ =	shalt  }
0x85: {  	_ =	shalt  }
0x86: {  	_ =	shalt  }
0x87: {  	_ =	shalt  }
.Lfunc_end0:
.L_simem_size_0:
called_computation.6_lowered:
.L_overlay_start_0:
0x88: {  	s2 =	sld [smem:$0x3FD9]  }
0x89: {  	s3 =	sld [smem:$0x3FFE];
	_ =	sdelay $0x1  }
0x8a: {  	s1 =	srdreg.scid  }
0x8b: {  	s0 =	sand.u32 $0x1, s1  }
0x8c: {  	s16 =	sshll.u32 s0, $0xA;
	s2 =	sadd.s32 s3, s2  }
0x8d: {  	s2 =	sadd.s32 s2, s16  }
0x8e: {  	[smem:$0x3F8C] =	sst s2  }
0x8f: {  	_ = 	snop  }
0x90: {  	(tm) =	ssettm $0x1  }
0x91: {  	s17 =	sld [smem:$0x3FFB];
	_ =	sdelay $0x3  }
0x92: {  	_ =	strace s17  }
0x93: {  	s2 =	sld [smem:$0x3FFC];
	_ =	sdelay $0x3  }
0x94: {  	_ =	strace s2  }
0x95: {  	s2 =	sld [smem:$0x3FFD];
	_ =	sdelay $0x3  }
0x96: {  	_ =	strace s2  }
0x97: {  	_ =	strace $0x8FFFFFFF  }
0x98: {  	s18 =	sld [smem:$0x3FDB];
	_ =	sdelay $0x1  }
0x99: {  	s19 =	simm.s32 $_scs_section_size  }
0x9a: {  	s4 =	simm.s32 $_size__tile_overlayer_lowered;
	s5 =	simm.s32 $_tile_overlayer_lowered  }
0x9b: {  	s22 =	simm.s32 $0x1BFF;
	s21 =	sshll.u32 s5, $0x1;
	s2 =	sadd.s32 s19, s18  }
0x9c: {  	s6 =	simm.s32 $0x0;
	s20 =	sshll.u32 s4, $0x1;
	s4 =	sadd.s32 s21, s2  }
0x9d: {  	[timem:s6], [sflag:s22] =	dma.local [hbm:s4], s20  }
0x9e: {  	_ =	swait.ge [sflag:s22], s20  }
0x9f: {  	s3 =	ssub.s32 $0x0, s20;
	[sflag:s22] =	ssyncset.done $0x0  }
0xa0: {  	[sflag:s22] =	ssyncadd.s32 s3;
	_ =	sdelay $0x1  }
0xa1: {  	s23 =	simm.s32 $0x1B8B  }
0xa2: {  	_ =	swait.ge [sflag:s23], $0x1  }
0xa3: {  	[sflag:s23] =	ssyncset.done $0x0  }
0xa4: {  	s25 =	simm.s32 $0x1B8E;
	s24 =	sld [smem:$0x3FFE];
	[sflag:s23] =	ssyncadd.s32 $0xFFFFFFFF  }
0xa5: {  	s26 =	simm.s32 $execute0_lowered;
	[smem:$0x3FD2] =	sst s25  }
0xa6: {  	s4 =	sshll.u32 s26, $0x1;
	_ =	strace $0x80000058;
	[dreg:$0x1] =	wrdreg $0xFFFFFFFF  }
0xa7: {  	s28 =	simm.s32 $_size_execute0_lowered;
	s2 =	sadd.s32 s2, s4;
	[dreg:$0x0] =	wrdreg $0x0  }
0xa8: {  	s4 =	sshll.u32 s28, $0x1;
	[dreg:$0x2] =	wrdreg s2  }
0xa9: {  	[dreg:$0x3] =	wrdreg s4  }
0xaa: {  	[dreg:$0x4] =	wrdreg $0xC0  }
0xab: {  	_ =	task [dreg:s6], $0x5FFFF  }
0xac: {  	[dreg:$0x1] =	wrdreg $0xFFFFFFFF  }
0xad: {  	[dreg:$0x0] =	wrdreg $0x60  }
0xae: {  	[dreg:$0x2] =	wrdreg s24  }
0xaf: {  	[dreg:$0x3] =	wrdreg $0x6E000  }
0xb0: {  	[dreg:$0x4] =	wrdreg $0x9  }
0xb1: {  	_ =	task.clear_ibuf [dreg:s6], $0x5FFFF;
	_ =	strace $0x90000058  }
0xb2: {  	s29 =	simm.s32 $0x9;
	_ =	strace $0x8000005A  }
0xb3: {  	_ =	swait.ge [sflag:s29], $0x1  }
0xb4: {  	[sflag:s29] =	ssyncadd.s32 $0xFFFFFFFF  }
0xb5: {  	_ =	strace $0x9000005A  }
0xb6: {  	_ =	sfence  }
0xb7: {  	s30 =	sld [smem:$0x0];
	_ =	sdelay $0x2  }
0xb8: {  	s31 =	sshll.u32 s1, $0xD;
	s1 =	sshrl.u32 s1, $0x2  }
0xb9: {  	s3 =	sand.u32 $0x4000, s31;
	s1 =	sadd.s32 s1, s30  }
0xba: {  	s0 =	sor.u32 s3, s0;
	s1 =	sshll.u32 s1, $0x11  }
0xbb: {  	s0 =	sor.u32 s1, s0  }
0xbc: {  	s0 =	sadd.s32 $0x8F2B, s0  }
0xbd: {  	[sflag:s0] =	ssyncadd.remote.s32 $0x1  }
0xbe: {  	_ =	sfence.sel $0xFFFF  }
0xbf: {  	[dreg:$0x0] =	wrdreg $0xFFFFFFFF;
	(pc) =	sbr.abs _section_cstart, $3  }
0xc0: {  	[dreg:$0x1] =	wrdreg $0xFFFFFFFF  }
0xc1: {  	_ =	task.clear_ibuf [dreg:s6], $0x2FFFF;
	_ =	strace $0x9FFFFFFF  }
0xc2: {  	(tm) =	ssettm $0x7FFFFFFF  }
0xc3: {  	_ =	shalt  }
tec
execute0_lowered:
.L_overlay_start_1:
0x0: {  	(tag) =	ssettag $0x1  }
0x1: {  	s0 =	rddreg [dreg:$0x0]  }
0x2: {  	s2 =	rddreg [dreg:$0x1]  }
0x3: {  	s1 =	srdreg.scid;
	s8 =	stileid.u32;
	s13 =	simm.s32 $0x0  }
0x4: {  	s14 =	simm.s32 $0x9;
	s15 =	simm.s32 $0x500;
	s16 =	simm.s32 $0x28  }
0x5: {  	s17 =	simm.s32 $0xA00;
	s18 =	simm.s32 $0x2300;
	s20 =	simm.s32 $0x3C00  }
0x6: {  	s21 =	simm.s32 $0x1;
	s23 =	simm.s32 $0x5500;
	s24 =	simm.s32 $0x2  }
0x7: {  	s29 =	simm.s32 $0x3;
	s31 =	simm.s32 $0x6;
	s11 =	simm.s32 $0x7  }
0x8: {  	s12 =	simm.s32 $0xF0;
	s1 =	sand.u32 $0x1, s1;
	s3 =	smul.u32 $0x19000, s8  }
0x9: {  	[smem:$0x7FF] =	sst s13;
	s4 =	sadd.s32 $0xF400, s0;
	s5 =	sadd.s32 $0x93000, s0  }
0xa: {  	s9 =	sadd.s32 $0xC200, s0;
	s10 =	sshll.u32 s8, $0x6;
	s8 =	smul.u32 $0x2800, s8  }
0xb: {  	s6 =	smul.u32 $0x190000, s1;
	_ =	strace $0x80000059;
	[dreg:$0x4] =	wrdreg s9  }
0xc: {  	s26 =	ssub.s32 $0x2, s1;
	s1 =	smul.u32 $0x28000, s1;
	s19 =	sor.u32 $0x1C09, s10  }
0xd: {  	s9 =	simm.s32 $0x8;
	s28 =	sshrl.u32 s26, $0x1;
	[dreg:$0x5] =	wrdreg s19  }
0xe: {  	s7 =	sadd.s32 s3, s6;
	s6 =	sadd.s32 $0x74600, s0;
	s3 =	sadd.s32 s3, s2  }
.Ltmp0:
0xf: {  	s10 =	sadd.s32 s1, s8;
	s7 =	sshrl.u32 s7, $0x3;
	(pc) =	sbr.rel .LBB2_1-.Ltmp0, $4  }
0x10: {  	s1 =	simm.s32 $0x4;
	s22 =	sshrl.u32 s3, $0x3;
	s0 =	sadd.s32 s7, s0  }
0x11: {  	s7 =	ssub.s32 s26, s28;
	[dreg:$0x8] =	wrdreg s22;
	s0 =	sadd.s32 $0x9D000, s0  }
0x12: {  	s26 =	simm.s32 $0x5;
	s30 =	smax.u32 s7, $0x1;
	[dreg:$0x6] =	wrdreg s0  }
0x13: {  	s7 =	simm.s32 $0x578;
	[dreg:$0x7] =	wrdreg s30;
	s0 =	simm.s32 $0xC8  }
.LBB2_6:
0x14: {  	[bflag:$0x0] =	sbarrier.arrive $0xFFFF  }
0x15: {  	s19 =	rddreg [dreg:$0x5]  }
0x16: {  	s3 =	rddreg [dreg:$0x6]  }
0x17: {  	s22 =	rddreg [dreg:$0x8]  }
0x18: {  	[hbm:s3], [sflag:s19] =	dma.local [spmem:s22], $0x3200  }
0x19: {  	_ =	swait.ge [sflag:s14], $0x3200  }
0x1a: {  	s13 =	rddreg [dreg:$0x3]  }
0x1b: {  	s30 =	rddreg [dreg:$0x7];
	s13 =	sadd.s32 $0x1, s13  }
0x1c: {  	p0 =	sne.s32 s13, s30  }
.Ltmp1:
0x1d: {  	_ = 	snop;
	(pc) =	sbr.rel @!p0 .LBB2_7-.Ltmp1, $3  }
0x1e: {  	_ =	sdelay $0x1  }
0x1f: {  	[sflag:s14] =	ssyncset.done $0x0  }
0x20: {  	[sflag:s14] =	ssyncadd.s32 $0xFFFFCE00  }
.LBB2_1:
0x21: {  	[dreg:$0x3] =	wrdreg s13  }
0x22: {  	s3 =	rddreg [dreg:$0x4]  }
0x23: {  	[spmem:s22], [sflag:s19] =	dma.local [hbm:s3], $0x3200  }
.Ltmp2:
0x24: {  	_ =	swait.ge [sflag:s14], $0x3200;
	(pc) =	sbr.rel .LBB2_2-.Ltmp2, $4  }
0x25: {  	[sflag:s14] =	ssyncset.done $0x0  }
0x26: {  	[sflag:s14] =	ssyncadd.s32 $0xFFFFCE00  }
0x27: {  	[bflag:$0x0] =	sbarrier.arrive $0xFFFF  }
0x28: {  	s13 =	simm.s32 $0x0  }
.LBB2_5:
0x29: {  	_ =	swait.ge [sflag:s26], $0x1900  }
0x2a: {  	[sflag:s26] =	ssyncset.done $0x0  }
0x2b: {  	[sflag:s26] =	ssyncadd.s32 $0xFFFFE700  }
0x2c: {  	_ =	swait.ge [sflag:s31], $0x1900  }
0x2d: {  	[sflag:s31] =	ssyncset.done $0x0  }
0x2e: {  	s13 =	sadd.s32 $0x1, s13;
	[sflag:s31] =	ssyncadd.s32 $0xFFFFE700  }
0x2f: {  	p0 =	sne.s32 s13, $0x8;
	_ =	swait.ge [sflag:s11], $0x1900  }
.Ltmp3:
0x30: {  	[sflag:s11] =	ssyncset.done $0x0;
	(pc) =	sbr.rel @!p0 .LBB2_6-.Ltmp3, $4  }
0x31: {  	[sflag:s11] =	ssyncadd.s32 $0xFFFFE700  }
0x32: {  	_ =	swait.ge [sflag:s9], $0x1900  }
0x33: {  	[sflag:s9] =	ssyncset.done $0x0  }
0x34: {  	[sflag:s9] =	ssyncadd.s32 $0xFFFFE700  }
.LBB2_2:
0x35: {  	s19 =	smul.u32 $0x500, s13;
	_ =	sdelay $0x1  }
0x36: {  	s3 =	sadd.s32 s10, s19  }
0x37: {  	s3 =	sshrl.u32 s3, $0x3  }
0x38: {  	s22 =	sadd.s32 s5, s3;
	s3 =	simm.s32 $0x0  }
0x39: {  	[tilespmem:s3], [sflag:$0x9] =	stream.linear.gather [hbm4b:s22+s3], $0x500, $0x38;
	[tilespmem:$0x1FE00] =	vst v63  }
0x3a: {  	s19 =	sadd.s32 s8, s19;
	_ =	swait.ge [sflag:s14], $0x500  }
0x3b: {  	s19 =	sshrl.u32 s19, $0x3;
	[sflag:s14] =	ssyncset.done $0x0  }
0x3c: {  	s19 =	sadd.s32 s6, s19;
	[sflag:s14] =	ssyncadd.s32 $0xFFFFFB00  }
0x3d: {  	[tilespmem:s15], [sflag:$0x9] =	stream.linear.gather [hbm4b:s19+s3], $0x500, $0x38;
	[tilespmem:$0x1FE00] =	vst v63  }
0x3e: {  	_ =	swait.ge [sflag:s14], $0x500  }
0x3f: {  	[sflag:s14] =	ssyncset.done $0x0  }
0x40: {  	[sflag:s14] =	ssyncadd.s32 $0xFFFFFB00  }
0x41: {  	[tilespmem:s17], [sflag:$0x1] =	stream.indirect.gather [hbm4b:s4+s16], $0xA0, s3, s16, $0xb8;
	[tilespmem:$0x1FE00] =	vst v63  }
0x42: {  	_ = 	snop  }
0x43: {  	[tilespmem:s18], [sflag:$0x2] =	stream.indirect.gather [hbm4b:s4+s16], $0xA0, s16, s16, $0xb8;
	[tilespmem:$0x1FE00] =	vst v63  }
0x44: {  	s30 =	simm.s32 $0x50  }
0x45: {  	[tilespmem:s20], [sflag:$0x3] =	stream.indirect.gather [hbm4b:s4+s16], $0xA0, s30, s16, $0xb8;
	[tilespmem:$0x1FE00] =	vst v63  }
0x46: {  	_ =	swait.ge [sflag:s21], $0x1900  }
0x47: {  	[sflag:s21] =	ssyncset.done $0x0  }
0x48: {  	[sflag:s21] =	ssyncadd.s32 $0xFFFFE700  }
0x49: {  	[spmem:s2] =	stream.indirect.scatter.add.f32 [tilespmem:s17], [sflag:$0x5], $0xA0, s15, s16, $0xb8;
	[tilespmem:$0x1FE00] =	vst v63  }
0x4a: {  	s22 =	simm.s32 $0x78  }
0x4b: {  	[tilespmem:s23], [sflag:$0x4] =	stream.indirect.gather [hbm4b:s4+s16], $0xA0, s22, s16, $0xb8;
	[tilespmem:$0x1FE00] =	vst v63  }
0x4c: {  	_ =	swait.ge [sflag:s24], $0x1900  }
0x4d: {  	[sflag:s24] =	ssyncset.done $0x0  }
0x4e: {  	s25 =	simm.s32 $0x528;
	[sflag:s24] =	ssyncadd.s32 $0xFFFFE700  }
0x4f: {  	[spmem:s2] =	stream.indirect.scatter.add.f32 [tilespmem:s18], [sflag:$0x6], $0xA0, s25, s16, $0xb8;
	[tilespmem:$0x1FE00] =	vst v63  }
0x50: {  	_ =	swait.ge [sflag:s26], $0x1900  }
0x51: {  	[sflag:s26] =	ssyncset.done $0x0  }
0x52: {  	s28 =	simm.s32 $0xA0;
	[sflag:s26] =	ssyncadd.s32 $0xFFFFE700  }
0x53: {  	[tilespmem:s17], [sflag:$0x1] =	stream.indirect.gather [hbm4b:s4+s16], $0xA0, s28, s16, $0xb8;
	[tilespmem:$0x1FE00] =	vst v63  }
0x54: {  	_ =	swait.ge [sflag:s29], $0x1900  }
0x55: {  	[sflag:s29] =	ssyncset.done $0x0  }
0x56: {  	s30 =	simm.s32 $0x550;
	[sflag:s29] =	ssyncadd.s32 $0xFFFFE700  }
0x57: {  	[spmem:s2] =	stream.indirect.scatter.add.f32 [tilespmem:s20], [sflag:$0x7], $0xA0, s30, s16, $0xb8;
	[tilespmem:$0x1FE00] =	vst v63  }
0x58: {  	_ =	swait.ge [sflag:s31], $0x1900  }
0x59: {  	[sflag:s31] =	ssyncset.done $0x0  }
0x5a: {  	[sflag:s31] =	ssyncadd.s32 $0xFFFFE700  }
0x5b: {  	[tilespmem:s18], [sflag:$0x2] =	stream.indirect.gather [hbm4b:s4+s16], $0xA0, s0, s16, $0xb8;
	[tilespmem:$0x1FE00] =	vst v63  }
0x5c: {  	_ =	swait.ge [sflag:s1], $0x1900  }
0x5d: {  	[sflag:s1] =	ssyncset.done $0x0  }
0x5e: {  	[sflag:s1] =	ssyncadd.s32 $0xFFFFE700  }
0x5f: {  	[spmem:s2] =	stream.indirect.scatter.add.f32 [tilespmem:s23], [sflag:$0x8], $0xA0, s7, s16, $0xb8;
	[tilespmem:$0x1FE00] =	vst v63  }
0x60: {  	_ =	swait.ge [sflag:s11], $0x1900  }
0x61: {  	[sflag:s11] =	ssyncset.done $0x0  }
0x62: {  	[sflag:s11] =	ssyncadd.s32 $0xFFFFE700  }
0x63: {  	[tilespmem:s20], [sflag:$0x3] =	stream.indirect.gather [hbm4b:s4+s16], $0xA0, s12, s16, $0xb8;
	[tilespmem:$0x1FE00] =	vst v63  }
.LBB2_3:
0x64: {  	_ =	swait.ge [sflag:s21], $0x1900  }
0x65: {  	s19 =	sshra.s32 s3, $0x2;
	[sflag:s21] =	ssyncset.done $0x0  }
0x66: {  	s22 =	sadd.s32 $0x5A0, s19;
	[sflag:s21] =	ssyncadd.s32 $0xFFFFE700  }
0x67: {  	[spmem:s2] =	stream.indirect.scatter.add.f32 [tilespmem:s17], [sflag:$0x5], $0xA0, s22, s16, $0xb8;
	[tilespmem:$0x1FE00] =	vst v63  }
0x68: {  	_ =	swait.ge [sflag:s9], $0x1900  }
0x69: {  	[sflag:s9] =	ssyncset.done $0x0  }
0x6a: {  	s25 =	sadd.s32 $0x118, s19;
	[sflag:s9] =	ssyncadd.s32 $0xFFFFE700  }
0x6b: {  	[tilespmem:s23], [sflag:$0x4] =	stream.indirect.gather [hbm4b:s4+s16], $0xA0, s25, s16, $0xb8;
	[tilespmem:$0x1FE00] =	vst v63  }
0x6c: {  	_ =	swait.ge [sflag:s24], $0x1900  }
0x6d: {  	p0 =	seq.s32 s3, $0xF00;
	[sflag:s24] =	ssyncset.done $0x0  }
0x6e: {  	s28 =	sadd.s32 $0x5C8, s19;
	s22 =	simm.s32 @p0 $0x3;
	[sflag:s24] =	ssyncadd.s32 $0xFFFFE700  }
0x6f: {  	[spmem:s2] =	stream.indirect.scatter.add.f32 [tilespmem:s18], [sflag:$0x6], $0xA0, s28, s16, $0xb8;
	[tilespmem:$0x1FE00] =	vst v63  }
0x70: {  	_ =	swait.ge @p0 [sflag:s22], $0x1900  }
0x71: {  	[sflag:s22] =	ssyncset.done @p0 $0x0  }
0x72: {  	[sflag:s22] =	ssyncadd.s32 @p0 $0xFFFFE700;
	s22 =	sshra.s32 @p0 s3, $0x2  }
0x73: {  	s25 =	simm.s32 @p0 $0x28;
	s28 =	simm.s32 @p0 $0x3C00;
	s22 =	sadd.s32 @p0 $0x5F0, s22  }
0x74: {  	[spmem:s2] =	stream.indirect.scatter.add.f32 @p0 [tilespmem:s28], [sflag:$0x7], $0xA0, s22, s25, $0xb8;
	[tilespmem:$0x1FE00] =	vst v63  }
0x75: {  	s22 =	simm.s32 @!p0 $0x5  }
0x76: {  	_ =	swait.ge @!p0 [sflag:s22], $0x1900  }
0x77: {  	[sflag:s22] =	ssyncset.done @!p0 $0x0  }
0x78: {  	[sflag:s22] =	ssyncadd.s32 @!p0 $0xFFFFE700;
	s22 =	sshra.s32 @!p0 s3, $0x2  }
0x79: {  	s30 =	simm.s32 @!p0 $0xA00;
	s28 =	simm.s32 @!p0 $0x28;
	s25 =	sadd.s32 @!p0 $0x140, s22  }
0x7a: {  	[tilespmem:s30], [sflag:$0x1] =	stream.indirect.gather @!p0 [hbm4b:s4+s28], $0xA0, s25, s28, $0xb8;
	[tilespmem:$0x1FE00] =	vst v63  }
0x7b: {  	s25 =	simm.s32 @!p0 $0x3  }
0x7c: {  	_ =	swait.ge @!p0 [sflag:s25], $0x1900  }
0x7d: {  	[sflag:s25] =	ssyncset.done @!p0 $0x0  }
0x7e: {  	s30 =	simm.s32 @!p0 $0x3C00;
	[sflag:s25] =	ssyncadd.s32 @!p0 $0xFFFFE700;
	s25 =	sadd.s32 @!p0 $0x5F0, s22  }
0x7f: {  	[spmem:s2] =	stream.indirect.scatter.add.f32 @!p0 [tilespmem:s30], [sflag:$0x7], $0xA0, s25, s28, $0xb8;
	[tilespmem:$0x1FE00] =	vst v63  }
0x80: {  	s25 =	simm.s32 @!p0 $0x6  }
0x81: {  	_ =	swait.ge @!p0 [sflag:s25], $0x1900  }
0x82: {  	[sflag:s25] =	ssyncset.done @!p0 $0x0  }
0x83: {  	s22 =	sadd.s32 @!p0 $0x168, s22;
	[sflag:s25] =	ssyncadd.s32 @!p0 $0xFFFFE700;
	s25 =	simm.s32 @!p0 $0x2300  }
0x84: {  	[tilespmem:s25], [sflag:$0x2] =	stream.indirect.gather @!p0 [hbm4b:s4+s28], $0xA0, s22, s28, $0xb8;
	[tilespmem:$0x1FE00] =	vst v63  }
.Ltmp4:
0x85: {  	_ = 	snop;
	(pc) =	sbr.rel @p0 .LBB2_5-.Ltmp4, $4  }
0x86: {  	_ =	swait.ge [sflag:s1], $0x1900  }
0x87: {  	[sflag:s1] =	ssyncset.done $0x0  }
0x88: {  	s30 =	sadd.s32 $0x618, s19;
	[sflag:s1] =	ssyncadd.s32 $0xFFFFE700  }
0x89: {  	[spmem:s2] =	stream.indirect.scatter.add.f32 [tilespmem:s23], [sflag:$0x8], $0xA0, s30, s16, $0xb8;
	[tilespmem:$0x1FE00] =	vst v63  }
.Ltmp5:
0x8a: {  	(pc) =	sbr.rel .LBB2_3-.Ltmp5, $4  }
0x8b: {  	_ =	swait.ge [sflag:s11], $0x1900  }
0x8c: {  	[sflag:s11] =	ssyncset.done $0x0  }
0x8d: {  	s19 =	sadd.s32 $0x190, s19;
	s3 =	sadd.s32 $0x280, s3;
	[sflag:s11] =	ssyncadd.s32 $0xFFFFE700  }
0x8e: {  	[tilespmem:s20], [sflag:$0x3] =	stream.indirect.gather [hbm4b:s4+s16], $0xA0, s19, s16, $0xb8;
	[tilespmem:$0x1FE00] =	vst v63  }
.LBB2_7:
0x8f: {  	_ =	sfence.sel $0x180000  }
0x90: {  	[bflag:$0x0] =	sbarrier.arrive $0xFFFF  }
0x91: {  	_ =	strace $0x90000059  }
0x92: {  	s0 =	stileid.u32;
	[bflag:$0x2] =	sbarrier.arrive $0xFFFF  }
0x93: {  	p0 =	sne.s32 s0, $0x0;
	s0 =	rddreg [dreg:$0x2]  }
0x94: {  	s0 =	sadd.s32 @!p0 $0x100000, s0  }
0x95: {  	[sflag:s0] =	ssyncadd.tile.s32 @!p0 $0x1;
	_ =	shalt  }
.Lfunc_end2:
_tile_overlayer_lowered:
.L_overlay_start_2:
0x96: {  	(tag) =	ssettag $0x2  }
0x97: {  	s0 =	rddreg [dreg:$0x0];
	s2 =	stileid.u32  }
0x98: {  	s1 =	rddreg [dreg:$0x1];
	p0 =	sne.s32 s2, $0x0  }
0x99: {  	s3 =	rddreg [dreg:$0x2];
	[bflag:$0x3] =	sbarrier.arrive $0xFFFF;
	s2 =	simm.s32 @!p0 $0x1C09  }
0x9a: {  	[timem:s3], [sflag:s2] =	dma.local @!p0 [hbm:s0], s1  }
0x9b: {  	s0 =	simm.s32 @!p0 $0x9  }
0x9c: {  	_ =	swait.ge @!p0 [sflag:s0], s1  }
0x9d: {  	s1 =	ssub.s32 @!p0 $0x0, s1;
	[sflag:s0] =	ssyncset.done @!p0 $0x0  }
0x9e: {  	[sflag:s0] =	ssyncadd.s32 @!p0 s1  }
0x9f: {  	[bflag:$0x3] =	sbarrier.arrive $0xFFFF  }
0xa0: {  	_ =	shalt  }

// kernel: kernel.37.cloned.1.call-start
scs
__scs_entry_jumppad:
0x0: {  	(pc) =	sbr.rel $0x88, $3  }
0x1: {  	(tag) =	ssettag $0x0;
	lr =	simm.s32 $0x1  }
0x2: {  	[smem:$0x3F65] =	sst lr;
	_ =	strace $0xD0000000  }
0x3: {  	_ = 	snop  }
0x4: {  	_ = 	snop  }
0x5: {  	_ = 	snop  }
0x6: {  	_ = 	snop  }
0x7: {  	_ = 	snop  }
__scs_overlays_trampoline_lowered:
0x8: {  	[smem:$0x3F74] =	sst s0  }
0x9: {  	[smem:$0x3F75] =	sst s1  }
0xa: {  	[smem:$0x3F76] =	sst s2  }
0xb: {  	[smem:$0x3F77] =	sst s3  }
0xc: {  	[smem:$0x3F78] =	sst s4  }
0xd: {  	[smem:$0x3F79] =	sst s5  }
0xe: {  	[smem:$0x3F7A] =	sst s6  }
0xf: {  	[smem:$0x3F7B] =	sst s7  }
0x10: {  	[smem:$0x3F7C] =	sst s8  }
0x11: {  	[smem:$0x3F7D] =	sst s9;
	s0 =	simm.s32 @!p0 $0x0  }
0x12: {  	s1 =	sld [smem:$0x3F63];
	s0 =	simm.s32 @p0 $0x1  }
0x13: {  	[smem:$0x3F7E] =	sst s0;
	s0 =	simm.s32 @!p1 $0x0  }
0x14: {  	s2 =	sld [smem:$0x3F62];
	s0 =	simm.s32 @p1 $0x1  }
0x15: {  	[smem:$0x3F7F] =	sst s0;
	s0 =	simm.s32 @!p2 $0x0  }
0x16: {  	s3 =	sld [smem:$0x3FDB];
	s0 =	simm.s32 @p2 $0x1  }
0x17: {  	s4 =	simm.s32 $0x1BF5;
	[smem:$0x3F81] =	sst s0  }
0x18: {  	s0 =	sld [smem:$0x3F64];
	_ =	swait.ge [sflag:s4], $0x0  }
0x19: {  	s7 =	sld [smem:$0x3F65]  }
0x1a: {  	s8 =	sadd.s32 $0xFFFFE003, lr  }
0x1b: {  	s9 =	sadd.s32 $0xFFFFFEF7, lr;
	s5 =	simm.s32 $0xFFFFFFFF;
	p2 =	slt.u32 s8, $0xFFFFF086  }
0x1c: {  	p1 =	slt.u32 s9, $0xF7A;
	s5 =	simm.s32 @!p2 $0x0  }
0x1d: {  	s5 =	simm.s32 @p1 $0x1;
	p0 =	seq.s32 s7, s2  }
0x1e: {  	s7 =	smul.u32 @!p0 $0xF7A, s2;
	p2 =	seq.s32 @!p0 s5, $0x0  }
0x1f: {  	s9 =	smul.u32 $0xF7A, s1;
	s8 =	simm.s32 @!p0 $0x1BF5;
	p2 =	por !p2, p0  }
0x20: {  	[sflag:s8] =	ssyncset.s32 @!p0 $0xFFFFF086;
	s6 =	sadd.s32 @!p0 s3, s7;
	s7 =	simm.s32 @!p0 $0x108  }
0x21: {  	s3 =	sadd.s32 s3, s9;
	s6 =	sadd.s32 @!p0 $0x88, s6;
	s7 =	simm.s32 @p2 $0x1082  }
0x22: {  	[simem:s7], [sflag:s8] =	dma.local @!p0 [hbm:s6], $0xF7A  }
0x23: {  	s9 =	sor.u32 $0xD0000000, s2;
	s6 =	simm.s32 $0x108;
	_ =	swait.ge @!p0 [sflag:s8], $0x0  }
0x24: {  	s3 =	sadd.s32 $0x88, s3;
	s6 =	simm.s32 @!p1 $0x1082;
	[sflag:s4] =	ssyncset.s32 $0xFFFFF086  }
0x25: {  	[simem:s6], [sflag:s4] =	dma.local [hbm:s3], $0xF7A  }
0x26: {  	[smem:$0x3F65] =	sst s1;
	(tag) =	ssettag s2;
	_ =	strace s9  }
0x27: {  	s1 =	sld [smem:$0x3F75]  }
0x28: {  	s2 =	sld [smem:$0x3F76]  }
0x29: {  	s4 =	sld [smem:$0x3F78]  }
0x2a: {  	p0 =	seq.s32 s5, $0x0;
	s5 =	sld [smem:$0x3F79]  }
0x2b: {  	s6 =	sld [smem:$0x3F7A]  }
0x2c: {  	s7 =	sld [smem:$0x3F7B]  }
0x2d: {  	s3 =	simm.s32 $0x108;
	s8 =	sld [smem:$0x3F7C]  }
0x2e: {  	s3 =	simm.s32 @!p0 $0x1082;
	s9 =	sld [smem:$0x3F7D]  }
0x2f: {  	lr =	sadd.s32 s0, s3;
	s0 =	sld [smem:$0x3F74]  }
0x30: {  	s3 =	sld [smem:$0x3F77]  }
0x31: {  	[smem:$0x3F80] =	sst s10  }
0x32: {  	s10 =	sld [smem:$0x3F7E];
	_ =	sdelay $0x3  }
0x33: {  	p0 =	seq.s32 s10, $0x1;
	s10 =	sld [smem:$0x3F80];
	_ =	sdelay $0x3  }
0x34: {  	[smem:$0x3F80] =	sst s10  }
0x35: {  	s10 =	sld [smem:$0x3F7F];
	_ =	sdelay $0x3  }
0x36: {  	p1 =	seq.s32 s10, $0x1;
	s10 =	sld [smem:$0x3F80];
	_ =	sdelay $0x3  }
0x37: {  	[smem:$0x3F80] =	sst s10  }
0x38: {  	s10 =	sld [smem:$0x3F81]  }
0x39: {  	_ = 	snop;
	(pc) =	sbr.ind lr, $3  }
0x3a: {  	_ = 	snop  }
0x3b: {  	_ = 	snop  }
0x3c: {  	p2 =	seq.s32 s10, $0x1;
	s10 =	sld [smem:$0x3F80]  }
0x3d: {  	_ =	shalt  }
0x3e: {  	_ =	shalt  }
0x3f: {  	_ =	shalt  }
0x40: {  	_ =	shalt  }
0x41: {  	_ =	shalt  }
0x42: {  	_ =	shalt  }
0x43: {  	_ =	shalt  }
0x44: {  	_ =	shalt  }
0x45: {  	_ =	shalt  }
0x46: {  	_ =	shalt  }
0x47: {  	_ =	shalt  }
0x48: {  	_ =	shalt  }
0x49: {  	_ =	shalt  }
0x4a: {  	_ =	shalt  }
0x4b: {  	_ =	shalt  }
0x4c: {  	_ =	shalt  }
0x4d: {  	_ =	shalt  }
0x4e: {  	_ =	shalt  }
0x4f: {  	_ =	shalt  }
0x50: {  	_ =	shalt  }
0x51: {  	_ =	shalt  }
0x52: {  	_ =	shalt  }
0x53: {  	_ =	shalt  }
0x54: {  	_ =	shalt  }
0x55: {  	_ =	shalt  }
0x56: {  	_ =	shalt  }
0x57: {  	_ =	shalt  }
0x58: {  	_ =	shalt  }
0x59: {  	_ =	shalt  }
0x5a: {  	_ =	shalt  }
0x5b: {  	_ =	shalt  }
0x5c: {  	_ =	shalt  }
0x5d: {  	_ =	shalt  }
0x5e: {  	_ =	shalt  }
0x5f: {  	_ =	shalt  }
0x60: {  	_ =	shalt  }
0x61: {  	_ =	shalt  }
0x62: {  	_ =	shalt  }
0x63: {  	_ =	shalt  }
0x64: {  	_ =	shalt  }
0x65: {  	_ =	shalt  }
0x66: {  	_ =	shalt  }
0x67: {  	_ =	shalt  }
0x68: {  	_ =	shalt  }
0x69: {  	_ =	shalt  }
0x6a: {  	_ =	shalt  }
0x6b: {  	_ =	shalt  }
0x6c: {  	_ =	shalt  }
0x6d: {  	_ =	shalt  }
0x6e: {  	_ =	shalt  }
0x6f: {  	_ =	shalt  }
0x70: {  	_ =	shalt  }
0x71: {  	_ =	shalt  }
0x72: {  	_ =	shalt  }
0x73: {  	_ =	shalt  }
0x74: {  	_ =	shalt  }
0x75: {  	_ =	shalt  }
0x76: {  	_ =	shalt  }
0x77: {  	_ =	shalt  }
0x78: {  	_ =	shalt  }
0x79: {  	_ =	shalt  }
0x7a: {  	_ =	shalt  }
0x7b: {  	_ =	shalt  }
0x7c: {  	_ =	shalt  }
0x7d: {  	_ =	shalt  }
0x7e: {  	_ =	shalt  }
0x7f: {  	_ =	shalt  }
0x80: {  	_ =	shalt  }
0x81: {  	_ =	shalt  }
0x82: {  	_ =	shalt  }
0x83: {  	_ =	shalt  }
0x84: {  	_ =	shalt  }
0x85: {  	_ =	shalt  }
0x86: {  	_ =	shalt  }
0x87: {  	_ =	shalt  }
.Lfunc_end0:
.L_simem_size_0:
called_computation.7_lowered:
.L_overlay_start_0:
0x88: {  	s2 =	sld [smem:$0x3FD9]  }
0x89: {  	s3 =	sld [smem:$0x3FFE];
	_ =	sdelay $0x1  }
0x8a: {  	s1 =	srdreg.scid  }
0x8b: {  	s0 =	sand.u32 $0x1, s1  }
0x8c: {  	s17 =	sshll.u32 s0, $0xA;
	s2 =	sadd.s32 s3, s2  }
0x8d: {  	s2 =	sadd.s32 s2, s17  }
0x8e: {  	[smem:$0x3F8C] =	sst s2  }
0x8f: {  	_ = 	snop  }
0x90: {  	s2 =	sld [smem:$0x3FD0];
	(tm) =	ssettm $0x1  }
0x91: {  	s18 =	sld [smem:$0x3FFB];
	_ =	sdelay $0x3  }
0x92: {  	_ =	strace s18  }
0x93: {  	s3 =	sld [smem:$0x3FFC];
	_ =	sdelay $0x3  }
0x94: {  	_ =	strace s3  }
0x95: {  	s3 =	sld [smem:$0x3FFD];
	_ =	sdelay $0x3  }
0x96: {  	_ =	strace s3  }
0x97: {  	_ =	strace $0x8FFFFFFF  }
0x98: {  	s19 =	sld [smem:$0x3FDB];
	_ =	sdelay $0x1  }
0x99: {  	s4 =	simm.s32 $_scs_section_size  }
0x9a: {  	s5 =	simm.s32 $_size__tile_overlayer_lowered;
	s6 =	simm.s32 $_tile_overlayer_lowered  }
0x9b: {  	s22 =	simm.s32 $0x1BFF;
	s21 =	sshll.u32 s6, $0x1;
	s3 =	sadd.s32 s4, s19  }
0x9c: {  	s7 =	simm.s32 $0x0;
	s20 =	sshll.u32 s5, $0x1;
	s5 =	sadd.s32 s21, s3  }
0x9d: {  	[timem:s7], [sflag:s22] =	dma.local [hbm:s5], s20  }
0x9e: {  	_ =	swait.ge [sflag:s22], s20  }
0x9f: {  	s4 =	ssub.s32 $0x0, s20;
	[sflag:s22] =	ssyncset.done $0x0  }
0xa0: {  	[sflag:s22] =	ssyncadd.s32 s4;
	_ =	sdelay $0x1  }
0xa1: {  	s23 =	simm.s32 $0x1B8B  }
0xa2: {  	_ =	swait.ge [sflag:s23], $0x1  }
0xa3: {  	[sflag:s23] =	ssyncset.done $0x0  }
0xa4: {  	s25 =	simm.s32 $0x1B8E;
	s24 =	sld [smem:$0x3FFE];
	[sflag:s23] =	ssyncadd.s32 $0xFFFFFFFF  }
0xa5: {  	s26 =	simm.s32 $execute0_lowered;
	[smem:$0x3FD2] =	sst s25  }
0xa6: {  	s5 =	sshll.u32 s26, $0x1;
	_ =	strace $0x8000005B;
	[dreg:$0x1] =	wrdreg $0xFFFFFFFF  }
0xa7: {  	s28 =	simm.s32 $_size_execute0_lowered;
	s3 =	sadd.s32 s3, s5;
	[dreg:$0x0] =	wrdreg $0x0  }
0xa8: {  	s5 =	sshll.u32 s28, $0x1;
	[dreg:$0x2] =	wrdreg s3  }
0xa9: {  	[dreg:$0x3] =	wrdreg s5  }
0xaa: {  	[dreg:$0x4] =	wrdreg $0xC0  }
0xab: {  	_ =	task [dreg:s7], $0x5FFFF  }
0xac: {  	[dreg:$0x1] =	wrdreg $0xFFFFFFFF  }
0xad: {  	[dreg:$0x0] =	wrdreg $0x60  }
0xae: {  	[dreg:$0x2] =	wrdreg s24  }
0xaf: {  	[dreg:$0x3] =	wrdreg s2  }
0xb0: {  	[dreg:$0x4] =	wrdreg $0x52800  }
0xb1: {  	[dreg:$0x5] =	wrdreg $0x9  }
0xb2: {  	_ =	task.clear_ibuf [dreg:s7], $0x6FFFF;
	_ =	strace $0x9000005B  }
0xb3: {  	s29 =	simm.s32 $0x9;
	_ =	strace $0x8000005D  }
0xb4: {  	_ =	swait.ge [sflag:s29], $0x1  }
0xb5: {  	[sflag:s29] =	ssyncadd.s32 $0xFFFFFFFF  }
0xb6: {  	_ =	strace $0x9000005D  }
0xb7: {  	_ =	sfence  }
0xb8: {  	s30 =	sld [smem:$0x0];
	_ =	sdelay $0x2  }
0xb9: {  	s31 =	sshll.u32 s1, $0xD;
	s1 =	sshrl.u32 s1, $0x2  }
0xba: {  	s3 =	sand.u32 $0x4000, s31;
	s1 =	sadd.s32 s1, s30  }
0xbb: {  	s0 =	sor.u32 s3, s0;
	s1 =	sshll.u32 s1, $0x11  }
0xbc: {  	s0 =	sor.u32 s1, s0  }
0xbd: {  	s0 =	sadd.s32 $0x8F2B, s0  }
0xbe: {  	[sflag:s0] =	ssyncadd.remote.s32 $0x1  }
0xbf: {  	_ =	sfence.sel $0xFFFF  }
0xc0: {  	[dreg:$0x0] =	wrdreg $0xFFFFFFFF;
	(pc) =	sbr.abs _section_cstart, $3  }
0xc1: {  	[dreg:$0x1] =	wrdreg $0xFFFFFFFF  }
0xc2: {  	_ =	task.clear_ibuf [dreg:s7], $0x2FFFF;
	_ =	strace $0x9FFFFFFF  }
0xc3: {  	(tm) =	ssettm $0x7FFFFFFF  }
tec
execute0_lowered:
.L_overlay_start_1:
0x0: {  	(tag) =	ssettag $0x1  }
0x1: {  	s19 =	rddreg [dreg:$0x0]  }
0x2: {  	s8 =	rddreg [dreg:$0x1]  }
0x3: {  	s2 =	rddreg [dreg:$0x2]  }
0x4: {  	s0 =	rddreg [dreg:$0x3]  }
0x5: {  	s3 =	simm.s32 $0x0;
	s1 =	stileid.u32;
	s4 =	srdreg.scid  }
0x6: {  	[smem:$0x7FF] =	sst s3;
	s20 =	smul.u32 $0x1900, s1  }
0x7: {  	s21 =	sand.u32 $0x1, s4;
	s9 =	smul.u32 $0x280, s1;
	s4 =	sadd.s32 $0xC000, s19  }
0x8: {  	s5 =	sshll.u32 s1, $0x6;
	_ =	strace $0x8000005C;
	s6 =	sadd.s32 s20, s2  }
0x9: {  	s5 =	sor.u32 $0x1C01, s5;
	s7 =	sshrl.u32 s6, $0x3;
	s6 =	simm.s32 $0x1  }
0xa: {  	[spmem:s7], [sflag:s5] =	dma.local [hbm:s4], $0x320  }
0xb: {  	s10 =	smul.u32 $0x2800, s21;
	_ =	swait.ge [sflag:s6], $0x320  }
0xc: {  	[sflag:s6] =	ssyncset.done $0x0  }
0xd: {  	s10 =	sadd.s32 s9, s10;
	s9 =	sshrl.u32 s9, $0x3;
	[sflag:s6] =	ssyncadd.s32 $0xFFFFFCE0  }
0xe: {  	s10 =	smul.u32 $0x14, s10;
	s8 =	sadd.s32 s8, s9;
	[bflag:$0x0] =	sbarrier.arrive $0xFFFF  }
0xf: {  	[tilespmem:s3], [sflag:$0x1] =	stream.linear.gather [hbm4b:s8+s3], $0x280, $0x38;
	[tilespmem:$0x6B80] =	vst v63  }
0x10: {  	_ =	swait.ge [sflag:s6], $0x280  }
0x11: {  	s17 =	sadd.s32 s10, s19;
	[sflag:s6] =	ssyncset.done $0x0  }
0x12: {  	s10 =	simm.s32 $0x280;
	s9 =	sadd.s32 $0xAC000, s17;
	[sflag:s6] =	ssyncadd.s32 $0xFFFFFD80  }
0x13: {  	[tilespmem:s10], [sflag:$0x1] =	stream.linear.gather [hbm4b:s9+s3], $0x5000, $0x38;
	[tilespmem:$0x6B80] =	vst v63  }
0x14: {  	_ =	swait.ge [sflag:s6], $0x5000  }
0x15: {  	[sflag:s6] =	ssyncset.done $0x0  }
0x16: {  	s11 =	simm.s32 $0x80;
	[sflag:s6] =	ssyncadd.s32 $0xFFFFB000  }
0x17: {  	[spmem:s2] =	stream.indirect.scatter.add.f32 [tilespmem:s10], [sflag:$0x1], $0xA0, s3, s11, $0xb8;
	[tilespmem:$0x6B80] =	vst v63  }
0x18: {  	_ =	swait.ge [sflag:s6], $0x5000  }
0x19: {  	[sflag:s6] =	ssyncset.done $0x0  }
0x1a: {  	s12 =	sadd.s32 $0xACA00, s17;
	[sflag:s6] =	ssyncadd.s32 $0xFFFFB000  }
0x1b: {  	[tilespmem:s10], [sflag:$0x1] =	stream.linear.gather [hbm4b:s12+s3], $0x5000, $0x38;
	[tilespmem:$0x6B80] =	vst v63  }
0x1c: {  	_ =	swait.ge [sflag:s6], $0x5000  }
0x1d: {  	[sflag:s6] =	ssyncset.done $0x0  }
0x1e: {  	[sflag:s6] =	ssyncadd.s32 $0xFFFFB000  }
0x1f: {  	[spmem:s2] =	stream.indirect.scatter.add.f32 [tilespmem:s10], [sflag:$0x1], $0xA0, s11, s11, $0xb8;
	[tilespmem:$0x6B80] =	vst v63  }
0x20: {  	_ =	swait.ge [sflag:s6], $0x5000  }
0x21: {  	[sflag:s6] =	ssyncset.done $0x0  }
0x22: {  	s13 =	sadd.s32 $0xAD400, s17;
	[sflag:s6] =	ssyncadd.s32 $0xFFFFB000  }
0x23: {  	[tilespmem:s10], [sflag:$0x1] =	stream.linear.gather [hbm4b:s13+s3], $0x5000, $0x38;
	[tilespmem:$0x6B80] =	vst v63  }
0x24: {  	_ =	swait.ge [sflag:s6], $0x5000  }
0x25: {  	[sflag:s6] =	ssyncset.done $0x0  }
0x26: {  	s14 =	simm.s32 $0x100;
	[sflag:s6] =	ssyncadd.s32 $0xFFFFB000  }
0x27: {  	[spmem:s2] =	stream.indirect.scatter.add.f32 [tilespmem:s10], [sflag:$0x1], $0xA0, s14, s11, $0xb8;
	[tilespmem:$0x6B80] =	vst v63  }
0x28: {  	_ =	swait.ge [sflag:s6], $0x5000  }
0x29: {  	[sflag:s6] =	ssyncset.done $0x0  }
0x2a: {  	s15 =	sadd.s32 $0xADE00, s17;
	[sflag:s6] =	ssyncadd.s32 $0xFFFFB000  }
0x2b: {  	[tilespmem:s10], [sflag:$0x1] =	stream.linear.gather [hbm4b:s15+s3], $0x5000, $0x38;
	[tilespmem:$0x6B80] =	vst v63  }
0x2c: {  	_ =	swait.ge [sflag:s6], $0x5000  }
0x2d: {  	[sflag:s6] =	ssyncset.done $0x0  }
0x2e: {  	s16 =	simm.s32 $0x180;
	[sflag:s6] =	ssyncadd.s32 $0xFFFFB000  }
0x2f: {  	[spmem:s2] =	stream.indirect.scatter.add.f32 [tilespmem:s10], [sflag:$0x1], $0xA0, s16, s11, $0xb8;
	[tilespmem:$0x6B80] =	vst v63  }
0x30: {  	_ =	swait.ge [sflag:s6], $0x5000  }
0x31: {  	[sflag:s6] =	ssyncset.done $0x0  }
0x32: {  	s22 =	smul.u32 $0x19000, s21;
	s17 =	sadd.s32 $0xAE800, s17;
	[sflag:s6] =	ssyncadd.s32 $0xFFFFB000  }
0x33: {  	[tilespmem:s10], [sflag:$0x1] =	stream.linear.gather [hbm4b:s17+s3], $0x5000, $0x38;
	[tilespmem:$0x6B80] =	vst v63  }
0x34: {  	s18 =	simm.s32 $0x200;
	s21 =	ssub.s32 $0x2, s21;
	_ =	swait.ge [sflag:s6], $0x5000  }
0x35: {  	s30 =	sshrl.u32 s21, $0x1;
	s20 =	sadd.s32 s20, s22;
	[sflag:s6] =	ssyncset.done $0x0  }
0x36: {  	s31 =	ssub.s32 s21, s30;
	s20 =	sshrl.u32 s20, $0x3;
	[sflag:s6] =	ssyncadd.s32 $0xFFFFB000  }
0x37: {  	[spmem:s2] =	stream.indirect.scatter.add.f32 [tilespmem:s10], [sflag:$0x1], $0xA0, s18, s11, $0xb8;
	[tilespmem:$0x6B80] =	vst v63  }
0x38: {  	s19 =	sadd.s32 s20, s19;
	s20 =	smax.u32 s31, $0x1;
	_ =	swait.ge [sflag:s6], $0x5000  }
0x39: {  	p0 =	sne.s32 s20, $0x1;
	[sflag:s6] =	ssyncset.done $0x0  }
.Ltmp0:
0x3a: {  	[sflag:s6] =	ssyncadd.s32 $0xFFFFB000;
	(pc) =	sbr.rel @!p0 .LBB2_2-.Ltmp0, $4  }
0x3b: {  	s19 =	sadd.s32 $0xC400, s19;
	[bflag:$0x0] =	sbarrier.arrive $0xFFFF  }
0x3c: {  	[hbm:s19], [sflag:s5] =	dma.local [spmem:s7], $0x320  }
0x3d: {  	_ =	swait.ge [sflag:s6], $0x320  }
0x3e: {  	s20 =	sadd.s32 $0xFFFFFFFF, s20;
	[sflag:s6] =	ssyncset.done $0x0  }
.LBB2_1:
0x3f: {  	p0 =	sne.s32 s20, $0x1;
	s20 =	sadd.s32 $0xFFFFFFFF, s20;
	[sflag:s6] =	ssyncadd.s32 $0xFFFFFCE0  }
0x40: {  	[spmem:s7], [sflag:s5] =	dma.local [hbm:s4], $0x320  }
0x41: {  	_ =	swait.ge [sflag:s6], $0x320  }
0x42: {  	[sflag:s6] =	ssyncset.done $0x0  }
0x43: {  	[sflag:s6] =	ssyncadd.s32 $0xFFFFFCE0  }
0x44: {  	[bflag:$0x0] =	sbarrier.arrive $0xFFFF  }
0x45: {  	[tilespmem:s3], [sflag:$0x1] =	stream.linear.gather [hbm4b:s8+s3], $0x280, $0x38;
	[tilespmem:$0x6B80] =	vst v63  }
0x46: {  	_ =	swait.ge [sflag:s6], $0x280  }
0x47: {  	[sflag:s6] =	ssyncset.done $0x0  }
0x48: {  	[sflag:s6] =	ssyncadd.s32 $0xFFFFFD80  }
0x49: {  	[tilespmem:s10], [sflag:$0x1] =	stream.linear.gather [hbm4b:s9+s3], $0x5000, $0x38;
	[tilespmem:$0x6B80] =	vst v63  }
0x4a: {  	_ =	swait.ge [sflag:s6], $0x5000  }
0x4b: {  	[sflag:s6] =	ssyncset.done $0x0  }
0x4c: {  	[sflag:s6] =	ssyncadd.s32 $0xFFFFB000  }
0x4d: {  	[spmem:s2] =	stream.indirect.scatter.add.f32 [tilespmem:s10], [sflag:$0x1], $0xA0, s3, s11, $0xb8;
	[tilespmem:$0x6B80] =	vst v63  }
0x4e: {  	_ =	swait.ge [sflag:s6], $0x5000  }
0x4f: {  	[sflag:s6] =	ssyncset.done $0x0  }
0x50: {  	[sflag:s6] =	ssyncadd.s32 $0xFFFFB000  }
0x51: {  	[tilespmem:s10], [sflag:$0x1] =	stream.linear.gather [hbm4b:s12+s3], $0x5000, $0x38;
	[tilespmem:$0x6B80] =	vst v63  }
0x52: {  	_ =	swait.ge [sflag:s6], $0x5000  }
0x53: {  	[sflag:s6] =	ssyncset.done $0x0  }
0x54: {  	[sflag:s6] =	ssyncadd.s32 $0xFFFFB000  }
0x55: {  	[spmem:s2] =	stream.indirect.scatter.add.f32 [tilespmem:s10], [sflag:$0x1], $0xA0, s11, s11, $0xb8;
	[tilespmem:$0x6B80] =	vst v63  }
0x56: {  	_ =	swait.ge [sflag:s6], $0x5000  }
0x57: {  	[sflag:s6] =	ssyncset.done $0x0  }
0x58: {  	[sflag:s6] =	ssyncadd.s32 $0xFFFFB000  }
0x59: {  	[tilespmem:s10], [sflag:$0x1] =	stream.linear.gather [hbm4b:s13+s3], $0x5000, $0x38;
	[tilespmem:$0x6B80] =	vst v63  }
0x5a: {  	_ =	swait.ge [sflag:s6], $0x5000  }
0x5b: {  	[sflag:s6] =	ssyncset.done $0x0  }
0x5c: {  	[sflag:s6] =	ssyncadd.s32 $0xFFFFB000  }
0x5d: {  	[spmem:s2] =	stream.indirect.scatter.add.f32 [tilespmem:s10], [sflag:$0x1], $0xA0, s14, s11, $0xb8;
	[tilespmem:$0x6B80] =	vst v63  }
0x5e: {  	_ =	swait.ge [sflag:s6], $0x5000  }
0x5f: {  	[sflag:s6] =	ssyncset.done $0x0  }
0x60: {  	[sflag:s6] =	ssyncadd.s32 $0xFFFFB000  }
0x61: {  	[tilespmem:s10], [sflag:$0x1] =	stream.linear.gather [hbm4b:s15+s3], $0x5000, $0x38;
	[tilespmem:$0x6B80] =	vst v63  }
0x62: {  	_ =	swait.ge [sflag:s6], $0x5000  }
0x63: {  	[sflag:s6] =	ssyncset.done $0x0  }
0x64: {  	[sflag:s6] =	ssyncadd.s32 $0xFFFFB000  }
0x65: {  	[spmem:s2] =	stream.indirect.scatter.add.f32 [tilespmem:s10], [sflag:$0x1], $0xA0, s16, s11, $0xb8;
	[tilespmem:$0x6B80] =	vst v63  }
0x66: {  	_ =	swait.ge [sflag:s6], $0x5000  }
0x67: {  	[sflag:s6] =	ssyncset.done $0x0  }
0x68: {  	[sflag:s6] =	ssyncadd.s32 $0xFFFFB000  }
0x69: {  	[tilespmem:s10], [sflag:$0x1] =	stream.linear.gather [hbm4b:s17+s3], $0x5000, $0x38;
	[tilespmem:$0x6B80] =	vst v63  }
0x6a: {  	_ =	swait.ge [sflag:s6], $0x5000  }
0x6b: {  	[sflag:s6] =	ssyncset.done $0x0  }
0x6c: {  	[sflag:s6] =	ssyncadd.s32 $0xFFFFB000  }
0x6d: {  	[spmem:s2] =	stream.indirect.scatter.add.f32 [tilespmem:s10], [sflag:$0x1], $0xA0, s18, s11, $0xb8;
	[tilespmem:$0x6B80] =	vst v63  }
0x6e: {  	_ =	swait.ge [sflag:s6], $0x5000  }
0x6f: {  	[sflag:s6] =	ssyncset.done $0x0  }
.Ltmp1:
0x70: {  	[sflag:s6] =	ssyncadd.s32 $0xFFFFB000;
	(pc) =	sbr.rel @p0 .LBB2_1-.Ltmp1, $4  }
0x71: {  	[bflag:$0x0] =	sbarrier.arrive $0xFFFF  }
0x72: {  	[hbm:s19], [sflag:s5] =	dma.local [spmem:s7], $0x320  }
0x73: {  	_ =	swait.ge [sflag:s6], $0x320  }
0x74: {  	[sflag:s6] =	ssyncset.done $0x0  }
.LBB2_2:
0x75: {  	[sflag:s6] =	ssyncadd.s32 $0xFFFFFCE0  }
0x76: {  	_ =	sfence.sel $0x180000  }
0x77: {  	[bflag:$0x0] =	sbarrier.arrive $0xFFFF  }
0x78: {  	p0 =	sne.s32 s1, $0x0;
	_ =	strace $0x9000005C  }
0x79: {  	s0 =	sadd.s32 @!p0 $0x100000, s0;
	[bflag:$0x2] =	sbarrier.arrive $0xFFFF  }
0x7a: {  	[sflag:s0] =	ssyncadd.tile.s32 @!p0 $0x1;
	_ =	shalt  }
.Lfunc_end2:
_tile_overlayer_lowered:
.L_overlay_start_2:
0x7b: {  	(tag) =	ssettag $0x2  }
0x7c: {  	s0 =	rddreg [dreg:$0x0];
	s2 =	stileid.u32  }
0x7d: {  	s1 =	rddreg [dreg:$0x1];
	p0 =	sne.s32 s2, $0x0  }
0x7e: {  	s3 =	rddreg [dreg:$0x2];
	[bflag:$0x3] =	sbarrier.arrive $0xFFFF;
	s2 =	simm.s32 @!p0 $0x1C01  }
0x7f: {  	[timem:s3], [sflag:s2] =	dma.local @!p0 [hbm:s0], s1  }
0x80: {  	s0 =	simm.s32 @!p0 $0x1  }
0x81: {  	_ =	swait.ge @!p0 [sflag:s0], s1  }
0x82: {  	s1 =	ssub.s32 @!p0 $0x0, s1;
	[sflag:s0] =	ssyncset.done @!p0 $0x0  }
0x83: {  	[sflag:s0] =	ssyncadd.s32 @!p0 s1  }
0x84: {  	[bflag:$0x3] =	sbarrier.arrive $0xFFFF  }
0x85: {  	_ =	shalt  }

</sc_bundles>
